<compile_context>
chip_gen: v7x
topology: tpu7x:2x2x1
jax: 0.10.2.dev20260603
libtpu: 0.0.44.dev20260713+nightly
codegen_flags: <defaults>
</compile_context>

<pallas_src>
import functools

import jax
import jax.numpy as jnp
from jax import lax
from jax.experimental import pallas as pl
from jax.experimental.pallas import tpu as pltpu
from jax.experimental.pallas import tpu_sc as plsc

_NC = 1
_NS = 16
_NW = _NC * _NS
_L = 16

_B = 16384
_D = 5
_V = 80
_BPW = _B // _NW
_NG = _BPW // _L


@functools.partial(
    pl.kernel,
    out_type=jax.ShapeDtypeStruct((_B, _D), jnp.float32),
    mesh=plsc.VectorSubcoreMesh(
        core_axis_name="c", subcore_axis_name="s", num_cores=_NC
    ),
    compiler_params=pltpu.CompilerParams(
        needs_layout_passes=False,
        use_tc_tiling_on_sc=False,
        skip_device_barrier=True,
        disable_bounds_checks=True,
        disable_semaphore_checks=True,
    ),
    scratch_types=[
        pltpu.VMEM((_BPW,), jnp.int32),
        pltpu.VMEM((_V, _D), jnp.float32),
        pltpu.VMEM((_V * _D,), jnp.float32),
        pltpu.VMEM((_BPW, _D), jnp.float32),
        pltpu.SemaphoreType.DMA,
        pltpu.SemaphoreType.DMA,
    ],
)
def _embed(
    idx_hbm, table_hbm, out_hbm, idx_v, table_v, tablet_v, rows_v, sem_t, sem_i
):
    wid = lax.axis_index("s") * _NC + lax.axis_index("c")
    base = wid * _BPW
    ct = pltpu.async_copy(table_hbm, table_v, sem_t)
    ci = pltpu.async_copy(idx_hbm.at[pl.ds(base, _BPW)], idx_v, sem_i)
    ct.wait()
    lane = lax.iota(jnp.int32, _L)
    colc = [jnp.full((_L,), c, jnp.int32) for c in range(_D)]
    for c in range(_D):
        for k in range(_V // _L):
            part = plsc.load_gather(table_v, [lane + k * _L, colc[c]])
            tablet_v[pl.ds(c * _V + k * _L, _L)] = part
    cols = [tablet_v.at[pl.ds(c * _V, _V)] for c in range(_D)]
    ci.wait()
    _Q = 6
    _QG = _NG // 4
    _QR = _QG * _L
    pending = []
    out_copies = []
    sems = [sem_t, sem_i]
    iv = idx_v[pl.ds(0, _L)]
    for g in range(_NG):
        iv_cur = iv
        if g + 1 < _NG:
            iv = idx_v[pl.ds((g + 1) * _L, _L)]
        grp = rows_v.at[pl.ds(g * _L, _L), :]
        for c in range(_D):
            vals = plsc.load_gather(cols[c], [iv_cur])
            pending.append((grp, colc[c], vals))
            if len(pending) > _Q:
                pgrp, pcol, pvals = pending.pop(0)
                plsc.store_scatter(pgrp, [lane, pcol], pvals)
        if g % _QG == 1 and g > _QG:
            q = g // _QG - 1
            out_copies.append(
                pltpu.async_copy(
                    rows_v.at[pl.ds(q * _QR, _QR), :],
                    out_hbm.at[pl.ds(base + q * _QR, _QR), :],
                    sems[q % 2],
                )
            )
    for pgrp, pcol, pvals in pending:
        plsc.store_scatter(pgrp, [lane, pcol], pvals)
    _done = len(out_copies) * _QR
    out_copies.append(
        pltpu.async_copy(
            rows_v.at[pl.ds(_done, _BPW - _done), :],
            out_hbm.at[pl.ds(base + _done, _BPW - _done), :],
            sems[len(out_copies) % 2],
        )
    )
    for cp in out_copies:
        cp.wait()


def kernel(indices, table):
    return _embed(indices.astype(jnp.int32), table)

# --- scband reference (transcript-rebuilt; emitter-appended) ---
"""Pipeline reference for scband-animal-embed-77970836291844 (READ-ONLY COPY).

The authoritative reference and input builder live on the scoring server;
editing this copy changes nothing except your own understanding.
"""

import jax, jax.numpy as jnp
import numpy as np


def setup_inputs(seed: int = 0) -> dict:
    key = jax.random.key(seed)
    k_idx, k_tab = jax.random.split(key)
    indices = jax.random.randint(k_idx, (16384,), 0, 80, dtype=jnp.int64 if jax.config.jax_enable_x64 else jnp.int32)
    table = jax.random.normal(k_tab, (80, 5), dtype=jnp.float32)
    return {"indices": indices, "table": table}


def reference(indices, table):
    # Faithful translation of AnimalEmbed.forward: embedding lookup of animal.id
    # torch: self.modules(torch.tensor(animal.id)) -> gather rows from the table
    return jnp.take(table, indices, axis=0)

if __name__ == "__main__":
    import jax
    _d = setup_inputs()
    print(jax.jit(kernel)(*tuple(_d.values())))

</pallas_src>

<mosaic_0001>
#map = affine_map<(d0, d1) -> (0)>
#map1 = affine_map<(d0, d1) -> (0, 0)>
module attributes {stable_mosaic.version = 14 : i64} {
  func.func @_embed(%arg0: i32, %arg1: i32, %arg2: memref<16384xi32, #tpu.memory_space<hbm>>, %arg3: memref<80x5xf32, #tpu.memory_space<hbm>>, %arg4: memref<16384x5xf32, #tpu.memory_space<hbm>>, %arg5: memref<1024xi32, #tpu.memory_space<vmem>>, %arg6: memref<80x5xf32, #tpu.memory_space<vmem>>, %arg7: memref<400xf32, #tpu.memory_space<vmem>>, %arg8: memref<1024x5xf32, #tpu.memory_space<vmem>>, %arg9: memref<!tpu.dma_semaphore, #tpu.memory_space<semaphore_mem>>, %arg10: memref<!tpu.dma_semaphore, #tpu.memory_space<semaphore_mem>>) attributes {dimension_semantics = [#tpu.dimension_semantics<core_parallel>, #tpu.dimension_semantics<subcore_parallel>], iteration_bounds = array<i64: 1, 16>, scalar_prefetch = 0 : i64, scratch_operands = 6 : i64, tpu.core_type = #tpu.core_type<sc_vector_subcore>, window_params = [{transform_indices = #map}, {transform_indices = #map1}, {transform_indices = #map1}]} {
    %mul3A = arith.constant 1 : i32
    %mul3A_0 = arith.muli %arg1, %mul3A : i32
    %add3A = arith.addi %mul3A_0, %arg0 : i32
    %mul3A_1 = arith.constant 1024 : i32
    %mul3A_2 = arith.muli %add3A, %mul3A_1 : i32
    tpu.enqueue_dma source(%arg3 : memref<80x5xf32, #tpu.memory_space<hbm>>) target(%arg6 : memref<80x5xf32, #tpu.memory_space<vmem>>) target_semaphore(%arg9 : memref<!tpu.dma_semaphore, #tpu.memory_space<semaphore_mem>>)
    %dma_start3A = tpu.memref_slice %arg2[%mul3A_2] : memref<16384xi32, #tpu.memory_space<hbm>> -> memref<1024xi32, #tpu.memory_space<hbm>>
    %dma_start3A_3 = tpu.memref_slice %arg2[%mul3A_2] : memref<16384xi32, #tpu.memory_space<hbm>> -> memref<1024xi32, #tpu.memory_space<hbm>>
    tpu.enqueue_dma source(%dma_start3A_3 : memref<1024xi32, #tpu.memory_space<hbm>>) target(%arg5 : memref<1024xi32, #tpu.memory_space<vmem>>) target_semaphore(%arg10 : memref<!tpu.dma_semaphore, #tpu.memory_space<semaphore_mem>>)
    tpu.wait_dma2 semaphore(%arg9 : memref<!tpu.dma_semaphore, #tpu.memory_space<semaphore_mem>>) src(%arg3 : memref<80x5xf32, #tpu.memory_space<hbm>>) dst(%arg6 : memref<80x5xf32, #tpu.memory_space<vmem>>)
    %iota3A = tpu.iota {dimensions = array<i32: 0>} : vector<16xi32>
    %broadcast_in_dim3A = arith.constant 0 : i32
    %broadcast_in_dim3A_4 = vector.broadcast %broadcast_in_dim3A : i32 to vector<16xi32>
    %broadcast_in_dim3A_5 = arith.constant 1 : i32
    %broadcast_in_dim3A_6 = vector.broadcast %broadcast_in_dim3A_5 : i32 to vector<16xi32>
    %broadcast_in_dim3A_7 = arith.constant 2 : i32
    %broadcast_in_dim3A_8 = vector.broadcast %broadcast_in_dim3A_7 : i32 to vector<16xi32>
    %broadcast_in_dim3A_9 = arith.constant 3 : i32
    %broadcast_in_dim3A_10 = vector.broadcast %broadcast_in_dim3A_9 : i32 to vector<16xi32>
    %broadcast_in_dim3A_11 = arith.constant 4 : i32
    %broadcast_in_dim3A_12 = vector.broadcast %broadcast_in_dim3A_11 : i32 to vector<16xi32>
    %add3A_13 = arith.constant 0 : i32
    %add3A_14 = vector.broadcast %add3A_13 : i32 to vector<16xi32>
    %add3A_15 = arith.addi %iota3A, %add3A_14 : vector<16xi32>
    %gather3A = tpu.vector_load_idx %arg6[%add3A_15, %broadcast_in_dim3A_4] : memref<80x5xf32, #tpu.memory_space<vmem>>[vector<16xi32>, vector<16xi32>], vector<16xf32>,
    %swap3A = arith.constant 0 : index
    %swap3A_16 = tpu.vector_load %arg7[%swap3A] {strides = array<i32>} : memref<400xf32, #tpu.memory_space<vmem>>, vector<16xf32>,
    tpu.vector_store %arg7[%swap3A], %gather3A {strides = array<i32>} : memref<400xf32, #tpu.memory_space<vmem>>, vector<16xf32>,
    %add3A_17 = arith.constant 16 : i32
    %add3A_18 = vector.broadcast %add3A_17 : i32 to vector<16xi32>
    %add3A_19 = arith.addi %iota3A, %add3A_18 : vector<16xi32>
    %gather3A_20 = tpu.vector_load_idx %arg6[%add3A_19, %broadcast_in_dim3A_4] : memref<80x5xf32, #tpu.memory_space<vmem>>[vector<16xi32>, vector<16xi32>], vector<16xf32>,
    %swap3A_21 = arith.constant 16 : index
    %swap3A_22 = tpu.vector_load %arg7[%swap3A_21] {strides = array<i32>} : memref<400xf32, #tpu.memory_space<vmem>>, vector<16xf32>,
    tpu.vector_store %arg7[%swap3A_21], %gather3A_20 {strides = array<i32>} : memref<400xf32, #tpu.memory_space<vmem>>, vector<16xf32>,
    %add3A_23 = arith.constant 32 : i32
    %add3A_24 = vector.broadcast %add3A_23 : i32 to vector<16xi32>
    %add3A_25 = arith.addi %iota3A, %add3A_24 : vector<16xi32>
    %gather3A_26 = tpu.vector_load_idx %arg6[%add3A_25, %broadcast_in_dim3A_4] : memref<80x5xf32, #tpu.memory_space<vmem>>[vector<16xi32>, vector<16xi32>], vector<16xf32>,
    %swap3A_27 = arith.constant 32 : index
    %swap3A_28 = tpu.vector_load %arg7[%swap3A_27] {strides = array<i32>} : memref<400xf32, #tpu.memory_space<vmem>>, vector<16xf32>,
    tpu.vector_store %arg7[%swap3A_27], %gather3A_26 {strides = array<i32>} : memref<400xf32, #tpu.memory_space<vmem>>, vector<16xf32>,
    %add3A_29 = arith.constant 48 : i32
    %add3A_30 = vector.broadcast %add3A_29 : i32 to vector<16xi32>
    %add3A_31 = arith.addi %iota3A, %add3A_30 : vector<16xi32>
    %gather3A_32 = tpu.vector_load_idx %arg6[%add3A_31, %broadcast_in_dim3A_4] : memref<80x5xf32, #tpu.memory_space<vmem>>[vector<16xi32>, vector<16xi32>], vector<16xf32>,
    %swap3A_33 = arith.constant 48 : index
    %swap3A_34 = tpu.vector_load %arg7[%swap3A_33] {strides = array<i32>} : memref<400xf32, #tpu.memory_space<vmem>>, vector<16xf32>,
    tpu.vector_store %arg7[%swap3A_33], %gather3A_32 {strides = array<i32>} : memref<400xf32, #tpu.memory_space<vmem>>, vector<16xf32>,
    %add3A_35 = arith.constant 64 : i32
    %add3A_36 = vector.broadcast %add3A_35 : i32 to vector<16xi32>
    %add3A_37 = arith.addi %iota3A, %add3A_36 : vector<16xi32>
    %gather3A_38 = tpu.vector_load_idx %arg6[%add3A_37, %broadcast_in_dim3A_4] : memref<80x5xf32, #tpu.memory_space<vmem>>[vector<16xi32>, vector<16xi32>], vector<16xf32>,
    %swap3A_39 = arith.constant 64 : index
    %swap3A_40 = tpu.vector_load %arg7[%swap3A_39] {strides = array<i32>} : memref<400xf32, #tpu.memory_space<vmem>>, vector<16xf32>,
    tpu.vector_store %arg7[%swap3A_39], %gather3A_38 {strides = array<i32>} : memref<400xf32, #tpu.memory_space<vmem>>, vector<16xf32>,
    %add3A_41 = arith.constant 0 : i32
    %add3A_42 = vector.broadcast %add3A_41 : i32 to vector<16xi32>
    %add3A_43 = arith.addi %iota3A, %add3A_42 : vector<16xi32>
    %gather3A_44 = tpu.vector_load_idx %arg6[%add3A_43, %broadcast_in_dim3A_6] : memref<80x5xf32, #tpu.memory_space<vmem>>[vector<16xi32>, vector<16xi32>], vector<16xf32>,
    %swap3A_45 = arith.constant 80 : index
    %swap3A_46 = tpu.vector_load %arg7[%swap3A_45] {strides = array<i32>} : memref<400xf32, #tpu.memory_space<vmem>>, vector<16xf32>,
    tpu.vector_store %arg7[%swap3A_45], %gather3A_44 {strides = array<i32>} : memref<400xf32, #tpu.memory_space<vmem>>, vector<16xf32>,
    %add3A_47 = arith.constant 16 : i32
    %add3A_48 = vector.broadcast %add3A_47 : i32 to vector<16xi32>
    %add3A_49 = arith.addi %iota3A, %add3A_48 : vector<16xi32>
    %gather3A_50 = tpu.vector_load_idx %arg6[%add3A_49, %broadcast_in_dim3A_6] : memref<80x5xf32, #tpu.memory_space<vmem>>[vector<16xi32>, vector<16xi32>], vector<16xf32>,
    %swap3A_51 = arith.constant 96 : index
    %swap3A_52 = tpu.vector_load %arg7[%swap3A_51] {strides = array<i32>} : memref<400xf32, #tpu.memory_space<vmem>>, vector<16xf32>,
    tpu.vector_store %arg7[%swap3A_51], %gather3A_50 {strides = array<i32>} : memref<400xf32, #tpu.memory_space<vmem>>, vector<16xf32>,
    %add3A_53 = arith.constant 32 : i32
    %add3A_54 = vector.broadcast %add3A_53 : i32 to vector<16xi32>
    %add3A_55 = arith.addi %iota3A, %add3A_54 : vector<16xi32>
    %gather3A_56 = tpu.vector_load_idx %arg6[%add3A_55, %broadcast_in_dim3A_6] : memref<80x5xf32, #tpu.memory_space<vmem>>[vector<16xi32>, vector<16xi32>], vector<16xf32>,
    %swap3A_57 = arith.constant 112 : index
    %swap3A_58 = tpu.vector_load %arg7[%swap3A_57] {strides = array<i32>} : memref<400xf32, #tpu.memory_space<vmem>>, vector<16xf32>,
    tpu.vector_store %arg7[%swap3A_57], %gather3A_56 {strides = array<i32>} : memref<400xf32, #tpu.memory_space<vmem>>, vector<16xf32>,
    %add3A_59 = arith.constant 48 : i32
    %add3A_60 = vector.broadcast %add3A_59 : i32 to vector<16xi32>
    %add3A_61 = arith.addi %iota3A, %add3A_60 : vector<16xi32>
    %gather3A_62 = tpu.vector_load_idx %arg6[%add3A_61, %broadcast_in_dim3A_6] : memref<80x5xf32, #tpu.memory_space<vmem>>[vector<16xi32>, vector<16xi32>], vector<16xf32>,
    %swap3A_63 = arith.constant 128 : index
    %swap3A_64 = tpu.vector_load %arg7[%swap3A_63] {strides = array<i32>} : memref<400xf32, #tpu.memory_space<vmem>>, vector<16xf32>,
    tpu.vector_store %arg7[%swap3A_63], %gather3A_62 {strides = array<i32>} : memref<400xf32, #tpu.memory_space<vmem>>, vector<16xf32>,
    %add3A_65 = arith.constant 64 : i32
    %add3A_66 = vector.broadcast %add3A_65 : i32 to vector<16xi32>
    %add3A_67 = arith.addi %iota3A, %add3A_66 : vector<16xi32>
    %gather3A_68 = tpu.vector_load_idx %arg6[%add3A_67, %broadcast_in_dim3A_6] : memref<80x5xf32, #tpu.memory_space<vmem>>[vector<16xi32>, vector<16xi32>], vector<16xf32>,
    %swap3A_69 = arith.constant 144 : index
    %swap3A_70 = tpu.vector_load %arg7[%swap3A_69] {strides = array<i32>} : memref<400xf32, #tpu.memory_space<vmem>>, vector<16xf32>,
    tpu.vector_store %arg7[%swap3A_69], %gather3A_68 {strides = array<i32>} : memref<400xf32, #tpu.memory_space<vmem>>, vector<16xf32>,
    %add3A_71 = arith.constant 0 : i32
    %add3A_72 = vector.broadcast %add3A_71 : i32 to vector<16xi32>
    %add3A_73 = arith.addi %iota3A, %add3A_72 : vector<16xi32>
    %gather3A_74 = tpu.vector_load_idx %arg6[%add3A_73, %broadcast_in_dim3A_8] : memref<80x5xf32, #tpu.memory_space<vmem>>[vector<16xi32>, vector<16xi32>], vector<16xf32>,
    %swap3A_75 = arith.constant 160 : index
    %swap3A_76 = tpu.vector_load %arg7[%swap3A_75] {strides = array<i32>} : memref<400xf32, #tpu.memory_space<vmem>>, vector<16xf32>,
    tpu.vector_store %arg7[%swap3A_75], %gather3A_74 {strides = array<i32>} : memref<400xf32, #tpu.memory_space<vmem>>, vector<16xf32>,
    %add3A_77 = arith.constant 16 : i32
    %add3A_78 = vector.broadcast %add3A_77 : i32 to vector<16xi32>
    %add3A_79 = arith.addi %iota3A, %add3A_78 : vector<16xi32>
    %gather3A_80 = tpu.vector_load_idx %arg6[%add3A_79, %broadcast_in_dim3A_8] : memref<80x5xf32, #tpu.memory_space<vmem>>[vector<16xi32>, vector<16xi32>], vector<16xf32>,
    %swap3A_81 = arith.constant 176 : index
    %swap3A_82 = tpu.vector_load %arg7[%swap3A_81] {strides = array<i32>} : memref<400xf32, #tpu.memory_space<vmem>>, vector<16xf32>,
    tpu.vector_store %arg7[%swap3A_81], %gather3A_80 {strides = array<i32>} : memref<400xf32, #tpu.memory_space<vmem>>, vector<16xf32>,
    %add3A_83 = arith.constant 32 : i32
    %add3A_84 = vector.broadcast %add3A_83 : i32 to vector<16xi32>
    %add3A_85 = arith.addi %iota3A, %add3A_84 : vector<16xi32>
    %gather3A_86 = tpu.vector_load_idx %arg6[%add3A_85, %broadcast_in_dim3A_8] : memref<80x5xf32, #tpu.memory_space<vmem>>[vector<16xi32>, vector<16xi32>], vector<16xf32>,
    %swap3A_87 = arith.constant 192 : index
    %swap3A_88 = tpu.vector_load %arg7[%swap3A_87] {strides = array<i32>} : memref<400xf32, #tpu.memory_space<vmem>>, vector<16xf32>,
    tpu.vector_store %arg7[%swap3A_87], %gather3A_86 {strides = array<i32>} : memref<400xf32, #tpu.memory_space<vmem>>, vector<16xf32>,
    %add3A_89 = arith.constant 48 : i32
    %add3A_90 = vector.broadcast %add3A_89 : i32 to vector<16xi32>
    %add3A_91 = arith.addi %iota3A, %add3A_90 : vector<16xi32>
    %gather3A_92 = tpu.vector_load_idx %arg6[%add3A_91, %broadcast_in_dim3A_8] : memref<80x5xf32, #tpu.memory_space<vmem>>[vector<16xi32>, vector<16xi32>], vector<16xf32>,
    %swap3A_93 = arith.constant 208 : index
    %swap3A_94 = tpu.vector_load %arg7[%swap3A_93] {strides = array<i32>} : memref<400xf32, #tpu.memory_space<vmem>>, vector<16xf32>,
    tpu.vector_store %arg7[%swap3A_93], %gather3A_92 {strides = array<i32>} : memref<400xf32, #tpu.memory_space<vmem>>, vector<16xf32>,
    %add3A_95 = arith.constant 64 : i32
    %add3A_96 = vector.broadcast %add3A_95 : i32 to vector<16xi32>
    %add3A_97 = arith.addi %iota3A, %add3A_96 : vector<16xi32>
    %gather3A_98 = tpu.vector_load_idx %arg6[%add3A_97, %broadcast_in_dim3A_8] : memref<80x5xf32, #tpu.memory_space<vmem>>[vector<16xi32>, vector<16xi32>], vector<16xf32>,
    %swap3A_99 = arith.constant 224 : index
    %swap3A_100 = tpu.vector_load %arg7[%swap3A_99] {strides = array<i32>} : memref<400xf32, #tpu.memory_space<vmem>>, vector<16xf32>,
    tpu.vector_store %arg7[%swap3A_99], %gather3A_98 {strides = array<i32>} : memref<400xf32, #tpu.memory_space<vmem>>, vector<16xf32>,
    %add3A_101 = arith.constant 0 : i32
    %add3A_102 = vector.broadcast %add3A_101 : i32 to vector<16xi32>
    %add3A_103 = arith.addi %iota3A, %add3A_102 : vector<16xi32>
    %gather3A_104 = tpu.vector_load_idx %arg6[%add3A_103, %broadcast_in_dim3A_10] : memref<80x5xf32, #tpu.memory_space<vmem>>[vector<16xi32>, vector<16xi32>], vector<16xf32>,
    %swap3A_105 = arith.constant 240 : index
    %swap3A_106 = tpu.vector_load %arg7[%swap3A_105] {strides = array<i32>} : memref<400xf32, #tpu.memory_space<vmem>>, vector<16xf32>,
    tpu.vector_store %arg7[%swap3A_105], %gather3A_104 {strides = array<i32>} : memref<400xf32, #tpu.memory_space<vmem>>, vector<16xf32>,
    %add3A_107 = arith.constant 16 : i32
    %add3A_108 = vector.broadcast %add3A_107 : i32 to vector<16xi32>
    %add3A_109 = arith.addi %iota3A, %add3A_108 : vector<16xi32>
    %gather3A_110 = tpu.vector_load_idx %arg6[%add3A_109, %broadcast_in_dim3A_10] : memref<80x5xf32, #tpu.memory_space<vmem>>[vector<16xi32>, vector<16xi32>], vector<16xf32>,
    %swap3A_111 = arith.constant 256 : index
    %swap3A_112 = tpu.vector_load %arg7[%swap3A_111] {strides = array<i32>} : memref<400xf32, #tpu.memory_space<vmem>>, vector<16xf32>,
    tpu.vector_store %arg7[%swap3A_111], %gather3A_110 {strides = array<i32>} : memref<400xf32, #tpu.memory_space<vmem>>, vector<16xf32>,
    %add3A_113 = arith.constant 32 : i32
    %add3A_114 = vector.broadcast %add3A_113 : i32 to vector<16xi32>
    %add3A_115 = arith.addi %iota3A, %add3A_114 : vector<16xi32>
    %gather3A_116 = tpu.vector_load_idx %arg6[%add3A_115, %broadcast_in_dim3A_10] : memref<80x5xf32, #tpu.memory_space<vmem>>[vector<16xi32>, vector<16xi32>], vector<16xf32>,
    %swap3A_117 = arith.constant 272 : index
    %swap3A_118 = tpu.vector_load %arg7[%swap3A_117] {strides = array<i32>} : memref<400xf32, #tpu.memory_space<vmem>>, vector<16xf32>,
    tpu.vector_store %arg7[%swap3A_117], %gather3A_116 {strides = array<i32>} : memref<400xf32, #tpu.memory_space<vmem>>, vector<16xf32>,
    %add3A_119 = arith.constant 48 : i32
    %add3A_120 = vector.broadcast %add3A_119 : i32 to vector<16xi32>
    %add3A_121 = arith.addi %iota3A, %add3A_120 : vector<16xi32>
    %gather3A_122 = tpu.vector_load_idx %arg6[%add3A_121, %broadcast_in_dim3A_10] : memref<80x5xf32, #tpu.memory_space<vmem>>[vector<16xi32>, vector<16xi32>], vector<16xf32>,
    %swap3A_123 = arith.constant 288 : index
    %swap3A_124 = tpu.vector_load %arg7[%swap3A_123] {strides = array<i32>} : memref<400xf32, #tpu.memory_space<vmem>>, vector<16xf32>,
    tpu.vector_store %arg7[%swap3A_123], %gather3A_122 {strides = array<i32>} : memref<400xf32, #tpu.memory_space<vmem>>, vector<16xf32>,
    %add3A_125 = arith.constant 64 : i32
    %add3A_126 = vector.broadcast %add3A_125 : i32 to vector<16xi32>
    %add3A_127 = arith.addi %iota3A, %add3A_126 : vector<16xi32>
    %gather3A_128 = tpu.vector_load_idx %arg6[%add3A_127, %broadcast_in_dim3A_10] : memref<80x5xf32, #tpu.memory_space<vmem>>[vector<16xi32>, vector<16xi32>], vector<16xf32>,
    %swap3A_129 = arith.constant 304 : index
    %swap3A_130 = tpu.vector_load %arg7[%swap3A_129] {strides = array<i32>} : memref<400xf32, #tpu.memory_space<vmem>>, vector<16xf32>,
    tpu.vector_store %arg7[%swap3A_129], %gather3A_128 {strides = array<i32>} : memref<400xf32, #tpu.memory_space<vmem>>, vector<16xf32>,
    %add3A_131 = arith.constant 0 : i32
    %add3A_132 = vector.broadcast %add3A_131 : i32 to vector<16xi32>
    %add3A_133 = arith.addi %iota3A, %add3A_132 : vector<16xi32>
    %gather3A_134 = tpu.vector_load_idx %arg6[%add3A_133, %broadcast_in_dim3A_12] : memref<80x5xf32, #tpu.memory_space<vmem>>[vector<16xi32>, vector<16xi32>], vector<16xf32>,
    %swap3A_135 = arith.constant 320 : index
    %swap3A_136 = tpu.vector_load %arg7[%swap3A_135] {strides = array<i32>} : memref<400xf32, #tpu.memory_space<vmem>>, vector<16xf32>,
    tpu.vector_store %arg7[%swap3A_135], %gather3A_134 {strides = array<i32>} : memref<400xf32, #tpu.memory_space<vmem>>, vector<16xf32>,
    %add3A_137 = arith.constant 16 : i32
    %add3A_138 = vector.broadcast %add3A_137 : i32 to vector<16xi32>
    %add3A_139 = arith.addi %iota3A, %add3A_138 : vector<16xi32>
    %gather3A_140 = tpu.vector_load_idx %arg6[%add3A_139, %broadcast_in_dim3A_12] : memref<80x5xf32, #tpu.memory_space<vmem>>[vector<16xi32>, vector<16xi32>], vector<16xf32>,
    %swap3A_141 = arith.constant 336 : index
    %swap3A_142 = tpu.vector_load %arg7[%swap3A_141] {strides = array<i32>} : memref<400xf32, #tpu.memory_space<vmem>>, vector<16xf32>,
    tpu.vector_store %arg7[%swap3A_141], %gather3A_140 {strides = array<i32>} : memref<400xf32, #tpu.memory_space<vmem>>, vector<16xf32>,
    %add3A_143 = arith.constant 32 : i32
    %add3A_144 = vector.broadcast %add3A_143 : i32 to vector<16xi32>
    %add3A_145 = arith.addi %iota3A, %add3A_144 : vector<16xi32>
    %gather3A_146 = tpu.vector_load_idx %arg6[%add3A_145, %broadcast_in_dim3A_12] : memref<80x5xf32, #tpu.memory_space<vmem>>[vector<16xi32>, vector<16xi32>], vector<16xf32>,
    %swap3A_147 = arith.constant 352 : index
    %swap3A_148 = tpu.vector_load %arg7[%swap3A_147] {strides = array<i32>} : memref<400xf32, #tpu.memory_space<vmem>>, vector<16xf32>,
    tpu.vector_store %arg7[%swap3A_147], %gather3A_146 {strides = array<i32>} : memref<400xf32, #tpu.memory_space<vmem>>, vector<16xf32>,
    %add3A_149 = arith.constant 48 : i32
    %add3A_150 = vector.broadcast %add3A_149 : i32 to vector<16xi32>
    %add3A_151 = arith.addi %iota3A, %add3A_150 : vector<16xi32>
    %gather3A_152 = tpu.vector_load_idx %arg6[%add3A_151, %broadcast_in_dim3A_12] : memref<80x5xf32, #tpu.memory_space<vmem>>[vector<16xi32>, vector<16xi32>], vector<16xf32>,
    %swap3A_153 = arith.constant 368 : index
    %swap3A_154 = tpu.vector_load %arg7[%swap3A_153] {strides = array<i32>} : memref<400xf32, #tpu.memory_space<vmem>>, vector<16xf32>,
    tpu.vector_store %arg7[%swap3A_153], %gather3A_152 {strides = array<i32>} : memref<400xf32, #tpu.memory_space<vmem>>, vector<16xf32>,
    %add3A_155 = arith.constant 64 : i32
    %add3A_156 = vector.broadcast %add3A_155 : i32 to vector<16xi32>
    %add3A_157 = arith.addi %iota3A, %add3A_156 : vector<16xi32>
    %gather3A_158 = tpu.vector_load_idx %arg6[%add3A_157, %broadcast_in_dim3A_12] : memref<80x5xf32, #tpu.memory_space<vmem>>[vector<16xi32>, vector<16xi32>], vector<16xf32>,
    %swap3A_159 = arith.constant 384 : index
    %swap3A_160 = tpu.vector_load %arg7[%swap3A_159] {strides = array<i32>} : memref<400xf32, #tpu.memory_space<vmem>>, vector<16xf32>,
    tpu.vector_store %arg7[%swap3A_159], %gather3A_158 {strides = array<i32>} : memref<400xf32, #tpu.memory_space<vmem>>, vector<16xf32>,
    %dma_wait3A = tpu.memref_slice %arg2[%mul3A_2] : memref<16384xi32, #tpu.memory_space<hbm>> -> memref<1024xi32, #tpu.memory_space<hbm>>
    %dma_wait3A_161 = tpu.memref_slice %arg2[%mul3A_2] : memref<16384xi32, #tpu.memory_space<hbm>> -> memref<1024xi32, #tpu.memory_space<hbm>>
    tpu.wait_dma2 semaphore(%arg10 : memref<!tpu.dma_semaphore, #tpu.memory_space<semaphore_mem>>) src(%dma_wait3A_161 : memref<1024xi32, #tpu.memory_space<hbm>>) dst(%arg5 : memref<1024xi32, #tpu.memory_space<vmem>>)
    %get3A = arith.constant 0 : index
    %get3A_162 = tpu.vector_load %arg5[%get3A] {strides = array<i32>} : memref<1024xi32, #tpu.memory_space<vmem>>, vector<16xi32>,
    %get3A_163 = arith.constant 16 : index
    %get3A_164 = tpu.vector_load %arg5[%get3A_163] {strides = array<i32>} : memref<1024xi32, #tpu.memory_space<vmem>>, vector<16xi32>,
    %gather3A_165 = arith.constant 0 : i32
    %gather3A_166 = tpu.memref_slice %arg7[%gather3A_165] : memref<400xf32, #tpu.memory_space<vmem>> -> memref<80xf32, #tpu.memory_space<vmem>>
    %gather3A_167 = tpu.vector_load_idx %gather3A_166[%get3A_162] : memref<80xf32, #tpu.memory_space<vmem>>[vector<16xi32>], vector<16xf32>,
    %gather3A_168 = arith.constant 80 : i32
    %gather3A_169 = tpu.memref_slice %arg7[%gather3A_168] : memref<400xf32, #tpu.memory_space<vmem>> -> memref<80xf32, #tpu.memory_space<vmem>>
    %gather3A_170 = tpu.vector_load_idx %gather3A_169[%get3A_162] : memref<80xf32, #tpu.memory_space<vmem>>[vector<16xi32>], vector<16xf32>,
    %gather3A_171 = arith.constant 160 : i32
    %gather3A_172 = tpu.memref_slice %arg7[%gather3A_171] : memref<400xf32, #tpu.memory_space<vmem>> -> memref<80xf32, #tpu.memory_space<vmem>>
    %gather3A_173 = tpu.vector_load_idx %gather3A_172[%get3A_162] : memref<80xf32, #tpu.memory_space<vmem>>[vector<16xi32>], vector<16xf32>,
    %gather3A_174 = arith.constant 240 : i32
    %gather3A_175 = tpu.memref_slice %arg7[%gather3A_174] : memref<400xf32, #tpu.memory_space<vmem>> -> memref<80xf32, #tpu.memory_space<vmem>>
    %gather3A_176 = tpu.vector_load_idx %gather3A_175[%get3A_162] : memref<80xf32, #tpu.memory_space<vmem>>[vector<16xi32>], vector<16xf32>,
    %gather3A_177 = arith.constant 320 : i32
    %gather3A_178 = tpu.memref_slice %arg7[%gather3A_177] : memref<400xf32, #tpu.memory_space<vmem>> -> memref<80xf32, #tpu.memory_space<vmem>>
    %gather3A_179 = tpu.vector_load_idx %gather3A_178[%get3A_162] : memref<80xf32, #tpu.memory_space<vmem>>[vector<16xi32>], vector<16xf32>,
    %get3A_180 = arith.constant 32 : index
    %get3A_181 = tpu.vector_load %arg5[%get3A_180] {strides = array<i32>} : memref<1024xi32, #tpu.memory_space<vmem>>, vector<16xi32>,
    %gather3A_182 = arith.constant 0 : i32
    %gather3A_183 = tpu.memref_slice %arg7[%gather3A_182] : memref<400xf32, #tpu.memory_space<vmem>> -> memref<80xf32, #tpu.memory_space<vmem>>
    %gather3A_184 = tpu.vector_load_idx %gather3A_183[%get3A_164] : memref<80xf32, #tpu.memory_space<vmem>>[vector<16xi32>], vector<16xf32>,
    %gather3A_185 = arith.constant 80 : i32
    %gather3A_186 = tpu.memref_slice %arg7[%gather3A_185] : memref<400xf32, #tpu.memory_space<vmem>> -> memref<80xf32, #tpu.memory_space<vmem>>
    %gather3A_187 = tpu.vector_load_idx %gather3A_186[%get3A_164] : memref<80xf32, #tpu.memory_space<vmem>>[vector<16xi32>], vector<16xf32>,
    %scatter3A = arith.constant 0 : i32
    %scatter3A_188 = arith.constant 0 : i32
    %scatter3A_189 = tpu.memref_slice %arg8[%scatter3A, %scatter3A_188] : memref<1024x5xf32, #tpu.memory_space<vmem>> -> memref<16x5xf32, #tpu.memory_space<vmem>>
    tpu.vector_store_idx %scatter3A_189[%iota3A, %broadcast_in_dim3A_4], %gather3A_167 : memref<16x5xf32, #tpu.memory_space<vmem>>[vector<16xi32>, vector<16xi32>], vector<16xf32>,
    %gather3A_190 = arith.constant 160 : i32
    %gather3A_191 = tpu.memref_slice %arg7[%gather3A_190] : memref<400xf32, #tpu.memory_space<vmem>> -> memref<80xf32, #tpu.memory_space<vmem>>
    %gather3A_192 = tpu.vector_load_idx %gather3A_191[%get3A_164] : memref<80xf32, #tpu.memory_space<vmem>>[vector<16xi32>], vector<16xf32>,
    %scatter3A_193 = arith.constant 0 : i32
    %scatter3A_194 = arith.constant 0 : i32
    %scatter3A_195 = tpu.memref_slice %arg8[%scatter3A_193, %scatter3A_194] : memref<1024x5xf32, #tpu.memory_space<vmem>> -> memref<16x5xf32, #tpu.memory_space<vmem>>
    tpu.vector_store_idx %scatter3A_195[%iota3A, %broadcast_in_dim3A_6], %gather3A_170 : memref<16x5xf32, #tpu.memory_space<vmem>>[vector<16xi32>, vector<16xi32>], vector<16xf32>,
    %gather3A_196 = arith.constant 240 : i32
    %gather3A_197 = tpu.memref_slice %arg7[%gather3A_196] : memref<400xf32, #tpu.memory_space<vmem>> -> memref<80xf32, #tpu.memory_space<vmem>>
    %gather3A_198 = tpu.vector_load_idx %gather3A_197[%get3A_164] : memref<80xf32, #tpu.memory_space<vmem>>[vector<16xi32>], vector<16xf32>,
    %scatter3A_199 = arith.constant 0 : i32
    %scatter3A_200 = arith.constant 0 : i32
    %scatter3A_201 = tpu.memref_slice %arg8[%scatter3A_199, %scatter3A_200] : memref<1024x5xf32, #tpu.memory_space<vmem>> -> memref<16x5xf32, #tpu.memory_space<vmem>>
    tpu.vector_store_idx %scatter3A_201[%iota3A, %broadcast_in_dim3A_8], %gather3A_173 : memref<16x5xf32, #tpu.memory_space<vmem>>[vector<16xi32>, vector<16xi32>], vector<16xf32>,
    %gather3A_202 = arith.constant 320 : i32
    %gather3A_203 = tpu.memref_slice %arg7[%gather3A_202] : memref<400xf32, #tpu.memory_space<vmem>> -> memref<80xf32, #tpu.memory_space<vmem>>
    %gather3A_204 = tpu.vector_load_idx %gather3A_203[%get3A_164] : memref<80xf32, #tpu.memory_space<vmem>>[vector<16xi32>], vector<16xf32>,
    %scatter3A_205 = arith.constant 0 : i32
    %scatter3A_206 = arith.constant 0 : i32
    %scatter3A_207 = tpu.memref_slice %arg8[%scatter3A_205, %scatter3A_206] : memref<1024x5xf32, #tpu.memory_space<vmem>> -> memref<16x5xf32, #tpu.memory_space<vmem>>
    tpu.vector_store_idx %scatter3A_207[%iota3A, %broadcast_in_dim3A_10], %gather3A_176 : memref<16x5xf32, #tpu.memory_space<vmem>>[vector<16xi32>, vector<16xi32>], vector<16xf32>,
    %get3A_208 = arith.constant 48 : index
    %get3A_209 = tpu.vector_load %arg5[%get3A_208] {strides = array<i32>} : memref<1024xi32, #tpu.memory_space<vmem>>, vector<16xi32>,
    %gather3A_210 = arith.constant 0 : i32
    %gather3A_211 = tpu.memref_slice %arg7[%gather3A_210] : memref<400xf32, #tpu.memory_space<vmem>> -> memref<80xf32, #tpu.memory_space<vmem>>
    %gather3A_212 = tpu.vector_load_idx %gather3A_211[%get3A_181] : memref<80xf32, #tpu.memory_space<vmem>>[vector<16xi32>], vector<16xf32>,
    %scatter3A_213 = arith.constant 0 : i32
    %scatter3A_214 = arith.constant 0 : i32
    %scatter3A_215 = tpu.memref_slice %arg8[%scatter3A_213, %scatter3A_214] : memref<1024x5xf32, #tpu.memory_space<vmem>> -> memref<16x5xf32, #tpu.memory_space<vmem>>
    tpu.vector_store_idx %scatter3A_215[%iota3A, %broadcast_in_dim3A_12], %gather3A_179 : memref<16x5xf32, #tpu.memory_space<vmem>>[vector<16xi32>, vector<16xi32>], vector<16xf32>,
    %gather3A_216 = arith.constant 80 : i32
    %gather3A_217 = tpu.memref_slice %arg7[%gather3A_216] : memref<400xf32, #tpu.memory_space<vmem>> -> memref<80xf32, #tpu.memory_space<vmem>>
    %gather3A_218 = tpu.vector_load_idx %gather3A_217[%get3A_181] : memref<80xf32, #tpu.memory_space<vmem>>[vector<16xi32>], vector<16xf32>,
    %scatter3A_219 = arith.constant 16 : i32
    %scatter3A_220 = arith.constant 0 : i32
    %scatter3A_221 = tpu.memref_slice %arg8[%scatter3A_219, %scatter3A_220] : memref<1024x5xf32, #tpu.memory_space<vmem>> -> memref<16x5xf32, #tpu.memory_space<vmem>>
    tpu.vector_store_idx %scatter3A_221[%iota3A, %broadcast_in_dim3A_4], %gather3A_184 : memref<16x5xf32, #tpu.memory_space<vmem>>[vector<16xi32>, vector<16xi32>], vector<16xf32>,
    %gather3A_222 = arith.constant 160 : i32
    %gather3A_223 = tpu.memref_slice %arg7[%gather3A_222] : memref<400xf32, #tpu.memory_space<vmem>> -> memref<80xf32, #tpu.memory_space<vmem>>
    %gather3A_224 = tpu.vector_load_idx %gather3A_223[%get3A_181] : memref<80xf32, #tpu.memory_space<vmem>>[vector<16xi32>], vector<16xf32>,
    %scatter3A_225 = arith.constant 16 : i32
    %scatter3A_226 = arith.constant 0 : i32
    %scatter3A_227 = tpu.memref_slice %arg8[%scatter3A_225, %scatter3A_226] : memref<1024x5xf32, #tpu.memory_space<vmem>> -> memref<16x5xf32, #tpu.memory_space<vmem>>
    tpu.vector_store_idx %scatter3A_227[%iota3A, %broadcast_in_dim3A_6], %gather3A_187 : memref<16x5xf32, #tpu.memory_space<vmem>>[vector<16xi32>, vector<16xi32>], vector<16xf32>,
    %gather3A_228 = arith.constant 240 : i32
    %gather3A_229 = tpu.memref_slice %arg7[%gather3A_228] : memref<400xf32, #tpu.memory_space<vmem>> -> memref<80xf32, #tpu.memory_space<vmem>>
    %gather3A_230 = tpu.vector_load_idx %gather3A_229[%get3A_181] : memref<80xf32, #tpu.memory_space<vmem>>[vector<16xi32>], vector<16xf32>,
    %scatter3A_231 = arith.constant 16 : i32
    %scatter3A_232 = arith.constant 0 : i32
    %scatter3A_233 = tpu.memref_slice %arg8[%scatter3A_231, %scatter3A_232] : memref<1024x5xf32, #tpu.memory_space<vmem>> -> memref<16x5xf32, #tpu.memory_space<vmem>>
    tpu.vector_store_idx %scatter3A_233[%iota3A, %broadcast_in_dim3A_8], %gather3A_192 : memref<16x5xf32, #tpu.memory_space<vmem>>[vector<16xi32>, vector<16xi32>], vector<16xf32>,
    %gather3A_234 = arith.constant 320 : i32
    %gather3A_235 = tpu.memref_slice %arg7[%gather3A_234] : memref<400xf32, #tpu.memory_space<vmem>> -> memref<80xf32, #tpu.memory_space<vmem>>
    %gather3A_236 = tpu.vector_load_idx %gather3A_235[%get3A_181] : memref<80xf32, #tpu.memory_space<vmem>>[vector<16xi32>], vector<16xf32>,
    %scatter3A_237 = arith.constant 16 : i32
    %scatter3A_238 = arith.constant 0 : i32
    %scatter3A_239 = tpu.memref_slice %arg8[%scatter3A_237, %scatter3A_238] : memref<1024x5xf32, #tpu.memory_space<vmem>> -> memref<16x5xf32, #tpu.memory_space<vmem>>
    tpu.vector_store_idx %scatter3A_239[%iota3A, %broadcast_in_dim3A_10], %gather3A_198 : memref<16x5xf32, #tpu.memory_space<vmem>>[vector<16xi32>, vector<16xi32>], vector<16xf32>,
    %get3A_240 = arith.constant 64 : index
    %get3A_241 = tpu.vector_load %arg5[%get3A_240] {strides = array<i32>} : memref<1024xi32, #tpu.memory_space<vmem>>, vector<16xi32>,
    %gather3A_242 = arith.constant 0 : i32
    %gather3A_243 = tpu.memref_slice %arg7[%gather3A_242] : memref<400xf32, #tpu.memory_space<vmem>> -> memref<80xf32, #tpu.memory_space<vmem>>
    %gather3A_244 = tpu.vector_load_idx %gather3A_243[%get3A_209] : memref<80xf32, #tpu.memory_space<vmem>>[vector<16xi32>], vector<16xf32>,
    %scatter3A_245 = arith.constant 16 : i32
    %scatter3A_246 = arith.constant 0 : i32
    %scatter3A_247 = tpu.memref_slice %arg8[%scatter3A_245, %scatter3A_246] : memref<1024x5xf32, #tpu.memory_space<vmem>> -> memref<16x5xf32, #tpu.memory_space<vmem>>
    tpu.vector_store_idx %scatter3A_247[%iota3A, %broadcast_in_dim3A_12], %gather3A_204 : memref<16x5xf32, #tpu.memory_space<vmem>>[vector<16xi32>, vector<16xi32>], vector<16xf32>,
    %gather3A_248 = arith.constant 80 : i32
    %gather3A_249 = tpu.memref_slice %arg7[%gather3A_248] : memref<400xf32, #tpu.memory_space<vmem>> -> memref<80xf32, #tpu.memory_space<vmem>>
    %gather3A_250 = tpu.vector_load_idx %gather3A_249[%get3A_209] : memref<80xf32, #tpu.memory_space<vmem>>[vector<16xi32>], vector<16xf32>,
    %scatter3A_251 = arith.constant 32 : i32
    %scatter3A_252 = arith.constant 0 : i32
    %scatter3A_253 = tpu.memref_slice %arg8[%scatter3A_251, %scatter3A_252] : memref<1024x5xf32, #tpu.memory_space<vmem>> -> memref<16x5xf32, #tpu.memory_space<vmem>>
    tpu.vector_store_idx %scatter3A_253[%iota3A, %broadcast_in_dim3A_4], %gather3A_212 : memref<16x5xf32, #tpu.memory_space<vmem>>[vector<16xi32>, vector<16xi32>], vector<16xf32>,
    %gather3A_254 = arith.constant 160 : i32
    %gather3A_255 = tpu.memref_slice %arg7[%gather3A_254] : memref<400xf32, #tpu.memory_space<vmem>> -> memref<80xf32, #tpu.memory_space<vmem>>
    %gather3A_256 = tpu.vector_load_idx %gather3A_255[%get3A_209] : memref<80xf32, #tpu.memory_space<vmem>>[vector<16xi32>], vector<16xf32>,
    %scatter3A_257 = arith.constant 32 : i32
    %scatter3A_258 = arith.constant 0 : i32
    %scatter3A_259 = tpu.memref_slice %arg8[%scatter3A_257, %scatter3A_258] : memref<1024x5xf32, #tpu.memory_space<vmem>> -> memref<16x5xf32, #tpu.memory_space<vmem>>
    tpu.vector_store_idx %scatter3A_259[%iota3A, %broadcast_in_dim3A_6], %gather3A_218 : memref<16x5xf32, #tpu.memory_space<vmem>>[vector<16xi32>, vector<16xi32>], vector<16xf32>,
    %gather3A_260 = arith.constant 240 : i32
    %gather3A_261 = tpu.memref_slice %arg7[%gather3A_260] : memref<400xf32, #tpu.memory_space<vmem>> -> memref<80xf32, #tpu.memory_space<vmem>>
    %gather3A_262 = tpu.vector_load_idx %gather3A_261[%get3A_209] : memref<80xf32, #tpu.memory_space<vmem>>[vector<16xi32>], vector<16xf32>,
    %scatter3A_263 = arith.constant 32 : i32
    %scatter3A_264 = arith.constant 0 : i32
    %scatter3A_265 = tpu.memref_slice %arg8[%scatter3A_263, %scatter3A_264] : memref<1024x5xf32, #tpu.memory_space<vmem>> -> memref<16x5xf32, #tpu.memory_space<vmem>>
    tpu.vector_store_idx %scatter3A_265[%iota3A, %broadcast_in_dim3A_8], %gather3A_224 : memref<16x5xf32, #tpu.memory_space<vmem>>[vector<16xi32>, vector<16xi32>], vector<16xf32>,
    %gather3A_266 = arith.constant 320 : i32
    %gather3A_267 = tpu.memref_slice %arg7[%gather3A_266] : memref<400xf32, #tpu.memory_space<vmem>> -> memref<80xf32, #tpu.memory_space<vmem>>
    %gather3A_268 = tpu.vector_load_idx %gather3A_267[%get3A_209] : memref<80xf32, #tpu.memory_space<vmem>>[vector<16xi32>], vector<16xf32>,
    %scatter3A_269 = arith.constant 32 : i32
    %scatter3A_270 = arith.constant 0 : i32
    %scatter3A_271 = tpu.memref_slice %arg8[%scatter3A_269, %scatter3A_270] : memref<1024x5xf32, #tpu.memory_space<vmem>> -> memref<16x5xf32, #tpu.memory_space<vmem>>
    tpu.vector_store_idx %scatter3A_271[%iota3A, %broadcast_in_dim3A_10], %gather3A_230 : memref<16x5xf32, #tpu.memory_space<vmem>>[vector<16xi32>, vector<16xi32>], vector<16xf32>,
    %get3A_272 = arith.constant 80 : index
    %get3A_273 = tpu.vector_load %arg5[%get3A_272] {strides = array<i32>} : memref<1024xi32, #tpu.memory_space<vmem>>, vector<16xi32>,
    %gather3A_274 = arith.constant 0 : i32
    %gather3A_275 = tpu.memref_slice %arg7[%gather3A_274] : memref<400xf32, #tpu.memory_space<vmem>> -> memref<80xf32, #tpu.memory_space<vmem>>
    %gather3A_276 = tpu.vector_load_idx %gather3A_275[%get3A_241] : memref<80xf32, #tpu.memory_space<vmem>>[vector<16xi32>], vector<16xf32>,
    %scatter3A_277 = arith.constant 32 : i32
    %scatter3A_278 = arith.constant 0 : i32
    %scatter3A_279 = tpu.memref_slice %arg8[%scatter3A_277, %scatter3A_278] : memref<1024x5xf32, #tpu.memory_space<vmem>> -> memref<16x5xf32, #tpu.memory_space<vmem>>
    tpu.vector_store_idx %scatter3A_279[%iota3A, %broadcast_in_dim3A_12], %gather3A_236 : memref<16x5xf32, #tpu.memory_space<vmem>>[vector<16xi32>, vector<16xi32>], vector<16xf32>,
    %gather3A_280 = arith.constant 80 : i32
    %gather3A_281 = tpu.memref_slice %arg7[%gather3A_280] : memref<400xf32, #tpu.memory_space<vmem>> -> memref<80xf32, #tpu.memory_space<vmem>>
    %gather3A_282 = tpu.vector_load_idx %gather3A_281[%get3A_241] : memref<80xf32, #tpu.memory_space<vmem>>[vector<16xi32>], vector<16xf32>,
    %scatter3A_283 = arith.constant 48 : i32
    %scatter3A_284 = arith.constant 0 : i32
    %scatter3A_285 = tpu.memref_slice %arg8[%scatter3A_283, %scatter3A_284] : memref<1024x5xf32, #tpu.memory_space<vmem>> -> memref<16x5xf32, #tpu.memory_space<vmem>>
    tpu.vector_store_idx %scatter3A_285[%iota3A, %broadcast_in_dim3A_4], %gather3A_244 : memref<16x5xf32, #tpu.memory_space<vmem>>[vector<16xi32>, vector<16xi32>], vector<16xf32>,
    %gather3A_286 = arith.constant 160 : i32
    %gather3A_287 = tpu.memref_slice %arg7[%gather3A_286] : memref<400xf32, #tpu.memory_space<vmem>> -> memref<80xf32, #tpu.memory_space<vmem>>
    %gather3A_288 = tpu.vector_load_idx %gather3A_287[%get3A_241] : memref<80xf32, #tpu.memory_space<vmem>>[vector<16xi32>], vector<16xf32>,
    %scatter3A_289 = arith.constant 48 : i32
    %scatter3A_290 = arith.constant 0 : i32
    %scatter3A_291 = tpu.memref_slice %arg8[%scatter3A_289, %scatter3A_290] : memref<1024x5xf32, #tpu.memory_space<vmem>> -> memref<16x5xf32, #tpu.memory_space<vmem>>
    tpu.vector_store_idx %scatter3A_291[%iota3A, %broadcast_in_dim3A_6], %gather3A_250 : memref<16x5xf32, #tpu.memory_space<vmem>>[vector<16xi32>, vector<16xi32>], vector<16xf32>,
    %gather3A_292 = arith.constant 240 : i32
    %gather3A_293 = tpu.memref_slice %arg7[%gather3A_292] : memref<400xf32, #tpu.memory_space<vmem>> -> memref<80xf32, #tpu.memory_space<vmem>>
    %gather3A_294 = tpu.vector_load_idx %gather3A_293[%get3A_241] : memref<80xf32, #tpu.memory_space<vmem>>[vector<16xi32>], vector<16xf32>,
    %scatter3A_295 = arith.constant 48 : i32
    %scatter3A_296 = arith.constant 0 : i32
    %scatter3A_297 = tpu.memref_slice %arg8[%scatter3A_295, %scatter3A_296] : memref<1024x5xf32, #tpu.memory_space<vmem>> -> memref<16x5xf32, #tpu.memory_space<vmem>>
    tpu.vector_store_idx %scatter3A_297[%iota3A, %broadcast_in_dim3A_8], %gather3A_256 : memref<16x5xf32, #tpu.memory_space<vmem>>[vector<16xi32>, vector<16xi32>], vector<16xf32>,
    %gather3A_298 = arith.constant 320 : i32
    %gather3A_299 = tpu.memref_slice %arg7[%gather3A_298] : memref<400xf32, #tpu.memory_space<vmem>> -> memref<80xf32, #tpu.memory_space<vmem>>
    %gather3A_300 = tpu.vector_load_idx %gather3A_299[%get3A_241] : memref<80xf32, #tpu.memory_space<vmem>>[vector<16xi32>], vector<16xf32>,
    %scatter3A_301 = arith.constant 48 : i32
    %scatter3A_302 = arith.constant 0 : i32
    %scatter3A_303 = tpu.memref_slice %arg8[%scatter3A_301, %scatter3A_302] : memref<1024x5xf32, #tpu.memory_space<vmem>> -> memref<16x5xf32, #tpu.memory_space<vmem>>
    tpu.vector_store_idx %scatter3A_303[%iota3A, %broadcast_in_dim3A_10], %gather3A_262 : memref<16x5xf32, #tpu.memory_space<vmem>>[vector<16xi32>, vector<16xi32>], vector<16xf32>,
    %get3A_304 = arith.constant 96 : index
    %get3A_305 = tpu.vector_load %arg5[%get3A_304] {strides = array<i32>} : memref<1024xi32, #tpu.memory_space<vmem>>, vector<16xi32>,
    %gather3A_306 = arith.constant 0 : i32
    %gather3A_307 = tpu.memref_slice %arg7[%gather3A_306] : memref<400xf32, #tpu.memory_space<vmem>> -> memref<80xf32, #tpu.memory_space<vmem>>
    %gather3A_308 = tpu.vector_load_idx %gather3A_307[%get3A_273] : memref<80xf32, #tpu.memory_space<vmem>>[vector<16xi32>], vector<16xf32>,
    %scatter3A_309 = arith.constant 48 : i32
    %scatter3A_310 = arith.constant 0 : i32
    %scatter3A_311 = tpu.memref_slice %arg8[%scatter3A_309, %scatter3A_310] : memref<1024x5xf32, #tpu.memory_space<vmem>> -> memref<16x5xf32, #tpu.memory_space<vmem>>
    tpu.vector_store_idx %scatter3A_311[%iota3A, %broadcast_in_dim3A_12], %gather3A_268 : memref<16x5xf32, #tpu.memory_space<vmem>>[vector<16xi32>, vector<16xi32>], vector<16xf32>,
    %gather3A_312 = arith.constant 80 : i32
    %gather3A_313 = tpu.memref_slice %arg7[%gather3A_312] : memref<400xf32, #tpu.memory_space<vmem>> -> memref<80xf32, #tpu.memory_space<vmem>>
    %gather3A_314 = tpu.vector_load_idx %gather3A_313[%get3A_273] : memref<80xf32, #tpu.memory_space<vmem>>[vector<16xi32>], vector<16xf32>,
    %scatter3A_315 = arith.constant 64 : i32
    %scatter3A_316 = arith.constant 0 : i32
    %scatter3A_317 = tpu.memref_slice %arg8[%scatter3A_315, %scatter3A_316] : memref<1024x5xf32, #tpu.memory_space<vmem>> -> memref<16x5xf32, #tpu.memory_space<vmem>>
    tpu.vector_store_idx %scatter3A_317[%iota3A, %broadcast_in_dim3A_4], %gather3A_276 : memref<16x5xf32, #tpu.memory_space<vmem>>[vector<16xi32>, vector<16xi32>], vector<16xf32>,
    %gather3A_318 = arith.constant 160 : i32
    %gather3A_319 = tpu.memref_slice %arg7[%gather3A_318] : memref<400xf32, #tpu.memory_space<vmem>> -> memref<80xf32, #tpu.memory_space<vmem>>
    %gather3A_320 = tpu.vector_load_idx %gather3A_319[%get3A_273] : memref<80xf32, #tpu.memory_space<vmem>>[vector<16xi32>], vector<16xf32>,
    %scatter3A_321 = arith.constant 64 : i32
    %scatter3A_322 = arith.constant 0 : i32
    %scatter3A_323 = tpu.memref_slice %arg8[%scatter3A_321, %scatter3A_322] : memref<1024x5xf32, #tpu.memory_space<vmem>> -> memref<16x5xf32, #tpu.memory_space<vmem>>
    tpu.vector_store_idx %scatter3A_323[%iota3A, %broadcast_in_dim3A_6], %gather3A_282 : memref<16x5xf32, #tpu.memory_space<vmem>>[vector<16xi32>, vector<16xi32>], vector<16xf32>,
    %gather3A_324 = arith.constant 240 : i32
    %gather3A_325 = tpu.memref_slice %arg7[%gather3A_324] : memref<400xf32, #tpu.memory_space<vmem>> -> memref<80xf32, #tpu.memory_space<vmem>>
    %gather3A_326 = tpu.vector_load_idx %gather3A_325[%get3A_273] : memref<80xf32, #tpu.memory_space<vmem>>[vector<16xi32>], vector<16xf32>,
    %scatter3A_327 = arith.constant 64 : i32
    %scatter3A_328 = arith.constant 0 : i32
    %scatter3A_329 = tpu.memref_slice %arg8[%scatter3A_327, %scatter3A_328] : memref<1024x5xf32, #tpu.memory_space<vmem>> -> memref<16x5xf32, #tpu.memory_space<vmem>>
    tpu.vector_store_idx %scatter3A_329[%iota3A, %broadcast_in_dim3A_8], %gather3A_288 : memref<16x5xf32, #tpu.memory_space<vmem>>[vector<16xi32>, vector<16xi32>], vector<16xf32>,
    %gather3A_330 = arith.constant 320 : i32
    %gather3A_331 = tpu.memref_slice %arg7[%gather3A_330] : memref<400xf32, #tpu.memory_space<vmem>> -> memref<80xf32, #tpu.memory_space<vmem>>
    %gather3A_332 = tpu.vector_load_idx %gather3A_331[%get3A_273] : memref<80xf32, #tpu.memory_space<vmem>>[vector<16xi32>], vector<16xf32>,
    %scatter3A_333 = arith.constant 64 : i32
    %scatter3A_334 = arith.constant 0 : i32
    %scatter3A_335 = tpu.memref_slice %arg8[%scatter3A_333, %scatter3A_334] : memref<1024x5xf32, #tpu.memory_space<vmem>> -> memref<16x5xf32, #tpu.memory_space<vmem>>
    tpu.vector_store_idx %scatter3A_335[%iota3A, %broadcast_in_dim3A_10], %gather3A_294 : memref<16x5xf32, #tpu.memory_space<vmem>>[vector<16xi32>, vector<16xi32>], vector<16xf32>,
    %get3A_336 = arith.constant 112 : index
    %get3A_337 = tpu.vector_load %arg5[%get3A_336] {strides = array<i32>} : memref<1024xi32, #tpu.memory_space<vmem>>, vector<16xi32>,
    %gather3A_338 = arith.constant 0 : i32
    %gather3A_339 = tpu.memref_slice %arg7[%gather3A_338] : memref<400xf32, #tpu.memory_space<vmem>> -> memref<80xf32, #tpu.memory_space<vmem>>
    %gather3A_340 = tpu.vector_load_idx %gather3A_339[%get3A_305] : memref<80xf32, #tpu.memory_space<vmem>>[vector<16xi32>], vector<16xf32>,
    %scatter3A_341 = arith.constant 64 : i32
    %scatter3A_342 = arith.constant 0 : i32
    %scatter3A_343 = tpu.memref_slice %arg8[%scatter3A_341, %scatter3A_342] : memref<1024x5xf32, #tpu.memory_space<vmem>> -> memref<16x5xf32, #tpu.memory_space<vmem>>
    tpu.vector_store_idx %scatter3A_343[%iota3A, %broadcast_in_dim3A_12], %gather3A_300 : memref<16x5xf32, #tpu.memory_space<vmem>>[vector<16xi32>, vector<16xi32>], vector<16xf32>,
    %gather3A_344 = arith.constant 80 : i32
    %gather3A_345 = tpu.memref_slice %arg7[%gather3A_344] : memref<400xf32, #tpu.memory_space<vmem>> -> memref<80xf32, #tpu.memory_space<vmem>>
    %gather3A_346 = tpu.vector_load_idx %gather3A_345[%get3A_305] : memref<80xf32, #tpu.memory_space<vmem>>[vector<16xi32>], vector<16xf32>,
    %scatter3A_347 = arith.constant 80 : i32
    %scatter3A_348 = arith.constant 0 : i32
    %scatter3A_349 = tpu.memref_slice %arg8[%scatter3A_347, %scatter3A_348] : memref<1024x5xf32, #tpu.memory_space<vmem>> -> memref<16x5xf32, #tpu.memory_space<vmem>>
    tpu.vector_store_idx %scatter3A_349[%iota3A, %broadcast_in_dim3A_4], %gather3A_308 : memref<16x5xf32, #tpu.memory_space<vmem>>[vector<16xi32>, vector<16xi32>], vector<16xf32>,
    %gather3A_350 = arith.constant 160 : i32
    %gather3A_351 = tpu.memref_slice %arg7[%gather3A_350] : memref<400xf32, #tpu.memory_space<vmem>> -> memref<80xf32, #tpu.memory_space<vmem>>
    %gather3A_352 = tpu.vector_load_idx %gather3A_351[%get3A_305] : memref<80xf32, #tpu.memory_space<vmem>>[vector<16xi32>], vector<16xf32>,
    %scatter3A_353 = arith.constant 80 : i32
    %scatter3A_354 = arith.constant 0 : i32
    %scatter3A_355 = tpu.memref_slice %arg8[%scatter3A_353, %scatter3A_354] : memref<1024x5xf32, #tpu.memory_space<vmem>> -> memref<16x5xf32, #tpu.memory_space<vmem>>
    tpu.vector_store_idx %scatter3A_355[%iota3A, %broadcast_in_dim3A_6], %gather3A_314 : memref<16x5xf32, #tpu.memory_space<vmem>>[vector<16xi32>, vector<16xi32>], vector<16xf32>,
    %gather3A_356 = arith.constant 240 : i32
    %gather3A_357 = tpu.memref_slice %arg7[%gather3A_356] : memref<400xf32, #tpu.memory_space<vmem>> -> memref<80xf32, #tpu.memory_space<vmem>>
    %gather3A_358 = tpu.vector_load_idx %gather3A_357[%get3A_305] : memref<80xf32, #tpu.memory_space<vmem>>[vector<16xi32>], vector<16xf32>,
    %scatter3A_359 = arith.constant 80 : i32
    %scatter3A_360 = arith.constant 0 : i32
    %scatter3A_361 = tpu.memref_slice %arg8[%scatter3A_359, %scatter3A_360] : memref<1024x5xf32, #tpu.memory_space<vmem>> -> memref<16x5xf32, #tpu.memory_space<vmem>>
    tpu.vector_store_idx %scatter3A_361[%iota3A, %broadcast_in_dim3A_8], %gather3A_320 : memref<16x5xf32, #tpu.memory_space<vmem>>[vector<16xi32>, vector<16xi32>], vector<16xf32>,
    %gather3A_362 = arith.constant 320 : i32
    %gather3A_363 = tpu.memref_slice %arg7[%gather3A_362] : memref<400xf32, #tpu.memory_space<vmem>> -> memref<80xf32, #tpu.memory_space<vmem>>
    %gather3A_364 = tpu.vector_load_idx %gather3A_363[%get3A_305] : memref<80xf32, #tpu.memory_space<vmem>>[vector<16xi32>], vector<16xf32>,
    %scatter3A_365 = arith.constant 80 : i32
    %scatter3A_366 = arith.constant 0 : i32
    %scatter3A_367 = tpu.memref_slice %arg8[%scatter3A_365, %scatter3A_366] : memref<1024x5xf32, #tpu.memory_space<vmem>> -> memref<16x5xf32, #tpu.memory_space<vmem>>
    tpu.vector_store_idx %scatter3A_367[%iota3A, %broadcast_in_dim3A_10], %gather3A_326 : memref<16x5xf32, #tpu.memory_space<vmem>>[vector<16xi32>, vector<16xi32>], vector<16xf32>,
    %get3A_368 = arith.constant 128 : index
    %get3A_369 = tpu.vector_load %arg5[%get3A_368] {strides = array<i32>} : memref<1024xi32, #tpu.memory_space<vmem>>, vector<16xi32>,
    %gather3A_370 = arith.constant 0 : i32
    %gather3A_371 = tpu.memref_slice %arg7[%gather3A_370] : memref<400xf32, #tpu.memory_space<vmem>> -> memref<80xf32, #tpu.memory_space<vmem>>
    %gather3A_372 = tpu.vector_load_idx %gather3A_371[%get3A_337] : memref<80xf32, #tpu.memory_space<vmem>>[vector<16xi32>], vector<16xf32>,
    %scatter3A_373 = arith.constant 80 : i32
    %scatter3A_374 = arith.constant 0 : i32
    %scatter3A_375 = tpu.memref_slice %arg8[%scatter3A_373, %scatter3A_374] : memref<1024x5xf32, #tpu.memory_space<vmem>> -> memref<16x5xf32, #tpu.memory_space<vmem>>
    tpu.vector_store_idx %scatter3A_375[%iota3A, %broadcast_in_dim3A_12], %gather3A_332 : memref<16x5xf32, #tpu.memory_space<vmem>>[vector<16xi32>, vector<16xi32>], vector<16xf32>,
    %gather3A_376 = arith.constant 80 : i32
    %gather3A_377 = tpu.memref_slice %arg7[%gather3A_376] : memref<400xf32, #tpu.memory_space<vmem>> -> memref<80xf32, #tpu.memory_space<vmem>>
    %gather3A_378 = tpu.vector_load_idx %gather3A_377[%get3A_337] : memref<80xf32, #tpu.memory_space<vmem>>[vector<16xi32>], vector<16xf32>,
    %scatter3A_379 = arith.constant 96 : i32
    %scatter3A_380 = arith.constant 0 : i32
    %scatter3A_381 = tpu.memref_slice %arg8[%scatter3A_379, %scatter3A_380] : memref<1024x5xf32, #tpu.memory_space<vmem>> -> memref<16x5xf32, #tpu.memory_space<vmem>>
    tpu.vector_store_idx %scatter3A_381[%iota3A, %broadcast_in_dim3A_4], %gather3A_340 : memref<16x5xf32, #tpu.memory_space<vmem>>[vector<16xi32>, vector<16xi32>], vector<16xf32>,
    %gather3A_382 = arith.constant 160 : i32
    %gather3A_383 = tpu.memref_slice %arg7[%gather3A_382] : memref<400xf32, #tpu.memory_space<vmem>> -> memref<80xf32, #tpu.memory_space<vmem>>
    %gather3A_384 = tpu.vector_load_idx %gather3A_383[%get3A_337] : memref<80xf32, #tpu.memory_space<vmem>>[vector<16xi32>], vector<16xf32>,
    %scatter3A_385 = arith.constant 96 : i32
    %scatter3A_386 = arith.constant 0 : i32
    %scatter3A_387 = tpu.memref_slice %arg8[%scatter3A_385, %scatter3A_386] : memref<1024x5xf32, #tpu.memory_space<vmem>> -> memref<16x5xf32, #tpu.memory_space<vmem>>
    tpu.vector_store_idx %scatter3A_387[%iota3A, %broadcast_in_dim3A_6], %gather3A_346 : memref<16x5xf32, #tpu.memory_space<vmem>>[vector<16xi32>, vector<16xi32>], vector<16xf32>,
    %gather3A_388 = arith.constant 240 : i32
    %gather3A_389 = tpu.memref_slice %arg7[%gather3A_388] : memref<400xf32, #tpu.memory_space<vmem>> -> memref<80xf32, #tpu.memory_space<vmem>>
    %gather3A_390 = tpu.vector_load_idx %gather3A_389[%get3A_337] : memref<80xf32, #tpu.memory_space<vmem>>[vector<16xi32>], vector<16xf32>,
    %scatter3A_391 = arith.constant 96 : i32
    %scatter3A_392 = arith.constant 0 : i32
    %scatter3A_393 = tpu.memref_slice %arg8[%scatter3A_391, %scatter3A_392] : memref<1024x5xf32, #tpu.memory_space<vmem>> -> memref<16x5xf32, #tpu.memory_space<vmem>>
    tpu.vector_store_idx %scatter3A_393[%iota3A, %broadcast_in_dim3A_8], %gather3A_352 : memref<16x5xf32, #tpu.memory_space<vmem>>[vector<16xi32>, vector<16xi32>], vector<16xf32>,
    %gather3A_394 = arith.constant 320 : i32
    %gather3A_395 = tpu.memref_slice %arg7[%gather3A_394] : memref<400xf32, #tpu.memory_space<vmem>> -> memref<80xf32, #tpu.memory_space<vmem>>
    %gather3A_396 = tpu.vector_load_idx %gather3A_395[%get3A_337] : memref<80xf32, #tpu.memory_space<vmem>>[vector<16xi32>], vector<16xf32>,
    %scatter3A_397 = arith.constant 96 : i32
    %scatter3A_398 = arith.constant 0 : i32
    %scatter3A_399 = tpu.memref_slice %arg8[%scatter3A_397, %scatter3A_398] : memref<1024x5xf32, #tpu.memory_space<vmem>> -> memref<16x5xf32, #tpu.memory_space<vmem>>
    tpu.vector_store_idx %scatter3A_399[%iota3A, %broadcast_in_dim3A_10], %gather3A_358 : memref<16x5xf32, #tpu.memory_space<vmem>>[vector<16xi32>, vector<16xi32>], vector<16xf32>,
    %get3A_400 = arith.constant 144 : index
    %get3A_401 = tpu.vector_load %arg5[%get3A_400] {strides = array<i32>} : memref<1024xi32, #tpu.memory_space<vmem>>, vector<16xi32>,
    %gather3A_402 = arith.constant 0 : i32
    %gather3A_403 = tpu.memref_slice %arg7[%gather3A_402] : memref<400xf32, #tpu.memory_space<vmem>> -> memref<80xf32, #tpu.memory_space<vmem>>
    %gather3A_404 = tpu.vector_load_idx %gather3A_403[%get3A_369] : memref<80xf32, #tpu.memory_space<vmem>>[vector<16xi32>], vector<16xf32>,
    %scatter3A_405 = arith.constant 96 : i32
    %scatter3A_406 = arith.constant 0 : i32
    %scatter3A_407 = tpu.memref_slice %arg8[%scatter3A_405, %scatter3A_406] : memref<1024x5xf32, #tpu.memory_space<vmem>> -> memref<16x5xf32, #tpu.memory_space<vmem>>
    tpu.vector_store_idx %scatter3A_407[%iota3A, %broadcast_in_dim3A_12], %gather3A_364 : memref<16x5xf32, #tpu.memory_space<vmem>>[vector<16xi32>, vector<16xi32>], vector<16xf32>,
    %gather3A_408 = arith.constant 80 : i32
    %gather3A_409 = tpu.memref_slice %arg7[%gather3A_408] : memref<400xf32, #tpu.memory_space<vmem>> -> memref<80xf32, #tpu.memory_space<vmem>>
    %gather3A_410 = tpu.vector_load_idx %gather3A_409[%get3A_369] : memref<80xf32, #tpu.memory_space<vmem>>[vector<16xi32>], vector<16xf32>,
    %scatter3A_411 = arith.constant 112 : i32
    %scatter3A_412 = arith.constant 0 : i32
    %scatter3A_413 = tpu.memref_slice %arg8[%scatter3A_411, %scatter3A_412] : memref<1024x5xf32, #tpu.memory_space<vmem>> -> memref<16x5xf32, #tpu.memory_space<vmem>>
    tpu.vector_store_idx %scatter3A_413[%iota3A, %broadcast_in_dim3A_4], %gather3A_372 : memref<16x5xf32, #tpu.memory_space<vmem>>[vector<16xi32>, vector<16xi32>], vector<16xf32>,
    %gather3A_414 = arith.constant 160 : i32
    %gather3A_415 = tpu.memref_slice %arg7[%gather3A_414] : memref<400xf32, #tpu.memory_space<vmem>> -> memref<80xf32, #tpu.memory_space<vmem>>
    %gather3A_416 = tpu.vector_load_idx %gather3A_415[%get3A_369] : memref<80xf32, #tpu.memory_space<vmem>>[vector<16xi32>], vector<16xf32>,
    %scatter3A_417 = arith.constant 112 : i32
    %scatter3A_418 = arith.constant 0 : i32
    %scatter3A_419 = tpu.memref_slice %arg8[%scatter3A_417, %scatter3A_418] : memref<1024x5xf32, #tpu.memory_space<vmem>> -> memref<16x5xf32, #tpu.memory_space<vmem>>
    tpu.vector_store_idx %scatter3A_419[%iota3A, %broadcast_in_dim3A_6], %gather3A_378 : memref<16x5xf32, #tpu.memory_space<vmem>>[vector<16xi32>, vector<16xi32>], vector<16xf32>,
    %gather3A_420 = arith.constant 240 : i32
    %gather3A_421 = tpu.memref_slice %arg7[%gather3A_420] : memref<400xf32, #tpu.memory_space<vmem>> -> memref<80xf32, #tpu.memory_space<vmem>>
    %gather3A_422 = tpu.vector_load_idx %gather3A_421[%get3A_369] : memref<80xf32, #tpu.memory_space<vmem>>[vector<16xi32>], vector<16xf32>,
    %scatter3A_423 = arith.constant 112 : i32
    %scatter3A_424 = arith.constant 0 : i32
    %scatter3A_425 = tpu.memref_slice %arg8[%scatter3A_423, %scatter3A_424] : memref<1024x5xf32, #tpu.memory_space<vmem>> -> memref<16x5xf32, #tpu.memory_space<vmem>>
    tpu.vector_store_idx %scatter3A_425[%iota3A, %broadcast_in_dim3A_8], %gather3A_384 : memref<16x5xf32, #tpu.memory_space<vmem>>[vector<16xi32>, vector<16xi32>], vector<16xf32>,
    %gather3A_426 = arith.constant 320 : i32
    %gather3A_427 = tpu.memref_slice %arg7[%gather3A_426] : memref<400xf32, #tpu.memory_space<vmem>> -> memref<80xf32, #tpu.memory_space<vmem>>
    %gather3A_428 = tpu.vector_load_idx %gather3A_427[%get3A_369] : memref<80xf32, #tpu.memory_space<vmem>>[vector<16xi32>], vector<16xf32>,
    %scatter3A_429 = arith.constant 112 : i32
    %scatter3A_430 = arith.constant 0 : i32
    %scatter3A_431 = tpu.memref_slice %arg8[%scatter3A_429, %scatter3A_430] : memref<1024x5xf32, #tpu.memory_space<vmem>> -> memref<16x5xf32, #tpu.memory_space<vmem>>
    tpu.vector_store_idx %scatter3A_431[%iota3A, %broadcast_in_dim3A_10], %gather3A_390 : memref<16x5xf32, #tpu.memory_space<vmem>>[vector<16xi32>, vector<16xi32>], vector<16xf32>,
    %get3A_432 = arith.constant 160 : index
    %get3A_433 = tpu.vector_load %arg5[%get3A_432] {strides = array<i32>} : memref<1024xi32, #tpu.memory_space<vmem>>, vector<16xi32>,
    %gather3A_434 = arith.constant 0 : i32
    %gather3A_435 = tpu.memref_slice %arg7[%gather3A_434] : memref<400xf32, #tpu.memory_space<vmem>> -> memref<80xf32, #tpu.memory_space<vmem>>
    %gather3A_436 = tpu.vector_load_idx %gather3A_435[%get3A_401] : memref<80xf32, #tpu.memory_space<vmem>>[vector<16xi32>], vector<16xf32>,
    %scatter3A_437 = arith.constant 112 : i32
    %scatter3A_438 = arith.constant 0 : i32
    %scatter3A_439 = tpu.memref_slice %arg8[%scatter3A_437, %scatter3A_438] : memref<1024x5xf32, #tpu.memory_space<vmem>> -> memref<16x5xf32, #tpu.memory_space<vmem>>
    tpu.vector_store_idx %scatter3A_439[%iota3A, %broadcast_in_dim3A_12], %gather3A_396 : memref<16x5xf32, #tpu.memory_space<vmem>>[vector<16xi32>, vector<16xi32>], vector<16xf32>,
    %gather3A_440 = arith.constant 80 : i32
    %gather3A_441 = tpu.memref_slice %arg7[%gather3A_440] : memref<400xf32, #tpu.memory_space<vmem>> -> memref<80xf32, #tpu.memory_space<vmem>>
    %gather3A_442 = tpu.vector_load_idx %gather3A_441[%get3A_401] : memref<80xf32, #tpu.memory_space<vmem>>[vector<16xi32>], vector<16xf32>,
    %scatter3A_443 = arith.constant 128 : i32
    %scatter3A_444 = arith.constant 0 : i32
    %scatter3A_445 = tpu.memref_slice %arg8[%scatter3A_443, %scatter3A_444] : memref<1024x5xf32, #tpu.memory_space<vmem>> -> memref<16x5xf32, #tpu.memory_space<vmem>>
    tpu.vector_store_idx %scatter3A_445[%iota3A, %broadcast_in_dim3A_4], %gather3A_404 : memref<16x5xf32, #tpu.memory_space<vmem>>[vector<16xi32>, vector<16xi32>], vector<16xf32>,
    %gather3A_446 = arith.constant 160 : i32
    %gather3A_447 = tpu.memref_slice %arg7[%gather3A_446] : memref<400xf32, #tpu.memory_space<vmem>> -> memref<80xf32, #tpu.memory_space<vmem>>
    %gather3A_448 = tpu.vector_load_idx %gather3A_447[%get3A_401] : memref<80xf32, #tpu.memory_space<vmem>>[vector<16xi32>], vector<16xf32>,
    %scatter3A_449 = arith.constant 128 : i32
    %scatter3A_450 = arith.constant 0 : i32
    %scatter3A_451 = tpu.memref_slice %arg8[%scatter3A_449, %scatter3A_450] : memref<1024x5xf32, #tpu.memory_space<vmem>> -> memref<16x5xf32, #tpu.memory_space<vmem>>
    tpu.vector_store_idx %scatter3A_451[%iota3A, %broadcast_in_dim3A_6], %gather3A_410 : memref<16x5xf32, #tpu.memory_space<vmem>>[vector<16xi32>, vector<16xi32>], vector<16xf32>,
    %gather3A_452 = arith.constant 240 : i32
    %gather3A_453 = tpu.memref_slice %arg7[%gather3A_452] : memref<400xf32, #tpu.memory_space<vmem>> -> memref<80xf32, #tpu.memory_space<vmem>>
    %gather3A_454 = tpu.vector_load_idx %gather3A_453[%get3A_401] : memref<80xf32, #tpu.memory_space<vmem>>[vector<16xi32>], vector<16xf32>,
    %scatter3A_455 = arith.constant 128 : i32
    %scatter3A_456 = arith.constant 0 : i32
    %scatter3A_457 = tpu.memref_slice %arg8[%scatter3A_455, %scatter3A_456] : memref<1024x5xf32, #tpu.memory_space<vmem>> -> memref<16x5xf32, #tpu.memory_space<vmem>>
    tpu.vector_store_idx %scatter3A_457[%iota3A, %broadcast_in_dim3A_8], %gather3A_416 : memref<16x5xf32, #tpu.memory_space<vmem>>[vector<16xi32>, vector<16xi32>], vector<16xf32>,
    %gather3A_458 = arith.constant 320 : i32
    %gather3A_459 = tpu.memref_slice %arg7[%gather3A_458] : memref<400xf32, #tpu.memory_space<vmem>> -> memref<80xf32, #tpu.memory_space<vmem>>
    %gather3A_460 = tpu.vector_load_idx %gather3A_459[%get3A_401] : memref<80xf32, #tpu.memory_space<vmem>>[vector<16xi32>], vector<16xf32>,
    %scatter3A_461 = arith.constant 128 : i32
    %scatter3A_462 = arith.constant 0 : i32
    %scatter3A_463 = tpu.memref_slice %arg8[%scatter3A_461, %scatter3A_462] : memref<1024x5xf32, #tpu.memory_space<vmem>> -> memref<16x5xf32, #tpu.memory_space<vmem>>
    tpu.vector_store_idx %scatter3A_463[%iota3A, %broadcast_in_dim3A_10], %gather3A_422 : memref<16x5xf32, #tpu.memory_space<vmem>>[vector<16xi32>, vector<16xi32>], vector<16xf32>,
    %get3A_464 = arith.constant 176 : index
    %get3A_465 = tpu.vector_load %arg5[%get3A_464] {strides = array<i32>} : memref<1024xi32, #tpu.memory_space<vmem>>, vector<16xi32>,
    %gather3A_466 = arith.constant 0 : i32
    %gather3A_467 = tpu.memref_slice %arg7[%gather3A_466] : memref<400xf32, #tpu.memory_space<vmem>> -> memref<80xf32, #tpu.memory_space<vmem>>
    %gather3A_468 = tpu.vector_load_idx %gather3A_467[%get3A_433] : memref<80xf32, #tpu.memory_space<vmem>>[vector<16xi32>], vector<16xf32>,
    %scatter3A_469 = arith.constant 128 : i32
    %scatter3A_470 = arith.constant 0 : i32
    %scatter3A_471 = tpu.memref_slice %arg8[%scatter3A_469, %scatter3A_470] : memref<1024x5xf32, #tpu.memory_space<vmem>> -> memref<16x5xf32, #tpu.memory_space<vmem>>
    tpu.vector_store_idx %scatter3A_471[%iota3A, %broadcast_in_dim3A_12], %gather3A_428 : memref<16x5xf32, #tpu.memory_space<vmem>>[vector<16xi32>, vector<16xi32>], vector<16xf32>,
    %gather3A_472 = arith.constant 80 : i32
    %gather3A_473 = tpu.memref_slice %arg7[%gather3A_472] : memref<400xf32, #tpu.memory_space<vmem>> -> memref<80xf32, #tpu.memory_space<vmem>>
    %gather3A_474 = tpu.vector_load_idx %gather3A_473[%get3A_433] : memref<80xf32, #tpu.memory_space<vmem>>[vector<16xi32>], vector<16xf32>,
    %scatter3A_475 = arith.constant 144 : i32
    %scatter3A_476 = arith.constant 0 : i32
    %scatter3A_477 = tpu.memref_slice %arg8[%scatter3A_475, %scatter3A_476] : memref<1024x5xf32, #tpu.memory_space<vmem>> -> memref<16x5xf32, #tpu.memory_space<vmem>>
    tpu.vector_store_idx %scatter3A_477[%iota3A, %broadcast_in_dim3A_4], %gather3A_436 : memref<16x5xf32, #tpu.memory_space<vmem>>[vector<16xi32>, vector<16xi32>], vector<16xf32>,
    %gather3A_478 = arith.constant 160 : i32
    %gather3A_479 = tpu.memref_slice %arg7[%gather3A_478] : memref<400xf32, #tpu.memory_space<vmem>> -> memref<80xf32, #tpu.memory_space<vmem>>
    %gather3A_480 = tpu.vector_load_idx %gather3A_479[%get3A_433] : memref<80xf32, #tpu.memory_space<vmem>>[vector<16xi32>], vector<16xf32>,
    %scatter3A_481 = arith.constant 144 : i32
    %scatter3A_482 = arith.constant 0 : i32
    %scatter3A_483 = tpu.memref_slice %arg8[%scatter3A_481, %scatter3A_482] : memref<1024x5xf32, #tpu.memory_space<vmem>> -> memref<16x5xf32, #tpu.memory_space<vmem>>
    tpu.vector_store_idx %scatter3A_483[%iota3A, %broadcast_in_dim3A_6], %gather3A_442 : memref<16x5xf32, #tpu.memory_space<vmem>>[vector<16xi32>, vector<16xi32>], vector<16xf32>,
    %gather3A_484 = arith.constant 240 : i32
    %gather3A_485 = tpu.memref_slice %arg7[%gather3A_484] : memref<400xf32, #tpu.memory_space<vmem>> -> memref<80xf32, #tpu.memory_space<vmem>>
    %gather3A_486 = tpu.vector_load_idx %gather3A_485[%get3A_433] : memref<80xf32, #tpu.memory_space<vmem>>[vector<16xi32>], vector<16xf32>,
    %scatter3A_487 = arith.constant 144 : i32
    %scatter3A_488 = arith.constant 0 : i32
    %scatter3A_489 = tpu.memref_slice %arg8[%scatter3A_487, %scatter3A_488] : memref<1024x5xf32, #tpu.memory_space<vmem>> -> memref<16x5xf32, #tpu.memory_space<vmem>>
    tpu.vector_store_idx %scatter3A_489[%iota3A, %broadcast_in_dim3A_8], %gather3A_448 : memref<16x5xf32, #tpu.memory_space<vmem>>[vector<16xi32>, vector<16xi32>], vector<16xf32>,
    %gather3A_490 = arith.constant 320 : i32
    %gather3A_491 = tpu.memref_slice %arg7[%gather3A_490] : memref<400xf32, #tpu.memory_space<vmem>> -> memref<80xf32, #tpu.memory_space<vmem>>
    %gather3A_492 = tpu.vector_load_idx %gather3A_491[%get3A_433] : memref<80xf32, #tpu.memory_space<vmem>>[vector<16xi32>], vector<16xf32>,
    %scatter3A_493 = arith.constant 144 : i32
    %scatter3A_494 = arith.constant 0 : i32
    %scatter3A_495 = tpu.memref_slice %arg8[%scatter3A_493, %scatter3A_494] : memref<1024x5xf32, #tpu.memory_space<vmem>> -> memref<16x5xf32, #tpu.memory_space<vmem>>
    tpu.vector_store_idx %scatter3A_495[%iota3A, %broadcast_in_dim3A_10], %gather3A_454 : memref<16x5xf32, #tpu.memory_space<vmem>>[vector<16xi32>, vector<16xi32>], vector<16xf32>,
    %get3A_496 = arith.constant 192 : index
    %get3A_497 = tpu.vector_load %arg5[%get3A_496] {strides = array<i32>} : memref<1024xi32, #tpu.memory_space<vmem>>, vector<16xi32>,
    %gather3A_498 = arith.constant 0 : i32
    %gather3A_499 = tpu.memref_slice %arg7[%gather3A_498] : memref<400xf32, #tpu.memory_space<vmem>> -> memref<80xf32, #tpu.memory_space<vmem>>
    %gather3A_500 = tpu.vector_load_idx %gather3A_499[%get3A_465] : memref<80xf32, #tpu.memory_space<vmem>>[vector<16xi32>], vector<16xf32>,
    %scatter3A_501 = arith.constant 144 : i32
    %scatter3A_502 = arith.constant 0 : i32
    %scatter3A_503 = tpu.memref_slice %arg8[%scatter3A_501, %scatter3A_502] : memref<1024x5xf32, #tpu.memory_space<vmem>> -> memref<16x5xf32, #tpu.memory_space<vmem>>
    tpu.vector_store_idx %scatter3A_503[%iota3A, %broadcast_in_dim3A_12], %gather3A_460 : memref<16x5xf32, #tpu.memory_space<vmem>>[vector<16xi32>, vector<16xi32>], vector<16xf32>,
    %gather3A_504 = arith.constant 80 : i32
    %gather3A_505 = tpu.memref_slice %arg7[%gather3A_504] : memref<400xf32, #tpu.memory_space<vmem>> -> memref<80xf32, #tpu.memory_space<vmem>>
    %gather3A_506 = tpu.vector_load_idx %gather3A_505[%get3A_465] : memref<80xf32, #tpu.memory_space<vmem>>[vector<16xi32>], vector<16xf32>,
    %scatter3A_507 = arith.constant 160 : i32
    %scatter3A_508 = arith.constant 0 : i32
    %scatter3A_509 = tpu.memref_slice %arg8[%scatter3A_507, %scatter3A_508] : memref<1024x5xf32, #tpu.memory_space<vmem>> -> memref<16x5xf32, #tpu.memory_space<vmem>>
    tpu.vector_store_idx %scatter3A_509[%iota3A, %broadcast_in_dim3A_4], %gather3A_468 : memref<16x5xf32, #tpu.memory_space<vmem>>[vector<16xi32>, vector<16xi32>], vector<16xf32>,
    %gather3A_510 = arith.constant 160 : i32
    %gather3A_511 = tpu.memref_slice %arg7[%gather3A_510] : memref<400xf32, #tpu.memory_space<vmem>> -> memref<80xf32, #tpu.memory_space<vmem>>
    %gather3A_512 = tpu.vector_load_idx %gather3A_511[%get3A_465] : memref<80xf32, #tpu.memory_space<vmem>>[vector<16xi32>], vector<16xf32>,
    %scatter3A_513 = arith.constant 160 : i32
    %scatter3A_514 = arith.constant 0 : i32
    %scatter3A_515 = tpu.memref_slice %arg8[%scatter3A_513, %scatter3A_514] : memref<1024x5xf32, #tpu.memory_space<vmem>> -> memref<16x5xf32, #tpu.memory_space<vmem>>
    tpu.vector_store_idx %scatter3A_515[%iota3A, %broadcast_in_dim3A_6], %gather3A_474 : memref<16x5xf32, #tpu.memory_space<vmem>>[vector<16xi32>, vector<16xi32>], vector<16xf32>,
    %gather3A_516 = arith.constant 240 : i32
    %gather3A_517 = tpu.memref_slice %arg7[%gather3A_516] : memref<400xf32, #tpu.memory_space<vmem>> -> memref<80xf32, #tpu.memory_space<vmem>>
    %gather3A_518 = tpu.vector_load_idx %gather3A_517[%get3A_465] : memref<80xf32, #tpu.memory_space<vmem>>[vector<16xi32>], vector<16xf32>,
    %scatter3A_519 = arith.constant 160 : i32
    %scatter3A_520 = arith.constant 0 : i32
    %scatter3A_521 = tpu.memref_slice %arg8[%scatter3A_519, %scatter3A_520] : memref<1024x5xf32, #tpu.memory_space<vmem>> -> memref<16x5xf32, #tpu.memory_space<vmem>>
    tpu.vector_store_idx %scatter3A_521[%iota3A, %broadcast_in_dim3A_8], %gather3A_480 : memref<16x5xf32, #tpu.memory_space<vmem>>[vector<16xi32>, vector<16xi32>], vector<16xf32>,
    %gather3A_522 = arith.constant 320 : i32
    %gather3A_523 = tpu.memref_slice %arg7[%gather3A_522] : memref<400xf32, #tpu.memory_space<vmem>> -> memref<80xf32, #tpu.memory_space<vmem>>
    %gather3A_524 = tpu.vector_load_idx %gather3A_523[%get3A_465] : memref<80xf32, #tpu.memory_space<vmem>>[vector<16xi32>], vector<16xf32>,
    %scatter3A_525 = arith.constant 160 : i32
    %scatter3A_526 = arith.constant 0 : i32
    %scatter3A_527 = tpu.memref_slice %arg8[%scatter3A_525, %scatter3A_526] : memref<1024x5xf32, #tpu.memory_space<vmem>> -> memref<16x5xf32, #tpu.memory_space<vmem>>
    tpu.vector_store_idx %scatter3A_527[%iota3A, %broadcast_in_dim3A_10], %gather3A_486 : memref<16x5xf32, #tpu.memory_space<vmem>>[vector<16xi32>, vector<16xi32>], vector<16xf32>,
    %get3A_528 = arith.constant 208 : index
    %get3A_529 = tpu.vector_load %arg5[%get3A_528] {strides = array<i32>} : memref<1024xi32, #tpu.memory_space<vmem>>, vector<16xi32>,
    %gather3A_530 = arith.constant 0 : i32
    %gather3A_531 = tpu.memref_slice %arg7[%gather3A_530] : memref<400xf32, #tpu.memory_space<vmem>> -> memref<80xf32, #tpu.memory_space<vmem>>
    %gather3A_532 = tpu.vector_load_idx %gather3A_531[%get3A_497] : memref<80xf32, #tpu.memory_space<vmem>>[vector<16xi32>], vector<16xf32>,
    %scatter3A_533 = arith.constant 160 : i32
    %scatter3A_534 = arith.constant 0 : i32
    %scatter3A_535 = tpu.memref_slice %arg8[%scatter3A_533, %scatter3A_534] : memref<1024x5xf32, #tpu.memory_space<vmem>> -> memref<16x5xf32, #tpu.memory_space<vmem>>
    tpu.vector_store_idx %scatter3A_535[%iota3A, %broadcast_in_dim3A_12], %gather3A_492 : memref<16x5xf32, #tpu.memory_space<vmem>>[vector<16xi32>, vector<16xi32>], vector<16xf32>,
    %gather3A_536 = arith.constant 80 : i32
    %gather3A_537 = tpu.memref_slice %arg7[%gather3A_536] : memref<400xf32, #tpu.memory_space<vmem>> -> memref<80xf32, #tpu.memory_space<vmem>>
    %gather3A_538 = tpu.vector_load_idx %gather3A_537[%get3A_497] : memref<80xf32, #tpu.memory_space<vmem>>[vector<16xi32>], vector<16xf32>,
    %scatter3A_539 = arith.constant 176 : i32
    %scatter3A_540 = arith.constant 0 : i32
    %scatter3A_541 = tpu.memref_slice %arg8[%scatter3A_539, %scatter3A_540] : memref<1024x5xf32, #tpu.memory_space<vmem>> -> memref<16x5xf32, #tpu.memory_space<vmem>>
    tpu.vector_store_idx %scatter3A_541[%iota3A, %broadcast_in_dim3A_4], %gather3A_500 : memref<16x5xf32, #tpu.memory_space<vmem>>[vector<16xi32>, vector<16xi32>], vector<16xf32>,
    %gather3A_542 = arith.constant 160 : i32
    %gather3A_543 = tpu.memref_slice %arg7[%gather3A_542] : memref<400xf32, #tpu.memory_space<vmem>> -> memref<80xf32, #tpu.memory_space<vmem>>
    %gather3A_544 = tpu.vector_load_idx %gather3A_543[%get3A_497] : memref<80xf32, #tpu.memory_space<vmem>>[vector<16xi32>], vector<16xf32>,
    %scatter3A_545 = arith.constant 176 : i32
    %scatter3A_546 = arith.constant 0 : i32
    %scatter3A_547 = tpu.memref_slice %arg8[%scatter3A_545, %scatter3A_546] : memref<1024x5xf32, #tpu.memory_space<vmem>> -> memref<16x5xf32, #tpu.memory_space<vmem>>
    tpu.vector_store_idx %scatter3A_547[%iota3A, %broadcast_in_dim3A_6], %gather3A_506 : memref<16x5xf32, #tpu.memory_space<vmem>>[vector<16xi32>, vector<16xi32>], vector<16xf32>,
    %gather3A_548 = arith.constant 240 : i32
    %gather3A_549 = tpu.memref_slice %arg7[%gather3A_548] : memref<400xf32, #tpu.memory_space<vmem>> -> memref<80xf32, #tpu.memory_space<vmem>>
    %gather3A_550 = tpu.vector_load_idx %gather3A_549[%get3A_497] : memref<80xf32, #tpu.memory_space<vmem>>[vector<16xi32>], vector<16xf32>,
    %scatter3A_551 = arith.constant 176 : i32
    %scatter3A_552 = arith.constant 0 : i32
    %scatter3A_553 = tpu.memref_slice %arg8[%scatter3A_551, %scatter3A_552] : memref<1024x5xf32, #tpu.memory_space<vmem>> -> memref<16x5xf32, #tpu.memory_space<vmem>>
    tpu.vector_store_idx %scatter3A_553[%iota3A, %broadcast_in_dim3A_8], %gather3A_512 : memref<16x5xf32, #tpu.memory_space<vmem>>[vector<16xi32>, vector<16xi32>], vector<16xf32>,
    %gather3A_554 = arith.constant 320 : i32
    %gather3A_555 = tpu.memref_slice %arg7[%gather3A_554] : memref<400xf32, #tpu.memory_space<vmem>> -> memref<80xf32, #tpu.memory_space<vmem>>
    %gather3A_556 = tpu.vector_load_idx %gather3A_555[%get3A_497] : memref<80xf32, #tpu.memory_space<vmem>>[vector<16xi32>], vector<16xf32>,
    %scatter3A_557 = arith.constant 176 : i32
    %scatter3A_558 = arith.constant 0 : i32
    %scatter3A_559 = tpu.memref_slice %arg8[%scatter3A_557, %scatter3A_558] : memref<1024x5xf32, #tpu.memory_space<vmem>> -> memref<16x5xf32, #tpu.memory_space<vmem>>
    tpu.vector_store_idx %scatter3A_559[%iota3A, %broadcast_in_dim3A_10], %gather3A_518 : memref<16x5xf32, #tpu.memory_space<vmem>>[vector<16xi32>, vector<16xi32>], vector<16xf32>,
    %get3A_560 = arith.constant 224 : index
    %get3A_561 = tpu.vector_load %arg5[%get3A_560] {strides = array<i32>} : memref<1024xi32, #tpu.memory_space<vmem>>, vector<16xi32>,
    %gather3A_562 = arith.constant 0 : i32
    %gather3A_563 = tpu.memref_slice %arg7[%gather3A_562] : memref<400xf32, #tpu.memory_space<vmem>> -> memref<80xf32, #tpu.memory_space<vmem>>
    %gather3A_564 = tpu.vector_load_idx %gather3A_563[%get3A_529] : memref<80xf32, #tpu.memory_space<vmem>>[vector<16xi32>], vector<16xf32>,
    %scatter3A_565 = arith.constant 176 : i32
    %scatter3A_566 = arith.constant 0 : i32
    %scatter3A_567 = tpu.memref_slice %arg8[%scatter3A_565, %scatter3A_566] : memref<1024x5xf32, #tpu.memory_space<vmem>> -> memref<16x5xf32, #tpu.memory_space<vmem>>
    tpu.vector_store_idx %scatter3A_567[%iota3A, %broadcast_in_dim3A_12], %gather3A_524 : memref<16x5xf32, #tpu.memory_space<vmem>>[vector<16xi32>, vector<16xi32>], vector<16xf32>,
    %gather3A_568 = arith.constant 80 : i32
    %gather3A_569 = tpu.memref_slice %arg7[%gather3A_568] : memref<400xf32, #tpu.memory_space<vmem>> -> memref<80xf32, #tpu.memory_space<vmem>>
    %gather3A_570 = tpu.vector_load_idx %gather3A_569[%get3A_529] : memref<80xf32, #tpu.memory_space<vmem>>[vector<16xi32>], vector<16xf32>,
    %scatter3A_571 = arith.constant 192 : i32
    %scatter3A_572 = arith.constant 0 : i32
    %scatter3A_573 = tpu.memref_slice %arg8[%scatter3A_571, %scatter3A_572] : memref<1024x5xf32, #tpu.memory_space<vmem>> -> memref<16x5xf32, #tpu.memory_space<vmem>>
    tpu.vector_store_idx %scatter3A_573[%iota3A, %broadcast_in_dim3A_4], %gather3A_532 : memref<16x5xf32, #tpu.memory_space<vmem>>[vector<16xi32>, vector<16xi32>], vector<16xf32>,
    %gather3A_574 = arith.constant 160 : i32
    %gather3A_575 = tpu.memref_slice %arg7[%gather3A_574] : memref<400xf32, #tpu.memory_space<vmem>> -> memref<80xf32, #tpu.memory_space<vmem>>
    %gather3A_576 = tpu.vector_load_idx %gather3A_575[%get3A_529] : memref<80xf32, #tpu.memory_space<vmem>>[vector<16xi32>], vector<16xf32>,
    %scatter3A_577 = arith.constant 192 : i32
    %scatter3A_578 = arith.constant 0 : i32
    %scatter3A_579 = tpu.memref_slice %arg8[%scatter3A_577, %scatter3A_578] : memref<1024x5xf32, #tpu.memory_space<vmem>> -> memref<16x5xf32, #tpu.memory_space<vmem>>
    tpu.vector_store_idx %scatter3A_579[%iota3A, %broadcast_in_dim3A_6], %gather3A_538 : memref<16x5xf32, #tpu.memory_space<vmem>>[vector<16xi32>, vector<16xi32>], vector<16xf32>,
    %gather3A_580 = arith.constant 240 : i32
    %gather3A_581 = tpu.memref_slice %arg7[%gather3A_580] : memref<400xf32, #tpu.memory_space<vmem>> -> memref<80xf32, #tpu.memory_space<vmem>>
    %gather3A_582 = tpu.vector_load_idx %gather3A_581[%get3A_529] : memref<80xf32, #tpu.memory_space<vmem>>[vector<16xi32>], vector<16xf32>,
    %scatter3A_583 = arith.constant 192 : i32
    %scatter3A_584 = arith.constant 0 : i32
    %scatter3A_585 = tpu.memref_slice %arg8[%scatter3A_583, %scatter3A_584] : memref<1024x5xf32, #tpu.memory_space<vmem>> -> memref<16x5xf32, #tpu.memory_space<vmem>>
    tpu.vector_store_idx %scatter3A_585[%iota3A, %broadcast_in_dim3A_8], %gather3A_544 : memref<16x5xf32, #tpu.memory_space<vmem>>[vector<16xi32>, vector<16xi32>], vector<16xf32>,
    %gather3A_586 = arith.constant 320 : i32
    %gather3A_587 = tpu.memref_slice %arg7[%gather3A_586] : memref<400xf32, #tpu.memory_space<vmem>> -> memref<80xf32, #tpu.memory_space<vmem>>
    %gather3A_588 = tpu.vector_load_idx %gather3A_587[%get3A_529] : memref<80xf32, #tpu.memory_space<vmem>>[vector<16xi32>], vector<16xf32>,
    %scatter3A_589 = arith.constant 192 : i32
    %scatter3A_590 = arith.constant 0 : i32
    %scatter3A_591 = tpu.memref_slice %arg8[%scatter3A_589, %scatter3A_590] : memref<1024x5xf32, #tpu.memory_space<vmem>> -> memref<16x5xf32, #tpu.memory_space<vmem>>
    tpu.vector_store_idx %scatter3A_591[%iota3A, %broadcast_in_dim3A_10], %gather3A_550 : memref<16x5xf32, #tpu.memory_space<vmem>>[vector<16xi32>, vector<16xi32>], vector<16xf32>,
    %get3A_592 = arith.constant 240 : index
    %get3A_593 = tpu.vector_load %arg5[%get3A_592] {strides = array<i32>} : memref<1024xi32, #tpu.memory_space<vmem>>, vector<16xi32>,
    %gather3A_594 = arith.constant 0 : i32
    %gather3A_595 = tpu.memref_slice %arg7[%gather3A_594] : memref<400xf32, #tpu.memory_space<vmem>> -> memref<80xf32, #tpu.memory_space<vmem>>
    %gather3A_596 = tpu.vector_load_idx %gather3A_595[%get3A_561] : memref<80xf32, #tpu.memory_space<vmem>>[vector<16xi32>], vector<16xf32>,
    %scatter3A_597 = arith.constant 192 : i32
    %scatter3A_598 = arith.constant 0 : i32
    %scatter3A_599 = tpu.memref_slice %arg8[%scatter3A_597, %scatter3A_598] : memref<1024x5xf32, #tpu.memory_space<vmem>> -> memref<16x5xf32, #tpu.memory_space<vmem>>
    tpu.vector_store_idx %scatter3A_599[%iota3A, %broadcast_in_dim3A_12], %gather3A_556 : memref<16x5xf32, #tpu.memory_space<vmem>>[vector<16xi32>, vector<16xi32>], vector<16xf32>,
    %gather3A_600 = arith.constant 80 : i32
    %gather3A_601 = tpu.memref_slice %arg7[%gather3A_600] : memref<400xf32, #tpu.memory_space<vmem>> -> memref<80xf32, #tpu.memory_space<vmem>>
    %gather3A_602 = tpu.vector_load_idx %gather3A_601[%get3A_561] : memref<80xf32, #tpu.memory_space<vmem>>[vector<16xi32>], vector<16xf32>,
    %scatter3A_603 = arith.constant 208 : i32
    %scatter3A_604 = arith.constant 0 : i32
    %scatter3A_605 = tpu.memref_slice %arg8[%scatter3A_603, %scatter3A_604] : memref<1024x5xf32, #tpu.memory_space<vmem>> -> memref<16x5xf32, #tpu.memory_space<vmem>>
    tpu.vector_store_idx %scatter3A_605[%iota3A, %broadcast_in_dim3A_4], %gather3A_564 : memref<16x5xf32, #tpu.memory_space<vmem>>[vector<16xi32>, vector<16xi32>], vector<16xf32>,
    %gather3A_606 = arith.constant 160 : i32
    %gather3A_607 = tpu.memref_slice %arg7[%gather3A_606] : memref<400xf32, #tpu.memory_space<vmem>> -> memref<80xf32, #tpu.memory_space<vmem>>
    %gather3A_608 = tpu.vector_load_idx %gather3A_607[%get3A_561] : memref<80xf32, #tpu.memory_space<vmem>>[vector<16xi32>], vector<16xf32>,
    %scatter3A_609 = arith.constant 208 : i32
    %scatter3A_610 = arith.constant 0 : i32
    %scatter3A_611 = tpu.memref_slice %arg8[%scatter3A_609, %scatter3A_610] : memref<1024x5xf32, #tpu.memory_space<vmem>> -> memref<16x5xf32, #tpu.memory_space<vmem>>
    tpu.vector_store_idx %scatter3A_611[%iota3A, %broadcast_in_dim3A_6], %gather3A_570 : memref<16x5xf32, #tpu.memory_space<vmem>>[vector<16xi32>, vector<16xi32>], vector<16xf32>,
    %gather3A_612 = arith.constant 240 : i32
    %gather3A_613 = tpu.memref_slice %arg7[%gather3A_612] : memref<400xf32, #tpu.memory_space<vmem>> -> memref<80xf32, #tpu.memory_space<vmem>>
    %gather3A_614 = tpu.vector_load_idx %gather3A_613[%get3A_561] : memref<80xf32, #tpu.memory_space<vmem>>[vector<16xi32>], vector<16xf32>,
    %scatter3A_615 = arith.constant 208 : i32
    %scatter3A_616 = arith.constant 0 : i32
    %scatter3A_617 = tpu.memref_slice %arg8[%scatter3A_615, %scatter3A_616] : memref<1024x5xf32, #tpu.memory_space<vmem>> -> memref<16x5xf32, #tpu.memory_space<vmem>>
    tpu.vector_store_idx %scatter3A_617[%iota3A, %broadcast_in_dim3A_8], %gather3A_576 : memref<16x5xf32, #tpu.memory_space<vmem>>[vector<16xi32>, vector<16xi32>], vector<16xf32>,
    %gather3A_618 = arith.constant 320 : i32
    %gather3A_619 = tpu.memref_slice %arg7[%gather3A_618] : memref<400xf32, #tpu.memory_space<vmem>> -> memref<80xf32, #tpu.memory_space<vmem>>
    %gather3A_620 = tpu.vector_load_idx %gather3A_619[%get3A_561] : memref<80xf32, #tpu.memory_space<vmem>>[vector<16xi32>], vector<16xf32>,
    %scatter3A_621 = arith.constant 208 : i32
    %scatter3A_622 = arith.constant 0 : i32
    %scatter3A_623 = tpu.memref_slice %arg8[%scatter3A_621, %scatter3A_622] : memref<1024x5xf32, #tpu.memory_space<vmem>> -> memref<16x5xf32, #tpu.memory_space<vmem>>
    tpu.vector_store_idx %scatter3A_623[%iota3A, %broadcast_in_dim3A_10], %gather3A_582 : memref<16x5xf32, #tpu.memory_space<vmem>>[vector<16xi32>, vector<16xi32>], vector<16xf32>,
    %get3A_624 = arith.constant 256 : index
    %get3A_625 = tpu.vector_load %arg5[%get3A_624] {strides = array<i32>} : memref<1024xi32, #tpu.memory_space<vmem>>, vector<16xi32>,
    %gather3A_626 = arith.constant 0 : i32
    %gather3A_627 = tpu.memref_slice %arg7[%gather3A_626] : memref<400xf32, #tpu.memory_space<vmem>> -> memref<80xf32, #tpu.memory_space<vmem>>
    %gather3A_628 = tpu.vector_load_idx %gather3A_627[%get3A_593] : memref<80xf32, #tpu.memory_space<vmem>>[vector<16xi32>], vector<16xf32>,
    %scatter3A_629 = arith.constant 208 : i32
    %scatter3A_630 = arith.constant 0 : i32
    %scatter3A_631 = tpu.memref_slice %arg8[%scatter3A_629, %scatter3A_630] : memref<1024x5xf32, #tpu.memory_space<vmem>> -> memref<16x5xf32, #tpu.memory_space<vmem>>
    tpu.vector_store_idx %scatter3A_631[%iota3A, %broadcast_in_dim3A_12], %gather3A_588 : memref<16x5xf32, #tpu.memory_space<vmem>>[vector<16xi32>, vector<16xi32>], vector<16xf32>,
    %gather3A_632 = arith.constant 80 : i32
    %gather3A_633 = tpu.memref_slice %arg7[%gather3A_632] : memref<400xf32, #tpu.memory_space<vmem>> -> memref<80xf32, #tpu.memory_space<vmem>>
    %gather3A_634 = tpu.vector_load_idx %gather3A_633[%get3A_593] : memref<80xf32, #tpu.memory_space<vmem>>[vector<16xi32>], vector<16xf32>,
    %scatter3A_635 = arith.constant 224 : i32
    %scatter3A_636 = arith.constant 0 : i32
    %scatter3A_637 = tpu.memref_slice %arg8[%scatter3A_635, %scatter3A_636] : memref<1024x5xf32, #tpu.memory_space<vmem>> -> memref<16x5xf32, #tpu.memory_space<vmem>>
    tpu.vector_store_idx %scatter3A_637[%iota3A, %broadcast_in_dim3A_4], %gather3A_596 : memref<16x5xf32, #tpu.memory_space<vmem>>[vector<16xi32>, vector<16xi32>], vector<16xf32>,
    %gather3A_638 = arith.constant 160 : i32
    %gather3A_639 = tpu.memref_slice %arg7[%gather3A_638] : memref<400xf32, #tpu.memory_space<vmem>> -> memref<80xf32, #tpu.memory_space<vmem>>
    %gather3A_640 = tpu.vector_load_idx %gather3A_639[%get3A_593] : memref<80xf32, #tpu.memory_space<vmem>>[vector<16xi32>], vector<16xf32>,
    %scatter3A_641 = arith.constant 224 : i32
    %scatter3A_642 = arith.constant 0 : i32
    %scatter3A_643 = tpu.memref_slice %arg8[%scatter3A_641, %scatter3A_642] : memref<1024x5xf32, #tpu.memory_space<vmem>> -> memref<16x5xf32, #tpu.memory_space<vmem>>
    tpu.vector_store_idx %scatter3A_643[%iota3A, %broadcast_in_dim3A_6], %gather3A_602 : memref<16x5xf32, #tpu.memory_space<vmem>>[vector<16xi32>, vector<16xi32>], vector<16xf32>,
    %gather3A_644 = arith.constant 240 : i32
    %gather3A_645 = tpu.memref_slice %arg7[%gather3A_644] : memref<400xf32, #tpu.memory_space<vmem>> -> memref<80xf32, #tpu.memory_space<vmem>>
    %gather3A_646 = tpu.vector_load_idx %gather3A_645[%get3A_593] : memref<80xf32, #tpu.memory_space<vmem>>[vector<16xi32>], vector<16xf32>,
    %scatter3A_647 = arith.constant 224 : i32
    %scatter3A_648 = arith.constant 0 : i32
    %scatter3A_649 = tpu.memref_slice %arg8[%scatter3A_647, %scatter3A_648] : memref<1024x5xf32, #tpu.memory_space<vmem>> -> memref<16x5xf32, #tpu.memory_space<vmem>>
    tpu.vector_store_idx %scatter3A_649[%iota3A, %broadcast_in_dim3A_8], %gather3A_608 : memref<16x5xf32, #tpu.memory_space<vmem>>[vector<16xi32>, vector<16xi32>], vector<16xf32>,
    %gather3A_650 = arith.constant 320 : i32
    %gather3A_651 = tpu.memref_slice %arg7[%gather3A_650] : memref<400xf32, #tpu.memory_space<vmem>> -> memref<80xf32, #tpu.memory_space<vmem>>
    %gather3A_652 = tpu.vector_load_idx %gather3A_651[%get3A_593] : memref<80xf32, #tpu.memory_space<vmem>>[vector<16xi32>], vector<16xf32>,
    %scatter3A_653 = arith.constant 224 : i32
    %scatter3A_654 = arith.constant 0 : i32
    %scatter3A_655 = tpu.memref_slice %arg8[%scatter3A_653, %scatter3A_654] : memref<1024x5xf32, #tpu.memory_space<vmem>> -> memref<16x5xf32, #tpu.memory_space<vmem>>
    tpu.vector_store_idx %scatter3A_655[%iota3A, %broadcast_in_dim3A_10], %gather3A_614 : memref<16x5xf32, #tpu.memory_space<vmem>>[vector<16xi32>, vector<16xi32>], vector<16xf32>,
    %get3A_656 = arith.constant 272 : index
    %get3A_657 = tpu.vector_load %arg5[%get3A_656] {strides = array<i32>} : memref<1024xi32, #tpu.memory_space<vmem>>, vector<16xi32>,
    %gather3A_658 = arith.constant 0 : i32
    %gather3A_659 = tpu.memref_slice %arg7[%gather3A_658] : memref<400xf32, #tpu.memory_space<vmem>> -> memref<80xf32, #tpu.memory_space<vmem>>
    %gather3A_660 = tpu.vector_load_idx %gather3A_659[%get3A_625] : memref<80xf32, #tpu.memory_space<vmem>>[vector<16xi32>], vector<16xf32>,
    %scatter3A_661 = arith.constant 224 : i32
    %scatter3A_662 = arith.constant 0 : i32
    %scatter3A_663 = tpu.memref_slice %arg8[%scatter3A_661, %scatter3A_662] : memref<1024x5xf32, #tpu.memory_space<vmem>> -> memref<16x5xf32, #tpu.memory_space<vmem>>
    tpu.vector_store_idx %scatter3A_663[%iota3A, %broadcast_in_dim3A_12], %gather3A_620 : memref<16x5xf32, #tpu.memory_space<vmem>>[vector<16xi32>, vector<16xi32>], vector<16xf32>,
    %gather3A_664 = arith.constant 80 : i32
    %gather3A_665 = tpu.memref_slice %arg7[%gather3A_664] : memref<400xf32, #tpu.memory_space<vmem>> -> memref<80xf32, #tpu.memory_space<vmem>>
    %gather3A_666 = tpu.vector_load_idx %gather3A_665[%get3A_625] : memref<80xf32, #tpu.memory_space<vmem>>[vector<16xi32>], vector<16xf32>,
    %scatter3A_667 = arith.constant 240 : i32
    %scatter3A_668 = arith.constant 0 : i32
    %scatter3A_669 = tpu.memref_slice %arg8[%scatter3A_667, %scatter3A_668] : memref<1024x5xf32, #tpu.memory_space<vmem>> -> memref<16x5xf32, #tpu.memory_space<vmem>>
    tpu.vector_store_idx %scatter3A_669[%iota3A, %broadcast_in_dim3A_4], %gather3A_628 : memref<16x5xf32, #tpu.memory_space<vmem>>[vector<16xi32>, vector<16xi32>], vector<16xf32>,
    %gather3A_670 = arith.constant 160 : i32
    %gather3A_671 = tpu.memref_slice %arg7[%gather3A_670] : memref<400xf32, #tpu.memory_space<vmem>> -> memref<80xf32, #tpu.memory_space<vmem>>
    %gather3A_672 = tpu.vector_load_idx %gather3A_671[%get3A_625] : memref<80xf32, #tpu.memory_space<vmem>>[vector<16xi32>], vector<16xf32>,
    %scatter3A_673 = arith.constant 240 : i32
    %scatter3A_674 = arith.constant 0 : i32
    %scatter3A_675 = tpu.memref_slice %arg8[%scatter3A_673, %scatter3A_674] : memref<1024x5xf32, #tpu.memory_space<vmem>> -> memref<16x5xf32, #tpu.memory_space<vmem>>
    tpu.vector_store_idx %scatter3A_675[%iota3A, %broadcast_in_dim3A_6], %gather3A_634 : memref<16x5xf32, #tpu.memory_space<vmem>>[vector<16xi32>, vector<16xi32>], vector<16xf32>,
    %gather3A_676 = arith.constant 240 : i32
    %gather3A_677 = tpu.memref_slice %arg7[%gather3A_676] : memref<400xf32, #tpu.memory_space<vmem>> -> memref<80xf32, #tpu.memory_space<vmem>>
    %gather3A_678 = tpu.vector_load_idx %gather3A_677[%get3A_625] : memref<80xf32, #tpu.memory_space<vmem>>[vector<16xi32>], vector<16xf32>,
    %scatter3A_679 = arith.constant 240 : i32
    %scatter3A_680 = arith.constant 0 : i32
    %scatter3A_681 = tpu.memref_slice %arg8[%scatter3A_679, %scatter3A_680] : memref<1024x5xf32, #tpu.memory_space<vmem>> -> memref<16x5xf32, #tpu.memory_space<vmem>>
    tpu.vector_store_idx %scatter3A_681[%iota3A, %broadcast_in_dim3A_8], %gather3A_640 : memref<16x5xf32, #tpu.memory_space<vmem>>[vector<16xi32>, vector<16xi32>], vector<16xf32>,
    %gather3A_682 = arith.constant 320 : i32
    %gather3A_683 = tpu.memref_slice %arg7[%gather3A_682] : memref<400xf32, #tpu.memory_space<vmem>> -> memref<80xf32, #tpu.memory_space<vmem>>
    %gather3A_684 = tpu.vector_load_idx %gather3A_683[%get3A_625] : memref<80xf32, #tpu.memory_space<vmem>>[vector<16xi32>], vector<16xf32>,
    %scatter3A_685 = arith.constant 240 : i32
    %scatter3A_686 = arith.constant 0 : i32
    %scatter3A_687 = tpu.memref_slice %arg8[%scatter3A_685, %scatter3A_686] : memref<1024x5xf32, #tpu.memory_space<vmem>> -> memref<16x5xf32, #tpu.memory_space<vmem>>
    tpu.vector_store_idx %scatter3A_687[%iota3A, %broadcast_in_dim3A_10], %gather3A_646 : memref<16x5xf32, #tpu.memory_space<vmem>>[vector<16xi32>, vector<16xi32>], vector<16xf32>,
    %get3A_688 = arith.constant 288 : index
    %get3A_689 = tpu.vector_load %arg5[%get3A_688] {strides = array<i32>} : memref<1024xi32, #tpu.memory_space<vmem>>, vector<16xi32>,
    %gather3A_690 = arith.constant 0 : i32
    %gather3A_691 = tpu.memref_slice %arg7[%gather3A_690] : memref<400xf32, #tpu.memory_space<vmem>> -> memref<80xf32, #tpu.memory_space<vmem>>
    %gather3A_692 = tpu.vector_load_idx %gather3A_691[%get3A_657] : memref<80xf32, #tpu.memory_space<vmem>>[vector<16xi32>], vector<16xf32>,
    %scatter3A_693 = arith.constant 240 : i32
    %scatter3A_694 = arith.constant 0 : i32
    %scatter3A_695 = tpu.memref_slice %arg8[%scatter3A_693, %scatter3A_694] : memref<1024x5xf32, #tpu.memory_space<vmem>> -> memref<16x5xf32, #tpu.memory_space<vmem>>
    tpu.vector_store_idx %scatter3A_695[%iota3A, %broadcast_in_dim3A_12], %gather3A_652 : memref<16x5xf32, #tpu.memory_space<vmem>>[vector<16xi32>, vector<16xi32>], vector<16xf32>,
    %gather3A_696 = arith.constant 80 : i32
    %gather3A_697 = tpu.memref_slice %arg7[%gather3A_696] : memref<400xf32, #tpu.memory_space<vmem>> -> memref<80xf32, #tpu.memory_space<vmem>>
    %gather3A_698 = tpu.vector_load_idx %gather3A_697[%get3A_657] : memref<80xf32, #tpu.memory_space<vmem>>[vector<16xi32>], vector<16xf32>,
    %scatter3A_699 = arith.constant 256 : i32
    %scatter3A_700 = arith.constant 0 : i32
    %scatter3A_701 = tpu.memref_slice %arg8[%scatter3A_699, %scatter3A_700] : memref<1024x5xf32, #tpu.memory_space<vmem>> -> memref<16x5xf32, #tpu.memory_space<vmem>>
    tpu.vector_store_idx %scatter3A_701[%iota3A, %broadcast_in_dim3A_4], %gather3A_660 : memref<16x5xf32, #tpu.memory_space<vmem>>[vector<16xi32>, vector<16xi32>], vector<16xf32>,
    %gather3A_702 = arith.constant 160 : i32
    %gather3A_703 = tpu.memref_slice %arg7[%gather3A_702] : memref<400xf32, #tpu.memory_space<vmem>> -> memref<80xf32, #tpu.memory_space<vmem>>
    %gather3A_704 = tpu.vector_load_idx %gather3A_703[%get3A_657] : memref<80xf32, #tpu.memory_space<vmem>>[vector<16xi32>], vector<16xf32>,
    %scatter3A_705 = arith.constant 256 : i32
    %scatter3A_706 = arith.constant 0 : i32
    %scatter3A_707 = tpu.memref_slice %arg8[%scatter3A_705, %scatter3A_706] : memref<1024x5xf32, #tpu.memory_space<vmem>> -> memref<16x5xf32, #tpu.memory_space<vmem>>
    tpu.vector_store_idx %scatter3A_707[%iota3A, %broadcast_in_dim3A_6], %gather3A_666 : memref<16x5xf32, #tpu.memory_space<vmem>>[vector<16xi32>, vector<16xi32>], vector<16xf32>,
    %gather3A_708 = arith.constant 240 : i32
    %gather3A_709 = tpu.memref_slice %arg7[%gather3A_708] : memref<400xf32, #tpu.memory_space<vmem>> -> memref<80xf32, #tpu.memory_space<vmem>>
    %gather3A_710 = tpu.vector_load_idx %gather3A_709[%get3A_657] : memref<80xf32, #tpu.memory_space<vmem>>[vector<16xi32>], vector<16xf32>,
    %scatter3A_711 = arith.constant 256 : i32
    %scatter3A_712 = arith.constant 0 : i32
    %scatter3A_713 = tpu.memref_slice %arg8[%scatter3A_711, %scatter3A_712] : memref<1024x5xf32, #tpu.memory_space<vmem>> -> memref<16x5xf32, #tpu.memory_space<vmem>>
    tpu.vector_store_idx %scatter3A_713[%iota3A, %broadcast_in_dim3A_8], %gather3A_672 : memref<16x5xf32, #tpu.memory_space<vmem>>[vector<16xi32>, vector<16xi32>], vector<16xf32>,
    %gather3A_714 = arith.constant 320 : i32
    %gather3A_715 = tpu.memref_slice %arg7[%gather3A_714] : memref<400xf32, #tpu.memory_space<vmem>> -> memref<80xf32, #tpu.memory_space<vmem>>
    %gather3A_716 = tpu.vector_load_idx %gather3A_715[%get3A_657] : memref<80xf32, #tpu.memory_space<vmem>>[vector<16xi32>], vector<16xf32>,
    %scatter3A_717 = arith.constant 256 : i32
    %scatter3A_718 = arith.constant 0 : i32
    %scatter3A_719 = tpu.memref_slice %arg8[%scatter3A_717, %scatter3A_718] : memref<1024x5xf32, #tpu.memory_space<vmem>> -> memref<16x5xf32, #tpu.memory_space<vmem>>
    tpu.vector_store_idx %scatter3A_719[%iota3A, %broadcast_in_dim3A_10], %gather3A_678 : memref<16x5xf32, #tpu.memory_space<vmem>>[vector<16xi32>, vector<16xi32>], vector<16xf32>,
    %add3A_720 = arith.constant 0 : i32
    %add3A_721 = arith.addi %mul3A_2, %add3A_720 : i32
    %dma_start3A_722 = arith.constant 0 : i32
    %dma_start3A_723 = arith.constant 0 : i32
    %dma_start3A_724 = tpu.memref_slice %arg8[%dma_start3A_722, %dma_start3A_723] : memref<1024x5xf32, #tpu.memory_space<vmem>> -> memref<256x5xf32, #tpu.memory_space<vmem>>
    %dma_start3A_725 = arith.constant 0 : i32
    %dma_start3A_726 = tpu.memref_slice %arg4[%add3A_721, %dma_start3A_725] : memref<16384x5xf32, #tpu.memory_space<hbm>> -> memref<256x5xf32, #tpu.memory_space<hbm>>
    %dma_start3A_727 = arith.constant 0 : i32
    %dma_start3A_728 = tpu.memref_slice %arg4[%add3A_721, %dma_start3A_727] : memref<16384x5xf32, #tpu.memory_space<hbm>> -> memref<256x5xf32, #tpu.memory_space<hbm>>
    %dma_start3A_729 = arith.constant 0 : i32
    %dma_start3A_730 = arith.constant 0 : i32
    %dma_start3A_731 = tpu.memref_slice %arg8[%dma_start3A_729, %dma_start3A_730] : memref<1024x5xf32, #tpu.memory_space<vmem>> -> memref<256x5xf32, #tpu.memory_space<vmem>>
    tpu.enqueue_dma source(%dma_start3A_731 : memref<256x5xf32, #tpu.memory_space<vmem>>) target(%dma_start3A_728 : memref<256x5xf32, #tpu.memory_space<hbm>>) target_semaphore(%arg9 : memref<!tpu.dma_semaphore, #tpu.memory_space<semaphore_mem>>)
    %get3A_732 = arith.constant 304 : index
    %get3A_733 = tpu.vector_load %arg5[%get3A_732] {strides = array<i32>} : memref<1024xi32, #tpu.memory_space<vmem>>, vector<16xi32>,
    %gather3A_734 = arith.constant 0 : i32
    %gather3A_735 = tpu.memref_slice %arg7[%gather3A_734] : memref<400xf32, #tpu.memory_space<vmem>> -> memref<80xf32, #tpu.memory_space<vmem>>
    %gather3A_736 = tpu.vector_load_idx %gather3A_735[%get3A_689] : memref<80xf32, #tpu.memory_space<vmem>>[vector<16xi32>], vector<16xf32>,
    %scatter3A_737 = arith.constant 256 : i32
    %scatter3A_738 = arith.constant 0 : i32
    %scatter3A_739 = tpu.memref_slice %arg8[%scatter3A_737, %scatter3A_738] : memref<1024x5xf32, #tpu.memory_space<vmem>> -> memref<16x5xf32, #tpu.memory_space<vmem>>
    tpu.vector_store_idx %scatter3A_739[%iota3A, %broadcast_in_dim3A_12], %gather3A_684 : memref<16x5xf32, #tpu.memory_space<vmem>>[vector<16xi32>, vector<16xi32>], vector<16xf32>,
    %gather3A_740 = arith.constant 80 : i32
    %gather3A_741 = tpu.memref_slice %arg7[%gather3A_740] : memref<400xf32, #tpu.memory_space<vmem>> -> memref<80xf32, #tpu.memory_space<vmem>>
    %gather3A_742 = tpu.vector_load_idx %gather3A_741[%get3A_689] : memref<80xf32, #tpu.memory_space<vmem>>[vector<16xi32>], vector<16xf32>,
    %scatter3A_743 = arith.constant 272 : i32
    %scatter3A_744 = arith.constant 0 : i32
    %scatter3A_745 = tpu.memref_slice %arg8[%scatter3A_743, %scatter3A_744] : memref<1024x5xf32, #tpu.memory_space<vmem>> -> memref<16x5xf32, #tpu.memory_space<vmem>>
    tpu.vector_store_idx %scatter3A_745[%iota3A, %broadcast_in_dim3A_4], %gather3A_692 : memref<16x5xf32, #tpu.memory_space<vmem>>[vector<16xi32>, vector<16xi32>], vector<16xf32>,
    %gather3A_746 = arith.constant 160 : i32
    %gather3A_747 = tpu.memref_slice %arg7[%gather3A_746] : memref<400xf32, #tpu.memory_space<vmem>> -> memref<80xf32, #tpu.memory_space<vmem>>
    %gather3A_748 = tpu.vector_load_idx %gather3A_747[%get3A_689] : memref<80xf32, #tpu.memory_space<vmem>>[vector<16xi32>], vector<16xf32>,
    %scatter3A_749 = arith.constant 272 : i32
    %scatter3A_750 = arith.constant 0 : i32
    %scatter3A_751 = tpu.memref_slice %arg8[%scatter3A_749, %scatter3A_750] : memref<1024x5xf32, #tpu.memory_space<vmem>> -> memref<16x5xf32, #tpu.memory_space<vmem>>
    tpu.vector_store_idx %scatter3A_751[%iota3A, %broadcast_in_dim3A_6], %gather3A_698 : memref<16x5xf32, #tpu.memory_space<vmem>>[vector<16xi32>, vector<16xi32>], vector<16xf32>,
    %gather3A_752 = arith.constant 240 : i32
    %gather3A_753 = tpu.memref_slice %arg7[%gather3A_752] : memref<400xf32, #tpu.memory_space<vmem>> -> memref<80xf32, #tpu.memory_space<vmem>>
    %gather3A_754 = tpu.vector_load_idx %gather3A_753[%get3A_689] : memref<80xf32, #tpu.memory_space<vmem>>[vector<16xi32>], vector<16xf32>,
    %scatter3A_755 = arith.constant 272 : i32
    %scatter3A_756 = arith.constant 0 : i32
    %scatter3A_757 = tpu.memref_slice %arg8[%scatter3A_755, %scatter3A_756] : memref<1024x5xf32, #tpu.memory_space<vmem>> -> memref<16x5xf32, #tpu.memory_space<vmem>>
    tpu.vector_store_idx %scatter3A_757[%iota3A, %broadcast_in_dim3A_8], %gather3A_704 : memref<16x5xf32, #tpu.memory_space<vmem>>[vector<16xi32>, vector<16xi32>], vector<16xf32>,
    %gather3A_758 = arith.constant 320 : i32
    %gather3A_759 = tpu.memref_slice %arg7[%gather3A_758] : memref<400xf32, #tpu.memory_space<vmem>> -> memref<80xf32, #tpu.memory_space<vmem>>
    %gather3A_760 = tpu.vector_load_idx %gather3A_759[%get3A_689] : memref<80xf32, #tpu.memory_space<vmem>>[vector<16xi32>], vector<16xf32>,
    %scatter3A_761 = arith.constant 272 : i32
    %scatter3A_762 = arith.constant 0 : i32
    %scatter3A_763 = tpu.memref_slice %arg8[%scatter3A_761, %scatter3A_762] : memref<1024x5xf32, #tpu.memory_space<vmem>> -> memref<16x5xf32, #tpu.memory_space<vmem>>
    tpu.vector_store_idx %scatter3A_763[%iota3A, %broadcast_in_dim3A_10], %gather3A_710 : memref<16x5xf32, #tpu.memory_space<vmem>>[vector<16xi32>, vector<16xi32>], vector<16xf32>,
    %get3A_764 = arith.constant 320 : index
    %get3A_765 = tpu.vector_load %arg5[%get3A_764] {strides = array<i32>} : memref<1024xi32, #tpu.memory_space<vmem>>, vector<16xi32>,
    %gather3A_766 = arith.constant 0 : i32
    %gather3A_767 = tpu.memref_slice %arg7[%gather3A_766] : memref<400xf32, #tpu.memory_space<vmem>> -> memref<80xf32, #tpu.memory_space<vmem>>
    %gather3A_768 = tpu.vector_load_idx %gather3A_767[%get3A_733] : memref<80xf32, #tpu.memory_space<vmem>>[vector<16xi32>], vector<16xf32>,
    %scatter3A_769 = arith.constant 272 : i32
    %scatter3A_770 = arith.constant 0 : i32
    %scatter3A_771 = tpu.memref_slice %arg8[%scatter3A_769, %scatter3A_770] : memref<1024x5xf32, #tpu.memory_space<vmem>> -> memref<16x5xf32, #tpu.memory_space<vmem>>
    tpu.vector_store_idx %scatter3A_771[%iota3A, %broadcast_in_dim3A_12], %gather3A_716 : memref<16x5xf32, #tpu.memory_space<vmem>>[vector<16xi32>, vector<16xi32>], vector<16xf32>,
    %gather3A_772 = arith.constant 80 : i32
    %gather3A_773 = tpu.memref_slice %arg7[%gather3A_772] : memref<400xf32, #tpu.memory_space<vmem>> -> memref<80xf32, #tpu.memory_space<vmem>>
    %gather3A_774 = tpu.vector_load_idx %gather3A_773[%get3A_733] : memref<80xf32, #tpu.memory_space<vmem>>[vector<16xi32>], vector<16xf32>,
    %scatter3A_775 = arith.constant 288 : i32
    %scatter3A_776 = arith.constant 0 : i32
    %scatter3A_777 = tpu.memref_slice %arg8[%scatter3A_775, %scatter3A_776] : memref<1024x5xf32, #tpu.memory_space<vmem>> -> memref<16x5xf32, #tpu.memory_space<vmem>>
    tpu.vector_store_idx %scatter3A_777[%iota3A, %broadcast_in_dim3A_4], %gather3A_736 : memref<16x5xf32, #tpu.memory_space<vmem>>[vector<16xi32>, vector<16xi32>], vector<16xf32>,
    %gather3A_778 = arith.constant 160 : i32
    %gather3A_779 = tpu.memref_slice %arg7[%gather3A_778] : memref<400xf32, #tpu.memory_space<vmem>> -> memref<80xf32, #tpu.memory_space<vmem>>
    %gather3A_780 = tpu.vector_load_idx %gather3A_779[%get3A_733] : memref<80xf32, #tpu.memory_space<vmem>>[vector<16xi32>], vector<16xf32>,
    %scatter3A_781 = arith.constant 288 : i32
    %scatter3A_782 = arith.constant 0 : i32
    %scatter3A_783 = tpu.memref_slice %arg8[%scatter3A_781, %scatter3A_782] : memref<1024x5xf32, #tpu.memory_space<vmem>> -> memref<16x5xf32, #tpu.memory_space<vmem>>
    tpu.vector_store_idx %scatter3A_783[%iota3A, %broadcast_in_dim3A_6], %gather3A_742 : memref<16x5xf32, #tpu.memory_space<vmem>>[vector<16xi32>, vector<16xi32>], vector<16xf32>,
    %gather3A_784 = arith.constant 240 : i32
    %gather3A_785 = tpu.memref_slice %arg7[%gather3A_784] : memref<400xf32, #tpu.memory_space<vmem>> -> memref<80xf32, #tpu.memory_space<vmem>>
    %gather3A_786 = tpu.vector_load_idx %gather3A_785[%get3A_733] : memref<80xf32, #tpu.memory_space<vmem>>[vector<16xi32>], vector<16xf32>,
    %scatter3A_787 = arith.constant 288 : i32
    %scatter3A_788 = arith.constant 0 : i32
    %scatter3A_789 = tpu.memref_slice %arg8[%scatter3A_787, %scatter3A_788] : memref<1024x5xf32, #tpu.memory_space<vmem>> -> memref<16x5xf32, #tpu.memory_space<vmem>>
    tpu.vector_store_idx %scatter3A_789[%iota3A, %broadcast_in_dim3A_8], %gather3A_748 : memref<16x5xf32, #tpu.memory_space<vmem>>[vector<16xi32>, vector<16xi32>], vector<16xf32>,
    %gather3A_790 = arith.constant 320 : i32
    %gather3A_791 = tpu.memref_slice %arg7[%gather3A_790] : memref<400xf32, #tpu.memory_space<vmem>> -> memref<80xf32, #tpu.memory_space<vmem>>
    %gather3A_792 = tpu.vector_load_idx %gather3A_791[%get3A_733] : memref<80xf32, #tpu.memory_space<vmem>>[vector<16xi32>], vector<16xf32>,
    %scatter3A_793 = arith.constant 288 : i32
    %scatter3A_794 = arith.constant 0 : i32
    %scatter3A_795 = tpu.memref_slice %arg8[%scatter3A_793, %scatter3A_794] : memref<1024x5xf32, #tpu.memory_space<vmem>> -> memref<16x5xf32, #tpu.memory_space<vmem>>
    tpu.vector_store_idx %scatter3A_795[%iota3A, %broadcast_in_dim3A_10], %gather3A_754 : memref<16x5xf32, #tpu.memory_space<vmem>>[vector<16xi32>, vector<16xi32>], vector<16xf32>,
    %get3A_796 = arith.constant 336 : index
    %get3A_797 = tpu.vector_load %arg5[%get3A_796] {strides = array<i32>} : memref<1024xi32, #tpu.memory_space<vmem>>, vector<16xi32>,
    %gather3A_798 = arith.constant 0 : i32
    %gather3A_799 = tpu.memref_slice %arg7[%gather3A_798] : memref<400xf32, #tpu.memory_space<vmem>> -> memref<80xf32, #tpu.memory_space<vmem>>
    %gather3A_800 = tpu.vector_load_idx %gather3A_799[%get3A_765] : memref<80xf32, #tpu.memory_space<vmem>>[vector<16xi32>], vector<16xf32>,
    %scatter3A_801 = arith.constant 288 : i32
    %scatter3A_802 = arith.constant 0 : i32
    %scatter3A_803 = tpu.memref_slice %arg8[%scatter3A_801, %scatter3A_802] : memref<1024x5xf32, #tpu.memory_space<vmem>> -> memref<16x5xf32, #tpu.memory_space<vmem>>
    tpu.vector_store_idx %scatter3A_803[%iota3A, %broadcast_in_dim3A_12], %gather3A_760 : memref<16x5xf32, #tpu.memory_space<vmem>>[vector<16xi32>, vector<16xi32>], vector<16xf32>,
    %gather3A_804 = arith.constant 80 : i32
    %gather3A_805 = tpu.memref_slice %arg7[%gather3A_804] : memref<400xf32, #tpu.memory_space<vmem>> -> memref<80xf32, #tpu.memory_space<vmem>>
    %gather3A_806 = tpu.vector_load_idx %gather3A_805[%get3A_765] : memref<80xf32, #tpu.memory_space<vmem>>[vector<16xi32>], vector<16xf32>,
    %scatter3A_807 = arith.constant 304 : i32
    %scatter3A_808 = arith.constant 0 : i32
    %scatter3A_809 = tpu.memref_slice %arg8[%scatter3A_807, %scatter3A_808] : memref<1024x5xf32, #tpu.memory_space<vmem>> -> memref<16x5xf32, #tpu.memory_space<vmem>>
    tpu.vector_store_idx %scatter3A_809[%iota3A, %broadcast_in_dim3A_4], %gather3A_768 : memref<16x5xf32, #tpu.memory_space<vmem>>[vector<16xi32>, vector<16xi32>], vector<16xf32>,
    %gather3A_810 = arith.constant 160 : i32
    %gather3A_811 = tpu.memref_slice %arg7[%gather3A_810] : memref<400xf32, #tpu.memory_space<vmem>> -> memref<80xf32, #tpu.memory_space<vmem>>
    %gather3A_812 = tpu.vector_load_idx %gather3A_811[%get3A_765] : memref<80xf32, #tpu.memory_space<vmem>>[vector<16xi32>], vector<16xf32>,
    %scatter3A_813 = arith.constant 304 : i32
    %scatter3A_814 = arith.constant 0 : i32
    %scatter3A_815 = tpu.memref_slice %arg8[%scatter3A_813, %scatter3A_814] : memref<1024x5xf32, #tpu.memory_space<vmem>> -> memref<16x5xf32, #tpu.memory_space<vmem>>
    tpu.vector_store_idx %scatter3A_815[%iota3A, %broadcast_in_dim3A_6], %gather3A_774 : memref<16x5xf32, #tpu.memory_space<vmem>>[vector<16xi32>, vector<16xi32>], vector<16xf32>,
    %gather3A_816 = arith.constant 240 : i32
    %gather3A_817 = tpu.memref_slice %arg7[%gather3A_816] : memref<400xf32, #tpu.memory_space<vmem>> -> memref<80xf32, #tpu.memory_space<vmem>>
    %gather3A_818 = tpu.vector_load_idx %gather3A_817[%get3A_765] : memref<80xf32, #tpu.memory_space<vmem>>[vector<16xi32>], vector<16xf32>,
    %scatter3A_819 = arith.constant 304 : i32
    %scatter3A_820 = arith.constant 0 : i32
    %scatter3A_821 = tpu.memref_slice %arg8[%scatter3A_819, %scatter3A_820] : memref<1024x5xf32, #tpu.memory_space<vmem>> -> memref<16x5xf32, #tpu.memory_space<vmem>>
    tpu.vector_store_idx %scatter3A_821[%iota3A, %broadcast_in_dim3A_8], %gather3A_780 : memref<16x5xf32, #tpu.memory_space<vmem>>[vector<16xi32>, vector<16xi32>], vector<16xf32>,
    %gather3A_822 = arith.constant 320 : i32
    %gather3A_823 = tpu.memref_slice %arg7[%gather3A_822] : memref<400xf32, #tpu.memory_space<vmem>> -> memref<80xf32, #tpu.memory_space<vmem>>
    %gather3A_824 = tpu.vector_load_idx %gather3A_823[%get3A_765] : memref<80xf32, #tpu.memory_space<vmem>>[vector<16xi32>], vector<16xf32>,
    %scatter3A_825 = arith.constant 304 : i32
    %scatter3A_826 = arith.constant 0 : i32
    %scatter3A_827 = tpu.memref_slice %arg8[%scatter3A_825, %scatter3A_826] : memref<1024x5xf32, #tpu.memory_space<vmem>> -> memref<16x5xf32, #tpu.memory_space<vmem>>
    tpu.vector_store_idx %scatter3A_827[%iota3A, %broadcast_in_dim3A_10], %gather3A_786 : memref<16x5xf32, #tpu.memory_space<vmem>>[vector<16xi32>, vector<16xi32>], vector<16xf32>,
    %get3A_828 = arith.constant 352 : index
    %get3A_829 = tpu.vector_load %arg5[%get3A_828] {strides = array<i32>} : memref<1024xi32, #tpu.memory_space<vmem>>, vector<16xi32>,
    %gather3A_830 = arith.constant 0 : i32
    %gather3A_831 = tpu.memref_slice %arg7[%gather3A_830] : memref<400xf32, #tpu.memory_space<vmem>> -> memref<80xf32, #tpu.memory_space<vmem>>
    %gather3A_832 = tpu.vector_load_idx %gather3A_831[%get3A_797] : memref<80xf32, #tpu.memory_space<vmem>>[vector<16xi32>], vector<16xf32>,
    %scatter3A_833 = arith.constant 304 : i32
    %scatter3A_834 = arith.constant 0 : i32
    %scatter3A_835 = tpu.memref_slice %arg8[%scatter3A_833, %scatter3A_834] : memref<1024x5xf32, #tpu.memory_space<vmem>> -> memref<16x5xf32, #tpu.memory_space<vmem>>
    tpu.vector_store_idx %scatter3A_835[%iota3A, %broadcast_in_dim3A_12], %gather3A_792 : memref<16x5xf32, #tpu.memory_space<vmem>>[vector<16xi32>, vector<16xi32>], vector<16xf32>,
    %gather3A_836 = arith.constant 80 : i32
    %gather3A_837 = tpu.memref_slice %arg7[%gather3A_836] : memref<400xf32, #tpu.memory_space<vmem>> -> memref<80xf32, #tpu.memory_space<vmem>>
    %gather3A_838 = tpu.vector_load_idx %gather3A_837[%get3A_797] : memref<80xf32, #tpu.memory_space<vmem>>[vector<16xi32>], vector<16xf32>,
    %scatter3A_839 = arith.constant 320 : i32
    %scatter3A_840 = arith.constant 0 : i32
    %scatter3A_841 = tpu.memref_slice %arg8[%scatter3A_839, %scatter3A_840] : memref<1024x5xf32, #tpu.memory_space<vmem>> -> memref<16x5xf32, #tpu.memory_space<vmem>>
    tpu.vector_store_idx %scatter3A_841[%iota3A, %broadcast_in_dim3A_4], %gather3A_800 : memref<16x5xf32, #tpu.memory_space<vmem>>[vector<16xi32>, vector<16xi32>], vector<16xf32>,
    %gather3A_842 = arith.constant 160 : i32
    %gather3A_843 = tpu.memref_slice %arg7[%gather3A_842] : memref<400xf32, #tpu.memory_space<vmem>> -> memref<80xf32, #tpu.memory_space<vmem>>
    %gather3A_844 = tpu.vector_load_idx %gather3A_843[%get3A_797] : memref<80xf32, #tpu.memory_space<vmem>>[vector<16xi32>], vector<16xf32>,
    %scatter3A_845 = arith.constant 320 : i32
    %scatter3A_846 = arith.constant 0 : i32
    %scatter3A_847 = tpu.memref_slice %arg8[%scatter3A_845, %scatter3A_846] : memref<1024x5xf32, #tpu.memory_space<vmem>> -> memref<16x5xf32, #tpu.memory_space<vmem>>
    tpu.vector_store_idx %scatter3A_847[%iota3A, %broadcast_in_dim3A_6], %gather3A_806 : memref<16x5xf32, #tpu.memory_space<vmem>>[vector<16xi32>, vector<16xi32>], vector<16xf32>,
    %gather3A_848 = arith.constant 240 : i32
    %gather3A_849 = tpu.memref_slice %arg7[%gather3A_848] : memref<400xf32, #tpu.memory_space<vmem>> -> memref<80xf32, #tpu.memory_space<vmem>>
    %gather3A_850 = tpu.vector_load_idx %gather3A_849[%get3A_797] : memref<80xf32, #tpu.memory_space<vmem>>[vector<16xi32>], vector<16xf32>,
    %scatter3A_851 = arith.constant 320 : i32
    %scatter3A_852 = arith.constant 0 : i32
    %scatter3A_853 = tpu.memref_slice %arg8[%scatter3A_851, %scatter3A_852] : memref<1024x5xf32, #tpu.memory_space<vmem>> -> memref<16x5xf32, #tpu.memory_space<vmem>>
    tpu.vector_store_idx %scatter3A_853[%iota3A, %broadcast_in_dim3A_8], %gather3A_812 : memref<16x5xf32, #tpu.memory_space<vmem>>[vector<16xi32>, vector<16xi32>], vector<16xf32>,
    %gather3A_854 = arith.constant 320 : i32
    %gather3A_855 = tpu.memref_slice %arg7[%gather3A_854] : memref<400xf32, #tpu.memory_space<vmem>> -> memref<80xf32, #tpu.memory_space<vmem>>
    %gather3A_856 = tpu.vector_load_idx %gather3A_855[%get3A_797] : memref<80xf32, #tpu.memory_space<vmem>>[vector<16xi32>], vector<16xf32>,
    %scatter3A_857 = arith.constant 320 : i32
    %scatter3A_858 = arith.constant 0 : i32
    %scatter3A_859 = tpu.memref_slice %arg8[%scatter3A_857, %scatter3A_858] : memref<1024x5xf32, #tpu.memory_space<vmem>> -> memref<16x5xf32, #tpu.memory_space<vmem>>
    tpu.vector_store_idx %scatter3A_859[%iota3A, %broadcast_in_dim3A_10], %gather3A_818 : memref<16x5xf32, #tpu.memory_space<vmem>>[vector<16xi32>, vector<16xi32>], vector<16xf32>,
    %get3A_860 = arith.constant 368 : index
    %get3A_861 = tpu.vector_load %arg5[%get3A_860] {strides = array<i32>} : memref<1024xi32, #tpu.memory_space<vmem>>, vector<16xi32>,
    %gather3A_862 = arith.constant 0 : i32
    %gather3A_863 = tpu.memref_slice %arg7[%gather3A_862] : memref<400xf32, #tpu.memory_space<vmem>> -> memref<80xf32, #tpu.memory_space<vmem>>
    %gather3A_864 = tpu.vector_load_idx %gather3A_863[%get3A_829] : memref<80xf32, #tpu.memory_space<vmem>>[vector<16xi32>], vector<16xf32>,
    %scatter3A_865 = arith.constant 320 : i32
    %scatter3A_866 = arith.constant 0 : i32
    %scatter3A_867 = tpu.memref_slice %arg8[%scatter3A_865, %scatter3A_866] : memref<1024x5xf32, #tpu.memory_space<vmem>> -> memref<16x5xf32, #tpu.memory_space<vmem>>
    tpu.vector_store_idx %scatter3A_867[%iota3A, %broadcast_in_dim3A_12], %gather3A_824 : memref<16x5xf32, #tpu.memory_space<vmem>>[vector<16xi32>, vector<16xi32>], vector<16xf32>,
    %gather3A_868 = arith.constant 80 : i32
    %gather3A_869 = tpu.memref_slice %arg7[%gather3A_868] : memref<400xf32, #tpu.memory_space<vmem>> -> memref<80xf32, #tpu.memory_space<vmem>>
    %gather3A_870 = tpu.vector_load_idx %gather3A_869[%get3A_829] : memref<80xf32, #tpu.memory_space<vmem>>[vector<16xi32>], vector<16xf32>,
    %scatter3A_871 = arith.constant 336 : i32
    %scatter3A_872 = arith.constant 0 : i32
    %scatter3A_873 = tpu.memref_slice %arg8[%scatter3A_871, %scatter3A_872] : memref<1024x5xf32, #tpu.memory_space<vmem>> -> memref<16x5xf32, #tpu.memory_space<vmem>>
    tpu.vector_store_idx %scatter3A_873[%iota3A, %broadcast_in_dim3A_4], %gather3A_832 : memref<16x5xf32, #tpu.memory_space<vmem>>[vector<16xi32>, vector<16xi32>], vector<16xf32>,
    %gather3A_874 = arith.constant 160 : i32
    %gather3A_875 = tpu.memref_slice %arg7[%gather3A_874] : memref<400xf32, #tpu.memory_space<vmem>> -> memref<80xf32, #tpu.memory_space<vmem>>
    %gather3A_876 = tpu.vector_load_idx %gather3A_875[%get3A_829] : memref<80xf32, #tpu.memory_space<vmem>>[vector<16xi32>], vector<16xf32>,
    %scatter3A_877 = arith.constant 336 : i32
    %scatter3A_878 = arith.constant 0 : i32
    %scatter3A_879 = tpu.memref_slice %arg8[%scatter3A_877, %scatter3A_878] : memref<1024x5xf32, #tpu.memory_space<vmem>> -> memref<16x5xf32, #tpu.memory_space<vmem>>
    tpu.vector_store_idx %scatter3A_879[%iota3A, %broadcast_in_dim3A_6], %gather3A_838 : memref<16x5xf32, #tpu.memory_space<vmem>>[vector<16xi32>, vector<16xi32>], vector<16xf32>,
    %gather3A_880 = arith.constant 240 : i32
    %gather3A_881 = tpu.memref_slice %arg7[%gather3A_880] : memref<400xf32, #tpu.memory_space<vmem>> -> memref<80xf32, #tpu.memory_space<vmem>>
    %gather3A_882 = tpu.vector_load_idx %gather3A_881[%get3A_829] : memref<80xf32, #tpu.memory_space<vmem>>[vector<16xi32>], vector<16xf32>,
    %scatter3A_883 = arith.constant 336 : i32
    %scatter3A_884 = arith.constant 0 : i32
    %scatter3A_885 = tpu.memref_slice %arg8[%scatter3A_883, %scatter3A_884] : memref<1024x5xf32, #tpu.memory_space<vmem>> -> memref<16x5xf32, #tpu.memory_space<vmem>>
    tpu.vector_store_idx %scatter3A_885[%iota3A, %broadcast_in_dim3A_8], %gather3A_844 : memref<16x5xf32, #tpu.memory_space<vmem>>[vector<16xi32>, vector<16xi32>], vector<16xf32>,
    %gather3A_886 = arith.constant 320 : i32
    %gather3A_887 = tpu.memref_slice %arg7[%gather3A_886] : memref<400xf32, #tpu.memory_space<vmem>> -> memref<80xf32, #tpu.memory_space<vmem>>
    %gather3A_888 = tpu.vector_load_idx %gather3A_887[%get3A_829] : memref<80xf32, #tpu.memory_space<vmem>>[vector<16xi32>], vector<16xf32>,
    %scatter3A_889 = arith.constant 336 : i32
    %scatter3A_890 = arith.constant 0 : i32
    %scatter3A_891 = tpu.memref_slice %arg8[%scatter3A_889, %scatter3A_890] : memref<1024x5xf32, #tpu.memory_space<vmem>> -> memref<16x5xf32, #tpu.memory_space<vmem>>
    tpu.vector_store_idx %scatter3A_891[%iota3A, %broadcast_in_dim3A_10], %gather3A_850 : memref<16x5xf32, #tpu.memory_space<vmem>>[vector<16xi32>, vector<16xi32>], vector<16xf32>,
    %get3A_892 = arith.constant 384 : index
    %get3A_893 = tpu.vector_load %arg5[%get3A_892] {strides = array<i32>} : memref<1024xi32, #tpu.memory_space<vmem>>, vector<16xi32>,
    %gather3A_894 = arith.constant 0 : i32
    %gather3A_895 = tpu.memref_slice %arg7[%gather3A_894] : memref<400xf32, #tpu.memory_space<vmem>> -> memref<80xf32, #tpu.memory_space<vmem>>
    %gather3A_896 = tpu.vector_load_idx %gather3A_895[%get3A_861] : memref<80xf32, #tpu.memory_space<vmem>>[vector<16xi32>], vector<16xf32>,
    %scatter3A_897 = arith.constant 336 : i32
    %scatter3A_898 = arith.constant 0 : i32
    %scatter3A_899 = tpu.memref_slice %arg8[%scatter3A_897, %scatter3A_898] : memref<1024x5xf32, #tpu.memory_space<vmem>> -> memref<16x5xf32, #tpu.memory_space<vmem>>
    tpu.vector_store_idx %scatter3A_899[%iota3A, %broadcast_in_dim3A_12], %gather3A_856 : memref<16x5xf32, #tpu.memory_space<vmem>>[vector<16xi32>, vector<16xi32>], vector<16xf32>,
    %gather3A_900 = arith.constant 80 : i32
    %gather3A_901 = tpu.memref_slice %arg7[%gather3A_900] : memref<400xf32, #tpu.memory_space<vmem>> -> memref<80xf32, #tpu.memory_space<vmem>>
    %gather3A_902 = tpu.vector_load_idx %gather3A_901[%get3A_861] : memref<80xf32, #tpu.memory_space<vmem>>[vector<16xi32>], vector<16xf32>,
    %scatter3A_903 = arith.constant 352 : i32
    %scatter3A_904 = arith.constant 0 : i32
    %scatter3A_905 = tpu.memref_slice %arg8[%scatter3A_903, %scatter3A_904] : memref<1024x5xf32, #tpu.memory_space<vmem>> -> memref<16x5xf32, #tpu.memory_space<vmem>>
    tpu.vector_store_idx %scatter3A_905[%iota3A, %broadcast_in_dim3A_4], %gather3A_864 : memref<16x5xf32, #tpu.memory_space<vmem>>[vector<16xi32>, vector<16xi32>], vector<16xf32>,
    %gather3A_906 = arith.constant 160 : i32
    %gather3A_907 = tpu.memref_slice %arg7[%gather3A_906] : memref<400xf32, #tpu.memory_space<vmem>> -> memref<80xf32, #tpu.memory_space<vmem>>
    %gather3A_908 = tpu.vector_load_idx %gather3A_907[%get3A_861] : memref<80xf32, #tpu.memory_space<vmem>>[vector<16xi32>], vector<16xf32>,
    %scatter3A_909 = arith.constant 352 : i32
    %scatter3A_910 = arith.constant 0 : i32
    %scatter3A_911 = tpu.memref_slice %arg8[%scatter3A_909, %scatter3A_910] : memref<1024x5xf32, #tpu.memory_space<vmem>> -> memref<16x5xf32, #tpu.memory_space<vmem>>
    tpu.vector_store_idx %scatter3A_911[%iota3A, %broadcast_in_dim3A_6], %gather3A_870 : memref<16x5xf32, #tpu.memory_space<vmem>>[vector<16xi32>, vector<16xi32>], vector<16xf32>,
    %gather3A_912 = arith.constant 240 : i32
    %gather3A_913 = tpu.memref_slice %arg7[%gather3A_912] : memref<400xf32, #tpu.memory_space<vmem>> -> memref<80xf32, #tpu.memory_space<vmem>>
    %gather3A_914 = tpu.vector_load_idx %gather3A_913[%get3A_861] : memref<80xf32, #tpu.memory_space<vmem>>[vector<16xi32>], vector<16xf32>,
    %scatter3A_915 = arith.constant 352 : i32
    %scatter3A_916 = arith.constant 0 : i32
    %scatter3A_917 = tpu.memref_slice %arg8[%scatter3A_915, %scatter3A_916] : memref<1024x5xf32, #tpu.memory_space<vmem>> -> memref<16x5xf32, #tpu.memory_space<vmem>>
    tpu.vector_store_idx %scatter3A_917[%iota3A, %broadcast_in_dim3A_8], %gather3A_876 : memref<16x5xf32, #tpu.memory_space<vmem>>[vector<16xi32>, vector<16xi32>], vector<16xf32>,
    %gather3A_918 = arith.constant 320 : i32
    %gather3A_919 = tpu.memref_slice %arg7[%gather3A_918] : memref<400xf32, #tpu.memory_space<vmem>> -> memref<80xf32, #tpu.memory_space<vmem>>
    %gather3A_920 = tpu.vector_load_idx %gather3A_919[%get3A_861] : memref<80xf32, #tpu.memory_space<vmem>>[vector<16xi32>], vector<16xf32>,
    %scatter3A_921 = arith.constant 352 : i32
    %scatter3A_922 = arith.constant 0 : i32
    %scatter3A_923 = tpu.memref_slice %arg8[%scatter3A_921, %scatter3A_922] : memref<1024x5xf32, #tpu.memory_space<vmem>> -> memref<16x5xf32, #tpu.memory_space<vmem>>
    tpu.vector_store_idx %scatter3A_923[%iota3A, %broadcast_in_dim3A_10], %gather3A_882 : memref<16x5xf32, #tpu.memory_space<vmem>>[vector<16xi32>, vector<16xi32>], vector<16xf32>,
    %get3A_924 = arith.constant 400 : index
    %get3A_925 = tpu.vector_load %arg5[%get3A_924] {strides = array<i32>} : memref<1024xi32, #tpu.memory_space<vmem>>, vector<16xi32>,
    %gather3A_926 = arith.constant 0 : i32
    %gather3A_927 = tpu.memref_slice %arg7[%gather3A_926] : memref<400xf32, #tpu.memory_space<vmem>> -> memref<80xf32, #tpu.memory_space<vmem>>
    %gather3A_928 = tpu.vector_load_idx %gather3A_927[%get3A_893] : memref<80xf32, #tpu.memory_space<vmem>>[vector<16xi32>], vector<16xf32>,
    %scatter3A_929 = arith.constant 352 : i32
    %scatter3A_930 = arith.constant 0 : i32
    %scatter3A_931 = tpu.memref_slice %arg8[%scatter3A_929, %scatter3A_930] : memref<1024x5xf32, #tpu.memory_space<vmem>> -> memref<16x5xf32, #tpu.memory_space<vmem>>
    tpu.vector_store_idx %scatter3A_931[%iota3A, %broadcast_in_dim3A_12], %gather3A_888 : memref<16x5xf32, #tpu.memory_space<vmem>>[vector<16xi32>, vector<16xi32>], vector<16xf32>,
    %gather3A_932 = arith.constant 80 : i32
    %gather3A_933 = tpu.memref_slice %arg7[%gather3A_932] : memref<400xf32, #tpu.memory_space<vmem>> -> memref<80xf32, #tpu.memory_space<vmem>>
    %gather3A_934 = tpu.vector_load_idx %gather3A_933[%get3A_893] : memref<80xf32, #tpu.memory_space<vmem>>[vector<16xi32>], vector<16xf32>,
    %scatter3A_935 = arith.constant 368 : i32
    %scatter3A_936 = arith.constant 0 : i32
    %scatter3A_937 = tpu.memref_slice %arg8[%scatter3A_935, %scatter3A_936] : memref<1024x5xf32, #tpu.memory_space<vmem>> -> memref<16x5xf32, #tpu.memory_space<vmem>>
    tpu.vector_store_idx %scatter3A_937[%iota3A, %broadcast_in_dim3A_4], %gather3A_896 : memref<16x5xf32, #tpu.memory_space<vmem>>[vector<16xi32>, vector<16xi32>], vector<16xf32>,
    %gather3A_938 = arith.constant 160 : i32
    %gather3A_939 = tpu.memref_slice %arg7[%gather3A_938] : memref<400xf32, #tpu.memory_space<vmem>> -> memref<80xf32, #tpu.memory_space<vmem>>
    %gather3A_940 = tpu.vector_load_idx %gather3A_939[%get3A_893] : memref<80xf32, #tpu.memory_space<vmem>>[vector<16xi32>], vector<16xf32>,
    %scatter3A_941 = arith.constant 368 : i32
    %scatter3A_942 = arith.constant 0 : i32
    %scatter3A_943 = tpu.memref_slice %arg8[%scatter3A_941, %scatter3A_942] : memref<1024x5xf32, #tpu.memory_space<vmem>> -> memref<16x5xf32, #tpu.memory_space<vmem>>
    tpu.vector_store_idx %scatter3A_943[%iota3A, %broadcast_in_dim3A_6], %gather3A_902 : memref<16x5xf32, #tpu.memory_space<vmem>>[vector<16xi32>, vector<16xi32>], vector<16xf32>,
    %gather3A_944 = arith.constant 240 : i32
    %gather3A_945 = tpu.memref_slice %arg7[%gather3A_944] : memref<400xf32, #tpu.memory_space<vmem>> -> memref<80xf32, #tpu.memory_space<vmem>>
    %gather3A_946 = tpu.vector_load_idx %gather3A_945[%get3A_893] : memref<80xf32, #tpu.memory_space<vmem>>[vector<16xi32>], vector<16xf32>,
    %scatter3A_947 = arith.constant 368 : i32
    %scatter3A_948 = arith.constant 0 : i32
    %scatter3A_949 = tpu.memref_slice %arg8[%scatter3A_947, %scatter3A_948] : memref<1024x5xf32, #tpu.memory_space<vmem>> -> memref<16x5xf32, #tpu.memory_space<vmem>>
    tpu.vector_store_idx %scatter3A_949[%iota3A, %broadcast_in_dim3A_8], %gather3A_908 : memref<16x5xf32, #tpu.memory_space<vmem>>[vector<16xi32>, vector<16xi32>], vector<16xf32>,
    %gather3A_950 = arith.constant 320 : i32
    %gather3A_951 = tpu.memref_slice %arg7[%gather3A_950] : memref<400xf32, #tpu.memory_space<vmem>> -> memref<80xf32, #tpu.memory_space<vmem>>
    %gather3A_952 = tpu.vector_load_idx %gather3A_951[%get3A_893] : memref<80xf32, #tpu.memory_space<vmem>>[vector<16xi32>], vector<16xf32>,
    %scatter3A_953 = arith.constant 368 : i32
    %scatter3A_954 = arith.constant 0 : i32
    %scatter3A_955 = tpu.memref_slice %arg8[%scatter3A_953, %scatter3A_954] : memref<1024x5xf32, #tpu.memory_space<vmem>> -> memref<16x5xf32, #tpu.memory_space<vmem>>
    tpu.vector_store_idx %scatter3A_955[%iota3A, %broadcast_in_dim3A_10], %gather3A_914 : memref<16x5xf32, #tpu.memory_space<vmem>>[vector<16xi32>, vector<16xi32>], vector<16xf32>,
    %get3A_956 = arith.constant 416 : index
    %get3A_957 = tpu.vector_load %arg5[%get3A_956] {strides = array<i32>} : memref<1024xi32, #tpu.memory_space<vmem>>, vector<16xi32>,
    %gather3A_958 = arith.constant 0 : i32
    %gather3A_959 = tpu.memref_slice %arg7[%gather3A_958] : memref<400xf32, #tpu.memory_space<vmem>> -> memref<80xf32, #tpu.memory_space<vmem>>
    %gather3A_960 = tpu.vector_load_idx %gather3A_959[%get3A_925] : memref<80xf32, #tpu.memory_space<vmem>>[vector<16xi32>], vector<16xf32>,
    %scatter3A_961 = arith.constant 368 : i32
    %scatter3A_962 = arith.constant 0 : i32
    %scatter3A_963 = tpu.memref_slice %arg8[%scatter3A_961, %scatter3A_962] : memref<1024x5xf32, #tpu.memory_space<vmem>> -> memref<16x5xf32, #tpu.memory_space<vmem>>
    tpu.vector_store_idx %scatter3A_963[%iota3A, %broadcast_in_dim3A_12], %gather3A_920 : memref<16x5xf32, #tpu.memory_space<vmem>>[vector<16xi32>, vector<16xi32>], vector<16xf32>,
    %gather3A_964 = arith.constant 80 : i32
    %gather3A_965 = tpu.memref_slice %arg7[%gather3A_964] : memref<400xf32, #tpu.memory_space<vmem>> -> memref<80xf32, #tpu.memory_space<vmem>>
    %gather3A_966 = tpu.vector_load_idx %gather3A_965[%get3A_925] : memref<80xf32, #tpu.memory_space<vmem>>[vector<16xi32>], vector<16xf32>,
    %scatter3A_967 = arith.constant 384 : i32
    %scatter3A_968 = arith.constant 0 : i32
    %scatter3A_969 = tpu.memref_slice %arg8[%scatter3A_967, %scatter3A_968] : memref<1024x5xf32, #tpu.memory_space<vmem>> -> memref<16x5xf32, #tpu.memory_space<vmem>>
    tpu.vector_store_idx %scatter3A_969[%iota3A, %broadcast_in_dim3A_4], %gather3A_928 : memref<16x5xf32, #tpu.memory_space<vmem>>[vector<16xi32>, vector<16xi32>], vector<16xf32>,
    %gather3A_970 = arith.constant 160 : i32
    %gather3A_971 = tpu.memref_slice %arg7[%gather3A_970] : memref<400xf32, #tpu.memory_space<vmem>> -> memref<80xf32, #tpu.memory_space<vmem>>
    %gather3A_972 = tpu.vector_load_idx %gather3A_971[%get3A_925] : memref<80xf32, #tpu.memory_space<vmem>>[vector<16xi32>], vector<16xf32>,
    %scatter3A_973 = arith.constant 384 : i32
    %scatter3A_974 = arith.constant 0 : i32
    %scatter3A_975 = tpu.memref_slice %arg8[%scatter3A_973, %scatter3A_974] : memref<1024x5xf32, #tpu.memory_space<vmem>> -> memref<16x5xf32, #tpu.memory_space<vmem>>
    tpu.vector_store_idx %scatter3A_975[%iota3A, %broadcast_in_dim3A_6], %gather3A_934 : memref<16x5xf32, #tpu.memory_space<vmem>>[vector<16xi32>, vector<16xi32>], vector<16xf32>,
    %gather3A_976 = arith.constant 240 : i32
    %gather3A_977 = tpu.memref_slice %arg7[%gather3A_976] : memref<400xf32, #tpu.memory_space<vmem>> -> memref<80xf32, #tpu.memory_space<vmem>>
    %gather3A_978 = tpu.vector_load_idx %gather3A_977[%get3A_925] : memref<80xf32, #tpu.memory_space<vmem>>[vector<16xi32>], vector<16xf32>,
    %scatter3A_979 = arith.constant 384 : i32
    %scatter3A_980 = arith.constant 0 : i32
    %scatter3A_981 = tpu.memref_slice %arg8[%scatter3A_979, %scatter3A_980] : memref<1024x5xf32, #tpu.memory_space<vmem>> -> memref<16x5xf32, #tpu.memory_space<vmem>>
    tpu.vector_store_idx %scatter3A_981[%iota3A, %broadcast_in_dim3A_8], %gather3A_940 : memref<16x5xf32, #tpu.memory_space<vmem>>[vector<16xi32>, vector<16xi32>], vector<16xf32>,
    %gather3A_982 = arith.constant 320 : i32
    %gather3A_983 = tpu.memref_slice %arg7[%gather3A_982] : memref<400xf32, #tpu.memory_space<vmem>> -> memref<80xf32, #tpu.memory_space<vmem>>
    %gather3A_984 = tpu.vector_load_idx %gather3A_983[%get3A_925] : memref<80xf32, #tpu.memory_space<vmem>>[vector<16xi32>], vector<16xf32>,
    %scatter3A_985 = arith.constant 384 : i32
    %scatter3A_986 = arith.constant 0 : i32
    %scatter3A_987 = tpu.memref_slice %arg8[%scatter3A_985, %scatter3A_986] : memref<1024x5xf32, #tpu.memory_space<vmem>> -> memref<16x5xf32, #tpu.memory_space<vmem>>
    tpu.vector_store_idx %scatter3A_987[%iota3A, %broadcast_in_dim3A_10], %gather3A_946 : memref<16x5xf32, #tpu.memory_space<vmem>>[vector<16xi32>, vector<16xi32>], vector<16xf32>,
    %get3A_988 = arith.constant 432 : index
    %get3A_989 = tpu.vector_load %arg5[%get3A_988] {strides = array<i32>} : memref<1024xi32, #tpu.memory_space<vmem>>, vector<16xi32>,
    %gather3A_990 = arith.constant 0 : i32
    %gather3A_991 = tpu.memref_slice %arg7[%gather3A_990] : memref<400xf32, #tpu.memory_space<vmem>> -> memref<80xf32, #tpu.memory_space<vmem>>
    %gather3A_992 = tpu.vector_load_idx %gather3A_991[%get3A_957] : memref<80xf32, #tpu.memory_space<vmem>>[vector<16xi32>], vector<16xf32>,
    %scatter3A_993 = arith.constant 384 : i32
    %scatter3A_994 = arith.constant 0 : i32
    %scatter3A_995 = tpu.memref_slice %arg8[%scatter3A_993, %scatter3A_994] : memref<1024x5xf32, #tpu.memory_space<vmem>> -> memref<16x5xf32, #tpu.memory_space<vmem>>
    tpu.vector_store_idx %scatter3A_995[%iota3A, %broadcast_in_dim3A_12], %gather3A_952 : memref<16x5xf32, #tpu.memory_space<vmem>>[vector<16xi32>, vector<16xi32>], vector<16xf32>,
    %gather3A_996 = arith.constant 80 : i32
    %gather3A_997 = tpu.memref_slice %arg7[%gather3A_996] : memref<400xf32, #tpu.memory_space<vmem>> -> memref<80xf32, #tpu.memory_space<vmem>>
    %gather3A_998 = tpu.vector_load_idx %gather3A_997[%get3A_957] : memref<80xf32, #tpu.memory_space<vmem>>[vector<16xi32>], vector<16xf32>,
    %scatter3A_999 = arith.constant 400 : i32
    %scatter3A_1000 = arith.constant 0 : i32
    %scatter3A_1001 = tpu.memref_slice %arg8[%scatter3A_999, %scatter3A_1000] : memref<1024x5xf32, #tpu.memory_space<vmem>> -> memref<16x5xf32, #tpu.memory_space<vmem>>
    tpu.vector_store_idx %scatter3A_1001[%iota3A, %broadcast_in_dim3A_4], %gather3A_960 : memref<16x5xf32, #tpu.memory_space<vmem>>[vector<16xi32>, vector<16xi32>], vector<16xf32>,
    %gather3A_1002 = arith.constant 160 : i32
    %gather3A_1003 = tpu.memref_slice %arg7[%gather3A_1002] : memref<400xf32, #tpu.memory_space<vmem>> -> memref<80xf32, #tpu.memory_space<vmem>>
    %gather3A_1004 = tpu.vector_load_idx %gather3A_1003[%get3A_957] : memref<80xf32, #tpu.memory_space<vmem>>[vector<16xi32>], vector<16xf32>,
    %scatter3A_1005 = arith.constant 400 : i32
    %scatter3A_1006 = arith.constant 0 : i32
    %scatter3A_1007 = tpu.memref_slice %arg8[%scatter3A_1005, %scatter3A_1006] : memref<1024x5xf32, #tpu.memory_space<vmem>> -> memref<16x5xf32, #tpu.memory_space<vmem>>
    tpu.vector_store_idx %scatter3A_1007[%iota3A, %broadcast_in_dim3A_6], %gather3A_966 : memref<16x5xf32, #tpu.memory_space<vmem>>[vector<16xi32>, vector<16xi32>], vector<16xf32>,
    %gather3A_1008 = arith.constant 240 : i32
    %gather3A_1009 = tpu.memref_slice %arg7[%gather3A_1008] : memref<400xf32, #tpu.memory_space<vmem>> -> memref<80xf32, #tpu.memory_space<vmem>>
    %gather3A_1010 = tpu.vector_load_idx %gather3A_1009[%get3A_957] : memref<80xf32, #tpu.memory_space<vmem>>[vector<16xi32>], vector<16xf32>,
    %scatter3A_1011 = arith.constant 400 : i32
    %scatter3A_1012 = arith.constant 0 : i32
    %scatter3A_1013 = tpu.memref_slice %arg8[%scatter3A_1011, %scatter3A_1012] : memref<1024x5xf32, #tpu.memory_space<vmem>> -> memref<16x5xf32, #tpu.memory_space<vmem>>
    tpu.vector_store_idx %scatter3A_1013[%iota3A, %broadcast_in_dim3A_8], %gather3A_972 : memref<16x5xf32, #tpu.memory_space<vmem>>[vector<16xi32>, vector<16xi32>], vector<16xf32>,
    %gather3A_1014 = arith.constant 320 : i32
    %gather3A_1015 = tpu.memref_slice %arg7[%gather3A_1014] : memref<400xf32, #tpu.memory_space<vmem>> -> memref<80xf32, #tpu.memory_space<vmem>>
    %gather3A_1016 = tpu.vector_load_idx %gather3A_1015[%get3A_957] : memref<80xf32, #tpu.memory_space<vmem>>[vector<16xi32>], vector<16xf32>,
    %scatter3A_1017 = arith.constant 400 : i32
    %scatter3A_1018 = arith.constant 0 : i32
    %scatter3A_1019 = tpu.memref_slice %arg8[%scatter3A_1017, %scatter3A_1018] : memref<1024x5xf32, #tpu.memory_space<vmem>> -> memref<16x5xf32, #tpu.memory_space<vmem>>
    tpu.vector_store_idx %scatter3A_1019[%iota3A, %broadcast_in_dim3A_10], %gather3A_978 : memref<16x5xf32, #tpu.memory_space<vmem>>[vector<16xi32>, vector<16xi32>], vector<16xf32>,
    %get3A_1020 = arith.constant 448 : index
    %get3A_1021 = tpu.vector_load %arg5[%get3A_1020] {strides = array<i32>} : memref<1024xi32, #tpu.memory_space<vmem>>, vector<16xi32>,
    %gather3A_1022 = arith.constant 0 : i32
    %gather3A_1023 = tpu.memref_slice %arg7[%gather3A_1022] : memref<400xf32, #tpu.memory_space<vmem>> -> memref<80xf32, #tpu.memory_space<vmem>>
    %gather3A_1024 = tpu.vector_load_idx %gather3A_1023[%get3A_989] : memref<80xf32, #tpu.memory_space<vmem>>[vector<16xi32>], vector<16xf32>,
    %scatter3A_1025 = arith.constant 400 : i32
    %scatter3A_1026 = arith.constant 0 : i32
    %scatter3A_1027 = tpu.memref_slice %arg8[%scatter3A_1025, %scatter3A_1026] : memref<1024x5xf32, #tpu.memory_space<vmem>> -> memref<16x5xf32, #tpu.memory_space<vmem>>
    tpu.vector_store_idx %scatter3A_1027[%iota3A, %broadcast_in_dim3A_12], %gather3A_984 : memref<16x5xf32, #tpu.memory_space<vmem>>[vector<16xi32>, vector<16xi32>], vector<16xf32>,
    %gather3A_1028 = arith.constant 80 : i32
    %gather3A_1029 = tpu.memref_slice %arg7[%gather3A_1028] : memref<400xf32, #tpu.memory_space<vmem>> -> memref<80xf32, #tpu.memory_space<vmem>>
    %gather3A_1030 = tpu.vector_load_idx %gather3A_1029[%get3A_989] : memref<80xf32, #tpu.memory_space<vmem>>[vector<16xi32>], vector<16xf32>,
    %scatter3A_1031 = arith.constant 416 : i32
    %scatter3A_1032 = arith.constant 0 : i32
    %scatter3A_1033 = tpu.memref_slice %arg8[%scatter3A_1031, %scatter3A_1032] : memref<1024x5xf32, #tpu.memory_space<vmem>> -> memref<16x5xf32, #tpu.memory_space<vmem>>
    tpu.vector_store_idx %scatter3A_1033[%iota3A, %broadcast_in_dim3A_4], %gather3A_992 : memref<16x5xf32, #tpu.memory_space<vmem>>[vector<16xi32>, vector<16xi32>], vector<16xf32>,
    %gather3A_1034 = arith.constant 160 : i32
    %gather3A_1035 = tpu.memref_slice %arg7[%gather3A_1034] : memref<400xf32, #tpu.memory_space<vmem>> -> memref<80xf32, #tpu.memory_space<vmem>>
    %gather3A_1036 = tpu.vector_load_idx %gather3A_1035[%get3A_989] : memref<80xf32, #tpu.memory_space<vmem>>[vector<16xi32>], vector<16xf32>,
    %scatter3A_1037 = arith.constant 416 : i32
    %scatter3A_1038 = arith.constant 0 : i32
    %scatter3A_1039 = tpu.memref_slice %arg8[%scatter3A_1037, %scatter3A_1038] : memref<1024x5xf32, #tpu.memory_space<vmem>> -> memref<16x5xf32, #tpu.memory_space<vmem>>
    tpu.vector_store_idx %scatter3A_1039[%iota3A, %broadcast_in_dim3A_6], %gather3A_998 : memref<16x5xf32, #tpu.memory_space<vmem>>[vector<16xi32>, vector<16xi32>], vector<16xf32>,
    %gather3A_1040 = arith.constant 240 : i32
    %gather3A_1041 = tpu.memref_slice %arg7[%gather3A_1040] : memref<400xf32, #tpu.memory_space<vmem>> -> memref<80xf32, #tpu.memory_space<vmem>>
    %gather3A_1042 = tpu.vector_load_idx %gather3A_1041[%get3A_989] : memref<80xf32, #tpu.memory_space<vmem>>[vector<16xi32>], vector<16xf32>,
    %scatter3A_1043 = arith.constant 416 : i32
    %scatter3A_1044 = arith.constant 0 : i32
    %scatter3A_1045 = tpu.memref_slice %arg8[%scatter3A_1043, %scatter3A_1044] : memref<1024x5xf32, #tpu.memory_space<vmem>> -> memref<16x5xf32, #tpu.memory_space<vmem>>
    tpu.vector_store_idx %scatter3A_1045[%iota3A, %broadcast_in_dim3A_8], %gather3A_1004 : memref<16x5xf32, #tpu.memory_space<vmem>>[vector<16xi32>, vector<16xi32>], vector<16xf32>,
    %gather3A_1046 = arith.constant 320 : i32
    %gather3A_1047 = tpu.memref_slice %arg7[%gather3A_1046] : memref<400xf32, #tpu.memory_space<vmem>> -> memref<80xf32, #tpu.memory_space<vmem>>
    %gather3A_1048 = tpu.vector_load_idx %gather3A_1047[%get3A_989] : memref<80xf32, #tpu.memory_space<vmem>>[vector<16xi32>], vector<16xf32>,
    %scatter3A_1049 = arith.constant 416 : i32
    %scatter3A_1050 = arith.constant 0 : i32
    %scatter3A_1051 = tpu.memref_slice %arg8[%scatter3A_1049, %scatter3A_1050] : memref<1024x5xf32, #tpu.memory_space<vmem>> -> memref<16x5xf32, #tpu.memory_space<vmem>>
    tpu.vector_store_idx %scatter3A_1051[%iota3A, %broadcast_in_dim3A_10], %gather3A_1010 : memref<16x5xf32, #tpu.memory_space<vmem>>[vector<16xi32>, vector<16xi32>], vector<16xf32>,
    %get3A_1052 = arith.constant 464 : index
    %get3A_1053 = tpu.vector_load %arg5[%get3A_1052] {strides = array<i32>} : memref<1024xi32, #tpu.memory_space<vmem>>, vector<16xi32>,
    %gather3A_1054 = arith.constant 0 : i32
    %gather3A_1055 = tpu.memref_slice %arg7[%gather3A_1054] : memref<400xf32, #tpu.memory_space<vmem>> -> memref<80xf32, #tpu.memory_space<vmem>>
    %gather3A_1056 = tpu.vector_load_idx %gather3A_1055[%get3A_1021] : memref<80xf32, #tpu.memory_space<vmem>>[vector<16xi32>], vector<16xf32>,
    %scatter3A_1057 = arith.constant 416 : i32
    %scatter3A_1058 = arith.constant 0 : i32
    %scatter3A_1059 = tpu.memref_slice %arg8[%scatter3A_1057, %scatter3A_1058] : memref<1024x5xf32, #tpu.memory_space<vmem>> -> memref<16x5xf32, #tpu.memory_space<vmem>>
    tpu.vector_store_idx %scatter3A_1059[%iota3A, %broadcast_in_dim3A_12], %gather3A_1016 : memref<16x5xf32, #tpu.memory_space<vmem>>[vector<16xi32>, vector<16xi32>], vector<16xf32>,
    %gather3A_1060 = arith.constant 80 : i32
    %gather3A_1061 = tpu.memref_slice %arg7[%gather3A_1060] : memref<400xf32, #tpu.memory_space<vmem>> -> memref<80xf32, #tpu.memory_space<vmem>>
    %gather3A_1062 = tpu.vector_load_idx %gather3A_1061[%get3A_1021] : memref<80xf32, #tpu.memory_space<vmem>>[vector<16xi32>], vector<16xf32>,
    %scatter3A_1063 = arith.constant 432 : i32
    %scatter3A_1064 = arith.constant 0 : i32
    %scatter3A_1065 = tpu.memref_slice %arg8[%scatter3A_1063, %scatter3A_1064] : memref<1024x5xf32, #tpu.memory_space<vmem>> -> memref<16x5xf32, #tpu.memory_space<vmem>>
    tpu.vector_store_idx %scatter3A_1065[%iota3A, %broadcast_in_dim3A_4], %gather3A_1024 : memref<16x5xf32, #tpu.memory_space<vmem>>[vector<16xi32>, vector<16xi32>], vector<16xf32>,
    %gather3A_1066 = arith.constant 160 : i32
    %gather3A_1067 = tpu.memref_slice %arg7[%gather3A_1066] : memref<400xf32, #tpu.memory_space<vmem>> -> memref<80xf32, #tpu.memory_space<vmem>>
    %gather3A_1068 = tpu.vector_load_idx %gather3A_1067[%get3A_1021] : memref<80xf32, #tpu.memory_space<vmem>>[vector<16xi32>], vector<16xf32>,
    %scatter3A_1069 = arith.constant 432 : i32
    %scatter3A_1070 = arith.constant 0 : i32
    %scatter3A_1071 = tpu.memref_slice %arg8[%scatter3A_1069, %scatter3A_1070] : memref<1024x5xf32, #tpu.memory_space<vmem>> -> memref<16x5xf32, #tpu.memory_space<vmem>>
    tpu.vector_store_idx %scatter3A_1071[%iota3A, %broadcast_in_dim3A_6], %gather3A_1030 : memref<16x5xf32, #tpu.memory_space<vmem>>[vector<16xi32>, vector<16xi32>], vector<16xf32>,
    %gather3A_1072 = arith.constant 240 : i32
    %gather3A_1073 = tpu.memref_slice %arg7[%gather3A_1072] : memref<400xf32, #tpu.memory_space<vmem>> -> memref<80xf32, #tpu.memory_space<vmem>>
    %gather3A_1074 = tpu.vector_load_idx %gather3A_1073[%get3A_1021] : memref<80xf32, #tpu.memory_space<vmem>>[vector<16xi32>], vector<16xf32>,
    %scatter3A_1075 = arith.constant 432 : i32
    %scatter3A_1076 = arith.constant 0 : i32
    %scatter3A_1077 = tpu.memref_slice %arg8[%scatter3A_1075, %scatter3A_1076] : memref<1024x5xf32, #tpu.memory_space<vmem>> -> memref<16x5xf32, #tpu.memory_space<vmem>>
    tpu.vector_store_idx %scatter3A_1077[%iota3A, %broadcast_in_dim3A_8], %gather3A_1036 : memref<16x5xf32, #tpu.memory_space<vmem>>[vector<16xi32>, vector<16xi32>], vector<16xf32>,
    %gather3A_1078 = arith.constant 320 : i32
    %gather3A_1079 = tpu.memref_slice %arg7[%gather3A_1078] : memref<400xf32, #tpu.memory_space<vmem>> -> memref<80xf32, #tpu.memory_space<vmem>>
    %gather3A_1080 = tpu.vector_load_idx %gather3A_1079[%get3A_1021] : memref<80xf32, #tpu.memory_space<vmem>>[vector<16xi32>], vector<16xf32>,
    %scatter3A_1081 = arith.constant 432 : i32
    %scatter3A_1082 = arith.constant 0 : i32
    %scatter3A_1083 = tpu.memref_slice %arg8[%scatter3A_1081, %scatter3A_1082] : memref<1024x5xf32, #tpu.memory_space<vmem>> -> memref<16x5xf32, #tpu.memory_space<vmem>>
    tpu.vector_store_idx %scatter3A_1083[%iota3A, %broadcast_in_dim3A_10], %gather3A_1042 : memref<16x5xf32, #tpu.memory_space<vmem>>[vector<16xi32>, vector<16xi32>], vector<16xf32>,
    %get3A_1084 = arith.constant 480 : index
    %get3A_1085 = tpu.vector_load %arg5[%get3A_1084] {strides = array<i32>} : memref<1024xi32, #tpu.memory_space<vmem>>, vector<16xi32>,
    %gather3A_1086 = arith.constant 0 : i32
    %gather3A_1087 = tpu.memref_slice %arg7[%gather3A_1086] : memref<400xf32, #tpu.memory_space<vmem>> -> memref<80xf32, #tpu.memory_space<vmem>>
    %gather3A_1088 = tpu.vector_load_idx %gather3A_1087[%get3A_1053] : memref<80xf32, #tpu.memory_space<vmem>>[vector<16xi32>], vector<16xf32>,
    %scatter3A_1089 = arith.constant 432 : i32
    %scatter3A_1090 = arith.constant 0 : i32
    %scatter3A_1091 = tpu.memref_slice %arg8[%scatter3A_1089, %scatter3A_1090] : memref<1024x5xf32, #tpu.memory_space<vmem>> -> memref<16x5xf32, #tpu.memory_space<vmem>>
    tpu.vector_store_idx %scatter3A_1091[%iota3A, %broadcast_in_dim3A_12], %gather3A_1048 : memref<16x5xf32, #tpu.memory_space<vmem>>[vector<16xi32>, vector<16xi32>], vector<16xf32>,
    %gather3A_1092 = arith.constant 80 : i32
    %gather3A_1093 = tpu.memref_slice %arg7[%gather3A_1092] : memref<400xf32, #tpu.memory_space<vmem>> -> memref<80xf32, #tpu.memory_space<vmem>>
    %gather3A_1094 = tpu.vector_load_idx %gather3A_1093[%get3A_1053] : memref<80xf32, #tpu.memory_space<vmem>>[vector<16xi32>], vector<16xf32>,
    %scatter3A_1095 = arith.constant 448 : i32
    %scatter3A_1096 = arith.constant 0 : i32
    %scatter3A_1097 = tpu.memref_slice %arg8[%scatter3A_1095, %scatter3A_1096] : memref<1024x5xf32, #tpu.memory_space<vmem>> -> memref<16x5xf32, #tpu.memory_space<vmem>>
    tpu.vector_store_idx %scatter3A_1097[%iota3A, %broadcast_in_dim3A_4], %gather3A_1056 : memref<16x5xf32, #tpu.memory_space<vmem>>[vector<16xi32>, vector<16xi32>], vector<16xf32>,
    %gather3A_1098 = arith.constant 160 : i32
    %gather3A_1099 = tpu.memref_slice %arg7[%gather3A_1098] : memref<400xf32, #tpu.memory_space<vmem>> -> memref<80xf32, #tpu.memory_space<vmem>>
    %gather3A_1100 = tpu.vector_load_idx %gather3A_1099[%get3A_1053] : memref<80xf32, #tpu.memory_space<vmem>>[vector<16xi32>], vector<16xf32>,
    %scatter3A_1101 = arith.constant 448 : i32
    %scatter3A_1102 = arith.constant 0 : i32
    %scatter3A_1103 = tpu.memref_slice %arg8[%scatter3A_1101, %scatter3A_1102] : memref<1024x5xf32, #tpu.memory_space<vmem>> -> memref<16x5xf32, #tpu.memory_space<vmem>>
    tpu.vector_store_idx %scatter3A_1103[%iota3A, %broadcast_in_dim3A_6], %gather3A_1062 : memref<16x5xf32, #tpu.memory_space<vmem>>[vector<16xi32>, vector<16xi32>], vector<16xf32>,
    %gather3A_1104 = arith.constant 240 : i32
    %gather3A_1105 = tpu.memref_slice %arg7[%gather3A_1104] : memref<400xf32, #tpu.memory_space<vmem>> -> memref<80xf32, #tpu.memory_space<vmem>>
    %gather3A_1106 = tpu.vector_load_idx %gather3A_1105[%get3A_1053] : memref<80xf32, #tpu.memory_space<vmem>>[vector<16xi32>], vector<16xf32>,
    %scatter3A_1107 = arith.constant 448 : i32
    %scatter3A_1108 = arith.constant 0 : i32
    %scatter3A_1109 = tpu.memref_slice %arg8[%scatter3A_1107, %scatter3A_1108] : memref<1024x5xf32, #tpu.memory_space<vmem>> -> memref<16x5xf32, #tpu.memory_space<vmem>>
    tpu.vector_store_idx %scatter3A_1109[%iota3A, %broadcast_in_dim3A_8], %gather3A_1068 : memref<16x5xf32, #tpu.memory_space<vmem>>[vector<16xi32>, vector<16xi32>], vector<16xf32>,
    %gather3A_1110 = arith.constant 320 : i32
    %gather3A_1111 = tpu.memref_slice %arg7[%gather3A_1110] : memref<400xf32, #tpu.memory_space<vmem>> -> memref<80xf32, #tpu.memory_space<vmem>>
    %gather3A_1112 = tpu.vector_load_idx %gather3A_1111[%get3A_1053] : memref<80xf32, #tpu.memory_space<vmem>>[vector<16xi32>], vector<16xf32>,
    %scatter3A_1113 = arith.constant 448 : i32
    %scatter3A_1114 = arith.constant 0 : i32
    %scatter3A_1115 = tpu.memref_slice %arg8[%scatter3A_1113, %scatter3A_1114] : memref<1024x5xf32, #tpu.memory_space<vmem>> -> memref<16x5xf32, #tpu.memory_space<vmem>>
    tpu.vector_store_idx %scatter3A_1115[%iota3A, %broadcast_in_dim3A_10], %gather3A_1074 : memref<16x5xf32, #tpu.memory_space<vmem>>[vector<16xi32>, vector<16xi32>], vector<16xf32>,
    %get3A_1116 = arith.constant 496 : index
    %get3A_1117 = tpu.vector_load %arg5[%get3A_1116] {strides = array<i32>} : memref<1024xi32, #tpu.memory_space<vmem>>, vector<16xi32>,
    %gather3A_1118 = arith.constant 0 : i32
    %gather3A_1119 = tpu.memref_slice %arg7[%gather3A_1118] : memref<400xf32, #tpu.memory_space<vmem>> -> memref<80xf32, #tpu.memory_space<vmem>>
    %gather3A_1120 = tpu.vector_load_idx %gather3A_1119[%get3A_1085] : memref<80xf32, #tpu.memory_space<vmem>>[vector<16xi32>], vector<16xf32>,
    %scatter3A_1121 = arith.constant 448 : i32
    %scatter3A_1122 = arith.constant 0 : i32
    %scatter3A_1123 = tpu.memref_slice %arg8[%scatter3A_1121, %scatter3A_1122] : memref<1024x5xf32, #tpu.memory_space<vmem>> -> memref<16x5xf32, #tpu.memory_space<vmem>>
    tpu.vector_store_idx %scatter3A_1123[%iota3A, %broadcast_in_dim3A_12], %gather3A_1080 : memref<16x5xf32, #tpu.memory_space<vmem>>[vector<16xi32>, vector<16xi32>], vector<16xf32>,
    %gather3A_1124 = arith.constant 80 : i32
    %gather3A_1125 = tpu.memref_slice %arg7[%gather3A_1124] : memref<400xf32, #tpu.memory_space<vmem>> -> memref<80xf32, #tpu.memory_space<vmem>>
    %gather3A_1126 = tpu.vector_load_idx %gather3A_1125[%get3A_1085] : memref<80xf32, #tpu.memory_space<vmem>>[vector<16xi32>], vector<16xf32>,
    %scatter3A_1127 = arith.constant 464 : i32
    %scatter3A_1128 = arith.constant 0 : i32
    %scatter3A_1129 = tpu.memref_slice %arg8[%scatter3A_1127, %scatter3A_1128] : memref<1024x5xf32, #tpu.memory_space<vmem>> -> memref<16x5xf32, #tpu.memory_space<vmem>>
    tpu.vector_store_idx %scatter3A_1129[%iota3A, %broadcast_in_dim3A_4], %gather3A_1088 : memref<16x5xf32, #tpu.memory_space<vmem>>[vector<16xi32>, vector<16xi32>], vector<16xf32>,
    %gather3A_1130 = arith.constant 160 : i32
    %gather3A_1131 = tpu.memref_slice %arg7[%gather3A_1130] : memref<400xf32, #tpu.memory_space<vmem>> -> memref<80xf32, #tpu.memory_space<vmem>>
    %gather3A_1132 = tpu.vector_load_idx %gather3A_1131[%get3A_1085] : memref<80xf32, #tpu.memory_space<vmem>>[vector<16xi32>], vector<16xf32>,
    %scatter3A_1133 = arith.constant 464 : i32
    %scatter3A_1134 = arith.constant 0 : i32
    %scatter3A_1135 = tpu.memref_slice %arg8[%scatter3A_1133, %scatter3A_1134] : memref<1024x5xf32, #tpu.memory_space<vmem>> -> memref<16x5xf32, #tpu.memory_space<vmem>>
    tpu.vector_store_idx %scatter3A_1135[%iota3A, %broadcast_in_dim3A_6], %gather3A_1094 : memref<16x5xf32, #tpu.memory_space<vmem>>[vector<16xi32>, vector<16xi32>], vector<16xf32>,
    %gather3A_1136 = arith.constant 240 : i32
    %gather3A_1137 = tpu.memref_slice %arg7[%gather3A_1136] : memref<400xf32, #tpu.memory_space<vmem>> -> memref<80xf32, #tpu.memory_space<vmem>>
    %gather3A_1138 = tpu.vector_load_idx %gather3A_1137[%get3A_1085] : memref<80xf32, #tpu.memory_space<vmem>>[vector<16xi32>], vector<16xf32>,
    %scatter3A_1139 = arith.constant 464 : i32
    %scatter3A_1140 = arith.constant 0 : i32
    %scatter3A_1141 = tpu.memref_slice %arg8[%scatter3A_1139, %scatter3A_1140] : memref<1024x5xf32, #tpu.memory_space<vmem>> -> memref<16x5xf32, #tpu.memory_space<vmem>>
    tpu.vector_store_idx %scatter3A_1141[%iota3A, %broadcast_in_dim3A_8], %gather3A_1100 : memref<16x5xf32, #tpu.memory_space<vmem>>[vector<16xi32>, vector<16xi32>], vector<16xf32>,
    %gather3A_1142 = arith.constant 320 : i32
    %gather3A_1143 = tpu.memref_slice %arg7[%gather3A_1142] : memref<400xf32, #tpu.memory_space<vmem>> -> memref<80xf32, #tpu.memory_space<vmem>>
    %gather3A_1144 = tpu.vector_load_idx %gather3A_1143[%get3A_1085] : memref<80xf32, #tpu.memory_space<vmem>>[vector<16xi32>], vector<16xf32>,
    %scatter3A_1145 = arith.constant 464 : i32
    %scatter3A_1146 = arith.constant 0 : i32
    %scatter3A_1147 = tpu.memref_slice %arg8[%scatter3A_1145, %scatter3A_1146] : memref<1024x5xf32, #tpu.memory_space<vmem>> -> memref<16x5xf32, #tpu.memory_space<vmem>>
    tpu.vector_store_idx %scatter3A_1147[%iota3A, %broadcast_in_dim3A_10], %gather3A_1106 : memref<16x5xf32, #tpu.memory_space<vmem>>[vector<16xi32>, vector<16xi32>], vector<16xf32>,
    %get3A_1148 = arith.constant 512 : index
    %get3A_1149 = tpu.vector_load %arg5[%get3A_1148] {strides = array<i32>} : memref<1024xi32, #tpu.memory_space<vmem>>, vector<16xi32>,
    %gather3A_1150 = arith.constant 0 : i32
    %gather3A_1151 = tpu.memref_slice %arg7[%gather3A_1150] : memref<400xf32, #tpu.memory_space<vmem>> -> memref<80xf32, #tpu.memory_space<vmem>>
    %gather3A_1152 = tpu.vector_load_idx %gather3A_1151[%get3A_1117] : memref<80xf32, #tpu.memory_space<vmem>>[vector<16xi32>], vector<16xf32>,
    %scatter3A_1153 = arith.constant 464 : i32
    %scatter3A_1154 = arith.constant 0 : i32
    %scatter3A_1155 = tpu.memref_slice %arg8[%scatter3A_1153, %scatter3A_1154] : memref<1024x5xf32, #tpu.memory_space<vmem>> -> memref<16x5xf32, #tpu.memory_space<vmem>>
    tpu.vector_store_idx %scatter3A_1155[%iota3A, %broadcast_in_dim3A_12], %gather3A_1112 : memref<16x5xf32, #tpu.memory_space<vmem>>[vector<16xi32>, vector<16xi32>], vector<16xf32>,
    %gather3A_1156 = arith.constant 80 : i32
    %gather3A_1157 = tpu.memref_slice %arg7[%gather3A_1156] : memref<400xf32, #tpu.memory_space<vmem>> -> memref<80xf32, #tpu.memory_space<vmem>>
    %gather3A_1158 = tpu.vector_load_idx %gather3A_1157[%get3A_1117] : memref<80xf32, #tpu.memory_space<vmem>>[vector<16xi32>], vector<16xf32>,
    %scatter3A_1159 = arith.constant 480 : i32
    %scatter3A_1160 = arith.constant 0 : i32
    %scatter3A_1161 = tpu.memref_slice %arg8[%scatter3A_1159, %scatter3A_1160] : memref<1024x5xf32, #tpu.memory_space<vmem>> -> memref<16x5xf32, #tpu.memory_space<vmem>>
    tpu.vector_store_idx %scatter3A_1161[%iota3A, %broadcast_in_dim3A_4], %gather3A_1120 : memref<16x5xf32, #tpu.memory_space<vmem>>[vector<16xi32>, vector<16xi32>], vector<16xf32>,
    %gather3A_1162 = arith.constant 160 : i32
    %gather3A_1163 = tpu.memref_slice %arg7[%gather3A_1162] : memref<400xf32, #tpu.memory_space<vmem>> -> memref<80xf32, #tpu.memory_space<vmem>>
    %gather3A_1164 = tpu.vector_load_idx %gather3A_1163[%get3A_1117] : memref<80xf32, #tpu.memory_space<vmem>>[vector<16xi32>], vector<16xf32>,
    %scatter3A_1165 = arith.constant 480 : i32
    %scatter3A_1166 = arith.constant 0 : i32
    %scatter3A_1167 = tpu.memref_slice %arg8[%scatter3A_1165, %scatter3A_1166] : memref<1024x5xf32, #tpu.memory_space<vmem>> -> memref<16x5xf32, #tpu.memory_space<vmem>>
    tpu.vector_store_idx %scatter3A_1167[%iota3A, %broadcast_in_dim3A_6], %gather3A_1126 : memref<16x5xf32, #tpu.memory_space<vmem>>[vector<16xi32>, vector<16xi32>], vector<16xf32>,
    %gather3A_1168 = arith.constant 240 : i32
    %gather3A_1169 = tpu.memref_slice %arg7[%gather3A_1168] : memref<400xf32, #tpu.memory_space<vmem>> -> memref<80xf32, #tpu.memory_space<vmem>>
    %gather3A_1170 = tpu.vector_load_idx %gather3A_1169[%get3A_1117] : memref<80xf32, #tpu.memory_space<vmem>>[vector<16xi32>], vector<16xf32>,
    %scatter3A_1171 = arith.constant 480 : i32
    %scatter3A_1172 = arith.constant 0 : i32
    %scatter3A_1173 = tpu.memref_slice %arg8[%scatter3A_1171, %scatter3A_1172] : memref<1024x5xf32, #tpu.memory_space<vmem>> -> memref<16x5xf32, #tpu.memory_space<vmem>>
    tpu.vector_store_idx %scatter3A_1173[%iota3A, %broadcast_in_dim3A_8], %gather3A_1132 : memref<16x5xf32, #tpu.memory_space<vmem>>[vector<16xi32>, vector<16xi32>], vector<16xf32>,
    %gather3A_1174 = arith.constant 320 : i32
    %gather3A_1175 = tpu.memref_slice %arg7[%gather3A_1174] : memref<400xf32, #tpu.memory_space<vmem>> -> memref<80xf32, #tpu.memory_space<vmem>>
    %gather3A_1176 = tpu.vector_load_idx %gather3A_1175[%get3A_1117] : memref<80xf32, #tpu.memory_space<vmem>>[vector<16xi32>], vector<16xf32>,
    %scatter3A_1177 = arith.constant 480 : i32
    %scatter3A_1178 = arith.constant 0 : i32
    %scatter3A_1179 = tpu.memref_slice %arg8[%scatter3A_1177, %scatter3A_1178] : memref<1024x5xf32, #tpu.memory_space<vmem>> -> memref<16x5xf32, #tpu.memory_space<vmem>>
    tpu.vector_store_idx %scatter3A_1179[%iota3A, %broadcast_in_dim3A_10], %gather3A_1138 : memref<16x5xf32, #tpu.memory_space<vmem>>[vector<16xi32>, vector<16xi32>], vector<16xf32>,
    %get3A_1180 = arith.constant 528 : index
    %get3A_1181 = tpu.vector_load %arg5[%get3A_1180] {strides = array<i32>} : memref<1024xi32, #tpu.memory_space<vmem>>, vector<16xi32>,
    %gather3A_1182 = arith.constant 0 : i32
    %gather3A_1183 = tpu.memref_slice %arg7[%gather3A_1182] : memref<400xf32, #tpu.memory_space<vmem>> -> memref<80xf32, #tpu.memory_space<vmem>>
    %gather3A_1184 = tpu.vector_load_idx %gather3A_1183[%get3A_1149] : memref<80xf32, #tpu.memory_space<vmem>>[vector<16xi32>], vector<16xf32>,
    %scatter3A_1185 = arith.constant 480 : i32
    %scatter3A_1186 = arith.constant 0 : i32
    %scatter3A_1187 = tpu.memref_slice %arg8[%scatter3A_1185, %scatter3A_1186] : memref<1024x5xf32, #tpu.memory_space<vmem>> -> memref<16x5xf32, #tpu.memory_space<vmem>>
    tpu.vector_store_idx %scatter3A_1187[%iota3A, %broadcast_in_dim3A_12], %gather3A_1144 : memref<16x5xf32, #tpu.memory_space<vmem>>[vector<16xi32>, vector<16xi32>], vector<16xf32>,
    %gather3A_1188 = arith.constant 80 : i32
    %gather3A_1189 = tpu.memref_slice %arg7[%gather3A_1188] : memref<400xf32, #tpu.memory_space<vmem>> -> memref<80xf32, #tpu.memory_space<vmem>>
    %gather3A_1190 = tpu.vector_load_idx %gather3A_1189[%get3A_1149] : memref<80xf32, #tpu.memory_space<vmem>>[vector<16xi32>], vector<16xf32>,
    %scatter3A_1191 = arith.constant 496 : i32
    %scatter3A_1192 = arith.constant 0 : i32
    %scatter3A_1193 = tpu.memref_slice %arg8[%scatter3A_1191, %scatter3A_1192] : memref<1024x5xf32, #tpu.memory_space<vmem>> -> memref<16x5xf32, #tpu.memory_space<vmem>>
    tpu.vector_store_idx %scatter3A_1193[%iota3A, %broadcast_in_dim3A_4], %gather3A_1152 : memref<16x5xf32, #tpu.memory_space<vmem>>[vector<16xi32>, vector<16xi32>], vector<16xf32>,
    %gather3A_1194 = arith.constant 160 : i32
    %gather3A_1195 = tpu.memref_slice %arg7[%gather3A_1194] : memref<400xf32, #tpu.memory_space<vmem>> -> memref<80xf32, #tpu.memory_space<vmem>>
    %gather3A_1196 = tpu.vector_load_idx %gather3A_1195[%get3A_1149] : memref<80xf32, #tpu.memory_space<vmem>>[vector<16xi32>], vector<16xf32>,
    %scatter3A_1197 = arith.constant 496 : i32
    %scatter3A_1198 = arith.constant 0 : i32
    %scatter3A_1199 = tpu.memref_slice %arg8[%scatter3A_1197, %scatter3A_1198] : memref<1024x5xf32, #tpu.memory_space<vmem>> -> memref<16x5xf32, #tpu.memory_space<vmem>>
    tpu.vector_store_idx %scatter3A_1199[%iota3A, %broadcast_in_dim3A_6], %gather3A_1158 : memref<16x5xf32, #tpu.memory_space<vmem>>[vector<16xi32>, vector<16xi32>], vector<16xf32>,
    %gather3A_1200 = arith.constant 240 : i32
    %gather3A_1201 = tpu.memref_slice %arg7[%gather3A_1200] : memref<400xf32, #tpu.memory_space<vmem>> -> memref<80xf32, #tpu.memory_space<vmem>>
    %gather3A_1202 = tpu.vector_load_idx %gather3A_1201[%get3A_1149] : memref<80xf32, #tpu.memory_space<vmem>>[vector<16xi32>], vector<16xf32>,
    %scatter3A_1203 = arith.constant 496 : i32
    %scatter3A_1204 = arith.constant 0 : i32
    %scatter3A_1205 = tpu.memref_slice %arg8[%scatter3A_1203, %scatter3A_1204] : memref<1024x5xf32, #tpu.memory_space<vmem>> -> memref<16x5xf32, #tpu.memory_space<vmem>>
    tpu.vector_store_idx %scatter3A_1205[%iota3A, %broadcast_in_dim3A_8], %gather3A_1164 : memref<16x5xf32, #tpu.memory_space<vmem>>[vector<16xi32>, vector<16xi32>], vector<16xf32>,
    %gather3A_1206 = arith.constant 320 : i32
    %gather3A_1207 = tpu.memref_slice %arg7[%gather3A_1206] : memref<400xf32, #tpu.memory_space<vmem>> -> memref<80xf32, #tpu.memory_space<vmem>>
    %gather3A_1208 = tpu.vector_load_idx %gather3A_1207[%get3A_1149] : memref<80xf32, #tpu.memory_space<vmem>>[vector<16xi32>], vector<16xf32>,
    %scatter3A_1209 = arith.constant 496 : i32
    %scatter3A_1210 = arith.constant 0 : i32
    %scatter3A_1211 = tpu.memref_slice %arg8[%scatter3A_1209, %scatter3A_1210] : memref<1024x5xf32, #tpu.memory_space<vmem>> -> memref<16x5xf32, #tpu.memory_space<vmem>>
    tpu.vector_store_idx %scatter3A_1211[%iota3A, %broadcast_in_dim3A_10], %gather3A_1170 : memref<16x5xf32, #tpu.memory_space<vmem>>[vector<16xi32>, vector<16xi32>], vector<16xf32>,
    %get3A_1212 = arith.constant 544 : index
    %get3A_1213 = tpu.vector_load %arg5[%get3A_1212] {strides = array<i32>} : memref<1024xi32, #tpu.memory_space<vmem>>, vector<16xi32>,
    %gather3A_1214 = arith.constant 0 : i32
    %gather3A_1215 = tpu.memref_slice %arg7[%gather3A_1214] : memref<400xf32, #tpu.memory_space<vmem>> -> memref<80xf32, #tpu.memory_space<vmem>>
    %gather3A_1216 = tpu.vector_load_idx %gather3A_1215[%get3A_1181] : memref<80xf32, #tpu.memory_space<vmem>>[vector<16xi32>], vector<16xf32>,
    %scatter3A_1217 = arith.constant 496 : i32
    %scatter3A_1218 = arith.constant 0 : i32
    %scatter3A_1219 = tpu.memref_slice %arg8[%scatter3A_1217, %scatter3A_1218] : memref<1024x5xf32, #tpu.memory_space<vmem>> -> memref<16x5xf32, #tpu.memory_space<vmem>>
    tpu.vector_store_idx %scatter3A_1219[%iota3A, %broadcast_in_dim3A_12], %gather3A_1176 : memref<16x5xf32, #tpu.memory_space<vmem>>[vector<16xi32>, vector<16xi32>], vector<16xf32>,
    %gather3A_1220 = arith.constant 80 : i32
    %gather3A_1221 = tpu.memref_slice %arg7[%gather3A_1220] : memref<400xf32, #tpu.memory_space<vmem>> -> memref<80xf32, #tpu.memory_space<vmem>>
    %gather3A_1222 = tpu.vector_load_idx %gather3A_1221[%get3A_1181] : memref<80xf32, #tpu.memory_space<vmem>>[vector<16xi32>], vector<16xf32>,
    %scatter3A_1223 = arith.constant 512 : i32
    %scatter3A_1224 = arith.constant 0 : i32
    %scatter3A_1225 = tpu.memref_slice %arg8[%scatter3A_1223, %scatter3A_1224] : memref<1024x5xf32, #tpu.memory_space<vmem>> -> memref<16x5xf32, #tpu.memory_space<vmem>>
    tpu.vector_store_idx %scatter3A_1225[%iota3A, %broadcast_in_dim3A_4], %gather3A_1184 : memref<16x5xf32, #tpu.memory_space<vmem>>[vector<16xi32>, vector<16xi32>], vector<16xf32>,
    %gather3A_1226 = arith.constant 160 : i32
    %gather3A_1227 = tpu.memref_slice %arg7[%gather3A_1226] : memref<400xf32, #tpu.memory_space<vmem>> -> memref<80xf32, #tpu.memory_space<vmem>>
    %gather3A_1228 = tpu.vector_load_idx %gather3A_1227[%get3A_1181] : memref<80xf32, #tpu.memory_space<vmem>>[vector<16xi32>], vector<16xf32>,
    %scatter3A_1229 = arith.constant 512 : i32
    %scatter3A_1230 = arith.constant 0 : i32
    %scatter3A_1231 = tpu.memref_slice %arg8[%scatter3A_1229, %scatter3A_1230] : memref<1024x5xf32, #tpu.memory_space<vmem>> -> memref<16x5xf32, #tpu.memory_space<vmem>>
    tpu.vector_store_idx %scatter3A_1231[%iota3A, %broadcast_in_dim3A_6], %gather3A_1190 : memref<16x5xf32, #tpu.memory_space<vmem>>[vector<16xi32>, vector<16xi32>], vector<16xf32>,
    %gather3A_1232 = arith.constant 240 : i32
    %gather3A_1233 = tpu.memref_slice %arg7[%gather3A_1232] : memref<400xf32, #tpu.memory_space<vmem>> -> memref<80xf32, #tpu.memory_space<vmem>>
    %gather3A_1234 = tpu.vector_load_idx %gather3A_1233[%get3A_1181] : memref<80xf32, #tpu.memory_space<vmem>>[vector<16xi32>], vector<16xf32>,
    %scatter3A_1235 = arith.constant 512 : i32
    %scatter3A_1236 = arith.constant 0 : i32
    %scatter3A_1237 = tpu.memref_slice %arg8[%scatter3A_1235, %scatter3A_1236] : memref<1024x5xf32, #tpu.memory_space<vmem>> -> memref<16x5xf32, #tpu.memory_space<vmem>>
    tpu.vector_store_idx %scatter3A_1237[%iota3A, %broadcast_in_dim3A_8], %gather3A_1196 : memref<16x5xf32, #tpu.memory_space<vmem>>[vector<16xi32>, vector<16xi32>], vector<16xf32>,
    %gather3A_1238 = arith.constant 320 : i32
    %gather3A_1239 = tpu.memref_slice %arg7[%gather3A_1238] : memref<400xf32, #tpu.memory_space<vmem>> -> memref<80xf32, #tpu.memory_space<vmem>>
    %gather3A_1240 = tpu.vector_load_idx %gather3A_1239[%get3A_1181] : memref<80xf32, #tpu.memory_space<vmem>>[vector<16xi32>], vector<16xf32>,
    %scatter3A_1241 = arith.constant 512 : i32
    %scatter3A_1242 = arith.constant 0 : i32
    %scatter3A_1243 = tpu.memref_slice %arg8[%scatter3A_1241, %scatter3A_1242] : memref<1024x5xf32, #tpu.memory_space<vmem>> -> memref<16x5xf32, #tpu.memory_space<vmem>>
    tpu.vector_store_idx %scatter3A_1243[%iota3A, %broadcast_in_dim3A_10], %gather3A_1202 : memref<16x5xf32, #tpu.memory_space<vmem>>[vector<16xi32>, vector<16xi32>], vector<16xf32>,
    %add3A_1244 = arith.constant 256 : i32
    %add3A_1245 = arith.addi %mul3A_2, %add3A_1244 : i32
    %dma_start3A_1246 = arith.constant 256 : i32
    %dma_start3A_1247 = arith.constant 0 : i32
    %dma_start3A_1248 = tpu.memref_slice %arg8[%dma_start3A_1246, %dma_start3A_1247] : memref<1024x5xf32, #tpu.memory_space<vmem>> -> memref<256x5xf32, #tpu.memory_space<vmem>>
    %dma_start3A_1249 = arith.constant 0 : i32
    %dma_start3A_1250 = tpu.memref_slice %arg4[%add3A_1245, %dma_start3A_1249] : memref<16384x5xf32, #tpu.memory_space<hbm>> -> memref<256x5xf32, #tpu.memory_space<hbm>>
    %dma_start3A_1251 = arith.constant 0 : i32
    %dma_start3A_1252 = tpu.memref_slice %arg4[%add3A_1245, %dma_start3A_1251] : memref<16384x5xf32, #tpu.memory_space<hbm>> -> memref<256x5xf32, #tpu.memory_space<hbm>>
    %dma_start3A_1253 = arith.constant 256 : i32
    %dma_start3A_1254 = arith.constant 0 : i32
    %dma_start3A_1255 = tpu.memref_slice %arg8[%dma_start3A_1253, %dma_start3A_1254] : memref<1024x5xf32, #tpu.memory_space<vmem>> -> memref<256x5xf32, #tpu.memory_space<vmem>>
    tpu.enqueue_dma source(%dma_start3A_1255 : memref<256x5xf32, #tpu.memory_space<vmem>>) target(%dma_start3A_1252 : memref<256x5xf32, #tpu.memory_space<hbm>>) target_semaphore(%arg10 : memref<!tpu.dma_semaphore, #tpu.memory_space<semaphore_mem>>)
    %get3A_1256 = arith.constant 560 : index
    %get3A_1257 = tpu.vector_load %arg5[%get3A_1256] {strides = array<i32>} : memref<1024xi32, #tpu.memory_space<vmem>>, vector<16xi32>,
    %gather3A_1258 = arith.constant 0 : i32
    %gather3A_1259 = tpu.memref_slice %arg7[%gather3A_1258] : memref<400xf32, #tpu.memory_space<vmem>> -> memref<80xf32, #tpu.memory_space<vmem>>
    %gather3A_1260 = tpu.vector_load_idx %gather3A_1259[%get3A_1213] : memref<80xf32, #tpu.memory_space<vmem>>[vector<16xi32>], vector<16xf32>,
    %scatter3A_1261 = arith.constant 512 : i32
    %scatter3A_1262 = arith.constant 0 : i32
    %scatter3A_1263 = tpu.memref_slice %arg8[%scatter3A_1261, %scatter3A_1262] : memref<1024x5xf32, #tpu.memory_space<vmem>> -> memref<16x5xf32, #tpu.memory_space<vmem>>
    tpu.vector_store_idx %scatter3A_1263[%iota3A, %broadcast_in_dim3A_12], %gather3A_1208 : memref<16x5xf32, #tpu.memory_space<vmem>>[vector<16xi32>, vector<16xi32>], vector<16xf32>,
    %gather3A_1264 = arith.constant 80 : i32
    %gather3A_1265 = tpu.memref_slice %arg7[%gather3A_1264] : memref<400xf32, #tpu.memory_space<vmem>> -> memref<80xf32, #tpu.memory_space<vmem>>
    %gather3A_1266 = tpu.vector_load_idx %gather3A_1265[%get3A_1213] : memref<80xf32, #tpu.memory_space<vmem>>[vector<16xi32>], vector<16xf32>,
    %scatter3A_1267 = arith.constant 528 : i32
    %scatter3A_1268 = arith.constant 0 : i32
    %scatter3A_1269 = tpu.memref_slice %arg8[%scatter3A_1267, %scatter3A_1268] : memref<1024x5xf32, #tpu.memory_space<vmem>> -> memref<16x5xf32, #tpu.memory_space<vmem>>
    tpu.vector_store_idx %scatter3A_1269[%iota3A, %broadcast_in_dim3A_4], %gather3A_1216 : memref<16x5xf32, #tpu.memory_space<vmem>>[vector<16xi32>, vector<16xi32>], vector<16xf32>,
    %gather3A_1270 = arith.constant 160 : i32
    %gather3A_1271 = tpu.memref_slice %arg7[%gather3A_1270] : memref<400xf32, #tpu.memory_space<vmem>> -> memref<80xf32, #tpu.memory_space<vmem>>
    %gather3A_1272 = tpu.vector_load_idx %gather3A_1271[%get3A_1213] : memref<80xf32, #tpu.memory_space<vmem>>[vector<16xi32>], vector<16xf32>,
    %scatter3A_1273 = arith.constant 528 : i32
    %scatter3A_1274 = arith.constant 0 : i32
    %scatter3A_1275 = tpu.memref_slice %arg8[%scatter3A_1273, %scatter3A_1274] : memref<1024x5xf32, #tpu.memory_space<vmem>> -> memref<16x5xf32, #tpu.memory_space<vmem>>
    tpu.vector_store_idx %scatter3A_1275[%iota3A, %broadcast_in_dim3A_6], %gather3A_1222 : memref<16x5xf32, #tpu.memory_space<vmem>>[vector<16xi32>, vector<16xi32>], vector<16xf32>,
    %gather3A_1276 = arith.constant 240 : i32
    %gather3A_1277 = tpu.memref_slice %arg7[%gather3A_1276] : memref<400xf32, #tpu.memory_space<vmem>> -> memref<80xf32, #tpu.memory_space<vmem>>
    %gather3A_1278 = tpu.vector_load_idx %gather3A_1277[%get3A_1213] : memref<80xf32, #tpu.memory_space<vmem>>[vector<16xi32>], vector<16xf32>,
    %scatter3A_1279 = arith.constant 528 : i32
    %scatter3A_1280 = arith.constant 0 : i32
    %scatter3A_1281 = tpu.memref_slice %arg8[%scatter3A_1279, %scatter3A_1280] : memref<1024x5xf32, #tpu.memory_space<vmem>> -> memref<16x5xf32, #tpu.memory_space<vmem>>
    tpu.vector_store_idx %scatter3A_1281[%iota3A, %broadcast_in_dim3A_8], %gather3A_1228 : memref<16x5xf32, #tpu.memory_space<vmem>>[vector<16xi32>, vector<16xi32>], vector<16xf32>,
    %gather3A_1282 = arith.constant 320 : i32
    %gather3A_1283 = tpu.memref_slice %arg7[%gather3A_1282] : memref<400xf32, #tpu.memory_space<vmem>> -> memref<80xf32, #tpu.memory_space<vmem>>
    %gather3A_1284 = tpu.vector_load_idx %gather3A_1283[%get3A_1213] : memref<80xf32, #tpu.memory_space<vmem>>[vector<16xi32>], vector<16xf32>,
    %scatter3A_1285 = arith.constant 528 : i32
    %scatter3A_1286 = arith.constant 0 : i32
    %scatter3A_1287 = tpu.memref_slice %arg8[%scatter3A_1285, %scatter3A_1286] : memref<1024x5xf32, #tpu.memory_space<vmem>> -> memref<16x5xf32, #tpu.memory_space<vmem>>
    tpu.vector_store_idx %scatter3A_1287[%iota3A, %broadcast_in_dim3A_10], %gather3A_1234 : memref<16x5xf32, #tpu.memory_space<vmem>>[vector<16xi32>, vector<16xi32>], vector<16xf32>,
    %get3A_1288 = arith.constant 576 : index
    %get3A_1289 = tpu.vector_load %arg5[%get3A_1288] {strides = array<i32>} : memref<1024xi32, #tpu.memory_space<vmem>>, vector<16xi32>,
    %gather3A_1290 = arith.constant 0 : i32
    %gather3A_1291 = tpu.memref_slice %arg7[%gather3A_1290] : memref<400xf32, #tpu.memory_space<vmem>> -> memref<80xf32, #tpu.memory_space<vmem>>
    %gather3A_1292 = tpu.vector_load_idx %gather3A_1291[%get3A_1257] : memref<80xf32, #tpu.memory_space<vmem>>[vector<16xi32>], vector<16xf32>,
    %scatter3A_1293 = arith.constant 528 : i32
    %scatter3A_1294 = arith.constant 0 : i32
    %scatter3A_1295 = tpu.memref_slice %arg8[%scatter3A_1293, %scatter3A_1294] : memref<1024x5xf32, #tpu.memory_space<vmem>> -> memref<16x5xf32, #tpu.memory_space<vmem>>
    tpu.vector_store_idx %scatter3A_1295[%iota3A, %broadcast_in_dim3A_12], %gather3A_1240 : memref<16x5xf32, #tpu.memory_space<vmem>>[vector<16xi32>, vector<16xi32>], vector<16xf32>,
    %gather3A_1296 = arith.constant 80 : i32
    %gather3A_1297 = tpu.memref_slice %arg7[%gather3A_1296] : memref<400xf32, #tpu.memory_space<vmem>> -> memref<80xf32, #tpu.memory_space<vmem>>
    %gather3A_1298 = tpu.vector_load_idx %gather3A_1297[%get3A_1257] : memref<80xf32, #tpu.memory_space<vmem>>[vector<16xi32>], vector<16xf32>,
    %scatter3A_1299 = arith.constant 544 : i32
    %scatter3A_1300 = arith.constant 0 : i32
    %scatter3A_1301 = tpu.memref_slice %arg8[%scatter3A_1299, %scatter3A_1300] : memref<1024x5xf32, #tpu.memory_space<vmem>> -> memref<16x5xf32, #tpu.memory_space<vmem>>
    tpu.vector_store_idx %scatter3A_1301[%iota3A, %broadcast_in_dim3A_4], %gather3A_1260 : memref<16x5xf32, #tpu.memory_space<vmem>>[vector<16xi32>, vector<16xi32>], vector<16xf32>,
    %gather3A_1302 = arith.constant 160 : i32
    %gather3A_1303 = tpu.memref_slice %arg7[%gather3A_1302] : memref<400xf32, #tpu.memory_space<vmem>> -> memref<80xf32, #tpu.memory_space<vmem>>
    %gather3A_1304 = tpu.vector_load_idx %gather3A_1303[%get3A_1257] : memref<80xf32, #tpu.memory_space<vmem>>[vector<16xi32>], vector<16xf32>,
    %scatter3A_1305 = arith.constant 544 : i32
    %scatter3A_1306 = arith.constant 0 : i32
    %scatter3A_1307 = tpu.memref_slice %arg8[%scatter3A_1305, %scatter3A_1306] : memref<1024x5xf32, #tpu.memory_space<vmem>> -> memref<16x5xf32, #tpu.memory_space<vmem>>
    tpu.vector_store_idx %scatter3A_1307[%iota3A, %broadcast_in_dim3A_6], %gather3A_1266 : memref<16x5xf32, #tpu.memory_space<vmem>>[vector<16xi32>, vector<16xi32>], vector<16xf32>,
    %gather3A_1308 = arith.constant 240 : i32
    %gather3A_1309 = tpu.memref_slice %arg7[%gather3A_1308] : memref<400xf32, #tpu.memory_space<vmem>> -> memref<80xf32, #tpu.memory_space<vmem>>
    %gather3A_1310 = tpu.vector_load_idx %gather3A_1309[%get3A_1257] : memref<80xf32, #tpu.memory_space<vmem>>[vector<16xi32>], vector<16xf32>,
    %scatter3A_1311 = arith.constant 544 : i32
    %scatter3A_1312 = arith.constant 0 : i32
    %scatter3A_1313 = tpu.memref_slice %arg8[%scatter3A_1311, %scatter3A_1312] : memref<1024x5xf32, #tpu.memory_space<vmem>> -> memref<16x5xf32, #tpu.memory_space<vmem>>
    tpu.vector_store_idx %scatter3A_1313[%iota3A, %broadcast_in_dim3A_8], %gather3A_1272 : memref<16x5xf32, #tpu.memory_space<vmem>>[vector<16xi32>, vector<16xi32>], vector<16xf32>,
    %gather3A_1314 = arith.constant 320 : i32
    %gather3A_1315 = tpu.memref_slice %arg7[%gather3A_1314] : memref<400xf32, #tpu.memory_space<vmem>> -> memref<80xf32, #tpu.memory_space<vmem>>
    %gather3A_1316 = tpu.vector_load_idx %gather3A_1315[%get3A_1257] : memref<80xf32, #tpu.memory_space<vmem>>[vector<16xi32>], vector<16xf32>,
    %scatter3A_1317 = arith.constant 544 : i32
    %scatter3A_1318 = arith.constant 0 : i32
    %scatter3A_1319 = tpu.memref_slice %arg8[%scatter3A_1317, %scatter3A_1318] : memref<1024x5xf32, #tpu.memory_space<vmem>> -> memref<16x5xf32, #tpu.memory_space<vmem>>
    tpu.vector_store_idx %scatter3A_1319[%iota3A, %broadcast_in_dim3A_10], %gather3A_1278 : memref<16x5xf32, #tpu.memory_space<vmem>>[vector<16xi32>, vector<16xi32>], vector<16xf32>,
    %get3A_1320 = arith.constant 592 : index
    %get3A_1321 = tpu.vector_load %arg5[%get3A_1320] {strides = array<i32>} : memref<1024xi32, #tpu.memory_space<vmem>>, vector<16xi32>,
    %gather3A_1322 = arith.constant 0 : i32
    %gather3A_1323 = tpu.memref_slice %arg7[%gather3A_1322] : memref<400xf32, #tpu.memory_space<vmem>> -> memref<80xf32, #tpu.memory_space<vmem>>
    %gather3A_1324 = tpu.vector_load_idx %gather3A_1323[%get3A_1289] : memref<80xf32, #tpu.memory_space<vmem>>[vector<16xi32>], vector<16xf32>,
    %scatter3A_1325 = arith.constant 544 : i32
    %scatter3A_1326 = arith.constant 0 : i32
    %scatter3A_1327 = tpu.memref_slice %arg8[%scatter3A_1325, %scatter3A_1326] : memref<1024x5xf32, #tpu.memory_space<vmem>> -> memref<16x5xf32, #tpu.memory_space<vmem>>
    tpu.vector_store_idx %scatter3A_1327[%iota3A, %broadcast_in_dim3A_12], %gather3A_1284 : memref<16x5xf32, #tpu.memory_space<vmem>>[vector<16xi32>, vector<16xi32>], vector<16xf32>,
    %gather3A_1328 = arith.constant 80 : i32
    %gather3A_1329 = tpu.memref_slice %arg7[%gather3A_1328] : memref<400xf32, #tpu.memory_space<vmem>> -> memref<80xf32, #tpu.memory_space<vmem>>
    %gather3A_1330 = tpu.vector_load_idx %gather3A_1329[%get3A_1289] : memref<80xf32, #tpu.memory_space<vmem>>[vector<16xi32>], vector<16xf32>,
    %scatter3A_1331 = arith.constant 560 : i32
    %scatter3A_1332 = arith.constant 0 : i32
    %scatter3A_1333 = tpu.memref_slice %arg8[%scatter3A_1331, %scatter3A_1332] : memref<1024x5xf32, #tpu.memory_space<vmem>> -> memref<16x5xf32, #tpu.memory_space<vmem>>
    tpu.vector_store_idx %scatter3A_1333[%iota3A, %broadcast_in_dim3A_4], %gather3A_1292 : memref<16x5xf32, #tpu.memory_space<vmem>>[vector<16xi32>, vector<16xi32>], vector<16xf32>,
    %gather3A_1334 = arith.constant 160 : i32
    %gather3A_1335 = tpu.memref_slice %arg7[%gather3A_1334] : memref<400xf32, #tpu.memory_space<vmem>> -> memref<80xf32, #tpu.memory_space<vmem>>
    %gather3A_1336 = tpu.vector_load_idx %gather3A_1335[%get3A_1289] : memref<80xf32, #tpu.memory_space<vmem>>[vector<16xi32>], vector<16xf32>,
    %scatter3A_1337 = arith.constant 560 : i32
    %scatter3A_1338 = arith.constant 0 : i32
    %scatter3A_1339 = tpu.memref_slice %arg8[%scatter3A_1337, %scatter3A_1338] : memref<1024x5xf32, #tpu.memory_space<vmem>> -> memref<16x5xf32, #tpu.memory_space<vmem>>
    tpu.vector_store_idx %scatter3A_1339[%iota3A, %broadcast_in_dim3A_6], %gather3A_1298 : memref<16x5xf32, #tpu.memory_space<vmem>>[vector<16xi32>, vector<16xi32>], vector<16xf32>,
    %gather3A_1340 = arith.constant 240 : i32
    %gather3A_1341 = tpu.memref_slice %arg7[%gather3A_1340] : memref<400xf32, #tpu.memory_space<vmem>> -> memref<80xf32, #tpu.memory_space<vmem>>
    %gather3A_1342 = tpu.vector_load_idx %gather3A_1341[%get3A_1289] : memref<80xf32, #tpu.memory_space<vmem>>[vector<16xi32>], vector<16xf32>,
    %scatter3A_1343 = arith.constant 560 : i32
    %scatter3A_1344 = arith.constant 0 : i32
    %scatter3A_1345 = tpu.memref_slice %arg8[%scatter3A_1343, %scatter3A_1344] : memref<1024x5xf32, #tpu.memory_space<vmem>> -> memref<16x5xf32, #tpu.memory_space<vmem>>
    tpu.vector_store_idx %scatter3A_1345[%iota3A, %broadcast_in_dim3A_8], %gather3A_1304 : memref<16x5xf32, #tpu.memory_space<vmem>>[vector<16xi32>, vector<16xi32>], vector<16xf32>,
    %gather3A_1346 = arith.constant 320 : i32
    %gather3A_1347 = tpu.memref_slice %arg7[%gather3A_1346] : memref<400xf32, #tpu.memory_space<vmem>> -> memref<80xf32, #tpu.memory_space<vmem>>
    %gather3A_1348 = tpu.vector_load_idx %gather3A_1347[%get3A_1289] : memref<80xf32, #tpu.memory_space<vmem>>[vector<16xi32>], vector<16xf32>,
    %scatter3A_1349 = arith.constant 560 : i32
    %scatter3A_1350 = arith.constant 0 : i32
    %scatter3A_1351 = tpu.memref_slice %arg8[%scatter3A_1349, %scatter3A_1350] : memref<1024x5xf32, #tpu.memory_space<vmem>> -> memref<16x5xf32, #tpu.memory_space<vmem>>
    tpu.vector_store_idx %scatter3A_1351[%iota3A, %broadcast_in_dim3A_10], %gather3A_1310 : memref<16x5xf32, #tpu.memory_space<vmem>>[vector<16xi32>, vector<16xi32>], vector<16xf32>,
    %get3A_1352 = arith.constant 608 : index
    %get3A_1353 = tpu.vector_load %arg5[%get3A_1352] {strides = array<i32>} : memref<1024xi32, #tpu.memory_space<vmem>>, vector<16xi32>,
    %gather3A_1354 = arith.constant 0 : i32
    %gather3A_1355 = tpu.memref_slice %arg7[%gather3A_1354] : memref<400xf32, #tpu.memory_space<vmem>> -> memref<80xf32, #tpu.memory_space<vmem>>
    %gather3A_1356 = tpu.vector_load_idx %gather3A_1355[%get3A_1321] : memref<80xf32, #tpu.memory_space<vmem>>[vector<16xi32>], vector<16xf32>,
    %scatter3A_1357 = arith.constant 560 : i32
    %scatter3A_1358 = arith.constant 0 : i32
    %scatter3A_1359 = tpu.memref_slice %arg8[%scatter3A_1357, %scatter3A_1358] : memref<1024x5xf32, #tpu.memory_space<vmem>> -> memref<16x5xf32, #tpu.memory_space<vmem>>
    tpu.vector_store_idx %scatter3A_1359[%iota3A, %broadcast_in_dim3A_12], %gather3A_1316 : memref<16x5xf32, #tpu.memory_space<vmem>>[vector<16xi32>, vector<16xi32>], vector<16xf32>,
    %gather3A_1360 = arith.constant 80 : i32
    %gather3A_1361 = tpu.memref_slice %arg7[%gather3A_1360] : memref<400xf32, #tpu.memory_space<vmem>> -> memref<80xf32, #tpu.memory_space<vmem>>
    %gather3A_1362 = tpu.vector_load_idx %gather3A_1361[%get3A_1321] : memref<80xf32, #tpu.memory_space<vmem>>[vector<16xi32>], vector<16xf32>,
    %scatter3A_1363 = arith.constant 576 : i32
    %scatter3A_1364 = arith.constant 0 : i32
    %scatter3A_1365 = tpu.memref_slice %arg8[%scatter3A_1363, %scatter3A_1364] : memref<1024x5xf32, #tpu.memory_space<vmem>> -> memref<16x5xf32, #tpu.memory_space<vmem>>
    tpu.vector_store_idx %scatter3A_1365[%iota3A, %broadcast_in_dim3A_4], %gather3A_1324 : memref<16x5xf32, #tpu.memory_space<vmem>>[vector<16xi32>, vector<16xi32>], vector<16xf32>,
    %gather3A_1366 = arith.constant 160 : i32
    %gather3A_1367 = tpu.memref_slice %arg7[%gather3A_1366] : memref<400xf32, #tpu.memory_space<vmem>> -> memref<80xf32, #tpu.memory_space<vmem>>
    %gather3A_1368 = tpu.vector_load_idx %gather3A_1367[%get3A_1321] : memref<80xf32, #tpu.memory_space<vmem>>[vector<16xi32>], vector<16xf32>,
    %scatter3A_1369 = arith.constant 576 : i32
    %scatter3A_1370 = arith.constant 0 : i32
    %scatter3A_1371 = tpu.memref_slice %arg8[%scatter3A_1369, %scatter3A_1370] : memref<1024x5xf32, #tpu.memory_space<vmem>> -> memref<16x5xf32, #tpu.memory_space<vmem>>
    tpu.vector_store_idx %scatter3A_1371[%iota3A, %broadcast_in_dim3A_6], %gather3A_1330 : memref<16x5xf32, #tpu.memory_space<vmem>>[vector<16xi32>, vector<16xi32>], vector<16xf32>,
    %gather3A_1372 = arith.constant 240 : i32
    %gather3A_1373 = tpu.memref_slice %arg7[%gather3A_1372] : memref<400xf32, #tpu.memory_space<vmem>> -> memref<80xf32, #tpu.memory_space<vmem>>
    %gather3A_1374 = tpu.vector_load_idx %gather3A_1373[%get3A_1321] : memref<80xf32, #tpu.memory_space<vmem>>[vector<16xi32>], vector<16xf32>,
    %scatter3A_1375 = arith.constant 576 : i32
    %scatter3A_1376 = arith.constant 0 : i32
    %scatter3A_1377 = tpu.memref_slice %arg8[%scatter3A_1375, %scatter3A_1376] : memref<1024x5xf32, #tpu.memory_space<vmem>> -> memref<16x5xf32, #tpu.memory_space<vmem>>
    tpu.vector_store_idx %scatter3A_1377[%iota3A, %broadcast_in_dim3A_8], %gather3A_1336 : memref<16x5xf32, #tpu.memory_space<vmem>>[vector<16xi32>, vector<16xi32>], vector<16xf32>,
    %gather3A_1378 = arith.constant 320 : i32
    %gather3A_1379 = tpu.memref_slice %arg7[%gather3A_1378] : memref<400xf32, #tpu.memory_space<vmem>> -> memref<80xf32, #tpu.memory_space<vmem>>
    %gather3A_1380 = tpu.vector_load_idx %gather3A_1379[%get3A_1321] : memref<80xf32, #tpu.memory_space<vmem>>[vector<16xi32>], vector<16xf32>,
    %scatter3A_1381 = arith.constant 576 : i32
    %scatter3A_1382 = arith.constant 0 : i32
    %scatter3A_1383 = tpu.memref_slice %arg8[%scatter3A_1381, %scatter3A_1382] : memref<1024x5xf32, #tpu.memory_space<vmem>> -> memref<16x5xf32, #tpu.memory_space<vmem>>
    tpu.vector_store_idx %scatter3A_1383[%iota3A, %broadcast_in_dim3A_10], %gather3A_1342 : memref<16x5xf32, #tpu.memory_space<vmem>>[vector<16xi32>, vector<16xi32>], vector<16xf32>,
    %get3A_1384 = arith.constant 624 : index
    %get3A_1385 = tpu.vector_load %arg5[%get3A_1384] {strides = array<i32>} : memref<1024xi32, #tpu.memory_space<vmem>>, vector<16xi32>,
    %gather3A_1386 = arith.constant 0 : i32
    %gather3A_1387 = tpu.memref_slice %arg7[%gather3A_1386] : memref<400xf32, #tpu.memory_space<vmem>> -> memref<80xf32, #tpu.memory_space<vmem>>
    %gather3A_1388 = tpu.vector_load_idx %gather3A_1387[%get3A_1353] : memref<80xf32, #tpu.memory_space<vmem>>[vector<16xi32>], vector<16xf32>,
    %scatter3A_1389 = arith.constant 576 : i32
    %scatter3A_1390 = arith.constant 0 : i32
    %scatter3A_1391 = tpu.memref_slice %arg8[%scatter3A_1389, %scatter3A_1390] : memref<1024x5xf32, #tpu.memory_space<vmem>> -> memref<16x5xf32, #tpu.memory_space<vmem>>
    tpu.vector_store_idx %scatter3A_1391[%iota3A, %broadcast_in_dim3A_12], %gather3A_1348 : memref<16x5xf32, #tpu.memory_space<vmem>>[vector<16xi32>, vector<16xi32>], vector<16xf32>,
    %gather3A_1392 = arith.constant 80 : i32
    %gather3A_1393 = tpu.memref_slice %arg7[%gather3A_1392] : memref<400xf32, #tpu.memory_space<vmem>> -> memref<80xf32, #tpu.memory_space<vmem>>
    %gather3A_1394 = tpu.vector_load_idx %gather3A_1393[%get3A_1353] : memref<80xf32, #tpu.memory_space<vmem>>[vector<16xi32>], vector<16xf32>,
    %scatter3A_1395 = arith.constant 592 : i32
    %scatter3A_1396 = arith.constant 0 : i32
    %scatter3A_1397 = tpu.memref_slice %arg8[%scatter3A_1395, %scatter3A_1396] : memref<1024x5xf32, #tpu.memory_space<vmem>> -> memref<16x5xf32, #tpu.memory_space<vmem>>
    tpu.vector_store_idx %scatter3A_1397[%iota3A, %broadcast_in_dim3A_4], %gather3A_1356 : memref<16x5xf32, #tpu.memory_space<vmem>>[vector<16xi32>, vector<16xi32>], vector<16xf32>,
    %gather3A_1398 = arith.constant 160 : i32
    %gather3A_1399 = tpu.memref_slice %arg7[%gather3A_1398] : memref<400xf32, #tpu.memory_space<vmem>> -> memref<80xf32, #tpu.memory_space<vmem>>
    %gather3A_1400 = tpu.vector_load_idx %gather3A_1399[%get3A_1353] : memref<80xf32, #tpu.memory_space<vmem>>[vector<16xi32>], vector<16xf32>,
    %scatter3A_1401 = arith.constant 592 : i32
    %scatter3A_1402 = arith.constant 0 : i32
    %scatter3A_1403 = tpu.memref_slice %arg8[%scatter3A_1401, %scatter3A_1402] : memref<1024x5xf32, #tpu.memory_space<vmem>> -> memref<16x5xf32, #tpu.memory_space<vmem>>
    tpu.vector_store_idx %scatter3A_1403[%iota3A, %broadcast_in_dim3A_6], %gather3A_1362 : memref<16x5xf32, #tpu.memory_space<vmem>>[vector<16xi32>, vector<16xi32>], vector<16xf32>,
    %gather3A_1404 = arith.constant 240 : i32
    %gather3A_1405 = tpu.memref_slice %arg7[%gather3A_1404] : memref<400xf32, #tpu.memory_space<vmem>> -> memref<80xf32, #tpu.memory_space<vmem>>
    %gather3A_1406 = tpu.vector_load_idx %gather3A_1405[%get3A_1353] : memref<80xf32, #tpu.memory_space<vmem>>[vector<16xi32>], vector<16xf32>,
    %scatter3A_1407 = arith.constant 592 : i32
    %scatter3A_1408 = arith.constant 0 : i32
    %scatter3A_1409 = tpu.memref_slice %arg8[%scatter3A_1407, %scatter3A_1408] : memref<1024x5xf32, #tpu.memory_space<vmem>> -> memref<16x5xf32, #tpu.memory_space<vmem>>
    tpu.vector_store_idx %scatter3A_1409[%iota3A, %broadcast_in_dim3A_8], %gather3A_1368 : memref<16x5xf32, #tpu.memory_space<vmem>>[vector<16xi32>, vector<16xi32>], vector<16xf32>,
    %gather3A_1410 = arith.constant 320 : i32
    %gather3A_1411 = tpu.memref_slice %arg7[%gather3A_1410] : memref<400xf32, #tpu.memory_space<vmem>> -> memref<80xf32, #tpu.memory_space<vmem>>
    %gather3A_1412 = tpu.vector_load_idx %gather3A_1411[%get3A_1353] : memref<80xf32, #tpu.memory_space<vmem>>[vector<16xi32>], vector<16xf32>,
    %scatter3A_1413 = arith.constant 592 : i32
    %scatter3A_1414 = arith.constant 0 : i32
    %scatter3A_1415 = tpu.memref_slice %arg8[%scatter3A_1413, %scatter3A_1414] : memref<1024x5xf32, #tpu.memory_space<vmem>> -> memref<16x5xf32, #tpu.memory_space<vmem>>
    tpu.vector_store_idx %scatter3A_1415[%iota3A, %broadcast_in_dim3A_10], %gather3A_1374 : memref<16x5xf32, #tpu.memory_space<vmem>>[vector<16xi32>, vector<16xi32>], vector<16xf32>,
    %get3A_1416 = arith.constant 640 : index
    %get3A_1417 = tpu.vector_load %arg5[%get3A_1416] {strides = array<i32>} : memref<1024xi32, #tpu.memory_space<vmem>>, vector<16xi32>,
    %gather3A_1418 = arith.constant 0 : i32
    %gather3A_1419 = tpu.memref_slice %arg7[%gather3A_1418] : memref<400xf32, #tpu.memory_space<vmem>> -> memref<80xf32, #tpu.memory_space<vmem>>
    %gather3A_1420 = tpu.vector_load_idx %gather3A_1419[%get3A_1385] : memref<80xf32, #tpu.memory_space<vmem>>[vector<16xi32>], vector<16xf32>,
    %scatter3A_1421 = arith.constant 592 : i32
    %scatter3A_1422 = arith.constant 0 : i32
    %scatter3A_1423 = tpu.memref_slice %arg8[%scatter3A_1421, %scatter3A_1422] : memref<1024x5xf32, #tpu.memory_space<vmem>> -> memref<16x5xf32, #tpu.memory_space<vmem>>
    tpu.vector_store_idx %scatter3A_1423[%iota3A, %broadcast_in_dim3A_12], %gather3A_1380 : memref<16x5xf32, #tpu.memory_space<vmem>>[vector<16xi32>, vector<16xi32>], vector<16xf32>,
    %gather3A_1424 = arith.constant 80 : i32
    %gather3A_1425 = tpu.memref_slice %arg7[%gather3A_1424] : memref<400xf32, #tpu.memory_space<vmem>> -> memref<80xf32, #tpu.memory_space<vmem>>
    %gather3A_1426 = tpu.vector_load_idx %gather3A_1425[%get3A_1385] : memref<80xf32, #tpu.memory_space<vmem>>[vector<16xi32>], vector<16xf32>,
    %scatter3A_1427 = arith.constant 608 : i32
    %scatter3A_1428 = arith.constant 0 : i32
    %scatter3A_1429 = tpu.memref_slice %arg8[%scatter3A_1427, %scatter3A_1428] : memref<1024x5xf32, #tpu.memory_space<vmem>> -> memref<16x5xf32, #tpu.memory_space<vmem>>
    tpu.vector_store_idx %scatter3A_1429[%iota3A, %broadcast_in_dim3A_4], %gather3A_1388 : memref<16x5xf32, #tpu.memory_space<vmem>>[vector<16xi32>, vector<16xi32>], vector<16xf32>,
    %gather3A_1430 = arith.constant 160 : i32
    %gather3A_1431 = tpu.memref_slice %arg7[%gather3A_1430] : memref<400xf32, #tpu.memory_space<vmem>> -> memref<80xf32, #tpu.memory_space<vmem>>
    %gather3A_1432 = tpu.vector_load_idx %gather3A_1431[%get3A_1385] : memref<80xf32, #tpu.memory_space<vmem>>[vector<16xi32>], vector<16xf32>,
    %scatter3A_1433 = arith.constant 608 : i32
    %scatter3A_1434 = arith.constant 0 : i32
    %scatter3A_1435 = tpu.memref_slice %arg8[%scatter3A_1433, %scatter3A_1434] : memref<1024x5xf32, #tpu.memory_space<vmem>> -> memref<16x5xf32, #tpu.memory_space<vmem>>
    tpu.vector_store_idx %scatter3A_1435[%iota3A, %broadcast_in_dim3A_6], %gather3A_1394 : memref<16x5xf32, #tpu.memory_space<vmem>>[vector<16xi32>, vector<16xi32>], vector<16xf32>,
    %gather3A_1436 = arith.constant 240 : i32
    %gather3A_1437 = tpu.memref_slice %arg7[%gather3A_1436] : memref<400xf32, #tpu.memory_space<vmem>> -> memref<80xf32, #tpu.memory_space<vmem>>
    %gather3A_1438 = tpu.vector_load_idx %gather3A_1437[%get3A_1385] : memref<80xf32, #tpu.memory_space<vmem>>[vector<16xi32>], vector<16xf32>,
    %scatter3A_1439 = arith.constant 608 : i32
    %scatter3A_1440 = arith.constant 0 : i32
    %scatter3A_1441 = tpu.memref_slice %arg8[%scatter3A_1439, %scatter3A_1440] : memref<1024x5xf32, #tpu.memory_space<vmem>> -> memref<16x5xf32, #tpu.memory_space<vmem>>
    tpu.vector_store_idx %scatter3A_1441[%iota3A, %broadcast_in_dim3A_8], %gather3A_1400 : memref<16x5xf32, #tpu.memory_space<vmem>>[vector<16xi32>, vector<16xi32>], vector<16xf32>,
    %gather3A_1442 = arith.constant 320 : i32
    %gather3A_1443 = tpu.memref_slice %arg7[%gather3A_1442] : memref<400xf32, #tpu.memory_space<vmem>> -> memref<80xf32, #tpu.memory_space<vmem>>
    %gather3A_1444 = tpu.vector_load_idx %gather3A_1443[%get3A_1385] : memref<80xf32, #tpu.memory_space<vmem>>[vector<16xi32>], vector<16xf32>,
    %scatter3A_1445 = arith.constant 608 : i32
    %scatter3A_1446 = arith.constant 0 : i32
    %scatter3A_1447 = tpu.memref_slice %arg8[%scatter3A_1445, %scatter3A_1446] : memref<1024x5xf32, #tpu.memory_space<vmem>> -> memref<16x5xf32, #tpu.memory_space<vmem>>
    tpu.vector_store_idx %scatter3A_1447[%iota3A, %broadcast_in_dim3A_10], %gather3A_1406 : memref<16x5xf32, #tpu.memory_space<vmem>>[vector<16xi32>, vector<16xi32>], vector<16xf32>,
    %get3A_1448 = arith.constant 656 : index
    %get3A_1449 = tpu.vector_load %arg5[%get3A_1448] {strides = array<i32>} : memref<1024xi32, #tpu.memory_space<vmem>>, vector<16xi32>,
    %gather3A_1450 = arith.constant 0 : i32
    %gather3A_1451 = tpu.memref_slice %arg7[%gather3A_1450] : memref<400xf32, #tpu.memory_space<vmem>> -> memref<80xf32, #tpu.memory_space<vmem>>
    %gather3A_1452 = tpu.vector_load_idx %gather3A_1451[%get3A_1417] : memref<80xf32, #tpu.memory_space<vmem>>[vector<16xi32>], vector<16xf32>,
    %scatter3A_1453 = arith.constant 608 : i32
    %scatter3A_1454 = arith.constant 0 : i32
    %scatter3A_1455 = tpu.memref_slice %arg8[%scatter3A_1453, %scatter3A_1454] : memref<1024x5xf32, #tpu.memory_space<vmem>> -> memref<16x5xf32, #tpu.memory_space<vmem>>
    tpu.vector_store_idx %scatter3A_1455[%iota3A, %broadcast_in_dim3A_12], %gather3A_1412 : memref<16x5xf32, #tpu.memory_space<vmem>>[vector<16xi32>, vector<16xi32>], vector<16xf32>,
    %gather3A_1456 = arith.constant 80 : i32
    %gather3A_1457 = tpu.memref_slice %arg7[%gather3A_1456] : memref<400xf32, #tpu.memory_space<vmem>> -> memref<80xf32, #tpu.memory_space<vmem>>
    %gather3A_1458 = tpu.vector_load_idx %gather3A_1457[%get3A_1417] : memref<80xf32, #tpu.memory_space<vmem>>[vector<16xi32>], vector<16xf32>,
    %scatter3A_1459 = arith.constant 624 : i32
    %scatter3A_1460 = arith.constant 0 : i32
    %scatter3A_1461 = tpu.memref_slice %arg8[%scatter3A_1459, %scatter3A_1460] : memref<1024x5xf32, #tpu.memory_space<vmem>> -> memref<16x5xf32, #tpu.memory_space<vmem>>
    tpu.vector_store_idx %scatter3A_1461[%iota3A, %broadcast_in_dim3A_4], %gather3A_1420 : memref<16x5xf32, #tpu.memory_space<vmem>>[vector<16xi32>, vector<16xi32>], vector<16xf32>,
    %gather3A_1462 = arith.constant 160 : i32
    %gather3A_1463 = tpu.memref_slice %arg7[%gather3A_1462] : memref<400xf32, #tpu.memory_space<vmem>> -> memref<80xf32, #tpu.memory_space<vmem>>
    %gather3A_1464 = tpu.vector_load_idx %gather3A_1463[%get3A_1417] : memref<80xf32, #tpu.memory_space<vmem>>[vector<16xi32>], vector<16xf32>,
    %scatter3A_1465 = arith.constant 624 : i32
    %scatter3A_1466 = arith.constant 0 : i32
    %scatter3A_1467 = tpu.memref_slice %arg8[%scatter3A_1465, %scatter3A_1466] : memref<1024x5xf32, #tpu.memory_space<vmem>> -> memref<16x5xf32, #tpu.memory_space<vmem>>
    tpu.vector_store_idx %scatter3A_1467[%iota3A, %broadcast_in_dim3A_6], %gather3A_1426 : memref<16x5xf32, #tpu.memory_space<vmem>>[vector<16xi32>, vector<16xi32>], vector<16xf32>,
    %gather3A_1468 = arith.constant 240 : i32
    %gather3A_1469 = tpu.memref_slice %arg7[%gather3A_1468] : memref<400xf32, #tpu.memory_space<vmem>> -> memref<80xf32, #tpu.memory_space<vmem>>
    %gather3A_1470 = tpu.vector_load_idx %gather3A_1469[%get3A_1417] : memref<80xf32, #tpu.memory_space<vmem>>[vector<16xi32>], vector<16xf32>,
    %scatter3A_1471 = arith.constant 624 : i32
    %scatter3A_1472 = arith.constant 0 : i32
    %scatter3A_1473 = tpu.memref_slice %arg8[%scatter3A_1471, %scatter3A_1472] : memref<1024x5xf32, #tpu.memory_space<vmem>> -> memref<16x5xf32, #tpu.memory_space<vmem>>
    tpu.vector_store_idx %scatter3A_1473[%iota3A, %broadcast_in_dim3A_8], %gather3A_1432 : memref<16x5xf32, #tpu.memory_space<vmem>>[vector<16xi32>, vector<16xi32>], vector<16xf32>,
    %gather3A_1474 = arith.constant 320 : i32
    %gather3A_1475 = tpu.memref_slice %arg7[%gather3A_1474] : memref<400xf32, #tpu.memory_space<vmem>> -> memref<80xf32, #tpu.memory_space<vmem>>
    %gather3A_1476 = tpu.vector_load_idx %gather3A_1475[%get3A_1417] : memref<80xf32, #tpu.memory_space<vmem>>[vector<16xi32>], vector<16xf32>,
    %scatter3A_1477 = arith.constant 624 : i32
    %scatter3A_1478 = arith.constant 0 : i32
    %scatter3A_1479 = tpu.memref_slice %arg8[%scatter3A_1477, %scatter3A_1478] : memref<1024x5xf32, #tpu.memory_space<vmem>> -> memref<16x5xf32, #tpu.memory_space<vmem>>
    tpu.vector_store_idx %scatter3A_1479[%iota3A, %broadcast_in_dim3A_10], %gather3A_1438 : memref<16x5xf32, #tpu.memory_space<vmem>>[vector<16xi32>, vector<16xi32>], vector<16xf32>,
    %get3A_1480 = arith.constant 672 : index
    %get3A_1481 = tpu.vector_load %arg5[%get3A_1480] {strides = array<i32>} : memref<1024xi32, #tpu.memory_space<vmem>>, vector<16xi32>,
    %gather3A_1482 = arith.constant 0 : i32
    %gather3A_1483 = tpu.memref_slice %arg7[%gather3A_1482] : memref<400xf32, #tpu.memory_space<vmem>> -> memref<80xf32, #tpu.memory_space<vmem>>
    %gather3A_1484 = tpu.vector_load_idx %gather3A_1483[%get3A_1449] : memref<80xf32, #tpu.memory_space<vmem>>[vector<16xi32>], vector<16xf32>,
    %scatter3A_1485 = arith.constant 624 : i32
    %scatter3A_1486 = arith.constant 0 : i32
    %scatter3A_1487 = tpu.memref_slice %arg8[%scatter3A_1485, %scatter3A_1486] : memref<1024x5xf32, #tpu.memory_space<vmem>> -> memref<16x5xf32, #tpu.memory_space<vmem>>
    tpu.vector_store_idx %scatter3A_1487[%iota3A, %broadcast_in_dim3A_12], %gather3A_1444 : memref<16x5xf32, #tpu.memory_space<vmem>>[vector<16xi32>, vector<16xi32>], vector<16xf32>,
    %gather3A_1488 = arith.constant 80 : i32
    %gather3A_1489 = tpu.memref_slice %arg7[%gather3A_1488] : memref<400xf32, #tpu.memory_space<vmem>> -> memref<80xf32, #tpu.memory_space<vmem>>
    %gather3A_1490 = tpu.vector_load_idx %gather3A_1489[%get3A_1449] : memref<80xf32, #tpu.memory_space<vmem>>[vector<16xi32>], vector<16xf32>,
    %scatter3A_1491 = arith.constant 640 : i32
    %scatter3A_1492 = arith.constant 0 : i32
    %scatter3A_1493 = tpu.memref_slice %arg8[%scatter3A_1491, %scatter3A_1492] : memref<1024x5xf32, #tpu.memory_space<vmem>> -> memref<16x5xf32, #tpu.memory_space<vmem>>
    tpu.vector_store_idx %scatter3A_1493[%iota3A, %broadcast_in_dim3A_4], %gather3A_1452 : memref<16x5xf32, #tpu.memory_space<vmem>>[vector<16xi32>, vector<16xi32>], vector<16xf32>,
    %gather3A_1494 = arith.constant 160 : i32
    %gather3A_1495 = tpu.memref_slice %arg7[%gather3A_1494] : memref<400xf32, #tpu.memory_space<vmem>> -> memref<80xf32, #tpu.memory_space<vmem>>
    %gather3A_1496 = tpu.vector_load_idx %gather3A_1495[%get3A_1449] : memref<80xf32, #tpu.memory_space<vmem>>[vector<16xi32>], vector<16xf32>,
    %scatter3A_1497 = arith.constant 640 : i32
    %scatter3A_1498 = arith.constant 0 : i32
    %scatter3A_1499 = tpu.memref_slice %arg8[%scatter3A_1497, %scatter3A_1498] : memref<1024x5xf32, #tpu.memory_space<vmem>> -> memref<16x5xf32, #tpu.memory_space<vmem>>
    tpu.vector_store_idx %scatter3A_1499[%iota3A, %broadcast_in_dim3A_6], %gather3A_1458 : memref<16x5xf32, #tpu.memory_space<vmem>>[vector<16xi32>, vector<16xi32>], vector<16xf32>,
    %gather3A_1500 = arith.constant 240 : i32
    %gather3A_1501 = tpu.memref_slice %arg7[%gather3A_1500] : memref<400xf32, #tpu.memory_space<vmem>> -> memref<80xf32, #tpu.memory_space<vmem>>
    %gather3A_1502 = tpu.vector_load_idx %gather3A_1501[%get3A_1449] : memref<80xf32, #tpu.memory_space<vmem>>[vector<16xi32>], vector<16xf32>,
    %scatter3A_1503 = arith.constant 640 : i32
    %scatter3A_1504 = arith.constant 0 : i32
    %scatter3A_1505 = tpu.memref_slice %arg8[%scatter3A_1503, %scatter3A_1504] : memref<1024x5xf32, #tpu.memory_space<vmem>> -> memref<16x5xf32, #tpu.memory_space<vmem>>
    tpu.vector_store_idx %scatter3A_1505[%iota3A, %broadcast_in_dim3A_8], %gather3A_1464 : memref<16x5xf32, #tpu.memory_space<vmem>>[vector<16xi32>, vector<16xi32>], vector<16xf32>,
    %gather3A_1506 = arith.constant 320 : i32
    %gather3A_1507 = tpu.memref_slice %arg7[%gather3A_1506] : memref<400xf32, #tpu.memory_space<vmem>> -> memref<80xf32, #tpu.memory_space<vmem>>
    %gather3A_1508 = tpu.vector_load_idx %gather3A_1507[%get3A_1449] : memref<80xf32, #tpu.memory_space<vmem>>[vector<16xi32>], vector<16xf32>,
    %scatter3A_1509 = arith.constant 640 : i32
    %scatter3A_1510 = arith.constant 0 : i32
    %scatter3A_1511 = tpu.memref_slice %arg8[%scatter3A_1509, %scatter3A_1510] : memref<1024x5xf32, #tpu.memory_space<vmem>> -> memref<16x5xf32, #tpu.memory_space<vmem>>
    tpu.vector_store_idx %scatter3A_1511[%iota3A, %broadcast_in_dim3A_10], %gather3A_1470 : memref<16x5xf32, #tpu.memory_space<vmem>>[vector<16xi32>, vector<16xi32>], vector<16xf32>,
    %get3A_1512 = arith.constant 688 : index
    %get3A_1513 = tpu.vector_load %arg5[%get3A_1512] {strides = array<i32>} : memref<1024xi32, #tpu.memory_space<vmem>>, vector<16xi32>,
    %gather3A_1514 = arith.constant 0 : i32
    %gather3A_1515 = tpu.memref_slice %arg7[%gather3A_1514] : memref<400xf32, #tpu.memory_space<vmem>> -> memref<80xf32, #tpu.memory_space<vmem>>
    %gather3A_1516 = tpu.vector_load_idx %gather3A_1515[%get3A_1481] : memref<80xf32, #tpu.memory_space<vmem>>[vector<16xi32>], vector<16xf32>,
    %scatter3A_1517 = arith.constant 640 : i32
    %scatter3A_1518 = arith.constant 0 : i32
    %scatter3A_1519 = tpu.memref_slice %arg8[%scatter3A_1517, %scatter3A_1518] : memref<1024x5xf32, #tpu.memory_space<vmem>> -> memref<16x5xf32, #tpu.memory_space<vmem>>
    tpu.vector_store_idx %scatter3A_1519[%iota3A, %broadcast_in_dim3A_12], %gather3A_1476 : memref<16x5xf32, #tpu.memory_space<vmem>>[vector<16xi32>, vector<16xi32>], vector<16xf32>,
    %gather3A_1520 = arith.constant 80 : i32
    %gather3A_1521 = tpu.memref_slice %arg7[%gather3A_1520] : memref<400xf32, #tpu.memory_space<vmem>> -> memref<80xf32, #tpu.memory_space<vmem>>
    %gather3A_1522 = tpu.vector_load_idx %gather3A_1521[%get3A_1481] : memref<80xf32, #tpu.memory_space<vmem>>[vector<16xi32>], vector<16xf32>,
    %scatter3A_1523 = arith.constant 656 : i32
    %scatter3A_1524 = arith.constant 0 : i32
    %scatter3A_1525 = tpu.memref_slice %arg8[%scatter3A_1523, %scatter3A_1524] : memref<1024x5xf32, #tpu.memory_space<vmem>> -> memref<16x5xf32, #tpu.memory_space<vmem>>
    tpu.vector_store_idx %scatter3A_1525[%iota3A, %broadcast_in_dim3A_4], %gather3A_1484 : memref<16x5xf32, #tpu.memory_space<vmem>>[vector<16xi32>, vector<16xi32>], vector<16xf32>,
    %gather3A_1526 = arith.constant 160 : i32
    %gather3A_1527 = tpu.memref_slice %arg7[%gather3A_1526] : memref<400xf32, #tpu.memory_space<vmem>> -> memref<80xf32, #tpu.memory_space<vmem>>
    %gather3A_1528 = tpu.vector_load_idx %gather3A_1527[%get3A_1481] : memref<80xf32, #tpu.memory_space<vmem>>[vector<16xi32>], vector<16xf32>,
    %scatter3A_1529 = arith.constant 656 : i32
    %scatter3A_1530 = arith.constant 0 : i32
    %scatter3A_1531 = tpu.memref_slice %arg8[%scatter3A_1529, %scatter3A_1530] : memref<1024x5xf32, #tpu.memory_space<vmem>> -> memref<16x5xf32, #tpu.memory_space<vmem>>
    tpu.vector_store_idx %scatter3A_1531[%iota3A, %broadcast_in_dim3A_6], %gather3A_1490 : memref<16x5xf32, #tpu.memory_space<vmem>>[vector<16xi32>, vector<16xi32>], vector<16xf32>,
    %gather3A_1532 = arith.constant 240 : i32
    %gather3A_1533 = tpu.memref_slice %arg7[%gather3A_1532] : memref<400xf32, #tpu.memory_space<vmem>> -> memref<80xf32, #tpu.memory_space<vmem>>
    %gather3A_1534 = tpu.vector_load_idx %gather3A_1533[%get3A_1481] : memref<80xf32, #tpu.memory_space<vmem>>[vector<16xi32>], vector<16xf32>,
    %scatter3A_1535 = arith.constant 656 : i32
    %scatter3A_1536 = arith.constant 0 : i32
    %scatter3A_1537 = tpu.memref_slice %arg8[%scatter3A_1535, %scatter3A_1536] : memref<1024x5xf32, #tpu.memory_space<vmem>> -> memref<16x5xf32, #tpu.memory_space<vmem>>
    tpu.vector_store_idx %scatter3A_1537[%iota3A, %broadcast_in_dim3A_8], %gather3A_1496 : memref<16x5xf32, #tpu.memory_space<vmem>>[vector<16xi32>, vector<16xi32>], vector<16xf32>,
    %gather3A_1538 = arith.constant 320 : i32
    %gather3A_1539 = tpu.memref_slice %arg7[%gather3A_1538] : memref<400xf32, #tpu.memory_space<vmem>> -> memref<80xf32, #tpu.memory_space<vmem>>
    %gather3A_1540 = tpu.vector_load_idx %gather3A_1539[%get3A_1481] : memref<80xf32, #tpu.memory_space<vmem>>[vector<16xi32>], vector<16xf32>,
    %scatter3A_1541 = arith.constant 656 : i32
    %scatter3A_1542 = arith.constant 0 : i32
    %scatter3A_1543 = tpu.memref_slice %arg8[%scatter3A_1541, %scatter3A_1542] : memref<1024x5xf32, #tpu.memory_space<vmem>> -> memref<16x5xf32, #tpu.memory_space<vmem>>
    tpu.vector_store_idx %scatter3A_1543[%iota3A, %broadcast_in_dim3A_10], %gather3A_1502 : memref<16x5xf32, #tpu.memory_space<vmem>>[vector<16xi32>, vector<16xi32>], vector<16xf32>,
    %get3A_1544 = arith.constant 704 : index
    %get3A_1545 = tpu.vector_load %arg5[%get3A_1544] {strides = array<i32>} : memref<1024xi32, #tpu.memory_space<vmem>>, vector<16xi32>,
    %gather3A_1546 = arith.constant 0 : i32
    %gather3A_1547 = tpu.memref_slice %arg7[%gather3A_1546] : memref<400xf32, #tpu.memory_space<vmem>> -> memref<80xf32, #tpu.memory_space<vmem>>
    %gather3A_1548 = tpu.vector_load_idx %gather3A_1547[%get3A_1513] : memref<80xf32, #tpu.memory_space<vmem>>[vector<16xi32>], vector<16xf32>,
    %scatter3A_1549 = arith.constant 656 : i32
    %scatter3A_1550 = arith.constant 0 : i32
    %scatter3A_1551 = tpu.memref_slice %arg8[%scatter3A_1549, %scatter3A_1550] : memref<1024x5xf32, #tpu.memory_space<vmem>> -> memref<16x5xf32, #tpu.memory_space<vmem>>
    tpu.vector_store_idx %scatter3A_1551[%iota3A, %broadcast_in_dim3A_12], %gather3A_1508 : memref<16x5xf32, #tpu.memory_space<vmem>>[vector<16xi32>, vector<16xi32>], vector<16xf32>,
    %gather3A_1552 = arith.constant 80 : i32
    %gather3A_1553 = tpu.memref_slice %arg7[%gather3A_1552] : memref<400xf32, #tpu.memory_space<vmem>> -> memref<80xf32, #tpu.memory_space<vmem>>
    %gather3A_1554 = tpu.vector_load_idx %gather3A_1553[%get3A_1513] : memref<80xf32, #tpu.memory_space<vmem>>[vector<16xi32>], vector<16xf32>,
    %scatter3A_1555 = arith.constant 672 : i32
    %scatter3A_1556 = arith.constant 0 : i32
    %scatter3A_1557 = tpu.memref_slice %arg8[%scatter3A_1555, %scatter3A_1556] : memref<1024x5xf32, #tpu.memory_space<vmem>> -> memref<16x5xf32, #tpu.memory_space<vmem>>
    tpu.vector_store_idx %scatter3A_1557[%iota3A, %broadcast_in_dim3A_4], %gather3A_1516 : memref<16x5xf32, #tpu.memory_space<vmem>>[vector<16xi32>, vector<16xi32>], vector<16xf32>,
    %gather3A_1558 = arith.constant 160 : i32
    %gather3A_1559 = tpu.memref_slice %arg7[%gather3A_1558] : memref<400xf32, #tpu.memory_space<vmem>> -> memref<80xf32, #tpu.memory_space<vmem>>
    %gather3A_1560 = tpu.vector_load_idx %gather3A_1559[%get3A_1513] : memref<80xf32, #tpu.memory_space<vmem>>[vector<16xi32>], vector<16xf32>,
    %scatter3A_1561 = arith.constant 672 : i32
    %scatter3A_1562 = arith.constant 0 : i32
    %scatter3A_1563 = tpu.memref_slice %arg8[%scatter3A_1561, %scatter3A_1562] : memref<1024x5xf32, #tpu.memory_space<vmem>> -> memref<16x5xf32, #tpu.memory_space<vmem>>
    tpu.vector_store_idx %scatter3A_1563[%iota3A, %broadcast_in_dim3A_6], %gather3A_1522 : memref<16x5xf32, #tpu.memory_space<vmem>>[vector<16xi32>, vector<16xi32>], vector<16xf32>,
    %gather3A_1564 = arith.constant 240 : i32
    %gather3A_1565 = tpu.memref_slice %arg7[%gather3A_1564] : memref<400xf32, #tpu.memory_space<vmem>> -> memref<80xf32, #tpu.memory_space<vmem>>
    %gather3A_1566 = tpu.vector_load_idx %gather3A_1565[%get3A_1513] : memref<80xf32, #tpu.memory_space<vmem>>[vector<16xi32>], vector<16xf32>,
    %scatter3A_1567 = arith.constant 672 : i32
    %scatter3A_1568 = arith.constant 0 : i32
    %scatter3A_1569 = tpu.memref_slice %arg8[%scatter3A_1567, %scatter3A_1568] : memref<1024x5xf32, #tpu.memory_space<vmem>> -> memref<16x5xf32, #tpu.memory_space<vmem>>
    tpu.vector_store_idx %scatter3A_1569[%iota3A, %broadcast_in_dim3A_8], %gather3A_1528 : memref<16x5xf32, #tpu.memory_space<vmem>>[vector<16xi32>, vector<16xi32>], vector<16xf32>,
    %gather3A_1570 = arith.constant 320 : i32
    %gather3A_1571 = tpu.memref_slice %arg7[%gather3A_1570] : memref<400xf32, #tpu.memory_space<vmem>> -> memref<80xf32, #tpu.memory_space<vmem>>
    %gather3A_1572 = tpu.vector_load_idx %gather3A_1571[%get3A_1513] : memref<80xf32, #tpu.memory_space<vmem>>[vector<16xi32>], vector<16xf32>,
    %scatter3A_1573 = arith.constant 672 : i32
    %scatter3A_1574 = arith.constant 0 : i32
    %scatter3A_1575 = tpu.memref_slice %arg8[%scatter3A_1573, %scatter3A_1574] : memref<1024x5xf32, #tpu.memory_space<vmem>> -> memref<16x5xf32, #tpu.memory_space<vmem>>
    tpu.vector_store_idx %scatter3A_1575[%iota3A, %broadcast_in_dim3A_10], %gather3A_1534 : memref<16x5xf32, #tpu.memory_space<vmem>>[vector<16xi32>, vector<16xi32>], vector<16xf32>,
    %get3A_1576 = arith.constant 720 : index
    %get3A_1577 = tpu.vector_load %arg5[%get3A_1576] {strides = array<i32>} : memref<1024xi32, #tpu.memory_space<vmem>>, vector<16xi32>,
    %gather3A_1578 = arith.constant 0 : i32
    %gather3A_1579 = tpu.memref_slice %arg7[%gather3A_1578] : memref<400xf32, #tpu.memory_space<vmem>> -> memref<80xf32, #tpu.memory_space<vmem>>
    %gather3A_1580 = tpu.vector_load_idx %gather3A_1579[%get3A_1545] : memref<80xf32, #tpu.memory_space<vmem>>[vector<16xi32>], vector<16xf32>,
    %scatter3A_1581 = arith.constant 672 : i32
    %scatter3A_1582 = arith.constant 0 : i32
    %scatter3A_1583 = tpu.memref_slice %arg8[%scatter3A_1581, %scatter3A_1582] : memref<1024x5xf32, #tpu.memory_space<vmem>> -> memref<16x5xf32, #tpu.memory_space<vmem>>
    tpu.vector_store_idx %scatter3A_1583[%iota3A, %broadcast_in_dim3A_12], %gather3A_1540 : memref<16x5xf32, #tpu.memory_space<vmem>>[vector<16xi32>, vector<16xi32>], vector<16xf32>,
    %gather3A_1584 = arith.constant 80 : i32
    %gather3A_1585 = tpu.memref_slice %arg7[%gather3A_1584] : memref<400xf32, #tpu.memory_space<vmem>> -> memref<80xf32, #tpu.memory_space<vmem>>
    %gather3A_1586 = tpu.vector_load_idx %gather3A_1585[%get3A_1545] : memref<80xf32, #tpu.memory_space<vmem>>[vector<16xi32>], vector<16xf32>,
    %scatter3A_1587 = arith.constant 688 : i32
    %scatter3A_1588 = arith.constant 0 : i32
    %scatter3A_1589 = tpu.memref_slice %arg8[%scatter3A_1587, %scatter3A_1588] : memref<1024x5xf32, #tpu.memory_space<vmem>> -> memref<16x5xf32, #tpu.memory_space<vmem>>
    tpu.vector_store_idx %scatter3A_1589[%iota3A, %broadcast_in_dim3A_4], %gather3A_1548 : memref<16x5xf32, #tpu.memory_space<vmem>>[vector<16xi32>, vector<16xi32>], vector<16xf32>,
    %gather3A_1590 = arith.constant 160 : i32
    %gather3A_1591 = tpu.memref_slice %arg7[%gather3A_1590] : memref<400xf32, #tpu.memory_space<vmem>> -> memref<80xf32, #tpu.memory_space<vmem>>
    %gather3A_1592 = tpu.vector_load_idx %gather3A_1591[%get3A_1545] : memref<80xf32, #tpu.memory_space<vmem>>[vector<16xi32>], vector<16xf32>,
    %scatter3A_1593 = arith.constant 688 : i32
    %scatter3A_1594 = arith.constant 0 : i32
    %scatter3A_1595 = tpu.memref_slice %arg8[%scatter3A_1593, %scatter3A_1594] : memref<1024x5xf32, #tpu.memory_space<vmem>> -> memref<16x5xf32, #tpu.memory_space<vmem>>
    tpu.vector_store_idx %scatter3A_1595[%iota3A, %broadcast_in_dim3A_6], %gather3A_1554 : memref<16x5xf32, #tpu.memory_space<vmem>>[vector<16xi32>, vector<16xi32>], vector<16xf32>,
    %gather3A_1596 = arith.constant 240 : i32
    %gather3A_1597 = tpu.memref_slice %arg7[%gather3A_1596] : memref<400xf32, #tpu.memory_space<vmem>> -> memref<80xf32, #tpu.memory_space<vmem>>
    %gather3A_1598 = tpu.vector_load_idx %gather3A_1597[%get3A_1545] : memref<80xf32, #tpu.memory_space<vmem>>[vector<16xi32>], vector<16xf32>,
    %scatter3A_1599 = arith.constant 688 : i32
    %scatter3A_1600 = arith.constant 0 : i32
    %scatter3A_1601 = tpu.memref_slice %arg8[%scatter3A_1599, %scatter3A_1600] : memref<1024x5xf32, #tpu.memory_space<vmem>> -> memref<16x5xf32, #tpu.memory_space<vmem>>
    tpu.vector_store_idx %scatter3A_1601[%iota3A, %broadcast_in_dim3A_8], %gather3A_1560 : memref<16x5xf32, #tpu.memory_space<vmem>>[vector<16xi32>, vector<16xi32>], vector<16xf32>,
    %gather3A_1602 = arith.constant 320 : i32
    %gather3A_1603 = tpu.memref_slice %arg7[%gather3A_1602] : memref<400xf32, #tpu.memory_space<vmem>> -> memref<80xf32, #tpu.memory_space<vmem>>
    %gather3A_1604 = tpu.vector_load_idx %gather3A_1603[%get3A_1545] : memref<80xf32, #tpu.memory_space<vmem>>[vector<16xi32>], vector<16xf32>,
    %scatter3A_1605 = arith.constant 688 : i32
    %scatter3A_1606 = arith.constant 0 : i32
    %scatter3A_1607 = tpu.memref_slice %arg8[%scatter3A_1605, %scatter3A_1606] : memref<1024x5xf32, #tpu.memory_space<vmem>> -> memref<16x5xf32, #tpu.memory_space<vmem>>
    tpu.vector_store_idx %scatter3A_1607[%iota3A, %broadcast_in_dim3A_10], %gather3A_1566 : memref<16x5xf32, #tpu.memory_space<vmem>>[vector<16xi32>, vector<16xi32>], vector<16xf32>,
    %get3A_1608 = arith.constant 736 : index
    %get3A_1609 = tpu.vector_load %arg5[%get3A_1608] {strides = array<i32>} : memref<1024xi32, #tpu.memory_space<vmem>>, vector<16xi32>,
    %gather3A_1610 = arith.constant 0 : i32
    %gather3A_1611 = tpu.memref_slice %arg7[%gather3A_1610] : memref<400xf32, #tpu.memory_space<vmem>> -> memref<80xf32, #tpu.memory_space<vmem>>
    %gather3A_1612 = tpu.vector_load_idx %gather3A_1611[%get3A_1577] : memref<80xf32, #tpu.memory_space<vmem>>[vector<16xi32>], vector<16xf32>,
    %scatter3A_1613 = arith.constant 688 : i32
    %scatter3A_1614 = arith.constant 0 : i32
    %scatter3A_1615 = tpu.memref_slice %arg8[%scatter3A_1613, %scatter3A_1614] : memref<1024x5xf32, #tpu.memory_space<vmem>> -> memref<16x5xf32, #tpu.memory_space<vmem>>
    tpu.vector_store_idx %scatter3A_1615[%iota3A, %broadcast_in_dim3A_12], %gather3A_1572 : memref<16x5xf32, #tpu.memory_space<vmem>>[vector<16xi32>, vector<16xi32>], vector<16xf32>,
    %gather3A_1616 = arith.constant 80 : i32
    %gather3A_1617 = tpu.memref_slice %arg7[%gather3A_1616] : memref<400xf32, #tpu.memory_space<vmem>> -> memref<80xf32, #tpu.memory_space<vmem>>
    %gather3A_1618 = tpu.vector_load_idx %gather3A_1617[%get3A_1577] : memref<80xf32, #tpu.memory_space<vmem>>[vector<16xi32>], vector<16xf32>,
    %scatter3A_1619 = arith.constant 704 : i32
    %scatter3A_1620 = arith.constant 0 : i32
    %scatter3A_1621 = tpu.memref_slice %arg8[%scatter3A_1619, %scatter3A_1620] : memref<1024x5xf32, #tpu.memory_space<vmem>> -> memref<16x5xf32, #tpu.memory_space<vmem>>
    tpu.vector_store_idx %scatter3A_1621[%iota3A, %broadcast_in_dim3A_4], %gather3A_1580 : memref<16x5xf32, #tpu.memory_space<vmem>>[vector<16xi32>, vector<16xi32>], vector<16xf32>,
    %gather3A_1622 = arith.constant 160 : i32
    %gather3A_1623 = tpu.memref_slice %arg7[%gather3A_1622] : memref<400xf32, #tpu.memory_space<vmem>> -> memref<80xf32, #tpu.memory_space<vmem>>
    %gather3A_1624 = tpu.vector_load_idx %gather3A_1623[%get3A_1577] : memref<80xf32, #tpu.memory_space<vmem>>[vector<16xi32>], vector<16xf32>,
    %scatter3A_1625 = arith.constant 704 : i32
    %scatter3A_1626 = arith.constant 0 : i32
    %scatter3A_1627 = tpu.memref_slice %arg8[%scatter3A_1625, %scatter3A_1626] : memref<1024x5xf32, #tpu.memory_space<vmem>> -> memref<16x5xf32, #tpu.memory_space<vmem>>
    tpu.vector_store_idx %scatter3A_1627[%iota3A, %broadcast_in_dim3A_6], %gather3A_1586 : memref<16x5xf32, #tpu.memory_space<vmem>>[vector<16xi32>, vector<16xi32>], vector<16xf32>,
    %gather3A_1628 = arith.constant 240 : i32
    %gather3A_1629 = tpu.memref_slice %arg7[%gather3A_1628] : memref<400xf32, #tpu.memory_space<vmem>> -> memref<80xf32, #tpu.memory_space<vmem>>
    %gather3A_1630 = tpu.vector_load_idx %gather3A_1629[%get3A_1577] : memref<80xf32, #tpu.memory_space<vmem>>[vector<16xi32>], vector<16xf32>,
    %scatter3A_1631 = arith.constant 704 : i32
    %scatter3A_1632 = arith.constant 0 : i32
    %scatter3A_1633 = tpu.memref_slice %arg8[%scatter3A_1631, %scatter3A_1632] : memref<1024x5xf32, #tpu.memory_space<vmem>> -> memref<16x5xf32, #tpu.memory_space<vmem>>
    tpu.vector_store_idx %scatter3A_1633[%iota3A, %broadcast_in_dim3A_8], %gather3A_1592 : memref<16x5xf32, #tpu.memory_space<vmem>>[vector<16xi32>, vector<16xi32>], vector<16xf32>,
    %gather3A_1634 = arith.constant 320 : i32
    %gather3A_1635 = tpu.memref_slice %arg7[%gather3A_1634] : memref<400xf32, #tpu.memory_space<vmem>> -> memref<80xf32, #tpu.memory_space<vmem>>
    %gather3A_1636 = tpu.vector_load_idx %gather3A_1635[%get3A_1577] : memref<80xf32, #tpu.memory_space<vmem>>[vector<16xi32>], vector<16xf32>,
    %scatter3A_1637 = arith.constant 704 : i32
    %scatter3A_1638 = arith.constant 0 : i32
    %scatter3A_1639 = tpu.memref_slice %arg8[%scatter3A_1637, %scatter3A_1638] : memref<1024x5xf32, #tpu.memory_space<vmem>> -> memref<16x5xf32, #tpu.memory_space<vmem>>
    tpu.vector_store_idx %scatter3A_1639[%iota3A, %broadcast_in_dim3A_10], %gather3A_1598 : memref<16x5xf32, #tpu.memory_space<vmem>>[vector<16xi32>, vector<16xi32>], vector<16xf32>,
    %get3A_1640 = arith.constant 752 : index
    %get3A_1641 = tpu.vector_load %arg5[%get3A_1640] {strides = array<i32>} : memref<1024xi32, #tpu.memory_space<vmem>>, vector<16xi32>,
    %gather3A_1642 = arith.constant 0 : i32
    %gather3A_1643 = tpu.memref_slice %arg7[%gather3A_1642] : memref<400xf32, #tpu.memory_space<vmem>> -> memref<80xf32, #tpu.memory_space<vmem>>
    %gather3A_1644 = tpu.vector_load_idx %gather3A_1643[%get3A_1609] : memref<80xf32, #tpu.memory_space<vmem>>[vector<16xi32>], vector<16xf32>,
    %scatter3A_1645 = arith.constant 704 : i32
    %scatter3A_1646 = arith.constant 0 : i32
    %scatter3A_1647 = tpu.memref_slice %arg8[%scatter3A_1645, %scatter3A_1646] : memref<1024x5xf32, #tpu.memory_space<vmem>> -> memref<16x5xf32, #tpu.memory_space<vmem>>
    tpu.vector_store_idx %scatter3A_1647[%iota3A, %broadcast_in_dim3A_12], %gather3A_1604 : memref<16x5xf32, #tpu.memory_space<vmem>>[vector<16xi32>, vector<16xi32>], vector<16xf32>,
    %gather3A_1648 = arith.constant 80 : i32
    %gather3A_1649 = tpu.memref_slice %arg7[%gather3A_1648] : memref<400xf32, #tpu.memory_space<vmem>> -> memref<80xf32, #tpu.memory_space<vmem>>
    %gather3A_1650 = tpu.vector_load_idx %gather3A_1649[%get3A_1609] : memref<80xf32, #tpu.memory_space<vmem>>[vector<16xi32>], vector<16xf32>,
    %scatter3A_1651 = arith.constant 720 : i32
    %scatter3A_1652 = arith.constant 0 : i32
    %scatter3A_1653 = tpu.memref_slice %arg8[%scatter3A_1651, %scatter3A_1652] : memref<1024x5xf32, #tpu.memory_space<vmem>> -> memref<16x5xf32, #tpu.memory_space<vmem>>
    tpu.vector_store_idx %scatter3A_1653[%iota3A, %broadcast_in_dim3A_4], %gather3A_1612 : memref<16x5xf32, #tpu.memory_space<vmem>>[vector<16xi32>, vector<16xi32>], vector<16xf32>,
    %gather3A_1654 = arith.constant 160 : i32
    %gather3A_1655 = tpu.memref_slice %arg7[%gather3A_1654] : memref<400xf32, #tpu.memory_space<vmem>> -> memref<80xf32, #tpu.memory_space<vmem>>
    %gather3A_1656 = tpu.vector_load_idx %gather3A_1655[%get3A_1609] : memref<80xf32, #tpu.memory_space<vmem>>[vector<16xi32>], vector<16xf32>,
    %scatter3A_1657 = arith.constant 720 : i32
    %scatter3A_1658 = arith.constant 0 : i32
    %scatter3A_1659 = tpu.memref_slice %arg8[%scatter3A_1657, %scatter3A_1658] : memref<1024x5xf32, #tpu.memory_space<vmem>> -> memref<16x5xf32, #tpu.memory_space<vmem>>
    tpu.vector_store_idx %scatter3A_1659[%iota3A, %broadcast_in_dim3A_6], %gather3A_1618 : memref<16x5xf32, #tpu.memory_space<vmem>>[vector<16xi32>, vector<16xi32>], vector<16xf32>,
    %gather3A_1660 = arith.constant 240 : i32
    %gather3A_1661 = tpu.memref_slice %arg7[%gather3A_1660] : memref<400xf32, #tpu.memory_space<vmem>> -> memref<80xf32, #tpu.memory_space<vmem>>
    %gather3A_1662 = tpu.vector_load_idx %gather3A_1661[%get3A_1609] : memref<80xf32, #tpu.memory_space<vmem>>[vector<16xi32>], vector<16xf32>,
    %scatter3A_1663 = arith.constant 720 : i32
    %scatter3A_1664 = arith.constant 0 : i32
    %scatter3A_1665 = tpu.memref_slice %arg8[%scatter3A_1663, %scatter3A_1664] : memref<1024x5xf32, #tpu.memory_space<vmem>> -> memref<16x5xf32, #tpu.memory_space<vmem>>
    tpu.vector_store_idx %scatter3A_1665[%iota3A, %broadcast_in_dim3A_8], %gather3A_1624 : memref<16x5xf32, #tpu.memory_space<vmem>>[vector<16xi32>, vector<16xi32>], vector<16xf32>,
    %gather3A_1666 = arith.constant 320 : i32
    %gather3A_1667 = tpu.memref_slice %arg7[%gather3A_1666] : memref<400xf32, #tpu.memory_space<vmem>> -> memref<80xf32, #tpu.memory_space<vmem>>
    %gather3A_1668 = tpu.vector_load_idx %gather3A_1667[%get3A_1609] : memref<80xf32, #tpu.memory_space<vmem>>[vector<16xi32>], vector<16xf32>,
    %scatter3A_1669 = arith.constant 720 : i32
    %scatter3A_1670 = arith.constant 0 : i32
    %scatter3A_1671 = tpu.memref_slice %arg8[%scatter3A_1669, %scatter3A_1670] : memref<1024x5xf32, #tpu.memory_space<vmem>> -> memref<16x5xf32, #tpu.memory_space<vmem>>
    tpu.vector_store_idx %scatter3A_1671[%iota3A, %broadcast_in_dim3A_10], %gather3A_1630 : memref<16x5xf32, #tpu.memory_space<vmem>>[vector<16xi32>, vector<16xi32>], vector<16xf32>,
    %get3A_1672 = arith.constant 768 : index
    %get3A_1673 = tpu.vector_load %arg5[%get3A_1672] {strides = array<i32>} : memref<1024xi32, #tpu.memory_space<vmem>>, vector<16xi32>,
    %gather3A_1674 = arith.constant 0 : i32
    %gather3A_1675 = tpu.memref_slice %arg7[%gather3A_1674] : memref<400xf32, #tpu.memory_space<vmem>> -> memref<80xf32, #tpu.memory_space<vmem>>
    %gather3A_1676 = tpu.vector_load_idx %gather3A_1675[%get3A_1641] : memref<80xf32, #tpu.memory_space<vmem>>[vector<16xi32>], vector<16xf32>,
    %scatter3A_1677 = arith.constant 720 : i32
    %scatter3A_1678 = arith.constant 0 : i32
    %scatter3A_1679 = tpu.memref_slice %arg8[%scatter3A_1677, %scatter3A_1678] : memref<1024x5xf32, #tpu.memory_space<vmem>> -> memref<16x5xf32, #tpu.memory_space<vmem>>
    tpu.vector_store_idx %scatter3A_1679[%iota3A, %broadcast_in_dim3A_12], %gather3A_1636 : memref<16x5xf32, #tpu.memory_space<vmem>>[vector<16xi32>, vector<16xi32>], vector<16xf32>,
    %gather3A_1680 = arith.constant 80 : i32
    %gather3A_1681 = tpu.memref_slice %arg7[%gather3A_1680] : memref<400xf32, #tpu.memory_space<vmem>> -> memref<80xf32, #tpu.memory_space<vmem>>
    %gather3A_1682 = tpu.vector_load_idx %gather3A_1681[%get3A_1641] : memref<80xf32, #tpu.memory_space<vmem>>[vector<16xi32>], vector<16xf32>,
    %scatter3A_1683 = arith.constant 736 : i32
    %scatter3A_1684 = arith.constant 0 : i32
    %scatter3A_1685 = tpu.memref_slice %arg8[%scatter3A_1683, %scatter3A_1684] : memref<1024x5xf32, #tpu.memory_space<vmem>> -> memref<16x5xf32, #tpu.memory_space<vmem>>
    tpu.vector_store_idx %scatter3A_1685[%iota3A, %broadcast_in_dim3A_4], %gather3A_1644 : memref<16x5xf32, #tpu.memory_space<vmem>>[vector<16xi32>, vector<16xi32>], vector<16xf32>,
    %gather3A_1686 = arith.constant 160 : i32
    %gather3A_1687 = tpu.memref_slice %arg7[%gather3A_1686] : memref<400xf32, #tpu.memory_space<vmem>> -> memref<80xf32, #tpu.memory_space<vmem>>
    %gather3A_1688 = tpu.vector_load_idx %gather3A_1687[%get3A_1641] : memref<80xf32, #tpu.memory_space<vmem>>[vector<16xi32>], vector<16xf32>,
    %scatter3A_1689 = arith.constant 736 : i32
    %scatter3A_1690 = arith.constant 0 : i32
    %scatter3A_1691 = tpu.memref_slice %arg8[%scatter3A_1689, %scatter3A_1690] : memref<1024x5xf32, #tpu.memory_space<vmem>> -> memref<16x5xf32, #tpu.memory_space<vmem>>
    tpu.vector_store_idx %scatter3A_1691[%iota3A, %broadcast_in_dim3A_6], %gather3A_1650 : memref<16x5xf32, #tpu.memory_space<vmem>>[vector<16xi32>, vector<16xi32>], vector<16xf32>,
    %gather3A_1692 = arith.constant 240 : i32
    %gather3A_1693 = tpu.memref_slice %arg7[%gather3A_1692] : memref<400xf32, #tpu.memory_space<vmem>> -> memref<80xf32, #tpu.memory_space<vmem>>
    %gather3A_1694 = tpu.vector_load_idx %gather3A_1693[%get3A_1641] : memref<80xf32, #tpu.memory_space<vmem>>[vector<16xi32>], vector<16xf32>,
    %scatter3A_1695 = arith.constant 736 : i32
    %scatter3A_1696 = arith.constant 0 : i32
    %scatter3A_1697 = tpu.memref_slice %arg8[%scatter3A_1695, %scatter3A_1696] : memref<1024x5xf32, #tpu.memory_space<vmem>> -> memref<16x5xf32, #tpu.memory_space<vmem>>
    tpu.vector_store_idx %scatter3A_1697[%iota3A, %broadcast_in_dim3A_8], %gather3A_1656 : memref<16x5xf32, #tpu.memory_space<vmem>>[vector<16xi32>, vector<16xi32>], vector<16xf32>,
    %gather3A_1698 = arith.constant 320 : i32
    %gather3A_1699 = tpu.memref_slice %arg7[%gather3A_1698] : memref<400xf32, #tpu.memory_space<vmem>> -> memref<80xf32, #tpu.memory_space<vmem>>
    %gather3A_1700 = tpu.vector_load_idx %gather3A_1699[%get3A_1641] : memref<80xf32, #tpu.memory_space<vmem>>[vector<16xi32>], vector<16xf32>,
    %scatter3A_1701 = arith.constant 736 : i32
    %scatter3A_1702 = arith.constant 0 : i32
    %scatter3A_1703 = tpu.memref_slice %arg8[%scatter3A_1701, %scatter3A_1702] : memref<1024x5xf32, #tpu.memory_space<vmem>> -> memref<16x5xf32, #tpu.memory_space<vmem>>
    tpu.vector_store_idx %scatter3A_1703[%iota3A, %broadcast_in_dim3A_10], %gather3A_1662 : memref<16x5xf32, #tpu.memory_space<vmem>>[vector<16xi32>, vector<16xi32>], vector<16xf32>,
    %get3A_1704 = arith.constant 784 : index
    %get3A_1705 = tpu.vector_load %arg5[%get3A_1704] {strides = array<i32>} : memref<1024xi32, #tpu.memory_space<vmem>>, vector<16xi32>,
    %gather3A_1706 = arith.constant 0 : i32
    %gather3A_1707 = tpu.memref_slice %arg7[%gather3A_1706] : memref<400xf32, #tpu.memory_space<vmem>> -> memref<80xf32, #tpu.memory_space<vmem>>
    %gather3A_1708 = tpu.vector_load_idx %gather3A_1707[%get3A_1673] : memref<80xf32, #tpu.memory_space<vmem>>[vector<16xi32>], vector<16xf32>,
    %scatter3A_1709 = arith.constant 736 : i32
    %scatter3A_1710 = arith.constant 0 : i32
    %scatter3A_1711 = tpu.memref_slice %arg8[%scatter3A_1709, %scatter3A_1710] : memref<1024x5xf32, #tpu.memory_space<vmem>> -> memref<16x5xf32, #tpu.memory_space<vmem>>
    tpu.vector_store_idx %scatter3A_1711[%iota3A, %broadcast_in_dim3A_12], %gather3A_1668 : memref<16x5xf32, #tpu.memory_space<vmem>>[vector<16xi32>, vector<16xi32>], vector<16xf32>,
    %gather3A_1712 = arith.constant 80 : i32
    %gather3A_1713 = tpu.memref_slice %arg7[%gather3A_1712] : memref<400xf32, #tpu.memory_space<vmem>> -> memref<80xf32, #tpu.memory_space<vmem>>
    %gather3A_1714 = tpu.vector_load_idx %gather3A_1713[%get3A_1673] : memref<80xf32, #tpu.memory_space<vmem>>[vector<16xi32>], vector<16xf32>,
    %scatter3A_1715 = arith.constant 752 : i32
    %scatter3A_1716 = arith.constant 0 : i32
    %scatter3A_1717 = tpu.memref_slice %arg8[%scatter3A_1715, %scatter3A_1716] : memref<1024x5xf32, #tpu.memory_space<vmem>> -> memref<16x5xf32, #tpu.memory_space<vmem>>
    tpu.vector_store_idx %scatter3A_1717[%iota3A, %broadcast_in_dim3A_4], %gather3A_1676 : memref<16x5xf32, #tpu.memory_space<vmem>>[vector<16xi32>, vector<16xi32>], vector<16xf32>,
    %gather3A_1718 = arith.constant 160 : i32
    %gather3A_1719 = tpu.memref_slice %arg7[%gather3A_1718] : memref<400xf32, #tpu.memory_space<vmem>> -> memref<80xf32, #tpu.memory_space<vmem>>
    %gather3A_1720 = tpu.vector_load_idx %gather3A_1719[%get3A_1673] : memref<80xf32, #tpu.memory_space<vmem>>[vector<16xi32>], vector<16xf32>,
    %scatter3A_1721 = arith.constant 752 : i32
    %scatter3A_1722 = arith.constant 0 : i32
    %scatter3A_1723 = tpu.memref_slice %arg8[%scatter3A_1721, %scatter3A_1722] : memref<1024x5xf32, #tpu.memory_space<vmem>> -> memref<16x5xf32, #tpu.memory_space<vmem>>
    tpu.vector_store_idx %scatter3A_1723[%iota3A, %broadcast_in_dim3A_6], %gather3A_1682 : memref<16x5xf32, #tpu.memory_space<vmem>>[vector<16xi32>, vector<16xi32>], vector<16xf32>,
    %gather3A_1724 = arith.constant 240 : i32
    %gather3A_1725 = tpu.memref_slice %arg7[%gather3A_1724] : memref<400xf32, #tpu.memory_space<vmem>> -> memref<80xf32, #tpu.memory_space<vmem>>
    %gather3A_1726 = tpu.vector_load_idx %gather3A_1725[%get3A_1673] : memref<80xf32, #tpu.memory_space<vmem>>[vector<16xi32>], vector<16xf32>,
    %scatter3A_1727 = arith.constant 752 : i32
    %scatter3A_1728 = arith.constant 0 : i32
    %scatter3A_1729 = tpu.memref_slice %arg8[%scatter3A_1727, %scatter3A_1728] : memref<1024x5xf32, #tpu.memory_space<vmem>> -> memref<16x5xf32, #tpu.memory_space<vmem>>
    tpu.vector_store_idx %scatter3A_1729[%iota3A, %broadcast_in_dim3A_8], %gather3A_1688 : memref<16x5xf32, #tpu.memory_space<vmem>>[vector<16xi32>, vector<16xi32>], vector<16xf32>,
    %gather3A_1730 = arith.constant 320 : i32
    %gather3A_1731 = tpu.memref_slice %arg7[%gather3A_1730] : memref<400xf32, #tpu.memory_space<vmem>> -> memref<80xf32, #tpu.memory_space<vmem>>
    %gather3A_1732 = tpu.vector_load_idx %gather3A_1731[%get3A_1673] : memref<80xf32, #tpu.memory_space<vmem>>[vector<16xi32>], vector<16xf32>,
    %scatter3A_1733 = arith.constant 752 : i32
    %scatter3A_1734 = arith.constant 0 : i32
    %scatter3A_1735 = tpu.memref_slice %arg8[%scatter3A_1733, %scatter3A_1734] : memref<1024x5xf32, #tpu.memory_space<vmem>> -> memref<16x5xf32, #tpu.memory_space<vmem>>
    tpu.vector_store_idx %scatter3A_1735[%iota3A, %broadcast_in_dim3A_10], %gather3A_1694 : memref<16x5xf32, #tpu.memory_space<vmem>>[vector<16xi32>, vector<16xi32>], vector<16xf32>,
    %get3A_1736 = arith.constant 800 : index
    %get3A_1737 = tpu.vector_load %arg5[%get3A_1736] {strides = array<i32>} : memref<1024xi32, #tpu.memory_space<vmem>>, vector<16xi32>,
    %gather3A_1738 = arith.constant 0 : i32
    %gather3A_1739 = tpu.memref_slice %arg7[%gather3A_1738] : memref<400xf32, #tpu.memory_space<vmem>> -> memref<80xf32, #tpu.memory_space<vmem>>
    %gather3A_1740 = tpu.vector_load_idx %gather3A_1739[%get3A_1705] : memref<80xf32, #tpu.memory_space<vmem>>[vector<16xi32>], vector<16xf32>,
    %scatter3A_1741 = arith.constant 752 : i32
    %scatter3A_1742 = arith.constant 0 : i32
    %scatter3A_1743 = tpu.memref_slice %arg8[%scatter3A_1741, %scatter3A_1742] : memref<1024x5xf32, #tpu.memory_space<vmem>> -> memref<16x5xf32, #tpu.memory_space<vmem>>
    tpu.vector_store_idx %scatter3A_1743[%iota3A, %broadcast_in_dim3A_12], %gather3A_1700 : memref<16x5xf32, #tpu.memory_space<vmem>>[vector<16xi32>, vector<16xi32>], vector<16xf32>,
    %gather3A_1744 = arith.constant 80 : i32
    %gather3A_1745 = tpu.memref_slice %arg7[%gather3A_1744] : memref<400xf32, #tpu.memory_space<vmem>> -> memref<80xf32, #tpu.memory_space<vmem>>
    %gather3A_1746 = tpu.vector_load_idx %gather3A_1745[%get3A_1705] : memref<80xf32, #tpu.memory_space<vmem>>[vector<16xi32>], vector<16xf32>,
    %scatter3A_1747 = arith.constant 768 : i32
    %scatter3A_1748 = arith.constant 0 : i32
    %scatter3A_1749 = tpu.memref_slice %arg8[%scatter3A_1747, %scatter3A_1748] : memref<1024x5xf32, #tpu.memory_space<vmem>> -> memref<16x5xf32, #tpu.memory_space<vmem>>
    tpu.vector_store_idx %scatter3A_1749[%iota3A, %broadcast_in_dim3A_4], %gather3A_1708 : memref<16x5xf32, #tpu.memory_space<vmem>>[vector<16xi32>, vector<16xi32>], vector<16xf32>,
    %gather3A_1750 = arith.constant 160 : i32
    %gather3A_1751 = tpu.memref_slice %arg7[%gather3A_1750] : memref<400xf32, #tpu.memory_space<vmem>> -> memref<80xf32, #tpu.memory_space<vmem>>
    %gather3A_1752 = tpu.vector_load_idx %gather3A_1751[%get3A_1705] : memref<80xf32, #tpu.memory_space<vmem>>[vector<16xi32>], vector<16xf32>,
    %scatter3A_1753 = arith.constant 768 : i32
    %scatter3A_1754 = arith.constant 0 : i32
    %scatter3A_1755 = tpu.memref_slice %arg8[%scatter3A_1753, %scatter3A_1754] : memref<1024x5xf32, #tpu.memory_space<vmem>> -> memref<16x5xf32, #tpu.memory_space<vmem>>
    tpu.vector_store_idx %scatter3A_1755[%iota3A, %broadcast_in_dim3A_6], %gather3A_1714 : memref<16x5xf32, #tpu.memory_space<vmem>>[vector<16xi32>, vector<16xi32>], vector<16xf32>,
    %gather3A_1756 = arith.constant 240 : i32
    %gather3A_1757 = tpu.memref_slice %arg7[%gather3A_1756] : memref<400xf32, #tpu.memory_space<vmem>> -> memref<80xf32, #tpu.memory_space<vmem>>
    %gather3A_1758 = tpu.vector_load_idx %gather3A_1757[%get3A_1705] : memref<80xf32, #tpu.memory_space<vmem>>[vector<16xi32>], vector<16xf32>,
    %scatter3A_1759 = arith.constant 768 : i32
    %scatter3A_1760 = arith.constant 0 : i32
    %scatter3A_1761 = tpu.memref_slice %arg8[%scatter3A_1759, %scatter3A_1760] : memref<1024x5xf32, #tpu.memory_space<vmem>> -> memref<16x5xf32, #tpu.memory_space<vmem>>
    tpu.vector_store_idx %scatter3A_1761[%iota3A, %broadcast_in_dim3A_8], %gather3A_1720 : memref<16x5xf32, #tpu.memory_space<vmem>>[vector<16xi32>, vector<16xi32>], vector<16xf32>,
    %gather3A_1762 = arith.constant 320 : i32
    %gather3A_1763 = tpu.memref_slice %arg7[%gather3A_1762] : memref<400xf32, #tpu.memory_space<vmem>> -> memref<80xf32, #tpu.memory_space<vmem>>
    %gather3A_1764 = tpu.vector_load_idx %gather3A_1763[%get3A_1705] : memref<80xf32, #tpu.memory_space<vmem>>[vector<16xi32>], vector<16xf32>,
    %scatter3A_1765 = arith.constant 768 : i32
    %scatter3A_1766 = arith.constant 0 : i32
    %scatter3A_1767 = tpu.memref_slice %arg8[%scatter3A_1765, %scatter3A_1766] : memref<1024x5xf32, #tpu.memory_space<vmem>> -> memref<16x5xf32, #tpu.memory_space<vmem>>
    tpu.vector_store_idx %scatter3A_1767[%iota3A, %broadcast_in_dim3A_10], %gather3A_1726 : memref<16x5xf32, #tpu.memory_space<vmem>>[vector<16xi32>, vector<16xi32>], vector<16xf32>,
    %add3A_1768 = arith.constant 512 : i32
    %add3A_1769 = arith.addi %mul3A_2, %add3A_1768 : i32
    %dma_start3A_1770 = arith.constant 512 : i32
    %dma_start3A_1771 = arith.constant 0 : i32
    %dma_start3A_1772 = tpu.memref_slice %arg8[%dma_start3A_1770, %dma_start3A_1771] : memref<1024x5xf32, #tpu.memory_space<vmem>> -> memref<256x5xf32, #tpu.memory_space<vmem>>
    %dma_start3A_1773 = arith.constant 0 : i32
    %dma_start3A_1774 = tpu.memref_slice %arg4[%add3A_1769, %dma_start3A_1773] : memref<16384x5xf32, #tpu.memory_space<hbm>> -> memref<256x5xf32, #tpu.memory_space<hbm>>
    %dma_start3A_1775 = arith.constant 0 : i32
    %dma_start3A_1776 = tpu.memref_slice %arg4[%add3A_1769, %dma_start3A_1775] : memref<16384x5xf32, #tpu.memory_space<hbm>> -> memref<256x5xf32, #tpu.memory_space<hbm>>
    %dma_start3A_1777 = arith.constant 512 : i32
    %dma_start3A_1778 = arith.constant 0 : i32
    %dma_start3A_1779 = tpu.memref_slice %arg8[%dma_start3A_1777, %dma_start3A_1778] : memref<1024x5xf32, #tpu.memory_space<vmem>> -> memref<256x5xf32, #tpu.memory_space<vmem>>
    tpu.enqueue_dma source(%dma_start3A_1779 : memref<256x5xf32, #tpu.memory_space<vmem>>) target(%dma_start3A_1776 : memref<256x5xf32, #tpu.memory_space<hbm>>) target_semaphore(%arg9 : memref<!tpu.dma_semaphore, #tpu.memory_space<semaphore_mem>>)
    %get3A_1780 = arith.constant 816 : index
    %get3A_1781 = tpu.vector_load %arg5[%get3A_1780] {strides = array<i32>} : memref<1024xi32, #tpu.memory_space<vmem>>, vector<16xi32>,
    %gather3A_1782 = arith.constant 0 : i32
    %gather3A_1783 = tpu.memref_slice %arg7[%gather3A_1782] : memref<400xf32, #tpu.memory_space<vmem>> -> memref<80xf32, #tpu.memory_space<vmem>>
    %gather3A_1784 = tpu.vector_load_idx %gather3A_1783[%get3A_1737] : memref<80xf32, #tpu.memory_space<vmem>>[vector<16xi32>], vector<16xf32>,
    %scatter3A_1785 = arith.constant 768 : i32
    %scatter3A_1786 = arith.constant 0 : i32
    %scatter3A_1787 = tpu.memref_slice %arg8[%scatter3A_1785, %scatter3A_1786] : memref<1024x5xf32, #tpu.memory_space<vmem>> -> memref<16x5xf32, #tpu.memory_space<vmem>>
    tpu.vector_store_idx %scatter3A_1787[%iota3A, %broadcast_in_dim3A_12], %gather3A_1732 : memref<16x5xf32, #tpu.memory_space<vmem>>[vector<16xi32>, vector<16xi32>], vector<16xf32>,
    %gather3A_1788 = arith.constant 80 : i32
    %gather3A_1789 = tpu.memref_slice %arg7[%gather3A_1788] : memref<400xf32, #tpu.memory_space<vmem>> -> memref<80xf32, #tpu.memory_space<vmem>>
    %gather3A_1790 = tpu.vector_load_idx %gather3A_1789[%get3A_1737] : memref<80xf32, #tpu.memory_space<vmem>>[vector<16xi32>], vector<16xf32>,
    %scatter3A_1791 = arith.constant 784 : i32
    %scatter3A_1792 = arith.constant 0 : i32
    %scatter3A_1793 = tpu.memref_slice %arg8[%scatter3A_1791, %scatter3A_1792] : memref<1024x5xf32, #tpu.memory_space<vmem>> -> memref<16x5xf32, #tpu.memory_space<vmem>>
    tpu.vector_store_idx %scatter3A_1793[%iota3A, %broadcast_in_dim3A_4], %gather3A_1740 : memref<16x5xf32, #tpu.memory_space<vmem>>[vector<16xi32>, vector<16xi32>], vector<16xf32>,
    %gather3A_1794 = arith.constant 160 : i32
    %gather3A_1795 = tpu.memref_slice %arg7[%gather3A_1794] : memref<400xf32, #tpu.memory_space<vmem>> -> memref<80xf32, #tpu.memory_space<vmem>>
    %gather3A_1796 = tpu.vector_load_idx %gather3A_1795[%get3A_1737] : memref<80xf32, #tpu.memory_space<vmem>>[vector<16xi32>], vector<16xf32>,
    %scatter3A_1797 = arith.constant 784 : i32
    %scatter3A_1798 = arith.constant 0 : i32
    %scatter3A_1799 = tpu.memref_slice %arg8[%scatter3A_1797, %scatter3A_1798] : memref<1024x5xf32, #tpu.memory_space<vmem>> -> memref<16x5xf32, #tpu.memory_space<vmem>>
    tpu.vector_store_idx %scatter3A_1799[%iota3A, %broadcast_in_dim3A_6], %gather3A_1746 : memref<16x5xf32, #tpu.memory_space<vmem>>[vector<16xi32>, vector<16xi32>], vector<16xf32>,
    %gather3A_1800 = arith.constant 240 : i32
    %gather3A_1801 = tpu.memref_slice %arg7[%gather3A_1800] : memref<400xf32, #tpu.memory_space<vmem>> -> memref<80xf32, #tpu.memory_space<vmem>>
    %gather3A_1802 = tpu.vector_load_idx %gather3A_1801[%get3A_1737] : memref<80xf32, #tpu.memory_space<vmem>>[vector<16xi32>], vector<16xf32>,
    %scatter3A_1803 = arith.constant 784 : i32
    %scatter3A_1804 = arith.constant 0 : i32
    %scatter3A_1805 = tpu.memref_slice %arg8[%scatter3A_1803, %scatter3A_1804] : memref<1024x5xf32, #tpu.memory_space<vmem>> -> memref<16x5xf32, #tpu.memory_space<vmem>>
    tpu.vector_store_idx %scatter3A_1805[%iota3A, %broadcast_in_dim3A_8], %gather3A_1752 : memref<16x5xf32, #tpu.memory_space<vmem>>[vector<16xi32>, vector<16xi32>], vector<16xf32>,
    %gather3A_1806 = arith.constant 320 : i32
    %gather3A_1807 = tpu.memref_slice %arg7[%gather3A_1806] : memref<400xf32, #tpu.memory_space<vmem>> -> memref<80xf32, #tpu.memory_space<vmem>>
    %gather3A_1808 = tpu.vector_load_idx %gather3A_1807[%get3A_1737] : memref<80xf32, #tpu.memory_space<vmem>>[vector<16xi32>], vector<16xf32>,
    %scatter3A_1809 = arith.constant 784 : i32
    %scatter3A_1810 = arith.constant 0 : i32
    %scatter3A_1811 = tpu.memref_slice %arg8[%scatter3A_1809, %scatter3A_1810] : memref<1024x5xf32, #tpu.memory_space<vmem>> -> memref<16x5xf32, #tpu.memory_space<vmem>>
    tpu.vector_store_idx %scatter3A_1811[%iota3A, %broadcast_in_dim3A_10], %gather3A_1758 : memref<16x5xf32, #tpu.memory_space<vmem>>[vector<16xi32>, vector<16xi32>], vector<16xf32>,
    %get3A_1812 = arith.constant 832 : index
    %get3A_1813 = tpu.vector_load %arg5[%get3A_1812] {strides = array<i32>} : memref<1024xi32, #tpu.memory_space<vmem>>, vector<16xi32>,
    %gather3A_1814 = arith.constant 0 : i32
    %gather3A_1815 = tpu.memref_slice %arg7[%gather3A_1814] : memref<400xf32, #tpu.memory_space<vmem>> -> memref<80xf32, #tpu.memory_space<vmem>>
    %gather3A_1816 = tpu.vector_load_idx %gather3A_1815[%get3A_1781] : memref<80xf32, #tpu.memory_space<vmem>>[vector<16xi32>], vector<16xf32>,
    %scatter3A_1817 = arith.constant 784 : i32
    %scatter3A_1818 = arith.constant 0 : i32
    %scatter3A_1819 = tpu.memref_slice %arg8[%scatter3A_1817, %scatter3A_1818] : memref<1024x5xf32, #tpu.memory_space<vmem>> -> memref<16x5xf32, #tpu.memory_space<vmem>>
    tpu.vector_store_idx %scatter3A_1819[%iota3A, %broadcast_in_dim3A_12], %gather3A_1764 : memref<16x5xf32, #tpu.memory_space<vmem>>[vector<16xi32>, vector<16xi32>], vector<16xf32>,
    %gather3A_1820 = arith.constant 80 : i32
    %gather3A_1821 = tpu.memref_slice %arg7[%gather3A_1820] : memref<400xf32, #tpu.memory_space<vmem>> -> memref<80xf32, #tpu.memory_space<vmem>>
    %gather3A_1822 = tpu.vector_load_idx %gather3A_1821[%get3A_1781] : memref<80xf32, #tpu.memory_space<vmem>>[vector<16xi32>], vector<16xf32>,
    %scatter3A_1823 = arith.constant 800 : i32
    %scatter3A_1824 = arith.constant 0 : i32
    %scatter3A_1825 = tpu.memref_slice %arg8[%scatter3A_1823, %scatter3A_1824] : memref<1024x5xf32, #tpu.memory_space<vmem>> -> memref<16x5xf32, #tpu.memory_space<vmem>>
    tpu.vector_store_idx %scatter3A_1825[%iota3A, %broadcast_in_dim3A_4], %gather3A_1784 : memref<16x5xf32, #tpu.memory_space<vmem>>[vector<16xi32>, vector<16xi32>], vector<16xf32>,
    %gather3A_1826 = arith.constant 160 : i32
    %gather3A_1827 = tpu.memref_slice %arg7[%gather3A_1826] : memref<400xf32, #tpu.memory_space<vmem>> -> memref<80xf32, #tpu.memory_space<vmem>>
    %gather3A_1828 = tpu.vector_load_idx %gather3A_1827[%get3A_1781] : memref<80xf32, #tpu.memory_space<vmem>>[vector<16xi32>], vector<16xf32>,
    %scatter3A_1829 = arith.constant 800 : i32
    %scatter3A_1830 = arith.constant 0 : i32
    %scatter3A_1831 = tpu.memref_slice %arg8[%scatter3A_1829, %scatter3A_1830] : memref<1024x5xf32, #tpu.memory_space<vmem>> -> memref<16x5xf32, #tpu.memory_space<vmem>>
    tpu.vector_store_idx %scatter3A_1831[%iota3A, %broadcast_in_dim3A_6], %gather3A_1790 : memref<16x5xf32, #tpu.memory_space<vmem>>[vector<16xi32>, vector<16xi32>], vector<16xf32>,
    %gather3A_1832 = arith.constant 240 : i32
    %gather3A_1833 = tpu.memref_slice %arg7[%gather3A_1832] : memref<400xf32, #tpu.memory_space<vmem>> -> memref<80xf32, #tpu.memory_space<vmem>>
    %gather3A_1834 = tpu.vector_load_idx %gather3A_1833[%get3A_1781] : memref<80xf32, #tpu.memory_space<vmem>>[vector<16xi32>], vector<16xf32>,
    %scatter3A_1835 = arith.constant 800 : i32
    %scatter3A_1836 = arith.constant 0 : i32
    %scatter3A_1837 = tpu.memref_slice %arg8[%scatter3A_1835, %scatter3A_1836] : memref<1024x5xf32, #tpu.memory_space<vmem>> -> memref<16x5xf32, #tpu.memory_space<vmem>>
    tpu.vector_store_idx %scatter3A_1837[%iota3A, %broadcast_in_dim3A_8], %gather3A_1796 : memref<16x5xf32, #tpu.memory_space<vmem>>[vector<16xi32>, vector<16xi32>], vector<16xf32>,
    %gather3A_1838 = arith.constant 320 : i32
    %gather3A_1839 = tpu.memref_slice %arg7[%gather3A_1838] : memref<400xf32, #tpu.memory_space<vmem>> -> memref<80xf32, #tpu.memory_space<vmem>>
    %gather3A_1840 = tpu.vector_load_idx %gather3A_1839[%get3A_1781] : memref<80xf32, #tpu.memory_space<vmem>>[vector<16xi32>], vector<16xf32>,
    %scatter3A_1841 = arith.constant 800 : i32
    %scatter3A_1842 = arith.constant 0 : i32
    %scatter3A_1843 = tpu.memref_slice %arg8[%scatter3A_1841, %scatter3A_1842] : memref<1024x5xf32, #tpu.memory_space<vmem>> -> memref<16x5xf32, #tpu.memory_space<vmem>>
    tpu.vector_store_idx %scatter3A_1843[%iota3A, %broadcast_in_dim3A_10], %gather3A_1802 : memref<16x5xf32, #tpu.memory_space<vmem>>[vector<16xi32>, vector<16xi32>], vector<16xf32>,
    %get3A_1844 = arith.constant 848 : index
    %get3A_1845 = tpu.vector_load %arg5[%get3A_1844] {strides = array<i32>} : memref<1024xi32, #tpu.memory_space<vmem>>, vector<16xi32>,
    %gather3A_1846 = arith.constant 0 : i32
    %gather3A_1847 = tpu.memref_slice %arg7[%gather3A_1846] : memref<400xf32, #tpu.memory_space<vmem>> -> memref<80xf32, #tpu.memory_space<vmem>>
    %gather3A_1848 = tpu.vector_load_idx %gather3A_1847[%get3A_1813] : memref<80xf32, #tpu.memory_space<vmem>>[vector<16xi32>], vector<16xf32>,
    %scatter3A_1849 = arith.constant 800 : i32
    %scatter3A_1850 = arith.constant 0 : i32
    %scatter3A_1851 = tpu.memref_slice %arg8[%scatter3A_1849, %scatter3A_1850] : memref<1024x5xf32, #tpu.memory_space<vmem>> -> memref<16x5xf32, #tpu.memory_space<vmem>>
    tpu.vector_store_idx %scatter3A_1851[%iota3A, %broadcast_in_dim3A_12], %gather3A_1808 : memref<16x5xf32, #tpu.memory_space<vmem>>[vector<16xi32>, vector<16xi32>], vector<16xf32>,
    %gather3A_1852 = arith.constant 80 : i32
    %gather3A_1853 = tpu.memref_slice %arg7[%gather3A_1852] : memref<400xf32, #tpu.memory_space<vmem>> -> memref<80xf32, #tpu.memory_space<vmem>>
    %gather3A_1854 = tpu.vector_load_idx %gather3A_1853[%get3A_1813] : memref<80xf32, #tpu.memory_space<vmem>>[vector<16xi32>], vector<16xf32>,
    %scatter3A_1855 = arith.constant 816 : i32
    %scatter3A_1856 = arith.constant 0 : i32
    %scatter3A_1857 = tpu.memref_slice %arg8[%scatter3A_1855, %scatter3A_1856] : memref<1024x5xf32, #tpu.memory_space<vmem>> -> memref<16x5xf32, #tpu.memory_space<vmem>>
    tpu.vector_store_idx %scatter3A_1857[%iota3A, %broadcast_in_dim3A_4], %gather3A_1816 : memref<16x5xf32, #tpu.memory_space<vmem>>[vector<16xi32>, vector<16xi32>], vector<16xf32>,
    %gather3A_1858 = arith.constant 160 : i32
    %gather3A_1859 = tpu.memref_slice %arg7[%gather3A_1858] : memref<400xf32, #tpu.memory_space<vmem>> -> memref<80xf32, #tpu.memory_space<vmem>>
    %gather3A_1860 = tpu.vector_load_idx %gather3A_1859[%get3A_1813] : memref<80xf32, #tpu.memory_space<vmem>>[vector<16xi32>], vector<16xf32>,
    %scatter3A_1861 = arith.constant 816 : i32
    %scatter3A_1862 = arith.constant 0 : i32
    %scatter3A_1863 = tpu.memref_slice %arg8[%scatter3A_1861, %scatter3A_1862] : memref<1024x5xf32, #tpu.memory_space<vmem>> -> memref<16x5xf32, #tpu.memory_space<vmem>>
    tpu.vector_store_idx %scatter3A_1863[%iota3A, %broadcast_in_dim3A_6], %gather3A_1822 : memref<16x5xf32, #tpu.memory_space<vmem>>[vector<16xi32>, vector<16xi32>], vector<16xf32>,
    %gather3A_1864 = arith.constant 240 : i32
    %gather3A_1865 = tpu.memref_slice %arg7[%gather3A_1864] : memref<400xf32, #tpu.memory_space<vmem>> -> memref<80xf32, #tpu.memory_space<vmem>>
    %gather3A_1866 = tpu.vector_load_idx %gather3A_1865[%get3A_1813] : memref<80xf32, #tpu.memory_space<vmem>>[vector<16xi32>], vector<16xf32>,
    %scatter3A_1867 = arith.constant 816 : i32
    %scatter3A_1868 = arith.constant 0 : i32
    %scatter3A_1869 = tpu.memref_slice %arg8[%scatter3A_1867, %scatter3A_1868] : memref<1024x5xf32, #tpu.memory_space<vmem>> -> memref<16x5xf32, #tpu.memory_space<vmem>>
    tpu.vector_store_idx %scatter3A_1869[%iota3A, %broadcast_in_dim3A_8], %gather3A_1828 : memref<16x5xf32, #tpu.memory_space<vmem>>[vector<16xi32>, vector<16xi32>], vector<16xf32>,
    %gather3A_1870 = arith.constant 320 : i32
    %gather3A_1871 = tpu.memref_slice %arg7[%gather3A_1870] : memref<400xf32, #tpu.memory_space<vmem>> -> memref<80xf32, #tpu.memory_space<vmem>>
    %gather3A_1872 = tpu.vector_load_idx %gather3A_1871[%get3A_1813] : memref<80xf32, #tpu.memory_space<vmem>>[vector<16xi32>], vector<16xf32>,
    %scatter3A_1873 = arith.constant 816 : i32
    %scatter3A_1874 = arith.constant 0 : i32
    %scatter3A_1875 = tpu.memref_slice %arg8[%scatter3A_1873, %scatter3A_1874] : memref<1024x5xf32, #tpu.memory_space<vmem>> -> memref<16x5xf32, #tpu.memory_space<vmem>>
    tpu.vector_store_idx %scatter3A_1875[%iota3A, %broadcast_in_dim3A_10], %gather3A_1834 : memref<16x5xf32, #tpu.memory_space<vmem>>[vector<16xi32>, vector<16xi32>], vector<16xf32>,
    %get3A_1876 = arith.constant 864 : index
    %get3A_1877 = tpu.vector_load %arg5[%get3A_1876] {strides = array<i32>} : memref<1024xi32, #tpu.memory_space<vmem>>, vector<16xi32>,
    %gather3A_1878 = arith.constant 0 : i32
    %gather3A_1879 = tpu.memref_slice %arg7[%gather3A_1878] : memref<400xf32, #tpu.memory_space<vmem>> -> memref<80xf32, #tpu.memory_space<vmem>>
    %gather3A_1880 = tpu.vector_load_idx %gather3A_1879[%get3A_1845] : memref<80xf32, #tpu.memory_space<vmem>>[vector<16xi32>], vector<16xf32>,
    %scatter3A_1881 = arith.constant 816 : i32
    %scatter3A_1882 = arith.constant 0 : i32
    %scatter3A_1883 = tpu.memref_slice %arg8[%scatter3A_1881, %scatter3A_1882] : memref<1024x5xf32, #tpu.memory_space<vmem>> -> memref<16x5xf32, #tpu.memory_space<vmem>>
    tpu.vector_store_idx %scatter3A_1883[%iota3A, %broadcast_in_dim3A_12], %gather3A_1840 : memref<16x5xf32, #tpu.memory_space<vmem>>[vector<16xi32>, vector<16xi32>], vector<16xf32>,
    %gather3A_1884 = arith.constant 80 : i32
    %gather3A_1885 = tpu.memref_slice %arg7[%gather3A_1884] : memref<400xf32, #tpu.memory_space<vmem>> -> memref<80xf32, #tpu.memory_space<vmem>>
    %gather3A_1886 = tpu.vector_load_idx %gather3A_1885[%get3A_1845] : memref<80xf32, #tpu.memory_space<vmem>>[vector<16xi32>], vector<16xf32>,
    %scatter3A_1887 = arith.constant 832 : i32
    %scatter3A_1888 = arith.constant 0 : i32
    %scatter3A_1889 = tpu.memref_slice %arg8[%scatter3A_1887, %scatter3A_1888] : memref<1024x5xf32, #tpu.memory_space<vmem>> -> memref<16x5xf32, #tpu.memory_space<vmem>>
    tpu.vector_store_idx %scatter3A_1889[%iota3A, %broadcast_in_dim3A_4], %gather3A_1848 : memref<16x5xf32, #tpu.memory_space<vmem>>[vector<16xi32>, vector<16xi32>], vector<16xf32>,
    %gather3A_1890 = arith.constant 160 : i32
    %gather3A_1891 = tpu.memref_slice %arg7[%gather3A_1890] : memref<400xf32, #tpu.memory_space<vmem>> -> memref<80xf32, #tpu.memory_space<vmem>>
    %gather3A_1892 = tpu.vector_load_idx %gather3A_1891[%get3A_1845] : memref<80xf32, #tpu.memory_space<vmem>>[vector<16xi32>], vector<16xf32>,
    %scatter3A_1893 = arith.constant 832 : i32
    %scatter3A_1894 = arith.constant 0 : i32
    %scatter3A_1895 = tpu.memref_slice %arg8[%scatter3A_1893, %scatter3A_1894] : memref<1024x5xf32, #tpu.memory_space<vmem>> -> memref<16x5xf32, #tpu.memory_space<vmem>>
    tpu.vector_store_idx %scatter3A_1895[%iota3A, %broadcast_in_dim3A_6], %gather3A_1854 : memref<16x5xf32, #tpu.memory_space<vmem>>[vector<16xi32>, vector<16xi32>], vector<16xf32>,
    %gather3A_1896 = arith.constant 240 : i32
    %gather3A_1897 = tpu.memref_slice %arg7[%gather3A_1896] : memref<400xf32, #tpu.memory_space<vmem>> -> memref<80xf32, #tpu.memory_space<vmem>>
    %gather3A_1898 = tpu.vector_load_idx %gather3A_1897[%get3A_1845] : memref<80xf32, #tpu.memory_space<vmem>>[vector<16xi32>], vector<16xf32>,
    %scatter3A_1899 = arith.constant 832 : i32
    %scatter3A_1900 = arith.constant 0 : i32
    %scatter3A_1901 = tpu.memref_slice %arg8[%scatter3A_1899, %scatter3A_1900] : memref<1024x5xf32, #tpu.memory_space<vmem>> -> memref<16x5xf32, #tpu.memory_space<vmem>>
    tpu.vector_store_idx %scatter3A_1901[%iota3A, %broadcast_in_dim3A_8], %gather3A_1860 : memref<16x5xf32, #tpu.memory_space<vmem>>[vector<16xi32>, vector<16xi32>], vector<16xf32>,
    %gather3A_1902 = arith.constant 320 : i32
    %gather3A_1903 = tpu.memref_slice %arg7[%gather3A_1902] : memref<400xf32, #tpu.memory_space<vmem>> -> memref<80xf32, #tpu.memory_space<vmem>>
    %gather3A_1904 = tpu.vector_load_idx %gather3A_1903[%get3A_1845] : memref<80xf32, #tpu.memory_space<vmem>>[vector<16xi32>], vector<16xf32>,
    %scatter3A_1905 = arith.constant 832 : i32
    %scatter3A_1906 = arith.constant 0 : i32
    %scatter3A_1907 = tpu.memref_slice %arg8[%scatter3A_1905, %scatter3A_1906] : memref<1024x5xf32, #tpu.memory_space<vmem>> -> memref<16x5xf32, #tpu.memory_space<vmem>>
    tpu.vector_store_idx %scatter3A_1907[%iota3A, %broadcast_in_dim3A_10], %gather3A_1866 : memref<16x5xf32, #tpu.memory_space<vmem>>[vector<16xi32>, vector<16xi32>], vector<16xf32>,
    %get3A_1908 = arith.constant 880 : index
    %get3A_1909 = tpu.vector_load %arg5[%get3A_1908] {strides = array<i32>} : memref<1024xi32, #tpu.memory_space<vmem>>, vector<16xi32>,
    %gather3A_1910 = arith.constant 0 : i32
    %gather3A_1911 = tpu.memref_slice %arg7[%gather3A_1910] : memref<400xf32, #tpu.memory_space<vmem>> -> memref<80xf32, #tpu.memory_space<vmem>>
    %gather3A_1912 = tpu.vector_load_idx %gather3A_1911[%get3A_1877] : memref<80xf32, #tpu.memory_space<vmem>>[vector<16xi32>], vector<16xf32>,
    %scatter3A_1913 = arith.constant 832 : i32
    %scatter3A_1914 = arith.constant 0 : i32
    %scatter3A_1915 = tpu.memref_slice %arg8[%scatter3A_1913, %scatter3A_1914] : memref<1024x5xf32, #tpu.memory_space<vmem>> -> memref<16x5xf32, #tpu.memory_space<vmem>>
    tpu.vector_store_idx %scatter3A_1915[%iota3A, %broadcast_in_dim3A_12], %gather3A_1872 : memref<16x5xf32, #tpu.memory_space<vmem>>[vector<16xi32>, vector<16xi32>], vector<16xf32>,
    %gather3A_1916 = arith.constant 80 : i32
    %gather3A_1917 = tpu.memref_slice %arg7[%gather3A_1916] : memref<400xf32, #tpu.memory_space<vmem>> -> memref<80xf32, #tpu.memory_space<vmem>>
    %gather3A_1918 = tpu.vector_load_idx %gather3A_1917[%get3A_1877] : memref<80xf32, #tpu.memory_space<vmem>>[vector<16xi32>], vector<16xf32>,
    %scatter3A_1919 = arith.constant 848 : i32
    %scatter3A_1920 = arith.constant 0 : i32
    %scatter3A_1921 = tpu.memref_slice %arg8[%scatter3A_1919, %scatter3A_1920] : memref<1024x5xf32, #tpu.memory_space<vmem>> -> memref<16x5xf32, #tpu.memory_space<vmem>>
    tpu.vector_store_idx %scatter3A_1921[%iota3A, %broadcast_in_dim3A_4], %gather3A_1880 : memref<16x5xf32, #tpu.memory_space<vmem>>[vector<16xi32>, vector<16xi32>], vector<16xf32>,
    %gather3A_1922 = arith.constant 160 : i32
    %gather3A_1923 = tpu.memref_slice %arg7[%gather3A_1922] : memref<400xf32, #tpu.memory_space<vmem>> -> memref<80xf32, #tpu.memory_space<vmem>>
    %gather3A_1924 = tpu.vector_load_idx %gather3A_1923[%get3A_1877] : memref<80xf32, #tpu.memory_space<vmem>>[vector<16xi32>], vector<16xf32>,
    %scatter3A_1925 = arith.constant 848 : i32
    %scatter3A_1926 = arith.constant 0 : i32
    %scatter3A_1927 = tpu.memref_slice %arg8[%scatter3A_1925, %scatter3A_1926] : memref<1024x5xf32, #tpu.memory_space<vmem>> -> memref<16x5xf32, #tpu.memory_space<vmem>>
    tpu.vector_store_idx %scatter3A_1927[%iota3A, %broadcast_in_dim3A_6], %gather3A_1886 : memref<16x5xf32, #tpu.memory_space<vmem>>[vector<16xi32>, vector<16xi32>], vector<16xf32>,
    %gather3A_1928 = arith.constant 240 : i32
    %gather3A_1929 = tpu.memref_slice %arg7[%gather3A_1928] : memref<400xf32, #tpu.memory_space<vmem>> -> memref<80xf32, #tpu.memory_space<vmem>>
    %gather3A_1930 = tpu.vector_load_idx %gather3A_1929[%get3A_1877] : memref<80xf32, #tpu.memory_space<vmem>>[vector<16xi32>], vector<16xf32>,
    %scatter3A_1931 = arith.constant 848 : i32
    %scatter3A_1932 = arith.constant 0 : i32
    %scatter3A_1933 = tpu.memref_slice %arg8[%scatter3A_1931, %scatter3A_1932] : memref<1024x5xf32, #tpu.memory_space<vmem>> -> memref<16x5xf32, #tpu.memory_space<vmem>>
    tpu.vector_store_idx %scatter3A_1933[%iota3A, %broadcast_in_dim3A_8], %gather3A_1892 : memref<16x5xf32, #tpu.memory_space<vmem>>[vector<16xi32>, vector<16xi32>], vector<16xf32>,
    %gather3A_1934 = arith.constant 320 : i32
    %gather3A_1935 = tpu.memref_slice %arg7[%gather3A_1934] : memref<400xf32, #tpu.memory_space<vmem>> -> memref<80xf32, #tpu.memory_space<vmem>>
    %gather3A_1936 = tpu.vector_load_idx %gather3A_1935[%get3A_1877] : memref<80xf32, #tpu.memory_space<vmem>>[vector<16xi32>], vector<16xf32>,
    %scatter3A_1937 = arith.constant 848 : i32
    %scatter3A_1938 = arith.constant 0 : i32
    %scatter3A_1939 = tpu.memref_slice %arg8[%scatter3A_1937, %scatter3A_1938] : memref<1024x5xf32, #tpu.memory_space<vmem>> -> memref<16x5xf32, #tpu.memory_space<vmem>>
    tpu.vector_store_idx %scatter3A_1939[%iota3A, %broadcast_in_dim3A_10], %gather3A_1898 : memref<16x5xf32, #tpu.memory_space<vmem>>[vector<16xi32>, vector<16xi32>], vector<16xf32>,
    %get3A_1940 = arith.constant 896 : index
    %get3A_1941 = tpu.vector_load %arg5[%get3A_1940] {strides = array<i32>} : memref<1024xi32, #tpu.memory_space<vmem>>, vector<16xi32>,
    %gather3A_1942 = arith.constant 0 : i32
    %gather3A_1943 = tpu.memref_slice %arg7[%gather3A_1942] : memref<400xf32, #tpu.memory_space<vmem>> -> memref<80xf32, #tpu.memory_space<vmem>>
    %gather3A_1944 = tpu.vector_load_idx %gather3A_1943[%get3A_1909] : memref<80xf32, #tpu.memory_space<vmem>>[vector<16xi32>], vector<16xf32>,
    %scatter3A_1945 = arith.constant 848 : i32
    %scatter3A_1946 = arith.constant 0 : i32
    %scatter3A_1947 = tpu.memref_slice %arg8[%scatter3A_1945, %scatter3A_1946] : memref<1024x5xf32, #tpu.memory_space<vmem>> -> memref<16x5xf32, #tpu.memory_space<vmem>>
    tpu.vector_store_idx %scatter3A_1947[%iota3A, %broadcast_in_dim3A_12], %gather3A_1904 : memref<16x5xf32, #tpu.memory_space<vmem>>[vector<16xi32>, vector<16xi32>], vector<16xf32>,
    %gather3A_1948 = arith.constant 80 : i32
    %gather3A_1949 = tpu.memref_slice %arg7[%gather3A_1948] : memref<400xf32, #tpu.memory_space<vmem>> -> memref<80xf32, #tpu.memory_space<vmem>>
    %gather3A_1950 = tpu.vector_load_idx %gather3A_1949[%get3A_1909] : memref<80xf32, #tpu.memory_space<vmem>>[vector<16xi32>], vector<16xf32>,
    %scatter3A_1951 = arith.constant 864 : i32
    %scatter3A_1952 = arith.constant 0 : i32
    %scatter3A_1953 = tpu.memref_slice %arg8[%scatter3A_1951, %scatter3A_1952] : memref<1024x5xf32, #tpu.memory_space<vmem>> -> memref<16x5xf32, #tpu.memory_space<vmem>>
    tpu.vector_store_idx %scatter3A_1953[%iota3A, %broadcast_in_dim3A_4], %gather3A_1912 : memref<16x5xf32, #tpu.memory_space<vmem>>[vector<16xi32>, vector<16xi32>], vector<16xf32>,
    %gather3A_1954 = arith.constant 160 : i32
    %gather3A_1955 = tpu.memref_slice %arg7[%gather3A_1954] : memref<400xf32, #tpu.memory_space<vmem>> -> memref<80xf32, #tpu.memory_space<vmem>>
    %gather3A_1956 = tpu.vector_load_idx %gather3A_1955[%get3A_1909] : memref<80xf32, #tpu.memory_space<vmem>>[vector<16xi32>], vector<16xf32>,
    %scatter3A_1957 = arith.constant 864 : i32
    %scatter3A_1958 = arith.constant 0 : i32
    %scatter3A_1959 = tpu.memref_slice %arg8[%scatter3A_1957, %scatter3A_1958] : memref<1024x5xf32, #tpu.memory_space<vmem>> -> memref<16x5xf32, #tpu.memory_space<vmem>>
    tpu.vector_store_idx %scatter3A_1959[%iota3A, %broadcast_in_dim3A_6], %gather3A_1918 : memref<16x5xf32, #tpu.memory_space<vmem>>[vector<16xi32>, vector<16xi32>], vector<16xf32>,
    %gather3A_1960 = arith.constant 240 : i32
    %gather3A_1961 = tpu.memref_slice %arg7[%gather3A_1960] : memref<400xf32, #tpu.memory_space<vmem>> -> memref<80xf32, #tpu.memory_space<vmem>>
    %gather3A_1962 = tpu.vector_load_idx %gather3A_1961[%get3A_1909] : memref<80xf32, #tpu.memory_space<vmem>>[vector<16xi32>], vector<16xf32>,
    %scatter3A_1963 = arith.constant 864 : i32
    %scatter3A_1964 = arith.constant 0 : i32
    %scatter3A_1965 = tpu.memref_slice %arg8[%scatter3A_1963, %scatter3A_1964] : memref<1024x5xf32, #tpu.memory_space<vmem>> -> memref<16x5xf32, #tpu.memory_space<vmem>>
    tpu.vector_store_idx %scatter3A_1965[%iota3A, %broadcast_in_dim3A_8], %gather3A_1924 : memref<16x5xf32, #tpu.memory_space<vmem>>[vector<16xi32>, vector<16xi32>], vector<16xf32>,
    %gather3A_1966 = arith.constant 320 : i32
    %gather3A_1967 = tpu.memref_slice %arg7[%gather3A_1966] : memref<400xf32, #tpu.memory_space<vmem>> -> memref<80xf32, #tpu.memory_space<vmem>>
    %gather3A_1968 = tpu.vector_load_idx %gather3A_1967[%get3A_1909] : memref<80xf32, #tpu.memory_space<vmem>>[vector<16xi32>], vector<16xf32>,
    %scatter3A_1969 = arith.constant 864 : i32
    %scatter3A_1970 = arith.constant 0 : i32
    %scatter3A_1971 = tpu.memref_slice %arg8[%scatter3A_1969, %scatter3A_1970] : memref<1024x5xf32, #tpu.memory_space<vmem>> -> memref<16x5xf32, #tpu.memory_space<vmem>>
    tpu.vector_store_idx %scatter3A_1971[%iota3A, %broadcast_in_dim3A_10], %gather3A_1930 : memref<16x5xf32, #tpu.memory_space<vmem>>[vector<16xi32>, vector<16xi32>], vector<16xf32>,
    %get3A_1972 = arith.constant 912 : index
    %get3A_1973 = tpu.vector_load %arg5[%get3A_1972] {strides = array<i32>} : memref<1024xi32, #tpu.memory_space<vmem>>, vector<16xi32>,
    %gather3A_1974 = arith.constant 0 : i32
    %gather3A_1975 = tpu.memref_slice %arg7[%gather3A_1974] : memref<400xf32, #tpu.memory_space<vmem>> -> memref<80xf32, #tpu.memory_space<vmem>>
    %gather3A_1976 = tpu.vector_load_idx %gather3A_1975[%get3A_1941] : memref<80xf32, #tpu.memory_space<vmem>>[vector<16xi32>], vector<16xf32>,
    %scatter3A_1977 = arith.constant 864 : i32
    %scatter3A_1978 = arith.constant 0 : i32
    %scatter3A_1979 = tpu.memref_slice %arg8[%scatter3A_1977, %scatter3A_1978] : memref<1024x5xf32, #tpu.memory_space<vmem>> -> memref<16x5xf32, #tpu.memory_space<vmem>>
    tpu.vector_store_idx %scatter3A_1979[%iota3A, %broadcast_in_dim3A_12], %gather3A_1936 : memref<16x5xf32, #tpu.memory_space<vmem>>[vector<16xi32>, vector<16xi32>], vector<16xf32>,
    %gather3A_1980 = arith.constant 80 : i32
    %gather3A_1981 = tpu.memref_slice %arg7[%gather3A_1980] : memref<400xf32, #tpu.memory_space<vmem>> -> memref<80xf32, #tpu.memory_space<vmem>>
    %gather3A_1982 = tpu.vector_load_idx %gather3A_1981[%get3A_1941] : memref<80xf32, #tpu.memory_space<vmem>>[vector<16xi32>], vector<16xf32>,
    %scatter3A_1983 = arith.constant 880 : i32
    %scatter3A_1984 = arith.constant 0 : i32
    %scatter3A_1985 = tpu.memref_slice %arg8[%scatter3A_1983, %scatter3A_1984] : memref<1024x5xf32, #tpu.memory_space<vmem>> -> memref<16x5xf32, #tpu.memory_space<vmem>>
    tpu.vector_store_idx %scatter3A_1985[%iota3A, %broadcast_in_dim3A_4], %gather3A_1944 : memref<16x5xf32, #tpu.memory_space<vmem>>[vector<16xi32>, vector<16xi32>], vector<16xf32>,
    %gather3A_1986 = arith.constant 160 : i32
    %gather3A_1987 = tpu.memref_slice %arg7[%gather3A_1986] : memref<400xf32, #tpu.memory_space<vmem>> -> memref<80xf32, #tpu.memory_space<vmem>>
    %gather3A_1988 = tpu.vector_load_idx %gather3A_1987[%get3A_1941] : memref<80xf32, #tpu.memory_space<vmem>>[vector<16xi32>], vector<16xf32>,
    %scatter3A_1989 = arith.constant 880 : i32
    %scatter3A_1990 = arith.constant 0 : i32
    %scatter3A_1991 = tpu.memref_slice %arg8[%scatter3A_1989, %scatter3A_1990] : memref<1024x5xf32, #tpu.memory_space<vmem>> -> memref<16x5xf32, #tpu.memory_space<vmem>>
    tpu.vector_store_idx %scatter3A_1991[%iota3A, %broadcast_in_dim3A_6], %gather3A_1950 : memref<16x5xf32, #tpu.memory_space<vmem>>[vector<16xi32>, vector<16xi32>], vector<16xf32>,
    %gather3A_1992 = arith.constant 240 : i32
    %gather3A_1993 = tpu.memref_slice %arg7[%gather3A_1992] : memref<400xf32, #tpu.memory_space<vmem>> -> memref<80xf32, #tpu.memory_space<vmem>>
    %gather3A_1994 = tpu.vector_load_idx %gather3A_1993[%get3A_1941] : memref<80xf32, #tpu.memory_space<vmem>>[vector<16xi32>], vector<16xf32>,
    %scatter3A_1995 = arith.constant 880 : i32
    %scatter3A_1996 = arith.constant 0 : i32
    %scatter3A_1997 = tpu.memref_slice %arg8[%scatter3A_1995, %scatter3A_1996] : memref<1024x5xf32, #tpu.memory_space<vmem>> -> memref<16x5xf32, #tpu.memory_space<vmem>>
    tpu.vector_store_idx %scatter3A_1997[%iota3A, %broadcast_in_dim3A_8], %gather3A_1956 : memref<16x5xf32, #tpu.memory_space<vmem>>[vector<16xi32>, vector<16xi32>], vector<16xf32>,
    %gather3A_1998 = arith.constant 320 : i32
    %gather3A_1999 = tpu.memref_slice %arg7[%gather3A_1998] : memref<400xf32, #tpu.memory_space<vmem>> -> memref<80xf32, #tpu.memory_space<vmem>>
    %gather3A_2000 = tpu.vector_load_idx %gather3A_1999[%get3A_1941] : memref<80xf32, #tpu.memory_space<vmem>>[vector<16xi32>], vector<16xf32>,
    %scatter3A_2001 = arith.constant 880 : i32
    %scatter3A_2002 = arith.constant 0 : i32
    %scatter3A_2003 = tpu.memref_slice %arg8[%scatter3A_2001, %scatter3A_2002] : memref<1024x5xf32, #tpu.memory_space<vmem>> -> memref<16x5xf32, #tpu.memory_space<vmem>>
    tpu.vector_store_idx %scatter3A_2003[%iota3A, %broadcast_in_dim3A_10], %gather3A_1962 : memref<16x5xf32, #tpu.memory_space<vmem>>[vector<16xi32>, vector<16xi32>], vector<16xf32>,
    %get3A_2004 = arith.constant 928 : index
    %get3A_2005 = tpu.vector_load %arg5[%get3A_2004] {strides = array<i32>} : memref<1024xi32, #tpu.memory_space<vmem>>, vector<16xi32>,
    %gather3A_2006 = arith.constant 0 : i32
    %gather3A_2007 = tpu.memref_slice %arg7[%gather3A_2006] : memref<400xf32, #tpu.memory_space<vmem>> -> memref<80xf32, #tpu.memory_space<vmem>>
    %gather3A_2008 = tpu.vector_load_idx %gather3A_2007[%get3A_1973] : memref<80xf32, #tpu.memory_space<vmem>>[vector<16xi32>], vector<16xf32>,
    %scatter3A_2009 = arith.constant 880 : i32
    %scatter3A_2010 = arith.constant 0 : i32
    %scatter3A_2011 = tpu.memref_slice %arg8[%scatter3A_2009, %scatter3A_2010] : memref<1024x5xf32, #tpu.memory_space<vmem>> -> memref<16x5xf32, #tpu.memory_space<vmem>>
    tpu.vector_store_idx %scatter3A_2011[%iota3A, %broadcast_in_dim3A_12], %gather3A_1968 : memref<16x5xf32, #tpu.memory_space<vmem>>[vector<16xi32>, vector<16xi32>], vector<16xf32>,
    %gather3A_2012 = arith.constant 80 : i32
    %gather3A_2013 = tpu.memref_slice %arg7[%gather3A_2012] : memref<400xf32, #tpu.memory_space<vmem>> -> memref<80xf32, #tpu.memory_space<vmem>>
    %gather3A_2014 = tpu.vector_load_idx %gather3A_2013[%get3A_1973] : memref<80xf32, #tpu.memory_space<vmem>>[vector<16xi32>], vector<16xf32>,
    %scatter3A_2015 = arith.constant 896 : i32
    %scatter3A_2016 = arith.constant 0 : i32
    %scatter3A_2017 = tpu.memref_slice %arg8[%scatter3A_2015, %scatter3A_2016] : memref<1024x5xf32, #tpu.memory_space<vmem>> -> memref<16x5xf32, #tpu.memory_space<vmem>>
    tpu.vector_store_idx %scatter3A_2017[%iota3A, %broadcast_in_dim3A_4], %gather3A_1976 : memref<16x5xf32, #tpu.memory_space<vmem>>[vector<16xi32>, vector<16xi32>], vector<16xf32>,
    %gather3A_2018 = arith.constant 160 : i32
    %gather3A_2019 = tpu.memref_slice %arg7[%gather3A_2018] : memref<400xf32, #tpu.memory_space<vmem>> -> memref<80xf32, #tpu.memory_space<vmem>>
    %gather3A_2020 = tpu.vector_load_idx %gather3A_2019[%get3A_1973] : memref<80xf32, #tpu.memory_space<vmem>>[vector<16xi32>], vector<16xf32>,
    %scatter3A_2021 = arith.constant 896 : i32
    %scatter3A_2022 = arith.constant 0 : i32
    %scatter3A_2023 = tpu.memref_slice %arg8[%scatter3A_2021, %scatter3A_2022] : memref<1024x5xf32, #tpu.memory_space<vmem>> -> memref<16x5xf32, #tpu.memory_space<vmem>>
    tpu.vector_store_idx %scatter3A_2023[%iota3A, %broadcast_in_dim3A_6], %gather3A_1982 : memref<16x5xf32, #tpu.memory_space<vmem>>[vector<16xi32>, vector<16xi32>], vector<16xf32>,
    %gather3A_2024 = arith.constant 240 : i32
    %gather3A_2025 = tpu.memref_slice %arg7[%gather3A_2024] : memref<400xf32, #tpu.memory_space<vmem>> -> memref<80xf32, #tpu.memory_space<vmem>>
    %gather3A_2026 = tpu.vector_load_idx %gather3A_2025[%get3A_1973] : memref<80xf32, #tpu.memory_space<vmem>>[vector<16xi32>], vector<16xf32>,
    %scatter3A_2027 = arith.constant 896 : i32
    %scatter3A_2028 = arith.constant 0 : i32
    %scatter3A_2029 = tpu.memref_slice %arg8[%scatter3A_2027, %scatter3A_2028] : memref<1024x5xf32, #tpu.memory_space<vmem>> -> memref<16x5xf32, #tpu.memory_space<vmem>>
    tpu.vector_store_idx %scatter3A_2029[%iota3A, %broadcast_in_dim3A_8], %gather3A_1988 : memref<16x5xf32, #tpu.memory_space<vmem>>[vector<16xi32>, vector<16xi32>], vector<16xf32>,
    %gather3A_2030 = arith.constant 320 : i32
    %gather3A_2031 = tpu.memref_slice %arg7[%gather3A_2030] : memref<400xf32, #tpu.memory_space<vmem>> -> memref<80xf32, #tpu.memory_space<vmem>>
    %gather3A_2032 = tpu.vector_load_idx %gather3A_2031[%get3A_1973] : memref<80xf32, #tpu.memory_space<vmem>>[vector<16xi32>], vector<16xf32>,
    %scatter3A_2033 = arith.constant 896 : i32
    %scatter3A_2034 = arith.constant 0 : i32
    %scatter3A_2035 = tpu.memref_slice %arg8[%scatter3A_2033, %scatter3A_2034] : memref<1024x5xf32, #tpu.memory_space<vmem>> -> memref<16x5xf32, #tpu.memory_space<vmem>>
    tpu.vector_store_idx %scatter3A_2035[%iota3A, %broadcast_in_dim3A_10], %gather3A_1994 : memref<16x5xf32, #tpu.memory_space<vmem>>[vector<16xi32>, vector<16xi32>], vector<16xf32>,
    %get3A_2036 = arith.constant 944 : index
    %get3A_2037 = tpu.vector_load %arg5[%get3A_2036] {strides = array<i32>} : memref<1024xi32, #tpu.memory_space<vmem>>, vector<16xi32>,
    %gather3A_2038 = arith.constant 0 : i32
    %gather3A_2039 = tpu.memref_slice %arg7[%gather3A_2038] : memref<400xf32, #tpu.memory_space<vmem>> -> memref<80xf32, #tpu.memory_space<vmem>>
    %gather3A_2040 = tpu.vector_load_idx %gather3A_2039[%get3A_2005] : memref<80xf32, #tpu.memory_space<vmem>>[vector<16xi32>], vector<16xf32>,
    %scatter3A_2041 = arith.constant 896 : i32
    %scatter3A_2042 = arith.constant 0 : i32
    %scatter3A_2043 = tpu.memref_slice %arg8[%scatter3A_2041, %scatter3A_2042] : memref<1024x5xf32, #tpu.memory_space<vmem>> -> memref<16x5xf32, #tpu.memory_space<vmem>>
    tpu.vector_store_idx %scatter3A_2043[%iota3A, %broadcast_in_dim3A_12], %gather3A_2000 : memref<16x5xf32, #tpu.memory_space<vmem>>[vector<16xi32>, vector<16xi32>], vector<16xf32>,
    %gather3A_2044 = arith.constant 80 : i32
    %gather3A_2045 = tpu.memref_slice %arg7[%gather3A_2044] : memref<400xf32, #tpu.memory_space<vmem>> -> memref<80xf32, #tpu.memory_space<vmem>>
    %gather3A_2046 = tpu.vector_load_idx %gather3A_2045[%get3A_2005] : memref<80xf32, #tpu.memory_space<vmem>>[vector<16xi32>], vector<16xf32>,
    %scatter3A_2047 = arith.constant 912 : i32
    %scatter3A_2048 = arith.constant 0 : i32
    %scatter3A_2049 = tpu.memref_slice %arg8[%scatter3A_2047, %scatter3A_2048] : memref<1024x5xf32, #tpu.memory_space<vmem>> -> memref<16x5xf32, #tpu.memory_space<vmem>>
    tpu.vector_store_idx %scatter3A_2049[%iota3A, %broadcast_in_dim3A_4], %gather3A_2008 : memref<16x5xf32, #tpu.memory_space<vmem>>[vector<16xi32>, vector<16xi32>], vector<16xf32>,
    %gather3A_2050 = arith.constant 160 : i32
    %gather3A_2051 = tpu.memref_slice %arg7[%gather3A_2050] : memref<400xf32, #tpu.memory_space<vmem>> -> memref<80xf32, #tpu.memory_space<vmem>>
    %gather3A_2052 = tpu.vector_load_idx %gather3A_2051[%get3A_2005] : memref<80xf32, #tpu.memory_space<vmem>>[vector<16xi32>], vector<16xf32>,
    %scatter3A_2053 = arith.constant 912 : i32
    %scatter3A_2054 = arith.constant 0 : i32
    %scatter3A_2055 = tpu.memref_slice %arg8[%scatter3A_2053, %scatter3A_2054] : memref<1024x5xf32, #tpu.memory_space<vmem>> -> memref<16x5xf32, #tpu.memory_space<vmem>>
    tpu.vector_store_idx %scatter3A_2055[%iota3A, %broadcast_in_dim3A_6], %gather3A_2014 : memref<16x5xf32, #tpu.memory_space<vmem>>[vector<16xi32>, vector<16xi32>], vector<16xf32>,
    %gather3A_2056 = arith.constant 240 : i32
    %gather3A_2057 = tpu.memref_slice %arg7[%gather3A_2056] : memref<400xf32, #tpu.memory_space<vmem>> -> memref<80xf32, #tpu.memory_space<vmem>>
    %gather3A_2058 = tpu.vector_load_idx %gather3A_2057[%get3A_2005] : memref<80xf32, #tpu.memory_space<vmem>>[vector<16xi32>], vector<16xf32>,
    %scatter3A_2059 = arith.constant 912 : i32
    %scatter3A_2060 = arith.constant 0 : i32
    %scatter3A_2061 = tpu.memref_slice %arg8[%scatter3A_2059, %scatter3A_2060] : memref<1024x5xf32, #tpu.memory_space<vmem>> -> memref<16x5xf32, #tpu.memory_space<vmem>>
    tpu.vector_store_idx %scatter3A_2061[%iota3A, %broadcast_in_dim3A_8], %gather3A_2020 : memref<16x5xf32, #tpu.memory_space<vmem>>[vector<16xi32>, vector<16xi32>], vector<16xf32>,
    %gather3A_2062 = arith.constant 320 : i32
    %gather3A_2063 = tpu.memref_slice %arg7[%gather3A_2062] : memref<400xf32, #tpu.memory_space<vmem>> -> memref<80xf32, #tpu.memory_space<vmem>>
    %gather3A_2064 = tpu.vector_load_idx %gather3A_2063[%get3A_2005] : memref<80xf32, #tpu.memory_space<vmem>>[vector<16xi32>], vector<16xf32>,
    %scatter3A_2065 = arith.constant 912 : i32
    %scatter3A_2066 = arith.constant 0 : i32
    %scatter3A_2067 = tpu.memref_slice %arg8[%scatter3A_2065, %scatter3A_2066] : memref<1024x5xf32, #tpu.memory_space<vmem>> -> memref<16x5xf32, #tpu.memory_space<vmem>>
    tpu.vector_store_idx %scatter3A_2067[%iota3A, %broadcast_in_dim3A_10], %gather3A_2026 : memref<16x5xf32, #tpu.memory_space<vmem>>[vector<16xi32>, vector<16xi32>], vector<16xf32>,
    %get3A_2068 = arith.constant 960 : index
    %get3A_2069 = tpu.vector_load %arg5[%get3A_2068] {strides = array<i32>} : memref<1024xi32, #tpu.memory_space<vmem>>, vector<16xi32>,
    %gather3A_2070 = arith.constant 0 : i32
    %gather3A_2071 = tpu.memref_slice %arg7[%gather3A_2070] : memref<400xf32, #tpu.memory_space<vmem>> -> memref<80xf32, #tpu.memory_space<vmem>>
    %gather3A_2072 = tpu.vector_load_idx %gather3A_2071[%get3A_2037] : memref<80xf32, #tpu.memory_space<vmem>>[vector<16xi32>], vector<16xf32>,
    %scatter3A_2073 = arith.constant 912 : i32
    %scatter3A_2074 = arith.constant 0 : i32
    %scatter3A_2075 = tpu.memref_slice %arg8[%scatter3A_2073, %scatter3A_2074] : memref<1024x5xf32, #tpu.memory_space<vmem>> -> memref<16x5xf32, #tpu.memory_space<vmem>>
    tpu.vector_store_idx %scatter3A_2075[%iota3A, %broadcast_in_dim3A_12], %gather3A_2032 : memref<16x5xf32, #tpu.memory_space<vmem>>[vector<16xi32>, vector<16xi32>], vector<16xf32>,
    %gather3A_2076 = arith.constant 80 : i32
    %gather3A_2077 = tpu.memref_slice %arg7[%gather3A_2076] : memref<400xf32, #tpu.memory_space<vmem>> -> memref<80xf32, #tpu.memory_space<vmem>>
    %gather3A_2078 = tpu.vector_load_idx %gather3A_2077[%get3A_2037] : memref<80xf32, #tpu.memory_space<vmem>>[vector<16xi32>], vector<16xf32>,
    %scatter3A_2079 = arith.constant 928 : i32
    %scatter3A_2080 = arith.constant 0 : i32
    %scatter3A_2081 = tpu.memref_slice %arg8[%scatter3A_2079, %scatter3A_2080] : memref<1024x5xf32, #tpu.memory_space<vmem>> -> memref<16x5xf32, #tpu.memory_space<vmem>>
    tpu.vector_store_idx %scatter3A_2081[%iota3A, %broadcast_in_dim3A_4], %gather3A_2040 : memref<16x5xf32, #tpu.memory_space<vmem>>[vector<16xi32>, vector<16xi32>], vector<16xf32>,
    %gather3A_2082 = arith.constant 160 : i32
    %gather3A_2083 = tpu.memref_slice %arg7[%gather3A_2082] : memref<400xf32, #tpu.memory_space<vmem>> -> memref<80xf32, #tpu.memory_space<vmem>>
    %gather3A_2084 = tpu.vector_load_idx %gather3A_2083[%get3A_2037] : memref<80xf32, #tpu.memory_space<vmem>>[vector<16xi32>], vector<16xf32>,
    %scatter3A_2085 = arith.constant 928 : i32
    %scatter3A_2086 = arith.constant 0 : i32
    %scatter3A_2087 = tpu.memref_slice %arg8[%scatter3A_2085, %scatter3A_2086] : memref<1024x5xf32, #tpu.memory_space<vmem>> -> memref<16x5xf32, #tpu.memory_space<vmem>>
    tpu.vector_store_idx %scatter3A_2087[%iota3A, %broadcast_in_dim3A_6], %gather3A_2046 : memref<16x5xf32, #tpu.memory_space<vmem>>[vector<16xi32>, vector<16xi32>], vector<16xf32>,
    %gather3A_2088 = arith.constant 240 : i32
    %gather3A_2089 = tpu.memref_slice %arg7[%gather3A_2088] : memref<400xf32, #tpu.memory_space<vmem>> -> memref<80xf32, #tpu.memory_space<vmem>>
    %gather3A_2090 = tpu.vector_load_idx %gather3A_2089[%get3A_2037] : memref<80xf32, #tpu.memory_space<vmem>>[vector<16xi32>], vector<16xf32>,
    %scatter3A_2091 = arith.constant 928 : i32
    %scatter3A_2092 = arith.constant 0 : i32
    %scatter3A_2093 = tpu.memref_slice %arg8[%scatter3A_2091, %scatter3A_2092] : memref<1024x5xf32, #tpu.memory_space<vmem>> -> memref<16x5xf32, #tpu.memory_space<vmem>>
    tpu.vector_store_idx %scatter3A_2093[%iota3A, %broadcast_in_dim3A_8], %gather3A_2052 : memref<16x5xf32, #tpu.memory_space<vmem>>[vector<16xi32>, vector<16xi32>], vector<16xf32>,
    %gather3A_2094 = arith.constant 320 : i32
    %gather3A_2095 = tpu.memref_slice %arg7[%gather3A_2094] : memref<400xf32, #tpu.memory_space<vmem>> -> memref<80xf32, #tpu.memory_space<vmem>>
    %gather3A_2096 = tpu.vector_load_idx %gather3A_2095[%get3A_2037] : memref<80xf32, #tpu.memory_space<vmem>>[vector<16xi32>], vector<16xf32>,
    %scatter3A_2097 = arith.constant 928 : i32
    %scatter3A_2098 = arith.constant 0 : i32
    %scatter3A_2099 = tpu.memref_slice %arg8[%scatter3A_2097, %scatter3A_2098] : memref<1024x5xf32, #tpu.memory_space<vmem>> -> memref<16x5xf32, #tpu.memory_space<vmem>>
    tpu.vector_store_idx %scatter3A_2099[%iota3A, %broadcast_in_dim3A_10], %gather3A_2058 : memref<16x5xf32, #tpu.memory_space<vmem>>[vector<16xi32>, vector<16xi32>], vector<16xf32>,
    %get3A_2100 = arith.constant 976 : index
    %get3A_2101 = tpu.vector_load %arg5[%get3A_2100] {strides = array<i32>} : memref<1024xi32, #tpu.memory_space<vmem>>, vector<16xi32>,
    %gather3A_2102 = arith.constant 0 : i32
    %gather3A_2103 = tpu.memref_slice %arg7[%gather3A_2102] : memref<400xf32, #tpu.memory_space<vmem>> -> memref<80xf32, #tpu.memory_space<vmem>>
    %gather3A_2104 = tpu.vector_load_idx %gather3A_2103[%get3A_2069] : memref<80xf32, #tpu.memory_space<vmem>>[vector<16xi32>], vector<16xf32>,
    %scatter3A_2105 = arith.constant 928 : i32
    %scatter3A_2106 = arith.constant 0 : i32
    %scatter3A_2107 = tpu.memref_slice %arg8[%scatter3A_2105, %scatter3A_2106] : memref<1024x5xf32, #tpu.memory_space<vmem>> -> memref<16x5xf32, #tpu.memory_space<vmem>>
    tpu.vector_store_idx %scatter3A_2107[%iota3A, %broadcast_in_dim3A_12], %gather3A_2064 : memref<16x5xf32, #tpu.memory_space<vmem>>[vector<16xi32>, vector<16xi32>], vector<16xf32>,
    %gather3A_2108 = arith.constant 80 : i32
    %gather3A_2109 = tpu.memref_slice %arg7[%gather3A_2108] : memref<400xf32, #tpu.memory_space<vmem>> -> memref<80xf32, #tpu.memory_space<vmem>>
    %gather3A_2110 = tpu.vector_load_idx %gather3A_2109[%get3A_2069] : memref<80xf32, #tpu.memory_space<vmem>>[vector<16xi32>], vector<16xf32>,
    %scatter3A_2111 = arith.constant 944 : i32
    %scatter3A_2112 = arith.constant 0 : i32
    %scatter3A_2113 = tpu.memref_slice %arg8[%scatter3A_2111, %scatter3A_2112] : memref<1024x5xf32, #tpu.memory_space<vmem>> -> memref<16x5xf32, #tpu.memory_space<vmem>>
    tpu.vector_store_idx %scatter3A_2113[%iota3A, %broadcast_in_dim3A_4], %gather3A_2072 : memref<16x5xf32, #tpu.memory_space<vmem>>[vector<16xi32>, vector<16xi32>], vector<16xf32>,
    %gather3A_2114 = arith.constant 160 : i32
    %gather3A_2115 = tpu.memref_slice %arg7[%gather3A_2114] : memref<400xf32, #tpu.memory_space<vmem>> -> memref<80xf32, #tpu.memory_space<vmem>>
    %gather3A_2116 = tpu.vector_load_idx %gather3A_2115[%get3A_2069] : memref<80xf32, #tpu.memory_space<vmem>>[vector<16xi32>], vector<16xf32>,
    %scatter3A_2117 = arith.constant 944 : i32
    %scatter3A_2118 = arith.constant 0 : i32
    %scatter3A_2119 = tpu.memref_slice %arg8[%scatter3A_2117, %scatter3A_2118] : memref<1024x5xf32, #tpu.memory_space<vmem>> -> memref<16x5xf32, #tpu.memory_space<vmem>>
    tpu.vector_store_idx %scatter3A_2119[%iota3A, %broadcast_in_dim3A_6], %gather3A_2078 : memref<16x5xf32, #tpu.memory_space<vmem>>[vector<16xi32>, vector<16xi32>], vector<16xf32>,
    %gather3A_2120 = arith.constant 240 : i32
    %gather3A_2121 = tpu.memref_slice %arg7[%gather3A_2120] : memref<400xf32, #tpu.memory_space<vmem>> -> memref<80xf32, #tpu.memory_space<vmem>>
    %gather3A_2122 = tpu.vector_load_idx %gather3A_2121[%get3A_2069] : memref<80xf32, #tpu.memory_space<vmem>>[vector<16xi32>], vector<16xf32>,
    %scatter3A_2123 = arith.constant 944 : i32
    %scatter3A_2124 = arith.constant 0 : i32
    %scatter3A_2125 = tpu.memref_slice %arg8[%scatter3A_2123, %scatter3A_2124] : memref<1024x5xf32, #tpu.memory_space<vmem>> -> memref<16x5xf32, #tpu.memory_space<vmem>>
    tpu.vector_store_idx %scatter3A_2125[%iota3A, %broadcast_in_dim3A_8], %gather3A_2084 : memref<16x5xf32, #tpu.memory_space<vmem>>[vector<16xi32>, vector<16xi32>], vector<16xf32>,
    %gather3A_2126 = arith.constant 320 : i32
    %gather3A_2127 = tpu.memref_slice %arg7[%gather3A_2126] : memref<400xf32, #tpu.memory_space<vmem>> -> memref<80xf32, #tpu.memory_space<vmem>>
    %gather3A_2128 = tpu.vector_load_idx %gather3A_2127[%get3A_2069] : memref<80xf32, #tpu.memory_space<vmem>>[vector<16xi32>], vector<16xf32>,
    %scatter3A_2129 = arith.constant 944 : i32
    %scatter3A_2130 = arith.constant 0 : i32
    %scatter3A_2131 = tpu.memref_slice %arg8[%scatter3A_2129, %scatter3A_2130] : memref<1024x5xf32, #tpu.memory_space<vmem>> -> memref<16x5xf32, #tpu.memory_space<vmem>>
    tpu.vector_store_idx %scatter3A_2131[%iota3A, %broadcast_in_dim3A_10], %gather3A_2090 : memref<16x5xf32, #tpu.memory_space<vmem>>[vector<16xi32>, vector<16xi32>], vector<16xf32>,
    %get3A_2132 = arith.constant 992 : index
    %get3A_2133 = tpu.vector_load %arg5[%get3A_2132] {strides = array<i32>} : memref<1024xi32, #tpu.memory_space<vmem>>, vector<16xi32>,
    %gather3A_2134 = arith.constant 0 : i32
    %gather3A_2135 = tpu.memref_slice %arg7[%gather3A_2134] : memref<400xf32, #tpu.memory_space<vmem>> -> memref<80xf32, #tpu.memory_space<vmem>>
    %gather3A_2136 = tpu.vector_load_idx %gather3A_2135[%get3A_2101] : memref<80xf32, #tpu.memory_space<vmem>>[vector<16xi32>], vector<16xf32>,
    %scatter3A_2137 = arith.constant 944 : i32
    %scatter3A_2138 = arith.constant 0 : i32
    %scatter3A_2139 = tpu.memref_slice %arg8[%scatter3A_2137, %scatter3A_2138] : memref<1024x5xf32, #tpu.memory_space<vmem>> -> memref<16x5xf32, #tpu.memory_space<vmem>>
    tpu.vector_store_idx %scatter3A_2139[%iota3A, %broadcast_in_dim3A_12], %gather3A_2096 : memref<16x5xf32, #tpu.memory_space<vmem>>[vector<16xi32>, vector<16xi32>], vector<16xf32>,
    %gather3A_2140 = arith.constant 80 : i32
    %gather3A_2141 = tpu.memref_slice %arg7[%gather3A_2140] : memref<400xf32, #tpu.memory_space<vmem>> -> memref<80xf32, #tpu.memory_space<vmem>>
    %gather3A_2142 = tpu.vector_load_idx %gather3A_2141[%get3A_2101] : memref<80xf32, #tpu.memory_space<vmem>>[vector<16xi32>], vector<16xf32>,
    %scatter3A_2143 = arith.constant 960 : i32
    %scatter3A_2144 = arith.constant 0 : i32
    %scatter3A_2145 = tpu.memref_slice %arg8[%scatter3A_2143, %scatter3A_2144] : memref<1024x5xf32, #tpu.memory_space<vmem>> -> memref<16x5xf32, #tpu.memory_space<vmem>>
    tpu.vector_store_idx %scatter3A_2145[%iota3A, %broadcast_in_dim3A_4], %gather3A_2104 : memref<16x5xf32, #tpu.memory_space<vmem>>[vector<16xi32>, vector<16xi32>], vector<16xf32>,
    %gather3A_2146 = arith.constant 160 : i32
    %gather3A_2147 = tpu.memref_slice %arg7[%gather3A_2146] : memref<400xf32, #tpu.memory_space<vmem>> -> memref<80xf32, #tpu.memory_space<vmem>>
    %gather3A_2148 = tpu.vector_load_idx %gather3A_2147[%get3A_2101] : memref<80xf32, #tpu.memory_space<vmem>>[vector<16xi32>], vector<16xf32>,
    %scatter3A_2149 = arith.constant 960 : i32
    %scatter3A_2150 = arith.constant 0 : i32
    %scatter3A_2151 = tpu.memref_slice %arg8[%scatter3A_2149, %scatter3A_2150] : memref<1024x5xf32, #tpu.memory_space<vmem>> -> memref<16x5xf32, #tpu.memory_space<vmem>>
    tpu.vector_store_idx %scatter3A_2151[%iota3A, %broadcast_in_dim3A_6], %gather3A_2110 : memref<16x5xf32, #tpu.memory_space<vmem>>[vector<16xi32>, vector<16xi32>], vector<16xf32>,
    %gather3A_2152 = arith.constant 240 : i32
    %gather3A_2153 = tpu.memref_slice %arg7[%gather3A_2152] : memref<400xf32, #tpu.memory_space<vmem>> -> memref<80xf32, #tpu.memory_space<vmem>>
    %gather3A_2154 = tpu.vector_load_idx %gather3A_2153[%get3A_2101] : memref<80xf32, #tpu.memory_space<vmem>>[vector<16xi32>], vector<16xf32>,
    %scatter3A_2155 = arith.constant 960 : i32
    %scatter3A_2156 = arith.constant 0 : i32
    %scatter3A_2157 = tpu.memref_slice %arg8[%scatter3A_2155, %scatter3A_2156] : memref<1024x5xf32, #tpu.memory_space<vmem>> -> memref<16x5xf32, #tpu.memory_space<vmem>>
    tpu.vector_store_idx %scatter3A_2157[%iota3A, %broadcast_in_dim3A_8], %gather3A_2116 : memref<16x5xf32, #tpu.memory_space<vmem>>[vector<16xi32>, vector<16xi32>], vector<16xf32>,
    %gather3A_2158 = arith.constant 320 : i32
    %gather3A_2159 = tpu.memref_slice %arg7[%gather3A_2158] : memref<400xf32, #tpu.memory_space<vmem>> -> memref<80xf32, #tpu.memory_space<vmem>>
    %gather3A_2160 = tpu.vector_load_idx %gather3A_2159[%get3A_2101] : memref<80xf32, #tpu.memory_space<vmem>>[vector<16xi32>], vector<16xf32>,
    %scatter3A_2161 = arith.constant 960 : i32
    %scatter3A_2162 = arith.constant 0 : i32
    %scatter3A_2163 = tpu.memref_slice %arg8[%scatter3A_2161, %scatter3A_2162] : memref<1024x5xf32, #tpu.memory_space<vmem>> -> memref<16x5xf32, #tpu.memory_space<vmem>>
    tpu.vector_store_idx %scatter3A_2163[%iota3A, %broadcast_in_dim3A_10], %gather3A_2122 : memref<16x5xf32, #tpu.memory_space<vmem>>[vector<16xi32>, vector<16xi32>], vector<16xf32>,
    %get3A_2164 = arith.constant 1008 : index
    %get3A_2165 = tpu.vector_load %arg5[%get3A_2164] {strides = array<i32>} : memref<1024xi32, #tpu.memory_space<vmem>>, vector<16xi32>,
    %gather3A_2166 = arith.constant 0 : i32
    %gather3A_2167 = tpu.memref_slice %arg7[%gather3A_2166] : memref<400xf32, #tpu.memory_space<vmem>> -> memref<80xf32, #tpu.memory_space<vmem>>
    %gather3A_2168 = tpu.vector_load_idx %gather3A_2167[%get3A_2133] : memref<80xf32, #tpu.memory_space<vmem>>[vector<16xi32>], vector<16xf32>,
    %scatter3A_2169 = arith.constant 960 : i32
    %scatter3A_2170 = arith.constant 0 : i32
    %scatter3A_2171 = tpu.memref_slice %arg8[%scatter3A_2169, %scatter3A_2170] : memref<1024x5xf32, #tpu.memory_space<vmem>> -> memref<16x5xf32, #tpu.memory_space<vmem>>
    tpu.vector_store_idx %scatter3A_2171[%iota3A, %broadcast_in_dim3A_12], %gather3A_2128 : memref<16x5xf32, #tpu.memory_space<vmem>>[vector<16xi32>, vector<16xi32>], vector<16xf32>,
    %gather3A_2172 = arith.constant 80 : i32
    %gather3A_2173 = tpu.memref_slice %arg7[%gather3A_2172] : memref<400xf32, #tpu.memory_space<vmem>> -> memref<80xf32, #tpu.memory_space<vmem>>
    %gather3A_2174 = tpu.vector_load_idx %gather3A_2173[%get3A_2133] : memref<80xf32, #tpu.memory_space<vmem>>[vector<16xi32>], vector<16xf32>,
    %scatter3A_2175 = arith.constant 976 : i32
    %scatter3A_2176 = arith.constant 0 : i32
    %scatter3A_2177 = tpu.memref_slice %arg8[%scatter3A_2175, %scatter3A_2176] : memref<1024x5xf32, #tpu.memory_space<vmem>> -> memref<16x5xf32, #tpu.memory_space<vmem>>
    tpu.vector_store_idx %scatter3A_2177[%iota3A, %broadcast_in_dim3A_4], %gather3A_2136 : memref<16x5xf32, #tpu.memory_space<vmem>>[vector<16xi32>, vector<16xi32>], vector<16xf32>,
    %gather3A_2178 = arith.constant 160 : i32
    %gather3A_2179 = tpu.memref_slice %arg7[%gather3A_2178] : memref<400xf32, #tpu.memory_space<vmem>> -> memref<80xf32, #tpu.memory_space<vmem>>
    %gather3A_2180 = tpu.vector_load_idx %gather3A_2179[%get3A_2133] : memref<80xf32, #tpu.memory_space<vmem>>[vector<16xi32>], vector<16xf32>,
    %scatter3A_2181 = arith.constant 976 : i32
    %scatter3A_2182 = arith.constant 0 : i32
    %scatter3A_2183 = tpu.memref_slice %arg8[%scatter3A_2181, %scatter3A_2182] : memref<1024x5xf32, #tpu.memory_space<vmem>> -> memref<16x5xf32, #tpu.memory_space<vmem>>
    tpu.vector_store_idx %scatter3A_2183[%iota3A, %broadcast_in_dim3A_6], %gather3A_2142 : memref<16x5xf32, #tpu.memory_space<vmem>>[vector<16xi32>, vector<16xi32>], vector<16xf32>,
    %gather3A_2184 = arith.constant 240 : i32
    %gather3A_2185 = tpu.memref_slice %arg7[%gather3A_2184] : memref<400xf32, #tpu.memory_space<vmem>> -> memref<80xf32, #tpu.memory_space<vmem>>
    %gather3A_2186 = tpu.vector_load_idx %gather3A_2185[%get3A_2133] : memref<80xf32, #tpu.memory_space<vmem>>[vector<16xi32>], vector<16xf32>,
    %scatter3A_2187 = arith.constant 976 : i32
    %scatter3A_2188 = arith.constant 0 : i32
    %scatter3A_2189 = tpu.memref_slice %arg8[%scatter3A_2187, %scatter3A_2188] : memref<1024x5xf32, #tpu.memory_space<vmem>> -> memref<16x5xf32, #tpu.memory_space<vmem>>
    tpu.vector_store_idx %scatter3A_2189[%iota3A, %broadcast_in_dim3A_8], %gather3A_2148 : memref<16x5xf32, #tpu.memory_space<vmem>>[vector<16xi32>, vector<16xi32>], vector<16xf32>,
    %gather3A_2190 = arith.constant 320 : i32
    %gather3A_2191 = tpu.memref_slice %arg7[%gather3A_2190] : memref<400xf32, #tpu.memory_space<vmem>> -> memref<80xf32, #tpu.memory_space<vmem>>
    %gather3A_2192 = tpu.vector_load_idx %gather3A_2191[%get3A_2133] : memref<80xf32, #tpu.memory_space<vmem>>[vector<16xi32>], vector<16xf32>,
    %scatter3A_2193 = arith.constant 976 : i32
    %scatter3A_2194 = arith.constant 0 : i32
    %scatter3A_2195 = tpu.memref_slice %arg8[%scatter3A_2193, %scatter3A_2194] : memref<1024x5xf32, #tpu.memory_space<vmem>> -> memref<16x5xf32, #tpu.memory_space<vmem>>
    tpu.vector_store_idx %scatter3A_2195[%iota3A, %broadcast_in_dim3A_10], %gather3A_2154 : memref<16x5xf32, #tpu.memory_space<vmem>>[vector<16xi32>, vector<16xi32>], vector<16xf32>,
    %gather3A_2196 = arith.constant 0 : i32
    %gather3A_2197 = tpu.memref_slice %arg7[%gather3A_2196] : memref<400xf32, #tpu.memory_space<vmem>> -> memref<80xf32, #tpu.memory_space<vmem>>
    %gather3A_2198 = tpu.vector_load_idx %gather3A_2197[%get3A_2165] : memref<80xf32, #tpu.memory_space<vmem>>[vector<16xi32>], vector<16xf32>,
    %scatter3A_2199 = arith.constant 976 : i32
    %scatter3A_2200 = arith.constant 0 : i32
    %scatter3A_2201 = tpu.memref_slice %arg8[%scatter3A_2199, %scatter3A_2200] : memref<1024x5xf32, #tpu.memory_space<vmem>> -> memref<16x5xf32, #tpu.memory_space<vmem>>
    tpu.vector_store_idx %scatter3A_2201[%iota3A, %broadcast_in_dim3A_12], %gather3A_2160 : memref<16x5xf32, #tpu.memory_space<vmem>>[vector<16xi32>, vector<16xi32>], vector<16xf32>,
    %gather3A_2202 = arith.constant 80 : i32
    %gather3A_2203 = tpu.memref_slice %arg7[%gather3A_2202] : memref<400xf32, #tpu.memory_space<vmem>> -> memref<80xf32, #tpu.memory_space<vmem>>
    %gather3A_2204 = tpu.vector_load_idx %gather3A_2203[%get3A_2165] : memref<80xf32, #tpu.memory_space<vmem>>[vector<16xi32>], vector<16xf32>,
    %scatter3A_2205 = arith.constant 992 : i32
    %scatter3A_2206 = arith.constant 0 : i32
    %scatter3A_2207 = tpu.memref_slice %arg8[%scatter3A_2205, %scatter3A_2206] : memref<1024x5xf32, #tpu.memory_space<vmem>> -> memref<16x5xf32, #tpu.memory_space<vmem>>
    tpu.vector_store_idx %scatter3A_2207[%iota3A, %broadcast_in_dim3A_4], %gather3A_2168 : memref<16x5xf32, #tpu.memory_space<vmem>>[vector<16xi32>, vector<16xi32>], vector<16xf32>,
    %gather3A_2208 = arith.constant 160 : i32
    %gather3A_2209 = tpu.memref_slice %arg7[%gather3A_2208] : memref<400xf32, #tpu.memory_space<vmem>> -> memref<80xf32, #tpu.memory_space<vmem>>
    %gather3A_2210 = tpu.vector_load_idx %gather3A_2209[%get3A_2165] : memref<80xf32, #tpu.memory_space<vmem>>[vector<16xi32>], vector<16xf32>,
    %scatter3A_2211 = arith.constant 992 : i32
    %scatter3A_2212 = arith.constant 0 : i32
    %scatter3A_2213 = tpu.memref_slice %arg8[%scatter3A_2211, %scatter3A_2212] : memref<1024x5xf32, #tpu.memory_space<vmem>> -> memref<16x5xf32, #tpu.memory_space<vmem>>
    tpu.vector_store_idx %scatter3A_2213[%iota3A, %broadcast_in_dim3A_6], %gather3A_2174 : memref<16x5xf32, #tpu.memory_space<vmem>>[vector<16xi32>, vector<16xi32>], vector<16xf32>,
    %gather3A_2214 = arith.constant 240 : i32
    %gather3A_2215 = tpu.memref_slice %arg7[%gather3A_2214] : memref<400xf32, #tpu.memory_space<vmem>> -> memref<80xf32, #tpu.memory_space<vmem>>
    %gather3A_2216 = tpu.vector_load_idx %gather3A_2215[%get3A_2165] : memref<80xf32, #tpu.memory_space<vmem>>[vector<16xi32>], vector<16xf32>,
    %scatter3A_2217 = arith.constant 992 : i32
    %scatter3A_2218 = arith.constant 0 : i32
    %scatter3A_2219 = tpu.memref_slice %arg8[%scatter3A_2217, %scatter3A_2218] : memref<1024x5xf32, #tpu.memory_space<vmem>> -> memref<16x5xf32, #tpu.memory_space<vmem>>
    tpu.vector_store_idx %scatter3A_2219[%iota3A, %broadcast_in_dim3A_8], %gather3A_2180 : memref<16x5xf32, #tpu.memory_space<vmem>>[vector<16xi32>, vector<16xi32>], vector<16xf32>,
    %gather3A_2220 = arith.constant 320 : i32
    %gather3A_2221 = tpu.memref_slice %arg7[%gather3A_2220] : memref<400xf32, #tpu.memory_space<vmem>> -> memref<80xf32, #tpu.memory_space<vmem>>
    %gather3A_2222 = tpu.vector_load_idx %gather3A_2221[%get3A_2165] : memref<80xf32, #tpu.memory_space<vmem>>[vector<16xi32>], vector<16xf32>,
    %scatter3A_2223 = arith.constant 992 : i32
    %scatter3A_2224 = arith.constant 0 : i32
    %scatter3A_2225 = tpu.memref_slice %arg8[%scatter3A_2223, %scatter3A_2224] : memref<1024x5xf32, #tpu.memory_space<vmem>> -> memref<16x5xf32, #tpu.memory_space<vmem>>
    tpu.vector_store_idx %scatter3A_2225[%iota3A, %broadcast_in_dim3A_10], %gather3A_2186 : memref<16x5xf32, #tpu.memory_space<vmem>>[vector<16xi32>, vector<16xi32>], vector<16xf32>,
    %scatter3A_2226 = arith.constant 992 : i32
    %scatter3A_2227 = arith.constant 0 : i32
    %scatter3A_2228 = tpu.memref_slice %arg8[%scatter3A_2226, %scatter3A_2227] : memref<1024x5xf32, #tpu.memory_space<vmem>> -> memref<16x5xf32, #tpu.memory_space<vmem>>
    tpu.vector_store_idx %scatter3A_2228[%iota3A, %broadcast_in_dim3A_12], %gather3A_2192 : memref<16x5xf32, #tpu.memory_space<vmem>>[vector<16xi32>, vector<16xi32>], vector<16xf32>,
    %scatter3A_2229 = arith.constant 1008 : i32
    %scatter3A_2230 = arith.constant 0 : i32
    %scatter3A_2231 = tpu.memref_slice %arg8[%scatter3A_2229, %scatter3A_2230] : memref<1024x5xf32, #tpu.memory_space<vmem>> -> memref<16x5xf32, #tpu.memory_space<vmem>>
    tpu.vector_store_idx %scatter3A_2231[%iota3A, %broadcast_in_dim3A_4], %gather3A_2198 : memref<16x5xf32, #tpu.memory_space<vmem>>[vector<16xi32>, vector<16xi32>], vector<16xf32>,
    %scatter3A_2232 = arith.constant 1008 : i32
    %scatter3A_2233 = arith.constant 0 : i32
    %scatter3A_2234 = tpu.memref_slice %arg8[%scatter3A_2232, %scatter3A_2233] : memref<1024x5xf32, #tpu.memory_space<vmem>> -> memref<16x5xf32, #tpu.memory_space<vmem>>
    tpu.vector_store_idx %scatter3A_2234[%iota3A, %broadcast_in_dim3A_6], %gather3A_2204 : memref<16x5xf32, #tpu.memory_space<vmem>>[vector<16xi32>, vector<16xi32>], vector<16xf32>,
    %scatter3A_2235 = arith.constant 1008 : i32
    %scatter3A_2236 = arith.constant 0 : i32
    %scatter3A_2237 = tpu.memref_slice %arg8[%scatter3A_2235, %scatter3A_2236] : memref<1024x5xf32, #tpu.memory_space<vmem>> -> memref<16x5xf32, #tpu.memory_space<vmem>>
    tpu.vector_store_idx %scatter3A_2237[%iota3A, %broadcast_in_dim3A_8], %gather3A_2210 : memref<16x5xf32, #tpu.memory_space<vmem>>[vector<16xi32>, vector<16xi32>], vector<16xf32>,
    %scatter3A_2238 = arith.constant 1008 : i32
    %scatter3A_2239 = arith.constant 0 : i32
    %scatter3A_2240 = tpu.memref_slice %arg8[%scatter3A_2238, %scatter3A_2239] : memref<1024x5xf32, #tpu.memory_space<vmem>> -> memref<16x5xf32, #tpu.memory_space<vmem>>
    tpu.vector_store_idx %scatter3A_2240[%iota3A, %broadcast_in_dim3A_10], %gather3A_2216 : memref<16x5xf32, #tpu.memory_space<vmem>>[vector<16xi32>, vector<16xi32>], vector<16xf32>,
    %scatter3A_2241 = arith.constant 1008 : i32
    %scatter3A_2242 = arith.constant 0 : i32
    %scatter3A_2243 = tpu.memref_slice %arg8[%scatter3A_2241, %scatter3A_2242] : memref<1024x5xf32, #tpu.memory_space<vmem>> -> memref<16x5xf32, #tpu.memory_space<vmem>>
    tpu.vector_store_idx %scatter3A_2243[%iota3A, %broadcast_in_dim3A_12], %gather3A_2222 : memref<16x5xf32, #tpu.memory_space<vmem>>[vector<16xi32>, vector<16xi32>], vector<16xf32>,
    %add3A_2244 = arith.constant 768 : i32
    %add3A_2245 = arith.addi %mul3A_2, %add3A_2244 : i32
    %dma_start3A_2246 = arith.constant 768 : i32
    %dma_start3A_2247 = arith.constant 0 : i32
    %dma_start3A_2248 = tpu.memref_slice %arg8[%dma_start3A_2246, %dma_start3A_2247] : memref<1024x5xf32, #tpu.memory_space<vmem>> -> memref<256x5xf32, #tpu.memory_space<vmem>>
    %dma_start3A_2249 = arith.constant 0 : i32
    %dma_start3A_2250 = tpu.memref_slice %arg4[%add3A_2245, %dma_start3A_2249] : memref<16384x5xf32, #tpu.memory_space<hbm>> -> memref<256x5xf32, #tpu.memory_space<hbm>>
    %dma_start3A_2251 = arith.constant 0 : i32
    %dma_start3A_2252 = tpu.memref_slice %arg4[%add3A_2245, %dma_start3A_2251] : memref<16384x5xf32, #tpu.memory_space<hbm>> -> memref<256x5xf32, #tpu.memory_space<hbm>>
    %dma_start3A_2253 = arith.constant 768 : i32
    %dma_start3A_2254 = arith.constant 0 : i32
    %dma_start3A_2255 = tpu.memref_slice %arg8[%dma_start3A_2253, %dma_start3A_2254] : memref<1024x5xf32, #tpu.memory_space<vmem>> -> memref<256x5xf32, #tpu.memory_space<vmem>>
    tpu.enqueue_dma source(%dma_start3A_2255 : memref<256x5xf32, #tpu.memory_space<vmem>>) target(%dma_start3A_2252 : memref<256x5xf32, #tpu.memory_space<hbm>>) target_semaphore(%arg10 : memref<!tpu.dma_semaphore, #tpu.memory_space<semaphore_mem>>)
    %dma_wait3A_2256 = arith.constant 0 : i32
    %dma_wait3A_2257 = arith.constant 0 : i32
    %dma_wait3A_2258 = tpu.memref_slice %arg8[%dma_wait3A_2256, %dma_wait3A_2257] : memref<1024x5xf32, #tpu.memory_space<vmem>> -> memref<256x5xf32, #tpu.memory_space<vmem>>
    %dma_wait3A_2259 = arith.constant 0 : i32
    %dma_wait3A_2260 = tpu.memref_slice %arg4[%add3A_721, %dma_wait3A_2259] : memref<16384x5xf32, #tpu.memory_space<hbm>> -> memref<256x5xf32, #tpu.memory_space<hbm>>
    %dma_wait3A_2261 = arith.constant 0 : i32
    %dma_wait3A_2262 = tpu.memref_slice %arg4[%add3A_721, %dma_wait3A_2261] : memref<16384x5xf32, #tpu.memory_space<hbm>> -> memref<256x5xf32, #tpu.memory_space<hbm>>
    %dma_wait3A_2263 = arith.constant 0 : i32
    %dma_wait3A_2264 = arith.constant 0 : i32
    %dma_wait3A_2265 = tpu.memref_slice %arg8[%dma_wait3A_2263, %dma_wait3A_2264] : memref<1024x5xf32, #tpu.memory_space<vmem>> -> memref<256x5xf32, #tpu.memory_space<vmem>>
    tpu.wait_dma2 semaphore(%arg9 : memref<!tpu.dma_semaphore, #tpu.memory_space<semaphore_mem>>) src(%dma_wait3A_2265 : memref<256x5xf32, #tpu.memory_space<vmem>>) dst(%dma_wait3A_2262 : memref<256x5xf32, #tpu.memory_space<hbm>>)
    %dma_wait3A_2266 = arith.constant 256 : i32
    %dma_wait3A_2267 = arith.constant 0 : i32
    %dma_wait3A_2268 = tpu.memref_slice %arg8[%dma_wait3A_2266, %dma_wait3A_2267] : memref<1024x5xf32, #tpu.memory_space<vmem>> -> memref<256x5xf32, #tpu.memory_space<vmem>>
    %dma_wait3A_2269 = arith.constant 0 : i32
    %dma_wait3A_2270 = tpu.memref_slice %arg4[%add3A_1245, %dma_wait3A_2269] : memref<16384x5xf32, #tpu.memory_space<hbm>> -> memref<256x5xf32, #tpu.memory_space<hbm>>
    %dma_wait3A_2271 = arith.constant 0 : i32
    %dma_wait3A_2272 = tpu.memref_slice %arg4[%add3A_1245, %dma_wait3A_2271] : memref<16384x5xf32, #tpu.memory_space<hbm>> -> memref<256x5xf32, #tpu.memory_space<hbm>>
    %dma_wait3A_2273 = arith.constant 256 : i32
    %dma_wait3A_2274 = arith.constant 0 : i32
    %dma_wait3A_2275 = tpu.memref_slice %arg8[%dma_wait3A_2273, %dma_wait3A_2274] : memref<1024x5xf32, #tpu.memory_space<vmem>> -> memref<256x5xf32, #tpu.memory_space<vmem>>
    tpu.wait_dma2 semaphore(%arg10 : memref<!tpu.dma_semaphore, #tpu.memory_space<semaphore_mem>>) src(%dma_wait3A_2275 : memref<256x5xf32, #tpu.memory_space<vmem>>) dst(%dma_wait3A_2272 : memref<256x5xf32, #tpu.memory_space<hbm>>)
    %dma_wait3A_2276 = arith.constant 512 : i32
    %dma_wait3A_2277 = arith.constant 0 : i32
    %dma_wait3A_2278 = tpu.memref_slice %arg8[%dma_wait3A_2276, %dma_wait3A_2277] : memref<1024x5xf32, #tpu.memory_space<vmem>> -> memref<256x5xf32, #tpu.memory_space<vmem>>
    %dma_wait3A_2279 = arith.constant 0 : i32
    %dma_wait3A_2280 = tpu.memref_slice %arg4[%add3A_1769, %dma_wait3A_2279] : memref<16384x5xf32, #tpu.memory_space<hbm>> -> memref<256x5xf32, #tpu.memory_space<hbm>>
    %dma_wait3A_2281 = arith.constant 0 : i32
    %dma_wait3A_2282 = tpu.memref_slice %arg4[%add3A_1769, %dma_wait3A_2281] : memref<16384x5xf32, #tpu.memory_space<hbm>> -> memref<256x5xf32, #tpu.memory_space<hbm>>
    %dma_wait3A_2283 = arith.constant 512 : i32
    %dma_wait3A_2284 = arith.constant 0 : i32
    %dma_wait3A_2285 = tpu.memref_slice %arg8[%dma_wait3A_2283, %dma_wait3A_2284] : memref<1024x5xf32, #tpu.memory_space<vmem>> -> memref<256x5xf32, #tpu.memory_space<vmem>>
    tpu.wait_dma2 semaphore(%arg9 : memref<!tpu.dma_semaphore, #tpu.memory_space<semaphore_mem>>) src(%dma_wait3A_2285 : memref<256x5xf32, #tpu.memory_space<vmem>>) dst(%dma_wait3A_2282 : memref<256x5xf32, #tpu.memory_space<hbm>>)
    %dma_wait3A_2286 = arith.constant 768 : i32
    %dma_wait3A_2287 = arith.constant 0 : i32
    %dma_wait3A_2288 = tpu.memref_slice %arg8[%dma_wait3A_2286, %dma_wait3A_2287] : memref<1024x5xf32, #tpu.memory_space<vmem>> -> memref<256x5xf32, #tpu.memory_space<vmem>>
    %dma_wait3A_2289 = arith.constant 0 : i32
    %dma_wait3A_2290 = tpu.memref_slice %arg4[%add3A_2245, %dma_wait3A_2289] : memref<16384x5xf32, #tpu.memory_space<hbm>> -> memref<256x5xf32, #tpu.memory_space<hbm>>
    %dma_wait3A_2291 = arith.constant 0 : i32
    %dma_wait3A_2292 = tpu.memref_slice %arg4[%add3A_2245, %dma_wait3A_2291] : memref<16384x5xf32, #tpu.memory_space<hbm>> -> memref<256x5xf32, #tpu.memory_space<hbm>>
    %dma_wait3A_2293 = arith.constant 768 : i32
    %dma_wait3A_2294 = arith.constant 0 : i32
    %dma_wait3A_2295 = tpu.memref_slice %arg8[%dma_wait3A_2293, %dma_wait3A_2294] : memref<1024x5xf32, #tpu.memory_space<vmem>> -> memref<256x5xf32, #tpu.memory_space<vmem>>
    tpu.wait_dma2 semaphore(%arg10 : memref<!tpu.dma_semaphore, #tpu.memory_space<semaphore_mem>>) src(%dma_wait3A_2295 : memref<256x5xf32, #tpu.memory_space<vmem>>) dst(%dma_wait3A_2292 : memref<256x5xf32, #tpu.memory_space<hbm>>)
    return
  }
}

</mosaic_0001>

<sc_bundles>
// kernel: kernel.3.cloned.1.call-start
scs
__scs_entry_jumppad:
0x0: {  	(pc) =	sbr.rel $0x88, $3  }
0x1: {  	(tag) =	ssettag $0x0;
	lr =	simm.s32 $0x1  }
0x2: {  	[smem:$0x3F9F] =	sst lr;
	_ =	strace $0xD0000000  }
0x3: {  	_ = 	snop  }
0x4: {  	_ = 	snop  }
0x5: {  	_ = 	snop  }
0x6: {  	_ = 	snop  }
0x7: {  	_ = 	snop  }
__scs_overlays_trampoline_lowered:
0x8: {  	[smem:$0x3FAE] =	sst s0  }
0x9: {  	[smem:$0x3FAF] =	sst s1  }
0xa: {  	[smem:$0x3FB0] =	sst s2  }
0xb: {  	[smem:$0x3FB1] =	sst s3  }
0xc: {  	[smem:$0x3FB2] =	sst s4  }
0xd: {  	[smem:$0x3FB3] =	sst s5  }
0xe: {  	[smem:$0x3FB4] =	sst s6  }
0xf: {  	[smem:$0x3FB5] =	sst s7  }
0x10: {  	[smem:$0x3FB6] =	sst s8  }
0x11: {  	[smem:$0x3FB7] =	sst s9;
	s0 =	simm.s32 @!p0 $0x0  }
0x12: {  	s1 =	sld [smem:$0x3F9D];
	s0 =	simm.s32 @p0 $0x1  }
0x13: {  	[smem:$0x3FB8] =	sst s0;
	s0 =	simm.s32 @!p1 $0x0  }
0x14: {  	s2 =	sld [smem:$0x3F9C];
	s0 =	simm.s32 @p1 $0x1  }
0x15: {  	[smem:$0x3FB9] =	sst s0;
	s0 =	simm.s32 @!p2 $0x0  }
0x16: {  	s3 =	sld [smem:$0x3FDB];
	s0 =	simm.s32 @p2 $0x1  }
0x17: {  	s4 =	simm.s32 $0x1BF5;
	[smem:$0x3FBB] =	sst s0  }
0x18: {  	s0 =	sld [smem:$0x3F9E];
	_ =	swait.ge [sflag:s4], $0x0  }
0x19: {  	s7 =	sld [smem:$0x3F9F]  }
0x1a: {  	s8 =	sadd.s32 $0xFFFFE003, lr  }
0x1b: {  	s9 =	sadd.s32 $0xFFFFFEF7, lr;
	s5 =	simm.s32 $0xFFFFFFFF;
	p2 =	slt.u32 s8, $0xFFFFF086  }
0x1c: {  	p1 =	slt.u32 s9, $0xF7A;
	s5 =	simm.s32 @!p2 $0x0  }
0x1d: {  	s5 =	simm.s32 @p1 $0x1;
	p0 =	seq.s32 s7, s2  }
0x1e: {  	s7 =	smul.u32 @!p0 $0xF7A, s2;
	p2 =	seq.s32 @!p0 s5, $0x0  }
0x1f: {  	s9 =	smul.u32 $0xF7A, s1;
	s8 =	simm.s32 @!p0 $0x1BF5;
	p2 =	por !p2, p0  }
0x20: {  	[sflag:s8] =	ssyncset.s32 @!p0 $0xFFFFF086;
	s6 =	sadd.s32 @!p0 s3, s7;
	s7 =	simm.s32 @!p0 $0x108  }
0x21: {  	s3 =	sadd.s32 s3, s9;
	s6 =	sadd.s32 @!p0 $0x88, s6;
	s7 =	simm.s32 @p2 $0x1082  }
0x22: {  	[simem:s7], [sflag:s8] =	dma.local @!p0 [hbm:s6], $0xF7A  }
0x23: {  	s9 =	sor.u32 $0xD0000000, s2;
	s6 =	simm.s32 $0x108;
	_ =	swait.ge @!p0 [sflag:s8], $0x0  }
0x24: {  	s3 =	sadd.s32 $0x88, s3;
	s6 =	simm.s32 @!p1 $0x1082;
	[sflag:s4] =	ssyncset.s32 $0xFFFFF086  }
0x25: {  	[simem:s6], [sflag:s4] =	dma.local [hbm:s3], $0xF7A  }
0x26: {  	[smem:$0x3F9F] =	sst s1;
	(tag) =	ssettag s2;
	_ =	strace s9  }
0x27: {  	s1 =	sld [smem:$0x3FAF]  }
0x28: {  	s2 =	sld [smem:$0x3FB0]  }
0x29: {  	s4 =	sld [smem:$0x3FB2]  }
0x2a: {  	p0 =	seq.s32 s5, $0x0;
	s5 =	sld [smem:$0x3FB3]  }
0x2b: {  	s6 =	sld [smem:$0x3FB4]  }
0x2c: {  	s7 =	sld [smem:$0x3FB5]  }
0x2d: {  	s3 =	simm.s32 $0x108;
	s8 =	sld [smem:$0x3FB6]  }
0x2e: {  	s3 =	simm.s32 @!p0 $0x1082;
	s9 =	sld [smem:$0x3FB7]  }
0x2f: {  	lr =	sadd.s32 s0, s3;
	s0 =	sld [smem:$0x3FAE]  }
0x30: {  	s3 =	sld [smem:$0x3FB1]  }
0x31: {  	[smem:$0x3FBA] =	sst s10  }
0x32: {  	s10 =	sld [smem:$0x3FB8];
	_ =	sdelay $0x3  }
0x33: {  	p0 =	seq.s32 s10, $0x1;
	s10 =	sld [smem:$0x3FBA];
	_ =	sdelay $0x3  }
0x34: {  	[smem:$0x3FBA] =	sst s10  }
0x35: {  	s10 =	sld [smem:$0x3FB9];
	_ =	sdelay $0x3  }
0x36: {  	p1 =	seq.s32 s10, $0x1;
	s10 =	sld [smem:$0x3FBA];
	_ =	sdelay $0x3  }
0x37: {  	[smem:$0x3FBA] =	sst s10  }
0x38: {  	s10 =	sld [smem:$0x3FBB]  }
0x39: {  	_ = 	snop;
	(pc) =	sbr.ind lr, $3  }
0x3a: {  	_ = 	snop  }
0x3b: {  	_ = 	snop  }
0x3c: {  	p2 =	seq.s32 s10, $0x1;
	s10 =	sld [smem:$0x3FBA]  }
0x3d: {  	_ =	shalt  }
0x3e: {  	_ =	shalt  }
0x3f: {  	_ =	shalt  }
0x40: {  	_ =	shalt  }
0x41: {  	_ =	shalt  }
0x42: {  	_ =	shalt  }
0x43: {  	_ =	shalt  }
0x44: {  	_ =	shalt  }
0x45: {  	_ =	shalt  }
0x46: {  	_ =	shalt  }
0x47: {  	_ =	shalt  }
0x48: {  	_ =	shalt  }
0x49: {  	_ =	shalt  }
0x4a: {  	_ =	shalt  }
0x4b: {  	_ =	shalt  }
0x4c: {  	_ =	shalt  }
0x4d: {  	_ =	shalt  }
0x4e: {  	_ =	shalt  }
0x4f: {  	_ =	shalt  }
0x50: {  	_ =	shalt  }
0x51: {  	_ =	shalt  }
0x52: {  	_ =	shalt  }
0x53: {  	_ =	shalt  }
0x54: {  	_ =	shalt  }
0x55: {  	_ =	shalt  }
0x56: {  	_ =	shalt  }
0x57: {  	_ =	shalt  }
0x58: {  	_ =	shalt  }
0x59: {  	_ =	shalt  }
0x5a: {  	_ =	shalt  }
0x5b: {  	_ =	shalt  }
0x5c: {  	_ =	shalt  }
0x5d: {  	_ =	shalt  }
0x5e: {  	_ =	shalt  }
0x5f: {  	_ =	shalt  }
0x60: {  	_ =	shalt  }
0x61: {  	_ =	shalt  }
0x62: {  	_ =	shalt  }
0x63: {  	_ =	shalt  }
0x64: {  	_ =	shalt  }
0x65: {  	_ =	shalt  }
0x66: {  	_ =	shalt  }
0x67: {  	_ =	shalt  }
0x68: {  	_ =	shalt  }
0x69: {  	_ =	shalt  }
0x6a: {  	_ =	shalt  }
0x6b: {  	_ =	shalt  }
0x6c: {  	_ =	shalt  }
0x6d: {  	_ =	shalt  }
0x6e: {  	_ =	shalt  }
0x6f: {  	_ =	shalt  }
0x70: {  	_ =	shalt  }
0x71: {  	_ =	shalt  }
0x72: {  	_ =	shalt  }
0x73: {  	_ =	shalt  }
0x74: {  	_ =	shalt  }
0x75: {  	_ =	shalt  }
0x76: {  	_ =	shalt  }
0x77: {  	_ =	shalt  }
0x78: {  	_ =	shalt  }
0x79: {  	_ =	shalt  }
0x7a: {  	_ =	shalt  }
0x7b: {  	_ =	shalt  }
0x7c: {  	_ =	shalt  }
0x7d: {  	_ =	shalt  }
0x7e: {  	_ =	shalt  }
0x7f: {  	_ =	shalt  }
0x80: {  	_ =	shalt  }
0x81: {  	_ =	shalt  }
0x82: {  	_ =	shalt  }
0x83: {  	_ =	shalt  }
0x84: {  	_ =	shalt  }
0x85: {  	_ =	shalt  }
0x86: {  	_ =	shalt  }
0x87: {  	_ =	shalt  }
.Lfunc_end0:
.L_simem_size_0:
called_computation_lowered:
.L_overlay_start_0:
0x88: {  	s0 =	sld [smem:$0x3FD9]  }
0x89: {  	s1 =	sld [smem:$0x3FFE];
	_ =	sdelay $0x3  }
0x8a: {  	s0 =	sadd.s32 s1, s0  }
0x8b: {  	[smem:$0x3FC6] =	sst s0  }
0x8c: {  	_ = 	snop  }
0x8d: {  	s0 =	sld [smem:$0x3FC9]  }
0x8e: {  	s16 =	sld [smem:$0x3FD0];
	(tm) =	ssettm $0x1  }
0x8f: {  	s2 =	sld [smem:$0x3FFB];
	_ =	sdelay $0x3  }
0x90: {  	_ =	strace s2  }
0x91: {  	s2 =	sld [smem:$0x3FFC];
	_ =	sdelay $0x3  }
0x92: {  	_ =	strace s2  }
0x93: {  	s2 =	sld [smem:$0x3FFD];
	_ =	sdelay $0x3  }
0x94: {  	_ =	strace s2  }
0x95: {  	_ =	strace $0x8FFFFFFF  }
0x96: {  	s17 =	sld [smem:$0x3FDB];
	_ =	sdelay $0x1  }
0x97: {  	s3 =	simm.s32 $_scs_section_size  }
0x98: {  	s4 =	simm.s32 $_size__tile_overlayer_lowered;
	s5 =	simm.s32 $_tile_overlayer_lowered  }
0x99: {  	s20 =	simm.s32 $0x1BFF;
	s19 =	sshll.u32 s5, $0x1;
	s2 =	sadd.s32 s3, s17  }
0x9a: {  	s6 =	simm.s32 $0x0;
	s18 =	sshll.u32 s4, $0x1;
	s4 =	sadd.s32 s19, s2  }
0x9b: {  	[timem:s6], [sflag:s20] =	dma.local [hbm:s4], s18  }
0x9c: {  	_ =	swait.ge [sflag:s20], s18  }
0x9d: {  	s3 =	ssub.s32 $0x0, s18;
	[sflag:s20] =	ssyncset.done $0x0  }
0x9e: {  	[sflag:s20] =	ssyncadd.s32 s3;
	_ =	sdelay $0x1  }
0x9f: {  	s21 =	simm.s32 $0x1B8B  }
0xa0: {  	_ =	swait.ge [sflag:s21], $0x1  }
0xa1: {  	[sflag:s21] =	ssyncset.done $0x0  }
0xa2: {  	s23 =	simm.s32 $0x1B8E;
	s22 =	sld [smem:$0x3FFE];
	[sflag:s21] =	ssyncadd.s32 $0xFFFFFFFF  }
0xa3: {  	s24 =	simm.s32 $execute0_lowered;
	[smem:$0x3FD2] =	sst s23  }
0xa4: {  	s4 =	sshll.u32 s24, $0x1;
	_ =	strace $0x80000046;
	[dreg:$0x1] =	wrdreg $0xFFFFFFFF  }
0xa5: {  	s25 =	simm.s32 $_size_execute0_lowered;
	s2 =	sadd.s32 s2, s4;
	[dreg:$0x0] =	wrdreg $0x0  }
0xa6: {  	s4 =	sshll.u32 s25, $0x1;
	[dreg:$0x2] =	wrdreg s2  }
0xa7: {  	[dreg:$0x3] =	wrdreg s4  }
0xa8: {  	[dreg:$0x4] =	wrdreg $0xC0  }
0xa9: {  	_ =	task [dreg:s6], $0x5FFFF  }
0xaa: {  	[dreg:$0x1] =	wrdreg $0xFFFFFFFF  }
0xab: {  	[dreg:$0x0] =	wrdreg $0x60  }
0xac: {  	[dreg:$0x2] =	wrdreg s0  }
0xad: {  	[dreg:$0x3] =	wrdreg s22  }
0xae: {  	[dreg:$0x4] =	wrdreg s16  }
0xaf: {  	[dreg:$0x5] =	wrdreg $0x9  }
0xb0: {  	_ =	task.clear_ibuf [dreg:s6], $0x6FFFF;
	_ =	strace $0x90000046  }
0xb1: {  	s26 =	simm.s32 $0x9;
	_ =	strace $0x80000048  }
0xb2: {  	_ =	swait.ge [sflag:s26], $0x1  }
0xb3: {  	[sflag:s26] =	ssyncadd.s32 $0xFFFFFFFF  }
0xb4: {  	_ =	strace $0x90000048  }
0xb5: {  	_ =	sfence  }
0xb6: {  	s28 =	sld [smem:$0x0];
	_ =	sdelay $0x1  }
0xb7: {  	s29 =	srdreg.scid  }
0xb8: {  	s30 =	sshll.u32 s29, $0xD;
	s31 =	sshrl.u32 s29, $0x2  }
0xb9: {  	s1 =	sand.u32 $0x1, s29;
	s2 =	sand.u32 $0x4000, s30;
	s0 =	sadd.s32 s31, s28  }
0xba: {  	s1 =	sor.u32 s2, s1;
	s0 =	sshll.u32 s0, $0x11  }
0xbb: {  	s0 =	sor.u32 s0, s1  }
0xbc: {  	s0 =	sadd.s32 $0x8F2B, s0  }
0xbd: {  	[sflag:s0] =	ssyncadd.remote.s32 $0x1  }
0xbe: {  	_ =	sfence.sel $0xFFFF  }
0xbf: {  	[dreg:$0x0] =	wrdreg $0xFFFFFFFF;
	(pc) =	sbr.abs _section_cstart, $3  }
0xc0: {  	[dreg:$0x1] =	wrdreg $0xFFFFFFFF  }
0xc1: {  	_ =	task.clear_ibuf [dreg:s6], $0x2FFFF;
	_ =	strace $0x9FFFFFFF  }
0xc2: {  	(tm) =	ssettm $0x7FFFFFFF  }
0xc3: {  	_ =	shalt  }
tec
execute0_lowered:
.L_overlay_start_1:
0x0: {  	(tag) =	ssettag $0x1  }
0x1: {  	s3 =	rddreg [dreg:$0x0]  }
0x2: {  	s4 =	rddreg [dreg:$0x1]  }
0x3: {  	s10 =	rddreg [dreg:$0x2]  }
0x4: {  	s0 =	rddreg [dreg:$0x3];
	s2 =	simm.s32 $0x0  }
0x5: {  	s1 =	stileid.u32;
	s21 =	simm.s32 $0x400;
	[smem:$0x7FF] =	sst s2  }
0x6: {  	s5 =	sadd.s32 $0x400, s4;
	s6 =	sshll.u32 s1, $0x7;
	_ =	strace $0x80000047  }
0x7: {  	v0 =	vlaneseq.u32;
	[tilespmem:s21], [sflag:$0x1] =	stream.linear.gather [hbm4b:s5+s2], $0x280, $0x38;
	[tilespmem:$0x2810] =	vst v63  }
0x8: {  	v0 =	vmul.u32 $0x8, v0;
	s3 =	sadd.s32 s3, s6  }
0x9: {  	[tilespmem:s2], [sflag:$0x2] =	stream.linear.gather [hbm4b:s3+s2], $0x400, $0x38;
	[tilespmem:$0x2810] =	vst v63  }
0xa: {  	s3 =	simm.s32 $0x1  }
0xb: {  	_ =	swait.ge [sflag:s3], $0x280  }
0xc: {  	[sflag:s3] =	ssyncset.done $0x0  }
0xd: {  	[sflag:s3] =	ssyncadd.s32 $0xFFFFFD80  }
0xe: {  	v1 =	vld.idx.msk [tilespmem:v0+s21+$0x0], $0xffff  }
0xf: {  	v2 =	vor.u32 $0x80, v0;
	_ =	sdelay $0x3  }
0x10: {  	[tilespmem:$0x680] =	vst v1  }
0x11: {  	v1 =	vld.idx.msk [tilespmem:v2+s21+$0x0], $0xffff  }
0x12: {  	v41 =	vor.u32 $0x100, v0;
	_ =	sdelay $0x3  }
0x13: {  	[tilespmem:$0x690] =	vst v1  }
0x14: {  	v1 =	vld.idx.msk [tilespmem:v41+s21+$0x0], $0xffff  }
0x15: {  	v42 =	vor.u32 $0x180, v0;
	_ =	sdelay $0x3  }
0x16: {  	[tilespmem:$0x6A0] =	vst v1  }
0x17: {  	v1 =	vld.idx.msk [tilespmem:v42+s21+$0x0], $0xffff  }
0x18: {  	v43 =	vor.u32 $0x200, v0;
	_ =	sdelay $0x3  }
0x19: {  	[tilespmem:$0x6B0] =	vst v1  }
0x1a: {  	v2 =	vld.idx.msk [tilespmem:v43+s21+$0x0], $0xffff  }
0x1b: {  	v44 =	vor.u32 $0x1, v0;
	_ =	sdelay $0x3  }
0x1c: {  	[tilespmem:$0x6C0] =	vst v2  }
0x1d: {  	v2 =	vld.idx.msk [tilespmem:v44+s21+$0x0], $0xffff  }
0x1e: {  	v3 =	vor.u32 $0x81, v0;
	_ =	sdelay $0x3  }
0x1f: {  	[tilespmem:$0x6D0] =	vst v2  }
0x20: {  	v2 =	vld.idx.msk [tilespmem:v3+s21+$0x0], $0xffff  }
0x21: {  	v45 =	vor.u32 $0x101, v0;
	_ =	sdelay $0x3  }
0x22: {  	[tilespmem:$0x6E0] =	vst v2  }
0x23: {  	v2 =	vld.idx.msk [tilespmem:v45+s21+$0x0], $0xffff  }
0x24: {  	v46 =	vor.u32 $0x181, v0;
	_ =	sdelay $0x3  }
0x25: {  	[tilespmem:$0x6F0] =	vst v2  }
0x26: {  	v2 =	vld.idx.msk [tilespmem:v46+s21+$0x0], $0xffff  }
0x27: {  	v47 =	vor.u32 $0x201, v0;
	_ =	sdelay $0x3  }
0x28: {  	[tilespmem:$0x700] =	vst v2  }
0x29: {  	v3 =	vld.idx.msk [tilespmem:v47+s21+$0x0], $0xffff  }
0x2a: {  	v48 =	vor.u32 $0x2, v0;
	_ =	sdelay $0x3  }
0x2b: {  	[tilespmem:$0x710] =	vst v3  }
0x2c: {  	v3 =	vld.idx.msk [tilespmem:v48+s21+$0x0], $0xffff  }
0x2d: {  	v4 =	vor.u32 $0x82, v0;
	_ =	sdelay $0x3  }
0x2e: {  	[tilespmem:$0x720] =	vst v3  }
0x2f: {  	v3 =	vld.idx.msk [tilespmem:v4+s21+$0x0], $0xffff  }
0x30: {  	v49 =	vor.u32 $0x102, v0;
	_ =	sdelay $0x3  }
0x31: {  	[tilespmem:$0x730] =	vst v3  }
0x32: {  	v3 =	vld.idx.msk [tilespmem:v49+s21+$0x0], $0xffff  }
0x33: {  	v50 =	vor.u32 $0x182, v0;
	_ =	sdelay $0x3  }
0x34: {  	[tilespmem:$0x740] =	vst v3  }
0x35: {  	v3 =	vld.idx.msk [tilespmem:v50+s21+$0x0], $0xffff  }
0x36: {  	v51 =	vor.u32 $0x202, v0;
	_ =	sdelay $0x3  }
0x37: {  	[tilespmem:$0x750] =	vst v3  }
0x38: {  	v4 =	vld.idx.msk [tilespmem:v51+s21+$0x0], $0xffff  }
0x39: {  	v52 =	vor.u32 $0x3, v0;
	_ =	sdelay $0x3  }
0x3a: {  	[tilespmem:$0x760] =	vst v4  }
0x3b: {  	v4 =	vld.idx.msk [tilespmem:v52+s21+$0x0], $0xffff  }
0x3c: {  	v5 =	vor.u32 $0x83, v0;
	_ =	sdelay $0x3  }
0x3d: {  	[tilespmem:$0x770] =	vst v4  }
0x3e: {  	v4 =	vld.idx.msk [tilespmem:v5+s21+$0x0], $0xffff  }
0x3f: {  	v53 =	vor.u32 $0x103, v0;
	_ =	sdelay $0x3  }
0x40: {  	[tilespmem:$0x780] =	vst v4  }
0x41: {  	v4 =	vld.idx.msk [tilespmem:v53+s21+$0x0], $0xffff  }
0x42: {  	v54 =	vor.u32 $0x183, v0;
	_ =	sdelay $0x3  }
0x43: {  	[tilespmem:$0x790] =	vst v4  }
0x44: {  	v4 =	vld.idx.msk [tilespmem:v54+s21+$0x0], $0xffff  }
0x45: {  	v55 =	vor.u32 $0x203, v0;
	_ =	sdelay $0x3  }
0x46: {  	[tilespmem:$0x7A0] =	vst v4  }
0x47: {  	v5 =	vld.idx.msk [tilespmem:v55+s21+$0x0], $0xffff  }
0x48: {  	v56 =	vor.u32 $0x4, v0;
	_ =	sdelay $0x3  }
0x49: {  	[tilespmem:$0x7B0] =	vst v5  }
0x4a: {  	v5 =	vld.idx.msk [tilespmem:v56+s21+$0x0], $0xffff  }
0x4b: {  	v6 =	vor.u32 $0x84, v0;
	_ =	sdelay $0x3  }
0x4c: {  	[tilespmem:$0x7C0] =	vst v5  }
0x4d: {  	v5 =	vld.idx.msk [tilespmem:v6+s21+$0x0], $0xffff  }
0x4e: {  	v57 =	vor.u32 $0x104, v0;
	_ =	sdelay $0x3  }
0x4f: {  	[tilespmem:$0x7D0] =	vst v5  }
0x50: {  	v5 =	vld.idx.msk [tilespmem:v57+s21+$0x0], $0xffff  }
0x51: {  	v58 =	vor.u32 $0x184, v0;
	_ =	sdelay $0x3  }
0x52: {  	[tilespmem:$0x7E0] =	vst v5  }
0x53: {  	v5 =	vld.idx.msk [tilespmem:v58+s21+$0x0], $0xffff  }
0x54: {  	v59 =	vor.u32 $0x204, v0;
	_ =	sdelay $0x3  }
0x55: {  	[tilespmem:$0x7F0] =	vst v5  }
0x56: {  	v5 =	vld.idx.msk [tilespmem:v59+s21+$0x0], $0xffff;
	_ =	sdelay $0x4  }
0x57: {  	s4 =	simm.s32 $0x2;
	[tilespmem:$0x800] =	vst v5  }
0x58: {  	_ =	swait.ge [sflag:s4], $0x400  }
0x59: {  	[sflag:s4] =	ssyncset.done $0x0  }
0x5a: {  	[sflag:s4] =	ssyncadd.s32 $0xFFFFFC00  }
0x5b: {  	v60 =	vld [tilespmem:$0x0];
	_ =	sdelay $0x4  }
0x5c: {  	v61 =	vld [tilespmem:$0x10];
	_ =	sdelay $0x1  }
0x5d: {  	s8 =	simm.s32 $0x680;
	v11 =	vld [tilespmem:$0x20]  }
0x5e: {  	s9 =	simm.s32 $0x6D0;
	v7 =	vld.idx.msk [tilespmem:v60+s8+$0x0], $0xffff  }
0x5f: {  	s5 =	simm.s32 $0x720;
	v8 =	vld.idx.msk [tilespmem:v60+s9+$0x0], $0xffff  }
0x60: {  	s6 =	simm.s32 $0x770;
	v9 =	vld.idx.msk [tilespmem:v60+s5+$0x0], $0xffff  }
0x61: {  	s7 =	simm.s32 $0x7C0;
	v10 =	vld.idx.msk [tilespmem:v60+s6+$0x0], $0xffff  }
0x62: {  	v5 =	vld.idx.msk [tilespmem:v60+s7+$0x0], $0xffff  }
0x63: {  	s12 =	simm.s32 $0x810;
	v12 =	vld.idx.msk [tilespmem:v61+s8+$0x0], $0xffff  }
0x64: {  	v13 =	vld.idx.msk [tilespmem:v61+s9+$0x0], $0xffff;
	[tilespmem:v0+s12+$0x0] =	vst.idx.msk $0xffff, v7  }
0x65: {  	v7 =	vld.idx.msk [tilespmem:v61+s5+$0x0], $0xffff;
	[tilespmem:v44+s12+$0x0] =	vst.idx.msk $0xffff, v8  }
0x66: {  	v8 =	vld.idx.msk [tilespmem:v61+s6+$0x0], $0xffff;
	[tilespmem:v48+s12+$0x0] =	vst.idx.msk $0xffff, v9  }
0x67: {  	v6 =	vld.idx.msk [tilespmem:v61+s7+$0x0], $0xffff;
	[tilespmem:v52+s12+$0x0] =	vst.idx.msk $0xffff, v10  }
0x68: {  	v9 =	vld [tilespmem:$0x30];
	_ =	sdelay $0x1  }
0x69: {  	s11 =	simm.s32 $0x890;
	v10 =	vld.idx.msk [tilespmem:v11+s8+$0x0], $0xffff;
	[tilespmem:v56+s12+$0x0] =	vst.idx.msk $0xffff, v5  }
0x6a: {  	v5 =	vld.idx.msk [tilespmem:v11+s9+$0x0], $0xffff;
	[tilespmem:v0+s11+$0x0] =	vst.idx.msk $0xffff, v12  }
0x6b: {  	v12 =	vld.idx.msk [tilespmem:v11+s5+$0x0], $0xffff;
	[tilespmem:v44+s11+$0x0] =	vst.idx.msk $0xffff, v13  }
0x6c: {  	v13 =	vld.idx.msk [tilespmem:v11+s6+$0x0], $0xffff;
	[tilespmem:v48+s11+$0x0] =	vst.idx.msk $0xffff, v7  }
0x6d: {  	v7 =	vld.idx.msk [tilespmem:v11+s7+$0x0], $0xffff;
	[tilespmem:v52+s11+$0x0] =	vst.idx.msk $0xffff, v8  }
0x6e: {  	v8 =	vld [tilespmem:$0x40]  }
0x6f: {  	s22 =	simm.s32 $0x910;
	v62 =	vld.idx.msk [tilespmem:v9+s8+$0x0], $0xffff;
	[tilespmem:v56+s11+$0x0] =	vst.idx.msk $0xffff, v6  }
0x70: {  	v6 =	vld.idx.msk [tilespmem:v9+s9+$0x0], $0xffff;
	[tilespmem:v0+s22+$0x0] =	vst.idx.msk $0xffff, v10  }
0x71: {  	v10 =	vld.idx.msk [tilespmem:v9+s5+$0x0], $0xffff;
	[tilespmem:v44+s22+$0x0] =	vst.idx.msk $0xffff, v5  }
0x72: {  	v5 =	vld.idx.msk [tilespmem:v9+s6+$0x0], $0xffff;
	[tilespmem:v48+s22+$0x0] =	vst.idx.msk $0xffff, v12  }
0x73: {  	v9 =	vld.idx.msk [tilespmem:v9+s7+$0x0], $0xffff;
	[tilespmem:v52+s22+$0x0] =	vst.idx.msk $0xffff, v13  }
0x74: {  	v12 =	vld [tilespmem:$0x50];
	_ =	sdelay $0x1  }
0x75: {  	s23 =	simm.s32 $0x990;
	v13 =	vld.idx.msk [tilespmem:v8+s8+$0x0], $0xffff;
	[tilespmem:v56+s22+$0x0] =	vst.idx.msk $0xffff, v7  }
0x76: {  	v7 =	vld.idx.msk [tilespmem:v8+s9+$0x0], $0xffff;
	[tilespmem:v0+s23+$0x0] =	vst.idx.msk $0xffff, v62  }
0x77: {  	v11 =	vld.idx.msk [tilespmem:v8+s5+$0x0], $0xffff;
	[tilespmem:v44+s23+$0x0] =	vst.idx.msk $0xffff, v6  }
0x78: {  	v6 =	vld.idx.msk [tilespmem:v8+s6+$0x0], $0xffff;
	[tilespmem:v48+s23+$0x0] =	vst.idx.msk $0xffff, v10  }
0x79: {  	v8 =	vld.idx.msk [tilespmem:v8+s7+$0x0], $0xffff;
	[tilespmem:v52+s23+$0x0] =	vst.idx.msk $0xffff, v5  }
0x7a: {  	v5 =	vld [tilespmem:$0x60]  }
0x7b: {  	s24 =	simm.s32 $0xA10;
	v10 =	vld.idx.msk [tilespmem:v12+s8+$0x0], $0xffff;
	[tilespmem:v56+s23+$0x0] =	vst.idx.msk $0xffff, v9  }
0x7c: {  	v9 =	vld.idx.msk [tilespmem:v12+s9+$0x0], $0xffff;
	[tilespmem:v0+s24+$0x0] =	vst.idx.msk $0xffff, v13  }
0x7d: {  	v13 =	vld.idx.msk [tilespmem:v12+s5+$0x0], $0xffff;
	[tilespmem:v44+s24+$0x0] =	vst.idx.msk $0xffff, v7  }
0x7e: {  	v7 =	vld.idx.msk [tilespmem:v12+s6+$0x0], $0xffff;
	[tilespmem:v48+s24+$0x0] =	vst.idx.msk $0xffff, v11  }
0x7f: {  	v11 =	vld.idx.msk [tilespmem:v12+s7+$0x0], $0xffff;
	[tilespmem:v52+s24+$0x0] =	vst.idx.msk $0xffff, v6  }
0x80: {  	v6 =	vld [tilespmem:$0x70];
	_ =	sdelay $0x1  }
0x81: {  	s25 =	simm.s32 $0xA90;
	v63 =	vld.idx.msk [tilespmem:v5+s8+$0x0], $0xffff;
	[tilespmem:v56+s24+$0x0] =	vst.idx.msk $0xffff, v8  }
0x82: {  	v8 =	vld.idx.msk [tilespmem:v5+s9+$0x0], $0xffff;
	[tilespmem:v0+s25+$0x0] =	vst.idx.msk $0xffff, v10  }
0x83: {  	v10 =	vld.idx.msk [tilespmem:v5+s5+$0x0], $0xffff;
	[tilespmem:v44+s25+$0x0] =	vst.idx.msk $0xffff, v9  }
0x84: {  	v9 =	vld.idx.msk [tilespmem:v5+s6+$0x0], $0xffff;
	[tilespmem:v48+s25+$0x0] =	vst.idx.msk $0xffff, v13  }
0x85: {  	v5 =	vld.idx.msk [tilespmem:v5+s7+$0x0], $0xffff;
	[tilespmem:v52+s25+$0x0] =	vst.idx.msk $0xffff, v7  }
0x86: {  	v7 =	vld [tilespmem:$0x80]  }
0x87: {  	s26 =	simm.s32 $0xB10;
	v13 =	vld.idx.msk [tilespmem:v6+s8+$0x0], $0xffff;
	[tilespmem:v56+s25+$0x0] =	vst.idx.msk $0xffff, v11  }
0x88: {  	v11 =	vld.idx.msk [tilespmem:v6+s9+$0x0], $0xffff;
	[tilespmem:v0+s26+$0x0] =	vst.idx.msk $0xffff, v63  }
0x89: {  	v12 =	vld.idx.msk [tilespmem:v6+s5+$0x0], $0xffff;
	[tilespmem:v44+s26+$0x0] =	vst.idx.msk $0xffff, v8  }
0x8a: {  	v8 =	vld.idx.msk [tilespmem:v6+s6+$0x0], $0xffff;
	[tilespmem:v48+s26+$0x0] =	vst.idx.msk $0xffff, v10  }
0x8b: {  	v6 =	vld.idx.msk [tilespmem:v6+s7+$0x0], $0xffff;
	[tilespmem:v52+s26+$0x0] =	vst.idx.msk $0xffff, v9  }
0x8c: {  	v9 =	vld [tilespmem:$0x90];
	_ =	sdelay $0x1  }
0x8d: {  	s28 =	simm.s32 $0xB90;
	v10 =	vld.idx.msk [tilespmem:v7+s8+$0x0], $0xffff;
	[tilespmem:v56+s26+$0x0] =	vst.idx.msk $0xffff, v5  }
0x8e: {  	v5 =	vld.idx.msk [tilespmem:v7+s9+$0x0], $0xffff;
	[tilespmem:v0+s28+$0x0] =	vst.idx.msk $0xffff, v13  }
0x8f: {  	v13 =	vld.idx.msk [tilespmem:v7+s5+$0x0], $0xffff;
	[tilespmem:v44+s28+$0x0] =	vst.idx.msk $0xffff, v11  }
0x90: {  	v11 =	vld.idx.msk [tilespmem:v7+s6+$0x0], $0xffff;
	[tilespmem:v48+s28+$0x0] =	vst.idx.msk $0xffff, v12  }
0x91: {  	v7 =	vld.idx.msk [tilespmem:v7+s7+$0x0], $0xffff;
	[tilespmem:v52+s28+$0x0] =	vst.idx.msk $0xffff, v8  }
0x92: {  	v8 =	vld [tilespmem:$0xA0]  }
0x93: {  	s29 =	simm.s32 $0xC10;
	v12 =	vld.idx.msk [tilespmem:v9+s8+$0x0], $0xffff;
	[tilespmem:v56+s28+$0x0] =	vst.idx.msk $0xffff, v6  }
0x94: {  	v6 =	vld.idx.msk [tilespmem:v9+s9+$0x0], $0xffff;
	[tilespmem:v0+s29+$0x0] =	vst.idx.msk $0xffff, v10  }
0x95: {  	v10 =	vld.idx.msk [tilespmem:v9+s5+$0x0], $0xffff;
	[tilespmem:v44+s29+$0x0] =	vst.idx.msk $0xffff, v5  }
0x96: {  	v5 =	vld.idx.msk [tilespmem:v9+s6+$0x0], $0xffff;
	[tilespmem:v48+s29+$0x0] =	vst.idx.msk $0xffff, v13  }
0x97: {  	v9 =	vld.idx.msk [tilespmem:v9+s7+$0x0], $0xffff;
	[tilespmem:v52+s29+$0x0] =	vst.idx.msk $0xffff, v11  }
0x98: {  	v11 =	vld [tilespmem:$0xB0];
	_ =	sdelay $0x1  }
0x99: {  	s30 =	simm.s32 $0xC90;
	v13 =	vld.idx.msk [tilespmem:v8+s8+$0x0], $0xffff;
	[tilespmem:v56+s29+$0x0] =	vst.idx.msk $0xffff, v7  }
0x9a: {  	v7 =	vld.idx.msk [tilespmem:v8+s9+$0x0], $0xffff;
	[tilespmem:v0+s30+$0x0] =	vst.idx.msk $0xffff, v12  }
0x9b: {  	v12 =	vld.idx.msk [tilespmem:v8+s5+$0x0], $0xffff;
	[tilespmem:v44+s30+$0x0] =	vst.idx.msk $0xffff, v6  }
0x9c: {  	v6 =	vld.idx.msk [tilespmem:v8+s6+$0x0], $0xffff;
	[tilespmem:v48+s30+$0x0] =	vst.idx.msk $0xffff, v10  }
0x9d: {  	v8 =	vld.idx.msk [tilespmem:v8+s7+$0x0], $0xffff;
	[tilespmem:v52+s30+$0x0] =	vst.idx.msk $0xffff, v5  }
0x9e: {  	v5 =	vld [tilespmem:$0xC0]  }
0x9f: {  	s31 =	simm.s32 $0xD10;
	v10 =	vld.idx.msk [tilespmem:v11+s8+$0x0], $0xffff;
	[tilespmem:v56+s30+$0x0] =	vst.idx.msk $0xffff, v9  }
0xa0: {  	v9 =	vld.idx.msk [tilespmem:v11+s9+$0x0], $0xffff;
	[tilespmem:v0+s31+$0x0] =	vst.idx.msk $0xffff, v13  }
0xa1: {  	v13 =	vld.idx.msk [tilespmem:v11+s5+$0x0], $0xffff;
	[tilespmem:v44+s31+$0x0] =	vst.idx.msk $0xffff, v7  }
0xa2: {  	v7 =	vld.idx.msk [tilespmem:v11+s6+$0x0], $0xffff;
	[tilespmem:v48+s31+$0x0] =	vst.idx.msk $0xffff, v12  }
0xa3: {  	v11 =	vld.idx.msk [tilespmem:v11+s7+$0x0], $0xffff;
	[tilespmem:v52+s31+$0x0] =	vst.idx.msk $0xffff, v6  }
0xa4: {  	v6 =	vld [tilespmem:$0xD0];
	_ =	sdelay $0x1  }
0xa5: {  	s13 =	simm.s32 $0xD90;
	v12 =	vld.idx.msk [tilespmem:v5+s8+$0x0], $0xffff;
	[tilespmem:v56+s31+$0x0] =	vst.idx.msk $0xffff, v8  }
0xa6: {  	v8 =	vld.idx.msk [tilespmem:v5+s9+$0x0], $0xffff;
	[tilespmem:v0+s13+$0x0] =	vst.idx.msk $0xffff, v10  }
0xa7: {  	v10 =	vld.idx.msk [tilespmem:v5+s5+$0x0], $0xffff;
	[tilespmem:v44+s13+$0x0] =	vst.idx.msk $0xffff, v9  }
0xa8: {  	v9 =	vld.idx.msk [tilespmem:v5+s6+$0x0], $0xffff;
	[tilespmem:v48+s13+$0x0] =	vst.idx.msk $0xffff, v13  }
0xa9: {  	v5 =	vld.idx.msk [tilespmem:v5+s7+$0x0], $0xffff;
	[tilespmem:v52+s13+$0x0] =	vst.idx.msk $0xffff, v7  }
0xaa: {  	v7 =	vld [tilespmem:$0xE0]  }
0xab: {  	s14 =	simm.s32 $0xE10;
	v13 =	vld.idx.msk [tilespmem:v6+s8+$0x0], $0xffff;
	[tilespmem:v56+s13+$0x0] =	vst.idx.msk $0xffff, v11  }
0xac: {  	v11 =	vld.idx.msk [tilespmem:v6+s9+$0x0], $0xffff;
	[tilespmem:v0+s14+$0x0] =	vst.idx.msk $0xffff, v12  }
0xad: {  	v12 =	vld.idx.msk [tilespmem:v6+s5+$0x0], $0xffff;
	[tilespmem:v44+s14+$0x0] =	vst.idx.msk $0xffff, v8  }
0xae: {  	v8 =	vld.idx.msk [tilespmem:v6+s6+$0x0], $0xffff;
	[tilespmem:v48+s14+$0x0] =	vst.idx.msk $0xffff, v10  }
0xaf: {  	v6 =	vld.idx.msk [tilespmem:v6+s7+$0x0], $0xffff;
	[tilespmem:v52+s14+$0x0] =	vst.idx.msk $0xffff, v9  }
0xb0: {  	v9 =	vld [tilespmem:$0xF0];
	_ =	sdelay $0x1  }
0xb1: {  	s15 =	simm.s32 $0xE90;
	v10 =	vld.idx.msk [tilespmem:v7+s8+$0x0], $0xffff;
	[tilespmem:v56+s14+$0x0] =	vst.idx.msk $0xffff, v5  }
0xb2: {  	v5 =	vld.idx.msk [tilespmem:v7+s9+$0x0], $0xffff;
	[tilespmem:v0+s15+$0x0] =	vst.idx.msk $0xffff, v13  }
0xb3: {  	v13 =	vld.idx.msk [tilespmem:v7+s5+$0x0], $0xffff;
	[tilespmem:v44+s15+$0x0] =	vst.idx.msk $0xffff, v11  }
0xb4: {  	v11 =	vld.idx.msk [tilespmem:v7+s6+$0x0], $0xffff;
	[tilespmem:v48+s15+$0x0] =	vst.idx.msk $0xffff, v12  }
0xb5: {  	v7 =	vld.idx.msk [tilespmem:v7+s7+$0x0], $0xffff;
	[tilespmem:v52+s15+$0x0] =	vst.idx.msk $0xffff, v8  }
0xb6: {  	v8 =	vld [tilespmem:$0x100]  }
0xb7: {  	s16 =	simm.s32 $0xF10;
	v12 =	vld.idx.msk [tilespmem:v9+s8+$0x0], $0xffff;
	[tilespmem:v56+s15+$0x0] =	vst.idx.msk $0xffff, v6  }
0xb8: {  	v6 =	vld.idx.msk [tilespmem:v9+s9+$0x0], $0xffff;
	[tilespmem:v0+s16+$0x0] =	vst.idx.msk $0xffff, v10  }
0xb9: {  	v10 =	vld.idx.msk [tilespmem:v9+s5+$0x0], $0xffff;
	[tilespmem:v44+s16+$0x0] =	vst.idx.msk $0xffff, v5  }
0xba: {  	v5 =	vld.idx.msk [tilespmem:v9+s6+$0x0], $0xffff;
	[tilespmem:v48+s16+$0x0] =	vst.idx.msk $0xffff, v13  }
0xbb: {  	v9 =	vld.idx.msk [tilespmem:v9+s7+$0x0], $0xffff;
	[tilespmem:v52+s16+$0x0] =	vst.idx.msk $0xffff, v11  }
0xbc: {  	v11 =	vld [tilespmem:$0x110];
	_ =	sdelay $0x1  }
0xbd: {  	s17 =	simm.s32 $0xF90;
	v13 =	vld.idx.msk [tilespmem:v8+s8+$0x0], $0xffff;
	[tilespmem:v56+s16+$0x0] =	vst.idx.msk $0xffff, v7  }
0xbe: {  	v7 =	vld.idx.msk [tilespmem:v8+s9+$0x0], $0xffff;
	[tilespmem:v0+s17+$0x0] =	vst.idx.msk $0xffff, v12  }
0xbf: {  	v12 =	vld.idx.msk [tilespmem:v8+s5+$0x0], $0xffff;
	[tilespmem:v44+s17+$0x0] =	vst.idx.msk $0xffff, v6  }
0xc0: {  	v6 =	vld.idx.msk [tilespmem:v8+s6+$0x0], $0xffff;
	[tilespmem:v48+s17+$0x0] =	vst.idx.msk $0xffff, v10  }
0xc1: {  	v8 =	vld.idx.msk [tilespmem:v8+s7+$0x0], $0xffff;
	[tilespmem:v52+s17+$0x0] =	vst.idx.msk $0xffff, v5  }
0xc2: {  	v5 =	vld [tilespmem:$0x120]  }
0xc3: {  	s18 =	simm.s32 $0x1010;
	v10 =	vld.idx.msk [tilespmem:v11+s8+$0x0], $0xffff;
	[tilespmem:v56+s17+$0x0] =	vst.idx.msk $0xffff, v9  }
0xc4: {  	v9 =	vld.idx.msk [tilespmem:v11+s9+$0x0], $0xffff;
	[tilespmem:v0+s18+$0x0] =	vst.idx.msk $0xffff, v13  }
0xc5: {  	v13 =	vld.idx.msk [tilespmem:v11+s5+$0x0], $0xffff;
	[tilespmem:v44+s18+$0x0] =	vst.idx.msk $0xffff, v7  }
0xc6: {  	s13 =	sshll.u32 s1, $0xA;
	v7 =	vld.idx.msk [tilespmem:v11+s6+$0x0], $0xffff;
	[tilespmem:v48+s18+$0x0] =	vst.idx.msk $0xffff, v12  }
0xc7: {  	s10 =	sadd.s32 s10, s13;
	v11 =	vld.idx.msk [tilespmem:v11+s7+$0x0], $0xffff;
	[tilespmem:v52+s18+$0x0] =	vst.idx.msk $0xffff, v6  }
0xc8: {  	[hbm4b:s10+s2] =	stream.linear.scatter [tilespmem:s12], [sflag:$0x1], $0x800, $0x38;
	[tilespmem:$0x2810] =	vst v63  }
0xc9: {  	v6 =	vld [tilespmem:$0x130];
	_ =	sdelay $0x1  }
0xca: {  	s19 =	simm.s32 $0x1090;
	v12 =	vld.idx.msk [tilespmem:v5+s8+$0x0], $0xffff;
	[tilespmem:v56+s18+$0x0] =	vst.idx.msk $0xffff, v8  }
0xcb: {  	v8 =	vld.idx.msk [tilespmem:v5+s9+$0x0], $0xffff;
	[tilespmem:v0+s19+$0x0] =	vst.idx.msk $0xffff, v10  }
0xcc: {  	v10 =	vld.idx.msk [tilespmem:v5+s5+$0x0], $0xffff;
	[tilespmem:v44+s19+$0x0] =	vst.idx.msk $0xffff, v9  }
0xcd: {  	v9 =	vld.idx.msk [tilespmem:v5+s6+$0x0], $0xffff;
	[tilespmem:v48+s19+$0x0] =	vst.idx.msk $0xffff, v13  }
0xce: {  	v5 =	vld.idx.msk [tilespmem:v5+s7+$0x0], $0xffff;
	[tilespmem:v52+s19+$0x0] =	vst.idx.msk $0xffff, v7  }
0xcf: {  	v7 =	vld [tilespmem:$0x140]  }
0xd0: {  	s20 =	simm.s32 $0x1110;
	v13 =	vld.idx.msk [tilespmem:v6+s8+$0x0], $0xffff;
	[tilespmem:v56+s19+$0x0] =	vst.idx.msk $0xffff, v11  }
0xd1: {  	v11 =	vld.idx.msk [tilespmem:v6+s9+$0x0], $0xffff;
	[tilespmem:v0+s20+$0x0] =	vst.idx.msk $0xffff, v12  }
0xd2: {  	v12 =	vld.idx.msk [tilespmem:v6+s5+$0x0], $0xffff;
	[tilespmem:v44+s20+$0x0] =	vst.idx.msk $0xffff, v8  }
0xd3: {  	v8 =	vld.idx.msk [tilespmem:v6+s6+$0x0], $0xffff;
	[tilespmem:v48+s20+$0x0] =	vst.idx.msk $0xffff, v10  }
0xd4: {  	v6 =	vld.idx.msk [tilespmem:v6+s7+$0x0], $0xffff;
	[tilespmem:v52+s20+$0x0] =	vst.idx.msk $0xffff, v9  }
0xd5: {  	v9 =	vld [tilespmem:$0x150];
	_ =	sdelay $0x1  }
0xd6: {  	s21 =	simm.s32 $0x1190;
	v10 =	vld.idx.msk [tilespmem:v7+s8+$0x0], $0xffff;
	[tilespmem:v56+s20+$0x0] =	vst.idx.msk $0xffff, v5  }
0xd7: {  	v5 =	vld.idx.msk [tilespmem:v7+s9+$0x0], $0xffff;
	[tilespmem:v0+s21+$0x0] =	vst.idx.msk $0xffff, v13  }
0xd8: {  	v13 =	vld.idx.msk [tilespmem:v7+s5+$0x0], $0xffff;
	[tilespmem:v44+s21+$0x0] =	vst.idx.msk $0xffff, v11  }
0xd9: {  	v11 =	vld.idx.msk [tilespmem:v7+s6+$0x0], $0xffff;
	[tilespmem:v48+s21+$0x0] =	vst.idx.msk $0xffff, v12  }
0xda: {  	v7 =	vld.idx.msk [tilespmem:v7+s7+$0x0], $0xffff;
	[tilespmem:v52+s21+$0x0] =	vst.idx.msk $0xffff, v8  }
0xdb: {  	v8 =	vld [tilespmem:$0x160]  }
0xdc: {  	s22 =	simm.s32 $0x1210;
	v12 =	vld.idx.msk [tilespmem:v9+s8+$0x0], $0xffff;
	[tilespmem:v56+s21+$0x0] =	vst.idx.msk $0xffff, v6  }
0xdd: {  	v6 =	vld.idx.msk [tilespmem:v9+s9+$0x0], $0xffff;
	[tilespmem:v0+s22+$0x0] =	vst.idx.msk $0xffff, v10  }
0xde: {  	v10 =	vld.idx.msk [tilespmem:v9+s5+$0x0], $0xffff;
	[tilespmem:v44+s22+$0x0] =	vst.idx.msk $0xffff, v5  }
0xdf: {  	v5 =	vld.idx.msk [tilespmem:v9+s6+$0x0], $0xffff;
	[tilespmem:v48+s22+$0x0] =	vst.idx.msk $0xffff, v13  }
0xe0: {  	v9 =	vld.idx.msk [tilespmem:v9+s7+$0x0], $0xffff;
	[tilespmem:v52+s22+$0x0] =	vst.idx.msk $0xffff, v11  }
0xe1: {  	v11 =	vld [tilespmem:$0x170];
	_ =	sdelay $0x1  }
0xe2: {  	s23 =	simm.s32 $0x1290;
	v13 =	vld.idx.msk [tilespmem:v8+s8+$0x0], $0xffff;
	[tilespmem:v56+s22+$0x0] =	vst.idx.msk $0xffff, v7  }
0xe3: {  	v7 =	vld.idx.msk [tilespmem:v8+s9+$0x0], $0xffff;
	[tilespmem:v0+s23+$0x0] =	vst.idx.msk $0xffff, v12  }
0xe4: {  	v12 =	vld.idx.msk [tilespmem:v8+s5+$0x0], $0xffff;
	[tilespmem:v44+s23+$0x0] =	vst.idx.msk $0xffff, v6  }
0xe5: {  	v6 =	vld.idx.msk [tilespmem:v8+s6+$0x0], $0xffff;
	[tilespmem:v48+s23+$0x0] =	vst.idx.msk $0xffff, v10  }
0xe6: {  	v8 =	vld.idx.msk [tilespmem:v8+s7+$0x0], $0xffff;
	[tilespmem:v52+s23+$0x0] =	vst.idx.msk $0xffff, v5  }
0xe7: {  	v5 =	vld [tilespmem:$0x180]  }
0xe8: {  	s24 =	simm.s32 $0x1310;
	v10 =	vld.idx.msk [tilespmem:v11+s8+$0x0], $0xffff;
	[tilespmem:v56+s23+$0x0] =	vst.idx.msk $0xffff, v9  }
0xe9: {  	v9 =	vld.idx.msk [tilespmem:v11+s9+$0x0], $0xffff;
	[tilespmem:v0+s24+$0x0] =	vst.idx.msk $0xffff, v13  }
0xea: {  	v13 =	vld.idx.msk [tilespmem:v11+s5+$0x0], $0xffff;
	[tilespmem:v44+s24+$0x0] =	vst.idx.msk $0xffff, v7  }
0xeb: {  	v7 =	vld.idx.msk [tilespmem:v11+s6+$0x0], $0xffff;
	[tilespmem:v48+s24+$0x0] =	vst.idx.msk $0xffff, v12  }
0xec: {  	v11 =	vld.idx.msk [tilespmem:v11+s7+$0x0], $0xffff;
	[tilespmem:v52+s24+$0x0] =	vst.idx.msk $0xffff, v6  }
0xed: {  	v6 =	vld [tilespmem:$0x190];
	_ =	sdelay $0x1  }
0xee: {  	s25 =	simm.s32 $0x1390;
	v12 =	vld.idx.msk [tilespmem:v5+s8+$0x0], $0xffff;
	[tilespmem:v56+s24+$0x0] =	vst.idx.msk $0xffff, v8  }
0xef: {  	v8 =	vld.idx.msk [tilespmem:v5+s9+$0x0], $0xffff;
	[tilespmem:v0+s25+$0x0] =	vst.idx.msk $0xffff, v10  }
0xf0: {  	v10 =	vld.idx.msk [tilespmem:v5+s5+$0x0], $0xffff;
	[tilespmem:v44+s25+$0x0] =	vst.idx.msk $0xffff, v9  }
0xf1: {  	v9 =	vld.idx.msk [tilespmem:v5+s6+$0x0], $0xffff;
	[tilespmem:v48+s25+$0x0] =	vst.idx.msk $0xffff, v13  }
0xf2: {  	v5 =	vld.idx.msk [tilespmem:v5+s7+$0x0], $0xffff;
	[tilespmem:v52+s25+$0x0] =	vst.idx.msk $0xffff, v7  }
0xf3: {  	v7 =	vld [tilespmem:$0x1A0]  }
0xf4: {  	s26 =	simm.s32 $0x1410;
	v13 =	vld.idx.msk [tilespmem:v6+s8+$0x0], $0xffff;
	[tilespmem:v56+s25+$0x0] =	vst.idx.msk $0xffff, v11  }
0xf5: {  	v11 =	vld.idx.msk [tilespmem:v6+s9+$0x0], $0xffff;
	[tilespmem:v0+s26+$0x0] =	vst.idx.msk $0xffff, v12  }
0xf6: {  	v12 =	vld.idx.msk [tilespmem:v6+s5+$0x0], $0xffff;
	[tilespmem:v44+s26+$0x0] =	vst.idx.msk $0xffff, v8  }
0xf7: {  	v8 =	vld.idx.msk [tilespmem:v6+s6+$0x0], $0xffff;
	[tilespmem:v48+s26+$0x0] =	vst.idx.msk $0xffff, v10  }
0xf8: {  	v6 =	vld.idx.msk [tilespmem:v6+s7+$0x0], $0xffff;
	[tilespmem:v52+s26+$0x0] =	vst.idx.msk $0xffff, v9  }
0xf9: {  	v9 =	vld [tilespmem:$0x1B0];
	_ =	sdelay $0x1  }
0xfa: {  	s28 =	simm.s32 $0x1490;
	v10 =	vld.idx.msk [tilespmem:v7+s8+$0x0], $0xffff;
	[tilespmem:v56+s26+$0x0] =	vst.idx.msk $0xffff, v5  }
0xfb: {  	v5 =	vld.idx.msk [tilespmem:v7+s9+$0x0], $0xffff;
	[tilespmem:v0+s28+$0x0] =	vst.idx.msk $0xffff, v13  }
0xfc: {  	v13 =	vld.idx.msk [tilespmem:v7+s5+$0x0], $0xffff;
	[tilespmem:v44+s28+$0x0] =	vst.idx.msk $0xffff, v11  }
0xfd: {  	v11 =	vld.idx.msk [tilespmem:v7+s6+$0x0], $0xffff;
	[tilespmem:v48+s28+$0x0] =	vst.idx.msk $0xffff, v12  }
0xfe: {  	v7 =	vld.idx.msk [tilespmem:v7+s7+$0x0], $0xffff;
	[tilespmem:v52+s28+$0x0] =	vst.idx.msk $0xffff, v8  }
0xff: {  	v8 =	vld [tilespmem:$0x1C0]  }
0x100: {  	s29 =	simm.s32 $0x1510;
	v12 =	vld.idx.msk [tilespmem:v9+s8+$0x0], $0xffff;
	[tilespmem:v56+s28+$0x0] =	vst.idx.msk $0xffff, v6  }
0x101: {  	v6 =	vld.idx.msk [tilespmem:v9+s9+$0x0], $0xffff;
	[tilespmem:v0+s29+$0x0] =	vst.idx.msk $0xffff, v10  }
0x102: {  	v10 =	vld.idx.msk [tilespmem:v9+s5+$0x0], $0xffff;
	[tilespmem:v44+s29+$0x0] =	vst.idx.msk $0xffff, v5  }
0x103: {  	v5 =	vld.idx.msk [tilespmem:v9+s6+$0x0], $0xffff;
	[tilespmem:v48+s29+$0x0] =	vst.idx.msk $0xffff, v13  }
0x104: {  	v9 =	vld.idx.msk [tilespmem:v9+s7+$0x0], $0xffff;
	[tilespmem:v52+s29+$0x0] =	vst.idx.msk $0xffff, v11  }
0x105: {  	v11 =	vld [tilespmem:$0x1D0];
	_ =	sdelay $0x1  }
0x106: {  	s30 =	simm.s32 $0x1590;
	v13 =	vld.idx.msk [tilespmem:v8+s8+$0x0], $0xffff;
	[tilespmem:v56+s29+$0x0] =	vst.idx.msk $0xffff, v7  }
0x107: {  	v7 =	vld.idx.msk [tilespmem:v8+s9+$0x0], $0xffff;
	[tilespmem:v0+s30+$0x0] =	vst.idx.msk $0xffff, v12  }
0x108: {  	v12 =	vld.idx.msk [tilespmem:v8+s5+$0x0], $0xffff;
	[tilespmem:v44+s30+$0x0] =	vst.idx.msk $0xffff, v6  }
0x109: {  	v6 =	vld.idx.msk [tilespmem:v8+s6+$0x0], $0xffff;
	[tilespmem:v48+s30+$0x0] =	vst.idx.msk $0xffff, v10  }
0x10a: {  	v8 =	vld.idx.msk [tilespmem:v8+s7+$0x0], $0xffff;
	[tilespmem:v52+s30+$0x0] =	vst.idx.msk $0xffff, v5  }
0x10b: {  	v5 =	vld [tilespmem:$0x1E0]  }
0x10c: {  	s31 =	simm.s32 $0x1610;
	v10 =	vld.idx.msk [tilespmem:v11+s8+$0x0], $0xffff;
	[tilespmem:v56+s30+$0x0] =	vst.idx.msk $0xffff, v9  }
0x10d: {  	v9 =	vld.idx.msk [tilespmem:v11+s9+$0x0], $0xffff;
	[tilespmem:v0+s31+$0x0] =	vst.idx.msk $0xffff, v13  }
0x10e: {  	v13 =	vld.idx.msk [tilespmem:v11+s5+$0x0], $0xffff;
	[tilespmem:v44+s31+$0x0] =	vst.idx.msk $0xffff, v7  }
0x10f: {  	v7 =	vld.idx.msk [tilespmem:v11+s6+$0x0], $0xffff;
	[tilespmem:v48+s31+$0x0] =	vst.idx.msk $0xffff, v12  }
0x110: {  	v11 =	vld.idx.msk [tilespmem:v11+s7+$0x0], $0xffff;
	[tilespmem:v52+s31+$0x0] =	vst.idx.msk $0xffff, v6  }
0x111: {  	v6 =	vld [tilespmem:$0x1F0];
	_ =	sdelay $0x1  }
0x112: {  	s13 =	simm.s32 $0x1690;
	v12 =	vld.idx.msk [tilespmem:v5+s8+$0x0], $0xffff;
	[tilespmem:v56+s31+$0x0] =	vst.idx.msk $0xffff, v8  }
0x113: {  	v8 =	vld.idx.msk [tilespmem:v5+s9+$0x0], $0xffff;
	[tilespmem:v0+s13+$0x0] =	vst.idx.msk $0xffff, v10  }
0x114: {  	v10 =	vld.idx.msk [tilespmem:v5+s5+$0x0], $0xffff;
	[tilespmem:v44+s13+$0x0] =	vst.idx.msk $0xffff, v9  }
0x115: {  	v9 =	vld.idx.msk [tilespmem:v5+s6+$0x0], $0xffff;
	[tilespmem:v48+s13+$0x0] =	vst.idx.msk $0xffff, v13  }
0x116: {  	v5 =	vld.idx.msk [tilespmem:v5+s7+$0x0], $0xffff;
	[tilespmem:v52+s13+$0x0] =	vst.idx.msk $0xffff, v7  }
0x117: {  	v7 =	vld [tilespmem:$0x200]  }
0x118: {  	s14 =	simm.s32 $0x1710;
	v13 =	vld.idx.msk [tilespmem:v6+s8+$0x0], $0xffff;
	[tilespmem:v56+s13+$0x0] =	vst.idx.msk $0xffff, v11  }
0x119: {  	v11 =	vld.idx.msk [tilespmem:v6+s9+$0x0], $0xffff;
	[tilespmem:v0+s14+$0x0] =	vst.idx.msk $0xffff, v12  }
0x11a: {  	v12 =	vld.idx.msk [tilespmem:v6+s5+$0x0], $0xffff;
	[tilespmem:v44+s14+$0x0] =	vst.idx.msk $0xffff, v8  }
0x11b: {  	v8 =	vld.idx.msk [tilespmem:v6+s6+$0x0], $0xffff;
	[tilespmem:v48+s14+$0x0] =	vst.idx.msk $0xffff, v10  }
0x11c: {  	v6 =	vld.idx.msk [tilespmem:v6+s7+$0x0], $0xffff;
	[tilespmem:v52+s14+$0x0] =	vst.idx.msk $0xffff, v9  }
0x11d: {  	v9 =	vld [tilespmem:$0x210];
	_ =	sdelay $0x1  }
0x11e: {  	s15 =	simm.s32 $0x1790;
	v10 =	vld.idx.msk [tilespmem:v7+s8+$0x0], $0xffff;
	[tilespmem:v56+s14+$0x0] =	vst.idx.msk $0xffff, v5  }
0x11f: {  	v5 =	vld.idx.msk [tilespmem:v7+s9+$0x0], $0xffff;
	[tilespmem:v0+s15+$0x0] =	vst.idx.msk $0xffff, v13  }
0x120: {  	v13 =	vld.idx.msk [tilespmem:v7+s5+$0x0], $0xffff;
	[tilespmem:v44+s15+$0x0] =	vst.idx.msk $0xffff, v11  }
0x121: {  	v11 =	vld.idx.msk [tilespmem:v7+s6+$0x0], $0xffff;
	[tilespmem:v48+s15+$0x0] =	vst.idx.msk $0xffff, v12  }
0x122: {  	v7 =	vld.idx.msk [tilespmem:v7+s7+$0x0], $0xffff;
	[tilespmem:v52+s15+$0x0] =	vst.idx.msk $0xffff, v8  }
0x123: {  	v8 =	vld [tilespmem:$0x220]  }
0x124: {  	s16 =	simm.s32 $0x1810;
	v12 =	vld.idx.msk [tilespmem:v9+s8+$0x0], $0xffff;
	[tilespmem:v56+s15+$0x0] =	vst.idx.msk $0xffff, v6  }
0x125: {  	v6 =	vld.idx.msk [tilespmem:v9+s9+$0x0], $0xffff;
	[tilespmem:v0+s16+$0x0] =	vst.idx.msk $0xffff, v10  }
0x126: {  	v10 =	vld.idx.msk [tilespmem:v9+s5+$0x0], $0xffff;
	[tilespmem:v44+s16+$0x0] =	vst.idx.msk $0xffff, v5  }
0x127: {  	v5 =	vld.idx.msk [tilespmem:v9+s6+$0x0], $0xffff;
	[tilespmem:v48+s16+$0x0] =	vst.idx.msk $0xffff, v13  }
0x128: {  	s13 =	sadd.s32 $0x100, s10;
	v9 =	vld.idx.msk [tilespmem:v9+s7+$0x0], $0xffff;
	[tilespmem:v52+s16+$0x0] =	vst.idx.msk $0xffff, v11  }
0x129: {  	[hbm4b:s13+s2] =	stream.linear.scatter [tilespmem:s18], [sflag:$0x2], $0x800, $0x38;
	[tilespmem:$0x2810] =	vst v63  }
0x12a: {  	v11 =	vld [tilespmem:$0x230];
	_ =	sdelay $0x1  }
0x12b: {  	s17 =	simm.s32 $0x1890;
	v13 =	vld.idx.msk [tilespmem:v8+s8+$0x0], $0xffff;
	[tilespmem:v56+s16+$0x0] =	vst.idx.msk $0xffff, v7  }
0x12c: {  	v7 =	vld.idx.msk [tilespmem:v8+s9+$0x0], $0xffff;
	[tilespmem:v0+s17+$0x0] =	vst.idx.msk $0xffff, v12  }
0x12d: {  	v12 =	vld.idx.msk [tilespmem:v8+s5+$0x0], $0xffff;
	[tilespmem:v44+s17+$0x0] =	vst.idx.msk $0xffff, v6  }
0x12e: {  	v6 =	vld.idx.msk [tilespmem:v8+s6+$0x0], $0xffff;
	[tilespmem:v48+s17+$0x0] =	vst.idx.msk $0xffff, v10  }
0x12f: {  	v8 =	vld.idx.msk [tilespmem:v8+s7+$0x0], $0xffff;
	[tilespmem:v52+s17+$0x0] =	vst.idx.msk $0xffff, v5  }
0x130: {  	v5 =	vld [tilespmem:$0x240]  }
0x131: {  	s18 =	simm.s32 $0x1910;
	v10 =	vld.idx.msk [tilespmem:v11+s8+$0x0], $0xffff;
	[tilespmem:v56+s17+$0x0] =	vst.idx.msk $0xffff, v9  }
0x132: {  	v9 =	vld.idx.msk [tilespmem:v11+s9+$0x0], $0xffff;
	[tilespmem:v0+s18+$0x0] =	vst.idx.msk $0xffff, v13  }
0x133: {  	v13 =	vld.idx.msk [tilespmem:v11+s5+$0x0], $0xffff;
	[tilespmem:v44+s18+$0x0] =	vst.idx.msk $0xffff, v7  }
0x134: {  	v7 =	vld.idx.msk [tilespmem:v11+s6+$0x0], $0xffff;
	[tilespmem:v48+s18+$0x0] =	vst.idx.msk $0xffff, v12  }
0x135: {  	v11 =	vld.idx.msk [tilespmem:v11+s7+$0x0], $0xffff;
	[tilespmem:v52+s18+$0x0] =	vst.idx.msk $0xffff, v6  }
0x136: {  	v6 =	vld [tilespmem:$0x250];
	_ =	sdelay $0x1  }
0x137: {  	s19 =	simm.s32 $0x1990;
	v12 =	vld.idx.msk [tilespmem:v5+s8+$0x0], $0xffff;
	[tilespmem:v56+s18+$0x0] =	vst.idx.msk $0xffff, v8  }
0x138: {  	v8 =	vld.idx.msk [tilespmem:v5+s9+$0x0], $0xffff;
	[tilespmem:v0+s19+$0x0] =	vst.idx.msk $0xffff, v10  }
0x139: {  	v10 =	vld.idx.msk [tilespmem:v5+s5+$0x0], $0xffff;
	[tilespmem:v44+s19+$0x0] =	vst.idx.msk $0xffff, v9  }
0x13a: {  	v9 =	vld.idx.msk [tilespmem:v5+s6+$0x0], $0xffff;
	[tilespmem:v48+s19+$0x0] =	vst.idx.msk $0xffff, v13  }
0x13b: {  	v5 =	vld.idx.msk [tilespmem:v5+s7+$0x0], $0xffff;
	[tilespmem:v52+s19+$0x0] =	vst.idx.msk $0xffff, v7  }
0x13c: {  	v7 =	vld [tilespmem:$0x260]  }
0x13d: {  	s20 =	simm.s32 $0x1A10;
	v13 =	vld.idx.msk [tilespmem:v6+s8+$0x0], $0xffff;
	[tilespmem:v56+s19+$0x0] =	vst.idx.msk $0xffff, v11  }
0x13e: {  	v11 =	vld.idx.msk [tilespmem:v6+s9+$0x0], $0xffff;
	[tilespmem:v0+s20+$0x0] =	vst.idx.msk $0xffff, v12  }
0x13f: {  	v12 =	vld.idx.msk [tilespmem:v6+s5+$0x0], $0xffff;
	[tilespmem:v44+s20+$0x0] =	vst.idx.msk $0xffff, v8  }
0x140: {  	v8 =	vld.idx.msk [tilespmem:v6+s6+$0x0], $0xffff;
	[tilespmem:v48+s20+$0x0] =	vst.idx.msk $0xffff, v10  }
0x141: {  	v6 =	vld.idx.msk [tilespmem:v6+s7+$0x0], $0xffff;
	[tilespmem:v52+s20+$0x0] =	vst.idx.msk $0xffff, v9  }
0x142: {  	v9 =	vld [tilespmem:$0x270];
	_ =	sdelay $0x1  }
0x143: {  	s21 =	simm.s32 $0x1A90;
	v10 =	vld.idx.msk [tilespmem:v7+s8+$0x0], $0xffff;
	[tilespmem:v56+s20+$0x0] =	vst.idx.msk $0xffff, v5  }
0x144: {  	v5 =	vld.idx.msk [tilespmem:v7+s9+$0x0], $0xffff;
	[tilespmem:v0+s21+$0x0] =	vst.idx.msk $0xffff, v13  }
0x145: {  	v13 =	vld.idx.msk [tilespmem:v7+s5+$0x0], $0xffff;
	[tilespmem:v44+s21+$0x0] =	vst.idx.msk $0xffff, v11  }
0x146: {  	v11 =	vld.idx.msk [tilespmem:v7+s6+$0x0], $0xffff;
	[tilespmem:v48+s21+$0x0] =	vst.idx.msk $0xffff, v12  }
0x147: {  	v7 =	vld.idx.msk [tilespmem:v7+s7+$0x0], $0xffff;
	[tilespmem:v52+s21+$0x0] =	vst.idx.msk $0xffff, v8  }
0x148: {  	v8 =	vld [tilespmem:$0x280]  }
0x149: {  	s22 =	simm.s32 $0x1B10;
	v12 =	vld.idx.msk [tilespmem:v9+s8+$0x0], $0xffff;
	[tilespmem:v56+s21+$0x0] =	vst.idx.msk $0xffff, v6  }
0x14a: {  	v6 =	vld.idx.msk [tilespmem:v9+s9+$0x0], $0xffff;
	[tilespmem:v0+s22+$0x0] =	vst.idx.msk $0xffff, v10  }
0x14b: {  	v10 =	vld.idx.msk [tilespmem:v9+s5+$0x0], $0xffff;
	[tilespmem:v44+s22+$0x0] =	vst.idx.msk $0xffff, v5  }
0x14c: {  	v5 =	vld.idx.msk [tilespmem:v9+s6+$0x0], $0xffff;
	[tilespmem:v48+s22+$0x0] =	vst.idx.msk $0xffff, v13  }
0x14d: {  	v9 =	vld.idx.msk [tilespmem:v9+s7+$0x0], $0xffff;
	[tilespmem:v52+s22+$0x0] =	vst.idx.msk $0xffff, v11  }
0x14e: {  	v11 =	vld [tilespmem:$0x290];
	_ =	sdelay $0x1  }
0x14f: {  	s23 =	simm.s32 $0x1B90;
	v13 =	vld.idx.msk [tilespmem:v8+s8+$0x0], $0xffff;
	[tilespmem:v56+s22+$0x0] =	vst.idx.msk $0xffff, v7  }
0x150: {  	v7 =	vld.idx.msk [tilespmem:v8+s9+$0x0], $0xffff;
	[tilespmem:v0+s23+$0x0] =	vst.idx.msk $0xffff, v12  }
0x151: {  	v12 =	vld.idx.msk [tilespmem:v8+s5+$0x0], $0xffff;
	[tilespmem:v44+s23+$0x0] =	vst.idx.msk $0xffff, v6  }
0x152: {  	v6 =	vld.idx.msk [tilespmem:v8+s6+$0x0], $0xffff;
	[tilespmem:v48+s23+$0x0] =	vst.idx.msk $0xffff, v10  }
0x153: {  	v8 =	vld.idx.msk [tilespmem:v8+s7+$0x0], $0xffff;
	[tilespmem:v52+s23+$0x0] =	vst.idx.msk $0xffff, v5  }
0x154: {  	v5 =	vld [tilespmem:$0x2A0]  }
0x155: {  	s24 =	simm.s32 $0x1C10;
	v10 =	vld.idx.msk [tilespmem:v11+s8+$0x0], $0xffff;
	[tilespmem:v56+s23+$0x0] =	vst.idx.msk $0xffff, v9  }
0x156: {  	v9 =	vld.idx.msk [tilespmem:v11+s9+$0x0], $0xffff;
	[tilespmem:v0+s24+$0x0] =	vst.idx.msk $0xffff, v13  }
0x157: {  	v13 =	vld.idx.msk [tilespmem:v11+s5+$0x0], $0xffff;
	[tilespmem:v44+s24+$0x0] =	vst.idx.msk $0xffff, v7  }
0x158: {  	v7 =	vld.idx.msk [tilespmem:v11+s6+$0x0], $0xffff;
	[tilespmem:v48+s24+$0x0] =	vst.idx.msk $0xffff, v12  }
0x159: {  	v11 =	vld.idx.msk [tilespmem:v11+s7+$0x0], $0xffff;
	[tilespmem:v52+s24+$0x0] =	vst.idx.msk $0xffff, v6  }
0x15a: {  	v6 =	vld [tilespmem:$0x2B0];
	_ =	sdelay $0x1  }
0x15b: {  	s25 =	simm.s32 $0x1C90;
	v12 =	vld.idx.msk [tilespmem:v5+s8+$0x0], $0xffff;
	[tilespmem:v56+s24+$0x0] =	vst.idx.msk $0xffff, v8  }
0x15c: {  	v8 =	vld.idx.msk [tilespmem:v5+s9+$0x0], $0xffff;
	[tilespmem:v0+s25+$0x0] =	vst.idx.msk $0xffff, v10  }
0x15d: {  	v10 =	vld.idx.msk [tilespmem:v5+s5+$0x0], $0xffff;
	[tilespmem:v44+s25+$0x0] =	vst.idx.msk $0xffff, v9  }
0x15e: {  	v9 =	vld.idx.msk [tilespmem:v5+s6+$0x0], $0xffff;
	[tilespmem:v48+s25+$0x0] =	vst.idx.msk $0xffff, v13  }
0x15f: {  	v5 =	vld.idx.msk [tilespmem:v5+s7+$0x0], $0xffff;
	[tilespmem:v52+s25+$0x0] =	vst.idx.msk $0xffff, v7  }
0x160: {  	v7 =	vld [tilespmem:$0x2C0]  }
0x161: {  	s26 =	simm.s32 $0x1D10;
	v13 =	vld.idx.msk [tilespmem:v6+s8+$0x0], $0xffff;
	[tilespmem:v56+s25+$0x0] =	vst.idx.msk $0xffff, v11  }
0x162: {  	v11 =	vld.idx.msk [tilespmem:v6+s9+$0x0], $0xffff;
	[tilespmem:v0+s26+$0x0] =	vst.idx.msk $0xffff, v12  }
0x163: {  	v12 =	vld.idx.msk [tilespmem:v6+s5+$0x0], $0xffff;
	[tilespmem:v44+s26+$0x0] =	vst.idx.msk $0xffff, v8  }
0x164: {  	v8 =	vld.idx.msk [tilespmem:v6+s6+$0x0], $0xffff;
	[tilespmem:v48+s26+$0x0] =	vst.idx.msk $0xffff, v10  }
0x165: {  	v6 =	vld.idx.msk [tilespmem:v6+s7+$0x0], $0xffff;
	[tilespmem:v52+s26+$0x0] =	vst.idx.msk $0xffff, v9  }
0x166: {  	v9 =	vld [tilespmem:$0x2D0];
	_ =	sdelay $0x1  }
0x167: {  	s28 =	simm.s32 $0x1D90;
	v10 =	vld.idx.msk [tilespmem:v7+s8+$0x0], $0xffff;
	[tilespmem:v56+s26+$0x0] =	vst.idx.msk $0xffff, v5  }
0x168: {  	v5 =	vld.idx.msk [tilespmem:v7+s9+$0x0], $0xffff;
	[tilespmem:v0+s28+$0x0] =	vst.idx.msk $0xffff, v13  }
0x169: {  	v13 =	vld.idx.msk [tilespmem:v7+s5+$0x0], $0xffff;
	[tilespmem:v44+s28+$0x0] =	vst.idx.msk $0xffff, v11  }
0x16a: {  	v11 =	vld.idx.msk [tilespmem:v7+s6+$0x0], $0xffff;
	[tilespmem:v48+s28+$0x0] =	vst.idx.msk $0xffff, v12  }
0x16b: {  	v7 =	vld.idx.msk [tilespmem:v7+s7+$0x0], $0xffff;
	[tilespmem:v52+s28+$0x0] =	vst.idx.msk $0xffff, v8  }
0x16c: {  	v8 =	vld [tilespmem:$0x2E0]  }
0x16d: {  	s29 =	simm.s32 $0x1E10;
	v12 =	vld.idx.msk [tilespmem:v9+s8+$0x0], $0xffff;
	[tilespmem:v56+s28+$0x0] =	vst.idx.msk $0xffff, v6  }
0x16e: {  	v6 =	vld.idx.msk [tilespmem:v9+s9+$0x0], $0xffff;
	[tilespmem:v0+s29+$0x0] =	vst.idx.msk $0xffff, v10  }
0x16f: {  	v10 =	vld.idx.msk [tilespmem:v9+s5+$0x0], $0xffff;
	[tilespmem:v44+s29+$0x0] =	vst.idx.msk $0xffff, v5  }
0x170: {  	v5 =	vld.idx.msk [tilespmem:v9+s6+$0x0], $0xffff;
	[tilespmem:v48+s29+$0x0] =	vst.idx.msk $0xffff, v13  }
0x171: {  	v9 =	vld.idx.msk [tilespmem:v9+s7+$0x0], $0xffff;
	[tilespmem:v52+s29+$0x0] =	vst.idx.msk $0xffff, v11  }
0x172: {  	v11 =	vld [tilespmem:$0x2F0];
	_ =	sdelay $0x1  }
0x173: {  	s30 =	simm.s32 $0x1E90;
	v13 =	vld.idx.msk [tilespmem:v8+s8+$0x0], $0xffff;
	[tilespmem:v56+s29+$0x0] =	vst.idx.msk $0xffff, v7  }
0x174: {  	v7 =	vld.idx.msk [tilespmem:v8+s9+$0x0], $0xffff;
	[tilespmem:v0+s30+$0x0] =	vst.idx.msk $0xffff, v12  }
0x175: {  	v12 =	vld.idx.msk [tilespmem:v8+s5+$0x0], $0xffff;
	[tilespmem:v44+s30+$0x0] =	vst.idx.msk $0xffff, v6  }
0x176: {  	v6 =	vld.idx.msk [tilespmem:v8+s6+$0x0], $0xffff;
	[tilespmem:v48+s30+$0x0] =	vst.idx.msk $0xffff, v10  }
0x177: {  	v8 =	vld.idx.msk [tilespmem:v8+s7+$0x0], $0xffff;
	[tilespmem:v52+s30+$0x0] =	vst.idx.msk $0xffff, v5  }
0x178: {  	v5 =	vld [tilespmem:$0x300]  }
0x179: {  	s31 =	simm.s32 $0x1F10;
	v10 =	vld.idx.msk [tilespmem:v11+s8+$0x0], $0xffff;
	[tilespmem:v56+s30+$0x0] =	vst.idx.msk $0xffff, v9  }
0x17a: {  	v9 =	vld.idx.msk [tilespmem:v11+s9+$0x0], $0xffff;
	[tilespmem:v0+s31+$0x0] =	vst.idx.msk $0xffff, v13  }
0x17b: {  	v13 =	vld.idx.msk [tilespmem:v11+s5+$0x0], $0xffff;
	[tilespmem:v44+s31+$0x0] =	vst.idx.msk $0xffff, v7  }
0x17c: {  	v7 =	vld.idx.msk [tilespmem:v11+s6+$0x0], $0xffff;
	[tilespmem:v48+s31+$0x0] =	vst.idx.msk $0xffff, v12  }
0x17d: {  	v11 =	vld.idx.msk [tilespmem:v11+s7+$0x0], $0xffff;
	[tilespmem:v52+s31+$0x0] =	vst.idx.msk $0xffff, v6  }
0x17e: {  	v6 =	vld [tilespmem:$0x310];
	_ =	sdelay $0x1  }
0x17f: {  	s13 =	simm.s32 $0x1F90;
	v12 =	vld.idx.msk [tilespmem:v5+s8+$0x0], $0xffff;
	[tilespmem:v56+s31+$0x0] =	vst.idx.msk $0xffff, v8  }
0x180: {  	v8 =	vld.idx.msk [tilespmem:v5+s9+$0x0], $0xffff;
	[tilespmem:v0+s13+$0x0] =	vst.idx.msk $0xffff, v10  }
0x181: {  	v10 =	vld.idx.msk [tilespmem:v5+s5+$0x0], $0xffff;
	[tilespmem:v44+s13+$0x0] =	vst.idx.msk $0xffff, v9  }
0x182: {  	v9 =	vld.idx.msk [tilespmem:v5+s6+$0x0], $0xffff;
	[tilespmem:v48+s13+$0x0] =	vst.idx.msk $0xffff, v13  }
0x183: {  	v5 =	vld.idx.msk [tilespmem:v5+s7+$0x0], $0xffff;
	[tilespmem:v52+s13+$0x0] =	vst.idx.msk $0xffff, v7  }
0x184: {  	v7 =	vld [tilespmem:$0x320]  }
0x185: {  	s11 =	simm.s32 $0x2010;
	v13 =	vld.idx.msk [tilespmem:v6+s8+$0x0], $0xffff;
	[tilespmem:v56+s13+$0x0] =	vst.idx.msk $0xffff, v11  }
0x186: {  	v11 =	vld.idx.msk [tilespmem:v6+s9+$0x0], $0xffff;
	[tilespmem:v0+s11+$0x0] =	vst.idx.msk $0xffff, v12  }
0x187: {  	v12 =	vld.idx.msk [tilespmem:v6+s5+$0x0], $0xffff;
	[tilespmem:v44+s11+$0x0] =	vst.idx.msk $0xffff, v8  }
0x188: {  	v8 =	vld.idx.msk [tilespmem:v6+s6+$0x0], $0xffff;
	[tilespmem:v48+s11+$0x0] =	vst.idx.msk $0xffff, v10  }
0x189: {  	s14 =	sadd.s32 $0x200, s10;
	v6 =	vld.idx.msk [tilespmem:v6+s7+$0x0], $0xffff;
	[tilespmem:v52+s11+$0x0] =	vst.idx.msk $0xffff, v9  }
0x18a: {  	[hbm4b:s14+s2] =	stream.linear.scatter [tilespmem:s16], [sflag:$0x1], $0x800, $0x38;
	[tilespmem:$0x2810] =	vst v63  }
0x18b: {  	v9 =	vld [tilespmem:$0x330];
	_ =	sdelay $0x1  }
0x18c: {  	s15 =	simm.s32 $0x2090;
	v10 =	vld.idx.msk [tilespmem:v7+s8+$0x0], $0xffff;
	[tilespmem:v56+s11+$0x0] =	vst.idx.msk $0xffff, v5  }
0x18d: {  	v5 =	vld.idx.msk [tilespmem:v7+s9+$0x0], $0xffff;
	[tilespmem:v0+s15+$0x0] =	vst.idx.msk $0xffff, v13  }
0x18e: {  	v13 =	vld.idx.msk [tilespmem:v7+s5+$0x0], $0xffff;
	[tilespmem:v44+s15+$0x0] =	vst.idx.msk $0xffff, v11  }
0x18f: {  	v11 =	vld.idx.msk [tilespmem:v7+s6+$0x0], $0xffff;
	[tilespmem:v48+s15+$0x0] =	vst.idx.msk $0xffff, v12  }
0x190: {  	v7 =	vld.idx.msk [tilespmem:v7+s7+$0x0], $0xffff;
	[tilespmem:v52+s15+$0x0] =	vst.idx.msk $0xffff, v8  }
0x191: {  	v8 =	vld [tilespmem:$0x340]  }
0x192: {  	s16 =	simm.s32 $0x2110;
	v12 =	vld.idx.msk [tilespmem:v9+s8+$0x0], $0xffff;
	[tilespmem:v56+s15+$0x0] =	vst.idx.msk $0xffff, v6  }
0x193: {  	v6 =	vld.idx.msk [tilespmem:v9+s9+$0x0], $0xffff;
	[tilespmem:v0+s16+$0x0] =	vst.idx.msk $0xffff, v10  }
0x194: {  	v10 =	vld.idx.msk [tilespmem:v9+s5+$0x0], $0xffff;
	[tilespmem:v44+s16+$0x0] =	vst.idx.msk $0xffff, v5  }
0x195: {  	v5 =	vld.idx.msk [tilespmem:v9+s6+$0x0], $0xffff;
	[tilespmem:v48+s16+$0x0] =	vst.idx.msk $0xffff, v13  }
0x196: {  	v9 =	vld.idx.msk [tilespmem:v9+s7+$0x0], $0xffff;
	[tilespmem:v52+s16+$0x0] =	vst.idx.msk $0xffff, v11  }
0x197: {  	v11 =	vld [tilespmem:$0x350];
	_ =	sdelay $0x1  }
0x198: {  	s17 =	simm.s32 $0x2190;
	v13 =	vld.idx.msk [tilespmem:v8+s8+$0x0], $0xffff;
	[tilespmem:v56+s16+$0x0] =	vst.idx.msk $0xffff, v7  }
0x199: {  	v7 =	vld.idx.msk [tilespmem:v8+s9+$0x0], $0xffff;
	[tilespmem:v0+s17+$0x0] =	vst.idx.msk $0xffff, v12  }
0x19a: {  	v12 =	vld.idx.msk [tilespmem:v8+s5+$0x0], $0xffff;
	[tilespmem:v44+s17+$0x0] =	vst.idx.msk $0xffff, v6  }
0x19b: {  	v6 =	vld.idx.msk [tilespmem:v8+s6+$0x0], $0xffff;
	[tilespmem:v48+s17+$0x0] =	vst.idx.msk $0xffff, v10  }
0x19c: {  	v8 =	vld.idx.msk [tilespmem:v8+s7+$0x0], $0xffff;
	[tilespmem:v52+s17+$0x0] =	vst.idx.msk $0xffff, v5  }
0x19d: {  	v5 =	vld [tilespmem:$0x360]  }
0x19e: {  	s18 =	simm.s32 $0x2210;
	v10 =	vld.idx.msk [tilespmem:v11+s8+$0x0], $0xffff;
	[tilespmem:v56+s17+$0x0] =	vst.idx.msk $0xffff, v9  }
0x19f: {  	v9 =	vld.idx.msk [tilespmem:v11+s9+$0x0], $0xffff;
	[tilespmem:v0+s18+$0x0] =	vst.idx.msk $0xffff, v13  }
0x1a0: {  	v13 =	vld.idx.msk [tilespmem:v11+s5+$0x0], $0xffff;
	[tilespmem:v44+s18+$0x0] =	vst.idx.msk $0xffff, v7  }
0x1a1: {  	v7 =	vld.idx.msk [tilespmem:v11+s6+$0x0], $0xffff;
	[tilespmem:v48+s18+$0x0] =	vst.idx.msk $0xffff, v12  }
0x1a2: {  	v11 =	vld.idx.msk [tilespmem:v11+s7+$0x0], $0xffff;
	[tilespmem:v52+s18+$0x0] =	vst.idx.msk $0xffff, v6  }
0x1a3: {  	v6 =	vld [tilespmem:$0x370];
	_ =	sdelay $0x1  }
0x1a4: {  	s19 =	simm.s32 $0x2290;
	v12 =	vld.idx.msk [tilespmem:v5+s8+$0x0], $0xffff;
	[tilespmem:v56+s18+$0x0] =	vst.idx.msk $0xffff, v8  }
0x1a5: {  	v8 =	vld.idx.msk [tilespmem:v5+s9+$0x0], $0xffff;
	[tilespmem:v0+s19+$0x0] =	vst.idx.msk $0xffff, v10  }
0x1a6: {  	v10 =	vld.idx.msk [tilespmem:v5+s5+$0x0], $0xffff;
	[tilespmem:v44+s19+$0x0] =	vst.idx.msk $0xffff, v9  }
0x1a7: {  	v9 =	vld.idx.msk [tilespmem:v5+s6+$0x0], $0xffff;
	[tilespmem:v48+s19+$0x0] =	vst.idx.msk $0xffff, v13  }
0x1a8: {  	v5 =	vld.idx.msk [tilespmem:v5+s7+$0x0], $0xffff;
	[tilespmem:v52+s19+$0x0] =	vst.idx.msk $0xffff, v7  }
0x1a9: {  	v7 =	vld [tilespmem:$0x380]  }
0x1aa: {  	s20 =	simm.s32 $0x2310;
	v13 =	vld.idx.msk [tilespmem:v6+s8+$0x0], $0xffff;
	[tilespmem:v56+s19+$0x0] =	vst.idx.msk $0xffff, v11  }
0x1ab: {  	v11 =	vld.idx.msk [tilespmem:v6+s9+$0x0], $0xffff;
	[tilespmem:v0+s20+$0x0] =	vst.idx.msk $0xffff, v12  }
0x1ac: {  	v12 =	vld.idx.msk [tilespmem:v6+s5+$0x0], $0xffff;
	[tilespmem:v44+s20+$0x0] =	vst.idx.msk $0xffff, v8  }
0x1ad: {  	v8 =	vld.idx.msk [tilespmem:v6+s6+$0x0], $0xffff;
	[tilespmem:v48+s20+$0x0] =	vst.idx.msk $0xffff, v10  }
0x1ae: {  	v6 =	vld.idx.msk [tilespmem:v6+s7+$0x0], $0xffff;
	[tilespmem:v52+s20+$0x0] =	vst.idx.msk $0xffff, v9  }
0x1af: {  	v9 =	vld [tilespmem:$0x390];
	_ =	sdelay $0x1  }
0x1b0: {  	s21 =	simm.s32 $0x2390;
	v10 =	vld.idx.msk [tilespmem:v7+s8+$0x0], $0xffff;
	[tilespmem:v56+s20+$0x0] =	vst.idx.msk $0xffff, v5  }
0x1b1: {  	v5 =	vld.idx.msk [tilespmem:v7+s9+$0x0], $0xffff;
	[tilespmem:v0+s21+$0x0] =	vst.idx.msk $0xffff, v13  }
0x1b2: {  	v13 =	vld.idx.msk [tilespmem:v7+s5+$0x0], $0xffff;
	[tilespmem:v44+s21+$0x0] =	vst.idx.msk $0xffff, v11  }
0x1b3: {  	v11 =	vld.idx.msk [tilespmem:v7+s6+$0x0], $0xffff;
	[tilespmem:v48+s21+$0x0] =	vst.idx.msk $0xffff, v12  }
0x1b4: {  	v7 =	vld.idx.msk [tilespmem:v7+s7+$0x0], $0xffff;
	[tilespmem:v52+s21+$0x0] =	vst.idx.msk $0xffff, v8  }
0x1b5: {  	v8 =	vld [tilespmem:$0x3A0]  }
0x1b6: {  	s22 =	simm.s32 $0x2410;
	v12 =	vld.idx.msk [tilespmem:v9+s8+$0x0], $0xffff;
	[tilespmem:v56+s21+$0x0] =	vst.idx.msk $0xffff, v6  }
0x1b7: {  	v6 =	vld.idx.msk [tilespmem:v9+s9+$0x0], $0xffff;
	[tilespmem:v0+s22+$0x0] =	vst.idx.msk $0xffff, v10  }
0x1b8: {  	v10 =	vld.idx.msk [tilespmem:v9+s5+$0x0], $0xffff;
	[tilespmem:v44+s22+$0x0] =	vst.idx.msk $0xffff, v5  }
0x1b9: {  	v5 =	vld.idx.msk [tilespmem:v9+s6+$0x0], $0xffff;
	[tilespmem:v48+s22+$0x0] =	vst.idx.msk $0xffff, v13  }
0x1ba: {  	v9 =	vld.idx.msk [tilespmem:v9+s7+$0x0], $0xffff;
	[tilespmem:v52+s22+$0x0] =	vst.idx.msk $0xffff, v11  }
0x1bb: {  	v11 =	vld [tilespmem:$0x3B0];
	_ =	sdelay $0x1  }
0x1bc: {  	s23 =	simm.s32 $0x2490;
	v13 =	vld.idx.msk [tilespmem:v8+s8+$0x0], $0xffff;
	[tilespmem:v56+s22+$0x0] =	vst.idx.msk $0xffff, v7  }
0x1bd: {  	v7 =	vld.idx.msk [tilespmem:v8+s9+$0x0], $0xffff;
	[tilespmem:v0+s23+$0x0] =	vst.idx.msk $0xffff, v12  }
0x1be: {  	v12 =	vld.idx.msk [tilespmem:v8+s5+$0x0], $0xffff;
	[tilespmem:v44+s23+$0x0] =	vst.idx.msk $0xffff, v6  }
0x1bf: {  	v6 =	vld.idx.msk [tilespmem:v8+s6+$0x0], $0xffff;
	[tilespmem:v48+s23+$0x0] =	vst.idx.msk $0xffff, v10  }
0x1c0: {  	v8 =	vld.idx.msk [tilespmem:v8+s7+$0x0], $0xffff;
	[tilespmem:v52+s23+$0x0] =	vst.idx.msk $0xffff, v5  }
0x1c1: {  	v5 =	vld [tilespmem:$0x3C0]  }
0x1c2: {  	s24 =	simm.s32 $0x2510;
	v10 =	vld.idx.msk [tilespmem:v11+s8+$0x0], $0xffff;
	[tilespmem:v56+s23+$0x0] =	vst.idx.msk $0xffff, v9  }
0x1c3: {  	v9 =	vld.idx.msk [tilespmem:v11+s9+$0x0], $0xffff;
	[tilespmem:v0+s24+$0x0] =	vst.idx.msk $0xffff, v13  }
0x1c4: {  	v13 =	vld.idx.msk [tilespmem:v11+s5+$0x0], $0xffff;
	[tilespmem:v44+s24+$0x0] =	vst.idx.msk $0xffff, v7  }
0x1c5: {  	v7 =	vld.idx.msk [tilespmem:v11+s6+$0x0], $0xffff;
	[tilespmem:v48+s24+$0x0] =	vst.idx.msk $0xffff, v12  }
0x1c6: {  	v11 =	vld.idx.msk [tilespmem:v11+s7+$0x0], $0xffff;
	[tilespmem:v52+s24+$0x0] =	vst.idx.msk $0xffff, v6  }
0x1c7: {  	v6 =	vld [tilespmem:$0x3D0];
	_ =	sdelay $0x1  }
0x1c8: {  	s25 =	simm.s32 $0x2590;
	v12 =	vld.idx.msk [tilespmem:v5+s8+$0x0], $0xffff;
	[tilespmem:v56+s24+$0x0] =	vst.idx.msk $0xffff, v8  }
0x1c9: {  	v8 =	vld.idx.msk [tilespmem:v5+s9+$0x0], $0xffff;
	[tilespmem:v0+s25+$0x0] =	vst.idx.msk $0xffff, v10  }
0x1ca: {  	v10 =	vld.idx.msk [tilespmem:v5+s5+$0x0], $0xffff;
	[tilespmem:v44+s25+$0x0] =	vst.idx.msk $0xffff, v9  }
0x1cb: {  	v9 =	vld.idx.msk [tilespmem:v5+s6+$0x0], $0xffff;
	[tilespmem:v48+s25+$0x0] =	vst.idx.msk $0xffff, v13  }
0x1cc: {  	v5 =	vld.idx.msk [tilespmem:v5+s7+$0x0], $0xffff;
	[tilespmem:v52+s25+$0x0] =	vst.idx.msk $0xffff, v7  }
0x1cd: {  	v7 =	vld [tilespmem:$0x3E0]  }
0x1ce: {  	s26 =	simm.s32 $0x2610;
	v13 =	vld.idx.msk [tilespmem:v6+s8+$0x0], $0xffff;
	[tilespmem:v56+s25+$0x0] =	vst.idx.msk $0xffff, v11  }
0x1cf: {  	v11 =	vld.idx.msk [tilespmem:v6+s9+$0x0], $0xffff;
	[tilespmem:v0+s26+$0x0] =	vst.idx.msk $0xffff, v12  }
0x1d0: {  	v12 =	vld.idx.msk [tilespmem:v6+s5+$0x0], $0xffff;
	[tilespmem:v44+s26+$0x0] =	vst.idx.msk $0xffff, v8  }
0x1d1: {  	v8 =	vld.idx.msk [tilespmem:v6+s6+$0x0], $0xffff;
	[tilespmem:v48+s26+$0x0] =	vst.idx.msk $0xffff, v10  }
0x1d2: {  	v6 =	vld.idx.msk [tilespmem:v6+s7+$0x0], $0xffff;
	[tilespmem:v52+s26+$0x0] =	vst.idx.msk $0xffff, v9  }
0x1d3: {  	v9 =	vld [tilespmem:$0x3F0];
	_ =	sdelay $0x2  }
0x1d4: {  	s28 =	simm.s32 $0x2690;
	v10 =	vld.idx.msk [tilespmem:v7+s8+$0x0], $0xffff;
	[tilespmem:v56+s26+$0x0] =	vst.idx.msk $0xffff, v5  }
0x1d5: {  	v5 =	vld.idx.msk [tilespmem:v7+s9+$0x0], $0xffff;
	[tilespmem:v0+s28+$0x0] =	vst.idx.msk $0xffff, v13  }
0x1d6: {  	v13 =	vld.idx.msk [tilespmem:v7+s5+$0x0], $0xffff;
	[tilespmem:v44+s28+$0x0] =	vst.idx.msk $0xffff, v11  }
0x1d7: {  	v11 =	vld.idx.msk [tilespmem:v7+s6+$0x0], $0xffff;
	[tilespmem:v48+s28+$0x0] =	vst.idx.msk $0xffff, v12  }
0x1d8: {  	v7 =	vld.idx.msk [tilespmem:v7+s7+$0x0], $0xffff;
	[tilespmem:v52+s28+$0x0] =	vst.idx.msk $0xffff, v8  }
0x1d9: {  	s29 =	simm.s32 $0x2710;
	v8 =	vld.idx.msk [tilespmem:v9+s8+$0x0], $0xffff;
	[tilespmem:v56+s28+$0x0] =	vst.idx.msk $0xffff, v6  }
0x1da: {  	v6 =	vld.idx.msk [tilespmem:v9+s9+$0x0], $0xffff;
	[tilespmem:v0+s29+$0x0] =	vst.idx.msk $0xffff, v10  }
0x1db: {  	v10 =	vld.idx.msk [tilespmem:v9+s5+$0x0], $0xffff;
	[tilespmem:v44+s29+$0x0] =	vst.idx.msk $0xffff, v5  }
0x1dc: {  	v5 =	vld.idx.msk [tilespmem:v9+s6+$0x0], $0xffff;
	[tilespmem:v48+s29+$0x0] =	vst.idx.msk $0xffff, v13  }
0x1dd: {  	v9 =	vld.idx.msk [tilespmem:v9+s7+$0x0], $0xffff;
	[tilespmem:v52+s29+$0x0] =	vst.idx.msk $0xffff, v11  }
0x1de: {  	s30 =	simm.s32 $0x2790;
	[tilespmem:v56+s29+$0x0] =	vst.idx.msk $0xffff, v7  }
0x1df: {  	[tilespmem:v0+s30+$0x0] =	vst.idx.msk $0xffff, v8  }
0x1e0: {  	[tilespmem:v44+s30+$0x0] =	vst.idx.msk $0xffff, v6  }
0x1e1: {  	[tilespmem:v48+s30+$0x0] =	vst.idx.msk $0xffff, v10  }
0x1e2: {  	[tilespmem:v52+s30+$0x0] =	vst.idx.msk $0xffff, v5  }
0x1e3: {  	s31 =	sadd.s32 $0x300, s10;
	[tilespmem:v56+s30+$0x0] =	vst.idx.msk $0xffff, v9  }
0x1e4: {  	[hbm4b:s31+s2] =	stream.linear.scatter [tilespmem:s11], [sflag:$0x2], $0x800, $0x38;
	[tilespmem:$0x2810] =	vst v63  }
0x1e5: {  	_ =	swait.ge [sflag:s3], $0x800  }
0x1e6: {  	[sflag:s3] =	ssyncset.done $0x0  }
0x1e7: {  	[sflag:s3] =	ssyncadd.s32 $0xFFFFF800  }
0x1e8: {  	_ =	swait.ge [sflag:s4], $0x800  }
0x1e9: {  	[sflag:s4] =	ssyncset.done $0x0  }
0x1ea: {  	[sflag:s4] =	ssyncadd.s32 $0xFFFFF800  }
0x1eb: {  	_ =	swait.ge [sflag:s3], $0x800  }
0x1ec: {  	[sflag:s3] =	ssyncset.done $0x0  }
0x1ed: {  	[sflag:s3] =	ssyncadd.s32 $0xFFFFF800  }
0x1ee: {  	_ =	swait.ge [sflag:s4], $0x800  }
0x1ef: {  	[sflag:s4] =	ssyncset.done $0x0  }
0x1f0: {  	[sflag:s4] =	ssyncadd.s32 $0xFFFFF800  }
0x1f1: {  	_ =	sfence.sel $0x180000  }
0x1f2: {  	[bflag:$0x0] =	sbarrier.arrive $0xFFFF  }
0x1f3: {  	p0 =	sne.s32 s1, $0x0;
	_ =	strace $0x90000047  }
0x1f4: {  	s0 =	sadd.s32 @!p0 $0x100000, s0;
	[bflag:$0x2] =	sbarrier.arrive $0xFFFF  }
0x1f5: {  	[sflag:s0] =	ssyncadd.tile.s32 @!p0 $0x1;
	_ =	shalt  }
.Lfunc_end2:
_tile_overlayer_lowered:
.L_overlay_start_2:
0x1f6: {  	(tag) =	ssettag $0x2  }
0x1f7: {  	s0 =	rddreg [dreg:$0x0];
	s2 =	stileid.u32  }
0x1f8: {  	s1 =	rddreg [dreg:$0x1];
	p0 =	sne.s32 s2, $0x0  }
0x1f9: {  	s3 =	rddreg [dreg:$0x2];
	[bflag:$0x3] =	sbarrier.arrive $0xFFFF;
	s2 =	simm.s32 @!p0 $0x1C03  }
0x1fa: {  	[timem:s3], [sflag:s2] =	dma.local @!p0 [hbm:s0], s1  }
0x1fb: {  	s0 =	simm.s32 @!p0 $0x3  }
0x1fc: {  	_ =	swait.ge @!p0 [sflag:s0], s1  }
0x1fd: {  	s1 =	ssub.s32 @!p0 $0x0, s1;
	[sflag:s0] =	ssyncset.done @!p0 $0x0  }
0x1fe: {  	[sflag:s0] =	ssyncadd.s32 @!p0 s1  }
0x1ff: {  	[bflag:$0x3] =	sbarrier.arrive $0xFFFF  }
0x200: {  	_ =	shalt  }

</sc_bundles>
